<compile_context>
chip_gen: v7x
topology: tpu7x:2x2x1
jax: 0.10.2.dev20260603
libtpu: 0.0.44.dev20260713+nightly
codegen_flags: <defaults>
</compile_context>

<pallas_src>
import functools

import jax
import jax.numpy as jnp
from jax import lax
from jax.experimental import pallas as pl
from jax.experimental.pallas import tpu as pltpu
from jax.experimental.pallas import tpu_sc as plsc

_NC = 2
_NS = 16
_NW = _NC * _NS

_N = 10000
_D = 128
_DH = _D // _NC
_B = 128
_N_PAD = 10240
_RPT = _N_PAD // _NS
_RPT_LAST = _N - (_NS - 1) * _RPT
_DW = 16
_K = 3

_NBD = 80
_NBP = 160
_NBH = _NBP // 2
_RING = 2
_NCHUNK = _RPT // _B

_mesh = plsc.VectorSubcoreMesh(core_axis_name="c", subcore_axis_name="s",
                               num_cores=_NC, num_subcores=_NS)


@functools.partial(
    pl.kernel,
    out_type=jax.ShapeDtypeStruct((_NC, _N, _DW), jnp.float32),
    mesh=_mesh,
    scratch_types=[
        pltpu.VMEM((_NBD, _B), jnp.int32),
        pltpu.VMEM((_B, _DW), jnp.float32),
        pltpu.VMEM_SHARED((_N_PAD, _DW), jnp.float32),
    ],
    compiler_params=pltpu.CompilerParams(use_tc_tiling_on_sc=False),
)
def _deg_call(colsd_hbm, ones_hbm, zerow_hbm, out_hbm, cols_v, ones_v, dacc):
  cid = lax.axis_index("c")
  sid = lax.axis_index("s")
  wid = sid * _NC + cid
  pltpu.sync_copy(colsd_hbm.at[wid], cols_v)
  pltpu.sync_copy(ones_hbm, ones_v)
  pltpu.sync_copy(zerow_hbm, dacc.at[pl.ds(sid * _RPT, _RPT)])
  plsc.subcore_barrier()

  def step(j, c):
    pltpu.sync_copy(ones_v, dacc.at[cols_v.at[j]], add=True)
    return c

  lax.fori_loop(0, _NBD, step, 0)
  plsc.subcore_barrier()
  base = sid * _RPT

  @pl.when(sid < _NS - 1)
  def _():
    pltpu.sync_copy(dacc.at[pl.ds(base, _RPT)],
                    out_hbm.at[cid, pl.ds(base, _RPT)])

  @pl.when(sid == _NS - 1)
  def _():
    pltpu.sync_copy(dacc.at[pl.ds(base, _RPT_LAST)],
                    out_hbm.at[cid, pl.ds(base, _RPT_LAST)])


@functools.partial(
    pl.kernel,
    out_type=jax.ShapeDtypeStruct((_NC, _N_PAD, _DH), jnp.float32),
    mesh=_mesh,
    scratch_types=[
        pltpu.VMEM((_NBH + _RING, _B), jnp.int32),
        pltpu.VMEM((_NBH, _B), jnp.int32),
        [pltpu.VMEM((_B, _DH), jnp.float32)] * _RING,
        pltpu.VMEM((_B, _DW), jnp.float32),
        pltpu.VMEM_SHARED((_N_PAD, _DH), jnp.float32),
        pltpu.VMEM_SHARED((_N_PAD, _DH), jnp.float32),
        [pltpu.SemaphoreType.DMA] * _RING,
    ],
    compiler_params=pltpu.CompilerParams(use_tc_tiling_on_sc=False),
)
def _prop_call(ws0_hbm, rowsp_hbm, colsp_hbm, s2_hbm, out_hbm,
               rows_v, cols_v, bufs, s2c, wsp, acc, gsems):
  cid = lax.axis_index("c")
  sid = lax.axis_index("s")
  base = sid * _RPT
  pltpu.sync_copy(ws0_hbm.at[cid, pl.ds(base, _RPT)],
                  wsp.at[pl.ds(base, _RPT)])
  pltpu.sync_copy(ws0_hbm.at[cid, pl.ds(base, _RPT)],
                  acc.at[pl.ds(base, _RPT)])
  plsc.subcore_barrier()

  for k in range(_K):
    for h in range(2):
      pltpu.sync_copy(rowsp_hbm.at[sid, pl.ds(h * _NBH, _NBH + _RING)],
                      rows_v)
      pltpu.sync_copy(colsp_hbm.at[sid, pl.ds(h * _NBH, _NBH)], cols_v)
      for b in range(_RING):
        pltpu.async_copy(wsp.at[rows_v.at[b]], bufs[b], gsems[b])

      def step(i, c):
        j = i * _RING
        for b in range(_RING):
          pltpu.make_async_copy(wsp.at[rows_v.at[j + b]], bufs[b],
                                gsems[b]).wait()
          pltpu.sync_copy(bufs[b], acc.at[cols_v.at[j + b]], add=True)
          pltpu.async_copy(wsp.at[rows_v.at[j + b + _RING]], bufs[b],
                           gsems[b])
        return c

      lax.fori_loop(0, _NBH // _RING, step, 0)
      for b in range(_RING):
        pltpu.make_async_copy(wsp.at[rows_v.at[_NBH + b]], bufs[b],
                              gsems[b]).wait()
    plsc.subcore_barrier()

    if k < _K - 1:
      for c in range(_NCHUNK):
        off = base + c * _B
        pltpu.sync_copy(acc.at[pl.ds(off, _B)], bufs[0])
        pltpu.sync_copy(s2_hbm.at[pl.ds(off, _B)], s2c)

        def scale_row(r, cc):
          s2row = s2c[r, :]
          for q in range(_DH // _DW):
            sl = pl.ds(q * _DW, _DW)
            bufs[0][r, sl] = bufs[0][r, sl] * s2row
          return cc

        lax.fori_loop(0, _B, scale_row, 0)
        pltpu.sync_copy(bufs[0], wsp.at[pl.ds(off, _B)])
        pltpu.sync_copy(bufs[0], acc.at[pl.ds(off, _B)])
      plsc.subcore_barrier()
    else:
      pltpu.sync_copy(acc.at[pl.ds(base, _RPT)],
                      out_hbm.at[cid, pl.ds(base, _RPT)])


def _prep_call(dega, degb, x):

  def body(dega_ref, degb_ref, x_ref, w0_ref, s2_ref, s_ref):
    deg = dega_ref[:, 0:1] + degb_ref[:, 0:1] + 1.0
    dinv = jnp.where(deg > 0, lax.rsqrt(deg), 0.0)
    dinv2 = jnp.where(deg > 0, 1.0 / deg, 0.0)
    w0 = x_ref[...] * dinv
    zpad = jnp.zeros((_N_PAD - _N, _DH), jnp.float32)
    w0_ref[...] = jnp.stack(
        [jnp.concatenate([w0[:, :_DH], zpad]),
         jnp.concatenate([w0[:, _DH:], zpad])])
    s2_ref[...] = jnp.concatenate(
        [jnp.broadcast_to(dinv2, (_N, _DW)),
         jnp.zeros((_N_PAD - _N, _DW), jnp.float32)])
    s_ref[...] = jnp.broadcast_to(dinv, (_N, _DH))

  return pl.pallas_call(
      body,
      out_shape=(
          jax.ShapeDtypeStruct((_NC, _N_PAD, _DH), jnp.float32),
          jax.ShapeDtypeStruct((_N_PAD, _DW), jnp.float32),
          jax.ShapeDtypeStruct((_N, _DH), jnp.float32),
      ),
  )(dega, degb, x)


def _final_call(t, s, w_mat, bias):
  def body(t_ref, s_ref, wm_ref, b_ref, o_ref):
    s_v = s_ref[...]
    wm = wm_ref[...]
    h0 = s_v * t_ref[0, :_N, :]
    h1 = s_v * t_ref[1, :_N, :]
    o_ref[...] = (
        lax.dot_general(h0, wm[:, :_DH], (((1,), (1,)), ((), ())),
                        preferred_element_type=jnp.float32)
        + lax.dot_general(h1, wm[:, _DH:], (((1,), (1,)), ((), ())),
                          preferred_element_type=jnp.float32)
        + b_ref[...]
    )

  return pl.pallas_call(
      body, out_shape=jax.ShapeDtypeStruct((_N, _D), jnp.float32)
  )(t, s, w_mat, bias)


def kernel(x, edge_index, W, b):
  row = edge_index[0].astype(jnp.int32)
  col = edge_index[1].astype(jnp.int32)
  e = row.shape[0]

  per_w = e // _NW
  padd = _NBD * _B - per_w
  colsd = jnp.pad(col.reshape(_NW, per_w), ((0, 0), (0, padd)),
                  constant_values=_N).reshape(_NW, _NBD, _B)

  per_t = e // _NS
  padp = _NBP * _B - per_t
  rowsp = jnp.pad(row.reshape(_NS, per_t), ((0, 0), (0, padp)))
  colsp = jnp.pad(col.reshape(_NS, per_t), ((0, 0), (0, padp)),
                  constant_values=_N)
  rowsp = jnp.pad(rowsp.reshape(_NS, _NBP, _B),
                  ((0, 0), (0, _RING), (0, 0)))
  colsp = colsp.reshape(_NS, _NBP, _B)

  zeros_w = jnp.zeros((_RPT, _DW), jnp.float32)
  ones_b = jnp.ones((_B, _DW), jnp.float32)
  bias = b.reshape(1, _D)

  dacc = _deg_call(colsd, ones_b, zeros_w)
  ws0, s2e, s_h = _prep_call(dacc[0], dacc[1], x)
  t = _prop_call(ws0, rowsp, colsp, s2e)
  return _final_call(t, s_h, W, bias)

# --- scband reference (transcript-rebuilt; emitter-appended) ---
"""Pipeline reference for scband-sgc-p-1623497638172 (READ-ONLY COPY).

The authoritative reference and input builder live on the scoring server;
editing this copy changes nothing except your own understanding.
"""

import jax, jax.numpy as jnp
import numpy as np

N = 10000
E = 320000
D = 128
H = 128
K = 3

def setup_inputs(seed: int = 0) -> dict:
    key = jax.random.key(seed)
    k1, k2, k3 = jax.random.split(key, 3)
    x = jax.random.normal(k1, (N, D), dtype=jnp.float32)
    edge_index = jax.random.randint(k2, (2, E), 0, N).astype(jnp.int64)
    # SGConv linear layer params (glorot-ish init)
    W = jax.random.normal(k3, (H, D), dtype=jnp.float32) * (1.0 / np.sqrt(D))
    b = jnp.zeros((H,), dtype=jnp.float32)
    return {"x": x, "edge_index": edge_index, "W": W, "b": b}

def reference(x, edge_index, W, b):
    # gcn_norm with self-loops (PyG default for SGConv)
    row = edge_index[0]
    col = edge_index[1]
    loop = jnp.arange(N, dtype=row.dtype)
    row = jnp.concatenate([row, loop])
    col = jnp.concatenate([col, loop])
    ew = jnp.ones(row.shape[0], dtype=x.dtype)
    deg = jnp.zeros((N,), dtype=x.dtype).at[col].add(ew)
    dinv = jnp.where(deg > 0, jax.lax.rsqrt(deg), 0.0)
    norm = dinv[row] * dinv[col]
    # K rounds of normalized adjacency propagation: gather from source, scatter-add to target
    h = x
    for _ in range(K):
        msg = norm[:, None] * h[row]
        h = jnp.zeros((N, h.shape[1]), dtype=h.dtype).at[col].add(msg)
    # final linear transform
    return h @ W.T + b

if __name__ == "__main__":
    import jax
    _d = setup_inputs()
    print(jax.jit(kernel)(*tuple(_d.values())))

</pallas_src>

<mosaic_0001>
#map = affine_map<(d0, d1) -> (0, 0, 0)>
#map1 = affine_map<(d0, d1) -> (0, 0)>
module attributes {stable_mosaic.version = 14 : i64} {
  func.func @_deg_call(%arg0: i32, %arg1: i32, %arg2: memref<32x80x128xi32, #tpu.memory_space<hbm>>, %arg3: memref<128x16xf32, #tpu.memory_space<hbm>>, %arg4: memref<640x16xf32, #tpu.memory_space<hbm>>, %arg5: memref<2x10000x16xf32, #tpu.memory_space<hbm>>, %arg6: memref<80x128xi32, #tpu.memory_space<vmem>>, %arg7: memref<128x16xf32, #tpu.memory_space<vmem>>, %arg8: memref<10240x16xf32, #tpu.memory_space<vmem_shared>>) attributes {dimension_semantics = [#tpu.dimension_semantics<core_parallel>, #tpu.dimension_semantics<subcore_parallel>], iteration_bounds = array<i64: 2, 16>, scalar_prefetch = 0 : i64, scratch_operands = 3 : i64, tpu.core_type = #tpu.core_type<sc_vector_subcore>, window_params = [{transform_indices = #map}, {transform_indices = #map1}, {transform_indices = #map1}, {transform_indices = #map}]} {
    %mul3A = arith.constant 2 : i32
    %mul3A_0 = arith.muli %arg1, %mul3A : i32
    %add3A = arith.addi %mul3A_0, %arg0 : i32
    "tpu.region"() ({
      %run_scoped3A = tpu.sem_alloc : memref<!tpu.dma_semaphore, #tpu.memory_space<semaphore_mem>>
      %dma_start3A = arith.constant 0 : i32
      %dma_start3A_17 = arith.constant 0 : i32
      %dma_start3A_18 = tpu.memref_slice %arg2[%add3A, %dma_start3A, %dma_start3A_17] : memref<32x80x128xi32, #tpu.memory_space<hbm>> -> memref<1x80x128xi32, #tpu.memory_space<hbm>>
      %dma_start3A_19 = tpu.memref_squeeze %dma_start3A_18 : memref<1x80x128xi32, #tpu.memory_space<hbm>> -> memref<80x128xi32, #tpu.memory_space<hbm>>
      %dma_start3A_20 = arith.constant 0 : i32
      %dma_start3A_21 = arith.constant 0 : i32
      %dma_start3A_22 = tpu.memref_slice %arg2[%add3A, %dma_start3A_20, %dma_start3A_21] : memref<32x80x128xi32, #tpu.memory_space<hbm>> -> memref<1x80x128xi32, #tpu.memory_space<hbm>>
      %dma_start3A_23 = tpu.memref_squeeze %dma_start3A_22 : memref<1x80x128xi32, #tpu.memory_space<hbm>> -> memref<80x128xi32, #tpu.memory_space<hbm>>
      tpu.enqueue_dma source(%dma_start3A_23 : memref<80x128xi32, #tpu.memory_space<hbm>>) target(%arg6 : memref<80x128xi32, #tpu.memory_space<vmem>>) target_semaphore(%run_scoped3A : memref<!tpu.dma_semaphore, #tpu.memory_space<semaphore_mem>>)
      %dma_wait3A = arith.constant 0 : i32
      %dma_wait3A_24 = arith.constant 0 : i32
      %dma_wait3A_25 = tpu.memref_slice %arg2[%add3A, %dma_wait3A, %dma_wait3A_24] : memref<32x80x128xi32, #tpu.memory_space<hbm>> -> memref<1x80x128xi32, #tpu.memory_space<hbm>>
      %dma_wait3A_26 = tpu.memref_squeeze %dma_wait3A_25 : memref<1x80x128xi32, #tpu.memory_space<hbm>> -> memref<80x128xi32, #tpu.memory_space<hbm>>
      %dma_wait3A_27 = arith.constant 0 : i32
      %dma_wait3A_28 = arith.constant 0 : i32
      %dma_wait3A_29 = tpu.memref_slice %arg2[%add3A, %dma_wait3A_27, %dma_wait3A_28] : memref<32x80x128xi32, #tpu.memory_space<hbm>> -> memref<1x80x128xi32, #tpu.memory_space<hbm>>
      %dma_wait3A_30 = tpu.memref_squeeze %dma_wait3A_29 : memref<1x80x128xi32, #tpu.memory_space<hbm>> -> memref<80x128xi32, #tpu.memory_space<hbm>>
      tpu.wait_dma2 semaphore(%run_scoped3A : memref<!tpu.dma_semaphore, #tpu.memory_space<semaphore_mem>>) src(%dma_wait3A_30 : memref<80x128xi32, #tpu.memory_space<hbm>>) dst(%arg6 : memref<80x128xi32, #tpu.memory_space<vmem>>)
      tpu.yield
    }) : () -> ()
    "tpu.region"() ({
      %run_scoped3A = tpu.sem_alloc : memref<!tpu.dma_semaphore, #tpu.memory_space<semaphore_mem>>
      tpu.enqueue_dma source(%arg3 : memref<128x16xf32, #tpu.memory_space<hbm>>) target(%arg7 : memref<128x16xf32, #tpu.memory_space<vmem>>) target_semaphore(%run_scoped3A : memref<!tpu.dma_semaphore, #tpu.memory_space<semaphore_mem>>)
      tpu.wait_dma2 semaphore(%run_scoped3A : memref<!tpu.dma_semaphore, #tpu.memory_space<semaphore_mem>>) src(%arg3 : memref<128x16xf32, #tpu.memory_space<hbm>>) dst(%arg7 : memref<128x16xf32, #tpu.memory_space<vmem>>)
      tpu.yield
    }) : () -> ()
    %mul3A_1 = arith.constant 640 : i32
    %mul3A_2 = arith.muli %arg1, %mul3A_1 : i32
    "tpu.region"() ({
      %run_scoped3A = tpu.sem_alloc : memref<!tpu.dma_semaphore, #tpu.memory_space<semaphore_mem>>
      %dma_start3A = arith.constant 0 : i32
      %dma_start3A_17 = tpu.memref_slice %arg8[%mul3A_2, %dma_start3A] : memref<10240x16xf32, #tpu.memory_space<vmem_shared>> -> memref<640x16xf32, #tpu.memory_space<vmem_shared>>
      tpu.enqueue_dma source(%arg4 : memref<640x16xf32, #tpu.memory_space<hbm>>) target(%dma_start3A_17 : memref<640x16xf32, #tpu.memory_space<vmem_shared>>) target_semaphore(%run_scoped3A : memref<!tpu.dma_semaphore, #tpu.memory_space<semaphore_mem>>)
      %dma_wait3A = arith.constant 0 : i32
      %dma_wait3A_18 = tpu.memref_slice %arg8[%mul3A_2, %dma_wait3A] : memref<10240x16xf32, #tpu.memory_space<vmem_shared>> -> memref<640x16xf32, #tpu.memory_space<vmem_shared>>
      tpu.wait_dma2 semaphore(%run_scoped3A : memref<!tpu.dma_semaphore, #tpu.memory_space<semaphore_mem>>) src(%arg4 : memref<640x16xf32, #tpu.memory_space<hbm>>) dst(%dma_wait3A_18 : memref<640x16xf32, #tpu.memory_space<vmem_shared>>)
      tpu.yield
    }) : () -> ()
    %barrier3A = arith.constant 0 : index
    tpu.barrier barrier_id(%barrier3A)
    %scan3A = arith.constant 0 : i32
    %scan3A_3 = arith.constant 0 : i32
    %scan3A_4 = arith.constant 80 : i32
    %scan3A_5 = arith.addi %scan3A_3, %scan3A_4 : i32
    %scan3A_6 = arith.constant 1 : i32
    scf.for %scan3A_17 = %scan3A_3 to %scan3A_5 step %scan3A_6  : i32 {
      "tpu.region"() ({
        %run_scoped3A = tpu.sem_alloc : memref<!tpu.dma_semaphore, #tpu.memory_space<semaphore_mem>>
        %dma_start3A = arith.constant 0 : i32
        %dma_start3A_18 = tpu.memref_slice %arg6[%scan3A_17, %dma_start3A] : memref<80x128xi32, #tpu.memory_space<vmem>> -> memref<1x128xi32, #tpu.memory_space<vmem>>
        %dma_start3A_19 = tpu.memref_squeeze %dma_start3A_18 : memref<1x128xi32, #tpu.memory_space<vmem>> -> memref<128xi32, #tpu.memory_space<vmem>>
        %dma_start3A_20 = arith.constant 0 : i32
        %dma_start3A_21 = arith.constant 0 : i32
        %dma_start3A_22 = tpu.memref_slice %arg8[%dma_start3A_20, %dma_start3A_21] : memref<10240x16xf32, #tpu.memory_space<vmem_shared>> -> memref<10240x16xf32, #tpu.memory_space<vmem_shared>>
        tpu.enqueue_indirect_dma source(%arg7 : memref<128x16xf32, #tpu.memory_space<vmem>>) target(%dma_start3A_22 : memref<10240x16xf32, #tpu.memory_space<vmem_shared>>) offsets(%dma_start3A_19 : memref<128xi32, #tpu.memory_space<vmem>>) semaphore(%run_scoped3A : memref<!tpu.dma_semaphore, #tpu.memory_space<semaphore_mem>>) {add = true}
        %dma_wait3A = arith.constant 0 : i32
        %dma_wait3A_23 = tpu.memref_slice %arg6[%scan3A_17, %dma_wait3A] : memref<80x128xi32, #tpu.memory_space<vmem>> -> memref<1x128xi32, #tpu.memory_space<vmem>>
        %dma_wait3A_24 = tpu.memref_squeeze %dma_wait3A_23 : memref<1x128xi32, #tpu.memory_space<vmem>> -> memref<128xi32, #tpu.memory_space<vmem>>
        %dma_wait3A_25 = arith.constant 0 : i32
        %dma_wait3A_26 = arith.constant 0 : i32
        %dma_wait3A_27 = tpu.memref_slice %arg8[%dma_wait3A_25, %dma_wait3A_26] : memref<10240x16xf32, #tpu.memory_space<vmem_shared>> -> memref<10240x16xf32, #tpu.memory_space<vmem_shared>>
        tpu.wait_indirect_dma semaphore(%run_scoped3A : memref<!tpu.dma_semaphore, #tpu.memory_space<semaphore_mem>>) src(%arg7 : memref<128x16xf32, #tpu.memory_space<vmem>>) dst(%dma_wait3A_27 : memref<10240x16xf32, #tpu.memory_space<vmem_shared>>)
        tpu.yield
      }) : () -> ()
    }
    %scan3A_7 = arith.constant 80 : i32
    %barrier3A_8 = arith.constant 0 : index
    tpu.barrier barrier_id(%barrier3A_8)
    %mul3A_9 = arith.constant 640 : i32
    %mul3A_10 = arith.muli %arg1, %mul3A_9 : i32
    %lt3A = arith.constant 15 : i32
    %lt3A_11 = arith.cmpi slt, %arg1, %lt3A : i32
    %convert_element_type3A = arith.extui %lt3A_11 : i1 to i32
    %cond3A = arith.constant 0 : i32
    %cond3A_12 = arith.cmpi ne, %convert_element_type3A, %cond3A : i32
    scf.if %cond3A_12 {
      "tpu.region"() ({
        %run_scoped3A = tpu.sem_alloc : memref<!tpu.dma_semaphore, #tpu.memory_space<semaphore_mem>>
        %dma_start3A = arith.constant 0 : i32
        %dma_start3A_17 = tpu.memref_slice %arg5[%arg0, %mul3A_10, %dma_start3A] : memref<2x10000x16xf32, #tpu.memory_space<hbm>> -> memref<1x640x16xf32, #tpu.memory_space<hbm>>
        %dma_start3A_18 = tpu.memref_squeeze %dma_start3A_17 : memref<1x640x16xf32, #tpu.memory_space<hbm>> -> memref<640x16xf32, #tpu.memory_space<hbm>>
        %dma_start3A_19 = arith.constant 0 : i32
        %dma_start3A_20 = tpu.memref_slice %arg8[%mul3A_10, %dma_start3A_19] : memref<10240x16xf32, #tpu.memory_space<vmem_shared>> -> memref<640x16xf32, #tpu.memory_space<vmem_shared>>
        tpu.enqueue_dma source(%dma_start3A_20 : memref<640x16xf32, #tpu.memory_space<vmem_shared>>) target(%dma_start3A_18 : memref<640x16xf32, #tpu.memory_space<hbm>>) target_semaphore(%run_scoped3A : memref<!tpu.dma_semaphore, #tpu.memory_space<semaphore_mem>>)
        %dma_wait3A = arith.constant 0 : i32
        %dma_wait3A_21 = tpu.memref_slice %arg5[%arg0, %mul3A_10, %dma_wait3A] : memref<2x10000x16xf32, #tpu.memory_space<hbm>> -> memref<1x640x16xf32, #tpu.memory_space<hbm>>
        %dma_wait3A_22 = tpu.memref_squeeze %dma_wait3A_21 : memref<1x640x16xf32, #tpu.memory_space<hbm>> -> memref<640x16xf32, #tpu.memory_space<hbm>>
        %dma_wait3A_23 = arith.constant 0 : i32
        %dma_wait3A_24 = tpu.memref_slice %arg8[%mul3A_10, %dma_wait3A_23] : memref<10240x16xf32, #tpu.memory_space<vmem_shared>> -> memref<640x16xf32, #tpu.memory_space<vmem_shared>>
        tpu.wait_dma2 semaphore(%run_scoped3A : memref<!tpu.dma_semaphore, #tpu.memory_space<semaphore_mem>>) src(%dma_wait3A_24 : memref<640x16xf32, #tpu.memory_space<vmem_shared>>) dst(%dma_wait3A_22 : memref<640x16xf32, #tpu.memory_space<hbm>>)
        tpu.yield
      }) : () -> ()
    } else {
    }
    %eq3A = arith.constant 15 : i32
    %eq3A_13 = arith.cmpi eq, %arg1, %eq3A : i32
    %convert_element_type3A_14 = arith.extui %eq3A_13 : i1 to i32
    %cond3A_15 = arith.constant 0 : i32
    %cond3A_16 = arith.cmpi ne, %convert_element_type3A_14, %cond3A_15 : i32
    scf.if %cond3A_16 {
      "tpu.region"() ({
        %run_scoped3A = tpu.sem_alloc : memref<!tpu.dma_semaphore, #tpu.memory_space<semaphore_mem>>
        %dma_start3A = arith.constant 0 : i32
        %dma_start3A_17 = tpu.memref_slice %arg5[%arg0, %mul3A_10, %dma_start3A] : memref<2x10000x16xf32, #tpu.memory_space<hbm>> -> memref<1x400x16xf32, #tpu.memory_space<hbm>>
        %dma_start3A_18 = tpu.memref_squeeze %dma_start3A_17 : memref<1x400x16xf32, #tpu.memory_space<hbm>> -> memref<400x16xf32, #tpu.memory_space<hbm>>
        %dma_start3A_19 = arith.constant 0 : i32
        %dma_start3A_20 = tpu.memref_slice %arg8[%mul3A_10, %dma_start3A_19] : memref<10240x16xf32, #tpu.memory_space<vmem_shared>> -> memref<400x16xf32, #tpu.memory_space<vmem_shared>>
        tpu.enqueue_dma source(%dma_start3A_20 : memref<400x16xf32, #tpu.memory_space<vmem_shared>>) target(%dma_start3A_18 : memref<400x16xf32, #tpu.memory_space<hbm>>) target_semaphore(%run_scoped3A : memref<!tpu.dma_semaphore, #tpu.memory_space<semaphore_mem>>)
        %dma_wait3A = arith.constant 0 : i32
        %dma_wait3A_21 = tpu.memref_slice %arg5[%arg0, %mul3A_10, %dma_wait3A] : memref<2x10000x16xf32, #tpu.memory_space<hbm>> -> memref<1x400x16xf32, #tpu.memory_space<hbm>>
        %dma_wait3A_22 = tpu.memref_squeeze %dma_wait3A_21 : memref<1x400x16xf32, #tpu.memory_space<hbm>> -> memref<400x16xf32, #tpu.memory_space<hbm>>
        %dma_wait3A_23 = arith.constant 0 : i32
        %dma_wait3A_24 = tpu.memref_slice %arg8[%mul3A_10, %dma_wait3A_23] : memref<10240x16xf32, #tpu.memory_space<vmem_shared>> -> memref<400x16xf32, #tpu.memory_space<vmem_shared>>
        tpu.wait_dma2 semaphore(%run_scoped3A : memref<!tpu.dma_semaphore, #tpu.memory_space<semaphore_mem>>) src(%dma_wait3A_24 : memref<400x16xf32, #tpu.memory_space<vmem_shared>>) dst(%dma_wait3A_22 : memref<400x16xf32, #tpu.memory_space<hbm>>)
        tpu.yield
      }) : () -> ()
    } else {
    }
    return
  }
}

#map = affine_map<(d0, d1) -> (0, 0, 0)>
#map1 = affine_map<(d0, d1) -> (0, 0)>
module attributes {stable_mosaic.version = 14 : i64} {
  func.func @_prop_call(%arg0: i32, %arg1: i32, %arg2: memref<2x10240x64xf32, #tpu.memory_space<hbm>>, %arg3: memref<16x162x128xi32, #tpu.memory_space<hbm>>, %arg4: memref<16x160x128xi32, #tpu.memory_space<hbm>>, %arg5: memref<10240x16xf32, #tpu.memory_space<hbm>>, %arg6: memref<2x10240x64xf32, #tpu.memory_space<hbm>>, %arg7: memref<82x128xi32, #tpu.memory_space<vmem>>, %arg8: memref<80x128xi32, #tpu.memory_space<vmem>>, %arg9: memref<128x64xf32, #tpu.memory_space<vmem>>, %arg10: memref<128x64xf32, #tpu.memory_space<vmem>>, %arg11: memref<128x16xf32, #tpu.memory_space<vmem>>, %arg12: memref<10240x64xf32, #tpu.memory_space<vmem_shared>>, %arg13: memref<10240x64xf32, #tpu.memory_space<vmem_shared>>, %arg14: memref<!tpu.dma_semaphore, #tpu.memory_space<semaphore_mem>>, %arg15: memref<!tpu.dma_semaphore, #tpu.memory_space<semaphore_mem>>) attributes {dimension_semantics = [#tpu.dimension_semantics<core_parallel>, #tpu.dimension_semantics<subcore_parallel>], iteration_bounds = array<i64: 2, 16>, scalar_prefetch = 0 : i64, scratch_operands = 9 : i64, tpu.core_type = #tpu.core_type<sc_vector_subcore>, window_params = [{transform_indices = #map}, {transform_indices = #map}, {transform_indices = #map}, {transform_indices = #map1}, {transform_indices = #map}]} {
    %mul3A = arith.constant 640 : i32
    %mul3A_0 = arith.muli %arg1, %mul3A : i32
    "tpu.region"() ({
      %run_scoped3A = tpu.sem_alloc : memref<!tpu.dma_semaphore, #tpu.memory_space<semaphore_mem>>
      %dma_start3A_286 = arith.constant 0 : i32
      %dma_start3A_287 = tpu.memref_slice %arg12[%mul3A_0, %dma_start3A_286] : memref<10240x64xf32, #tpu.memory_space<vmem_shared>> -> memref<640x64xf32, #tpu.memory_space<vmem_shared>>
      %dma_start3A_288 = arith.constant 0 : i32
      %dma_start3A_289 = tpu.memref_slice %arg2[%arg0, %mul3A_0, %dma_start3A_288] : memref<2x10240x64xf32, #tpu.memory_space<hbm>> -> memref<1x640x64xf32, #tpu.memory_space<hbm>>
      %dma_start3A_290 = tpu.memref_squeeze %dma_start3A_289 : memref<1x640x64xf32, #tpu.memory_space<hbm>> -> memref<640x64xf32, #tpu.memory_space<hbm>>
      tpu.enqueue_dma source(%dma_start3A_290 : memref<640x64xf32, #tpu.memory_space<hbm>>) target(%dma_start3A_287 : memref<640x64xf32, #tpu.memory_space<vmem_shared>>) target_semaphore(%run_scoped3A : memref<!tpu.dma_semaphore, #tpu.memory_space<semaphore_mem>>)
      %dma_wait3A_291 = arith.constant 0 : i32
      %dma_wait3A_292 = tpu.memref_slice %arg12[%mul3A_0, %dma_wait3A_291] : memref<10240x64xf32, #tpu.memory_space<vmem_shared>> -> memref<640x64xf32, #tpu.memory_space<vmem_shared>>
      %dma_wait3A_293 = arith.constant 0 : i32
      %dma_wait3A_294 = tpu.memref_slice %arg2[%arg0, %mul3A_0, %dma_wait3A_293] : memref<2x10240x64xf32, #tpu.memory_space<hbm>> -> memref<1x640x64xf32, #tpu.memory_space<hbm>>
      %dma_wait3A_295 = tpu.memref_squeeze %dma_wait3A_294 : memref<1x640x64xf32, #tpu.memory_space<hbm>> -> memref<640x64xf32, #tpu.memory_space<hbm>>
      tpu.wait_dma2 semaphore(%run_scoped3A : memref<!tpu.dma_semaphore, #tpu.memory_space<semaphore_mem>>) src(%dma_wait3A_295 : memref<640x64xf32, #tpu.memory_space<hbm>>) dst(%dma_wait3A_292 : memref<640x64xf32, #tpu.memory_space<vmem_shared>>)
      tpu.yield
    }) : () -> ()
    "tpu.region"() ({
      %run_scoped3A = tpu.sem_alloc : memref<!tpu.dma_semaphore, #tpu.memory_space<semaphore_mem>>
      %dma_start3A_286 = arith.constant 0 : i32
      %dma_start3A_287 = tpu.memref_slice %arg13[%mul3A_0, %dma_start3A_286] : memref<10240x64xf32, #tpu.memory_space<vmem_shared>> -> memref<640x64xf32, #tpu.memory_space<vmem_shared>>
      %dma_start3A_288 = arith.constant 0 : i32
      %dma_start3A_289 = tpu.memref_slice %arg2[%arg0, %mul3A_0, %dma_start3A_288] : memref<2x10240x64xf32, #tpu.memory_space<hbm>> -> memref<1x640x64xf32, #tpu.memory_space<hbm>>
      %dma_start3A_290 = tpu.memref_squeeze %dma_start3A_289 : memref<1x640x64xf32, #tpu.memory_space<hbm>> -> memref<640x64xf32, #tpu.memory_space<hbm>>
      tpu.enqueue_dma source(%dma_start3A_290 : memref<640x64xf32, #tpu.memory_space<hbm>>) target(%dma_start3A_287 : memref<640x64xf32, #tpu.memory_space<vmem_shared>>) target_semaphore(%run_scoped3A : memref<!tpu.dma_semaphore, #tpu.memory_space<semaphore_mem>>)
      %dma_wait3A_291 = arith.constant 0 : i32
      %dma_wait3A_292 = tpu.memref_slice %arg13[%mul3A_0, %dma_wait3A_291] : memref<10240x64xf32, #tpu.memory_space<vmem_shared>> -> memref<640x64xf32, #tpu.memory_space<vmem_shared>>
      %dma_wait3A_293 = arith.constant 0 : i32
      %dma_wait3A_294 = tpu.memref_slice %arg2[%arg0, %mul3A_0, %dma_wait3A_293] : memref<2x10240x64xf32, #tpu.memory_space<hbm>> -> memref<1x640x64xf32, #tpu.memory_space<hbm>>
      %dma_wait3A_295 = tpu.memref_squeeze %dma_wait3A_294 : memref<1x640x64xf32, #tpu.memory_space<hbm>> -> memref<640x64xf32, #tpu.memory_space<hbm>>
      tpu.wait_dma2 semaphore(%run_scoped3A : memref<!tpu.dma_semaphore, #tpu.memory_space<semaphore_mem>>) src(%dma_wait3A_295 : memref<640x64xf32, #tpu.memory_space<hbm>>) dst(%dma_wait3A_292 : memref<640x64xf32, #tpu.memory_space<vmem_shared>>)
      tpu.yield
    }) : () -> ()
    %barrier3A = arith.constant 0 : index
    tpu.barrier barrier_id(%barrier3A)
    "tpu.region"() ({
      %run_scoped3A = tpu.sem_alloc : memref<!tpu.dma_semaphore, #tpu.memory_space<semaphore_mem>>
      %dma_start3A_286 = arith.constant 0 : i32
      %dma_start3A_287 = arith.constant 0 : i32
      %dma_start3A_288 = tpu.memref_slice %arg3[%arg1, %dma_start3A_286, %dma_start3A_287] : memref<16x162x128xi32, #tpu.memory_space<hbm>> -> memref<1x82x128xi32, #tpu.memory_space<hbm>>
      %dma_start3A_289 = tpu.memref_squeeze %dma_start3A_288 : memref<1x82x128xi32, #tpu.memory_space<hbm>> -> memref<82x128xi32, #tpu.memory_space<hbm>>
      %dma_start3A_290 = arith.constant 0 : i32
      %dma_start3A_291 = arith.constant 0 : i32
      %dma_start3A_292 = tpu.memref_slice %arg3[%arg1, %dma_start3A_290, %dma_start3A_291] : memref<16x162x128xi32, #tpu.memory_space<hbm>> -> memref<1x82x128xi32, #tpu.memory_space<hbm>>
      %dma_start3A_293 = tpu.memref_squeeze %dma_start3A_292 : memref<1x82x128xi32, #tpu.memory_space<hbm>> -> memref<82x128xi32, #tpu.memory_space<hbm>>
      tpu.enqueue_dma source(%dma_start3A_293 : memref<82x128xi32, #tpu.memory_space<hbm>>) target(%arg7 : memref<82x128xi32, #tpu.memory_space<vmem>>) target_semaphore(%run_scoped3A : memref<!tpu.dma_semaphore, #tpu.memory_space<semaphore_mem>>)
      %dma_wait3A_294 = arith.constant 0 : i32
      %dma_wait3A_295 = arith.constant 0 : i32
      %dma_wait3A_296 = tpu.memref_slice %arg3[%arg1, %dma_wait3A_294, %dma_wait3A_295] : memref<16x162x128xi32, #tpu.memory_space<hbm>> -> memref<1x82x128xi32, #tpu.memory_space<hbm>>
      %dma_wait3A_297 = tpu.memref_squeeze %dma_wait3A_296 : memref<1x82x128xi32, #tpu.memory_space<hbm>> -> memref<82x128xi32, #tpu.memory_space<hbm>>
      %dma_wait3A_298 = arith.constant 0 : i32
      %dma_wait3A_299 = arith.constant 0 : i32
      %dma_wait3A_300 = tpu.memref_slice %arg3[%arg1, %dma_wait3A_298, %dma_wait3A_299] : memref<16x162x128xi32, #tpu.memory_space<hbm>> -> memref<1x82x128xi32, #tpu.memory_space<hbm>>
      %dma_wait3A_301 = tpu.memref_squeeze %dma_wait3A_300 : memref<1x82x128xi32, #tpu.memory_space<hbm>> -> memref<82x128xi32, #tpu.memory_space<hbm>>
      tpu.wait_dma2 semaphore(%run_scoped3A : memref<!tpu.dma_semaphore, #tpu.memory_space<semaphore_mem>>) src(%dma_wait3A_301 : memref<82x128xi32, #tpu.memory_space<hbm>>) dst(%arg7 : memref<82x128xi32, #tpu.memory_space<vmem>>)
      tpu.yield
    }) : () -> ()
    "tpu.region"() ({
      %run_scoped3A = tpu.sem_alloc : memref<!tpu.dma_semaphore, #tpu.memory_space<semaphore_mem>>
      %dma_start3A_286 = arith.constant 0 : i32
      %dma_start3A_287 = arith.constant 0 : i32
      %dma_start3A_288 = tpu.memref_slice %arg4[%arg1, %dma_start3A_286, %dma_start3A_287] : memref<16x160x128xi32, #tpu.memory_space<hbm>> -> memref<1x80x128xi32, #tpu.memory_space<hbm>>
      %dma_start3A_289 = tpu.memref_squeeze %dma_start3A_288 : memref<1x80x128xi32, #tpu.memory_space<hbm>> -> memref<80x128xi32, #tpu.memory_space<hbm>>
      %dma_start3A_290 = arith.constant 0 : i32
      %dma_start3A_291 = arith.constant 0 : i32
      %dma_start3A_292 = tpu.memref_slice %arg4[%arg1, %dma_start3A_290, %dma_start3A_291] : memref<16x160x128xi32, #tpu.memory_space<hbm>> -> memref<1x80x128xi32, #tpu.memory_space<hbm>>
      %dma_start3A_293 = tpu.memref_squeeze %dma_start3A_292 : memref<1x80x128xi32, #tpu.memory_space<hbm>> -> memref<80x128xi32, #tpu.memory_space<hbm>>
      tpu.enqueue_dma source(%dma_start3A_293 : memref<80x128xi32, #tpu.memory_space<hbm>>) target(%arg8 : memref<80x128xi32, #tpu.memory_space<vmem>>) target_semaphore(%run_scoped3A : memref<!tpu.dma_semaphore, #tpu.memory_space<semaphore_mem>>)
      %dma_wait3A_294 = arith.constant 0 : i32
      %dma_wait3A_295 = arith.constant 0 : i32
      %dma_wait3A_296 = tpu.memref_slice %arg4[%arg1, %dma_wait3A_294, %dma_wait3A_295] : memref<16x160x128xi32, #tpu.memory_space<hbm>> -> memref<1x80x128xi32, #tpu.memory_space<hbm>>
      %dma_wait3A_297 = tpu.memref_squeeze %dma_wait3A_296 : memref<1x80x128xi32, #tpu.memory_space<hbm>> -> memref<80x128xi32, #tpu.memory_space<hbm>>
      %dma_wait3A_298 = arith.constant 0 : i32
      %dma_wait3A_299 = arith.constant 0 : i32
      %dma_wait3A_300 = tpu.memref_slice %arg4[%arg1, %dma_wait3A_298, %dma_wait3A_299] : memref<16x160x128xi32, #tpu.memory_space<hbm>> -> memref<1x80x128xi32, #tpu.memory_space<hbm>>
      %dma_wait3A_301 = tpu.memref_squeeze %dma_wait3A_300 : memref<1x80x128xi32, #tpu.memory_space<hbm>> -> memref<80x128xi32, #tpu.memory_space<hbm>>
      tpu.wait_dma2 semaphore(%run_scoped3A : memref<!tpu.dma_semaphore, #tpu.memory_space<semaphore_mem>>) src(%dma_wait3A_301 : memref<80x128xi32, #tpu.memory_space<hbm>>) dst(%arg8 : memref<80x128xi32, #tpu.memory_space<vmem>>)
      tpu.yield
    }) : () -> ()
    %dma_start3A = arith.constant 0 : i32
    %dma_start3A_1 = arith.constant 0 : i32
    %dma_start3A_2 = tpu.memref_slice %arg7[%dma_start3A, %dma_start3A_1] : memref<82x128xi32, #tpu.memory_space<vmem>> -> memref<1x128xi32, #tpu.memory_space<vmem>>
    %dma_start3A_3 = tpu.memref_squeeze %dma_start3A_2 : memref<1x128xi32, #tpu.memory_space<vmem>> -> memref<128xi32, #tpu.memory_space<vmem>>
    %dma_start3A_4 = arith.constant 0 : i32
    %dma_start3A_5 = arith.constant 0 : i32
    %dma_start3A_6 = tpu.memref_slice %arg12[%dma_start3A_4, %dma_start3A_5] : memref<10240x64xf32, #tpu.memory_space<vmem_shared>> -> memref<10240x64xf32, #tpu.memory_space<vmem_shared>>
    tpu.enqueue_indirect_dma source(%dma_start3A_6 : memref<10240x64xf32, #tpu.memory_space<vmem_shared>>) target(%arg9 : memref<128x64xf32, #tpu.memory_space<vmem>>) offsets(%dma_start3A_3 : memref<128xi32, #tpu.memory_space<vmem>>) semaphore(%arg14 : memref<!tpu.dma_semaphore, #tpu.memory_space<semaphore_mem>>)
    %dma_start3A_7 = arith.constant 1 : i32
    %dma_start3A_8 = arith.constant 0 : i32
    %dma_start3A_9 = tpu.memref_slice %arg7[%dma_start3A_7, %dma_start3A_8] : memref<82x128xi32, #tpu.memory_space<vmem>> -> memref<1x128xi32, #tpu.memory_space<vmem>>
    %dma_start3A_10 = tpu.memref_squeeze %dma_start3A_9 : memref<1x128xi32, #tpu.memory_space<vmem>> -> memref<128xi32, #tpu.memory_space<vmem>>
    %dma_start3A_11 = arith.constant 0 : i32
    %dma_start3A_12 = arith.constant 0 : i32
    %dma_start3A_13 = tpu.memref_slice %arg12[%dma_start3A_11, %dma_start3A_12] : memref<10240x64xf32, #tpu.memory_space<vmem_shared>> -> memref<10240x64xf32, #tpu.memory_space<vmem_shared>>
    tpu.enqueue_indirect_dma source(%dma_start3A_13 : memref<10240x64xf32, #tpu.memory_space<vmem_shared>>) target(%arg10 : memref<128x64xf32, #tpu.memory_space<vmem>>) offsets(%dma_start3A_10 : memref<128xi32, #tpu.memory_space<vmem>>) semaphore(%arg15 : memref<!tpu.dma_semaphore, #tpu.memory_space<semaphore_mem>>)
    %scan3A = arith.constant 0 : i32
    %scan3A_14 = arith.constant 0 : i32
    %scan3A_15 = arith.constant 40 : i32
    %scan3A_16 = arith.addi %scan3A_14, %scan3A_15 : i32
    %scan3A_17 = arith.constant 1 : i32
    scf.for %scan3A_286 = %scan3A_14 to %scan3A_16 step %scan3A_17  : i32 {
      %mul3A_287 = arith.constant 2 : i32
      %mul3A_288 = arith.muli %scan3A_286, %mul3A_287 : i32
      %add3A_289 = arith.constant 0 : i32
      %add3A_290 = arith.addi %mul3A_288, %add3A_289 : i32
      %dma_wait3A_291 = arith.constant 0 : i32
      %dma_wait3A_292 = tpu.memref_slice %arg7[%add3A_290, %dma_wait3A_291] : memref<82x128xi32, #tpu.memory_space<vmem>> -> memref<1x128xi32, #tpu.memory_space<vmem>>
      %dma_wait3A_293 = tpu.memref_squeeze %dma_wait3A_292 : memref<1x128xi32, #tpu.memory_space<vmem>> -> memref<128xi32, #tpu.memory_space<vmem>>
      %dma_wait3A_294 = arith.constant 0 : i32
      %dma_wait3A_295 = arith.constant 0 : i32
      %dma_wait3A_296 = tpu.memref_slice %arg12[%dma_wait3A_294, %dma_wait3A_295] : memref<10240x64xf32, #tpu.memory_space<vmem_shared>> -> memref<10240x64xf32, #tpu.memory_space<vmem_shared>>
      tpu.wait_indirect_dma semaphore(%arg14 : memref<!tpu.dma_semaphore, #tpu.memory_space<semaphore_mem>>) src(%dma_wait3A_296 : memref<10240x64xf32, #tpu.memory_space<vmem_shared>>) dst(%arg9 : memref<128x64xf32, #tpu.memory_space<vmem>>)
      %add3A_297 = arith.constant 0 : i32
      %add3A_298 = arith.addi %mul3A_288, %add3A_297 : i32
      "tpu.region"() ({
        %run_scoped3A = tpu.sem_alloc : memref<!tpu.dma_semaphore, #tpu.memory_space<semaphore_mem>>
        %dma_start3A_329 = arith.constant 0 : i32
        %dma_start3A_330 = tpu.memref_slice %arg8[%add3A_298, %dma_start3A_329] : memref<80x128xi32, #tpu.memory_space<vmem>> -> memref<1x128xi32, #tpu.memory_space<vmem>>
        %dma_start3A_331 = tpu.memref_squeeze %dma_start3A_330 : memref<1x128xi32, #tpu.memory_space<vmem>> -> memref<128xi32, #tpu.memory_space<vmem>>
        %dma_start3A_332 = arith.constant 0 : i32
        %dma_start3A_333 = arith.constant 0 : i32
        %dma_start3A_334 = tpu.memref_slice %arg13[%dma_start3A_332, %dma_start3A_333] : memref<10240x64xf32, #tpu.memory_space<vmem_shared>> -> memref<10240x64xf32, #tpu.memory_space<vmem_shared>>
        tpu.enqueue_indirect_dma source(%arg9 : memref<128x64xf32, #tpu.memory_space<vmem>>) target(%dma_start3A_334 : memref<10240x64xf32, #tpu.memory_space<vmem_shared>>) offsets(%dma_start3A_331 : memref<128xi32, #tpu.memory_space<vmem>>) semaphore(%run_scoped3A : memref<!tpu.dma_semaphore, #tpu.memory_space<semaphore_mem>>) {add = true}
        %dma_wait3A_335 = arith.constant 0 : i32
        %dma_wait3A_336 = tpu.memref_slice %arg8[%add3A_298, %dma_wait3A_335] : memref<80x128xi32, #tpu.memory_space<vmem>> -> memref<1x128xi32, #tpu.memory_space<vmem>>
        %dma_wait3A_337 = tpu.memref_squeeze %dma_wait3A_336 : memref<1x128xi32, #tpu.memory_space<vmem>> -> memref<128xi32, #tpu.memory_space<vmem>>
        %dma_wait3A_338 = arith.constant 0 : i32
        %dma_wait3A_339 = arith.constant 0 : i32
        %dma_wait3A_340 = tpu.memref_slice %arg13[%dma_wait3A_338, %dma_wait3A_339] : memref<10240x64xf32, #tpu.memory_space<vmem_shared>> -> memref<10240x64xf32, #tpu.memory_space<vmem_shared>>
        tpu.wait_indirect_dma semaphore(%run_scoped3A : memref<!tpu.dma_semaphore, #tpu.memory_space<semaphore_mem>>) src(%arg9 : memref<128x64xf32, #tpu.memory_space<vmem>>) dst(%dma_wait3A_340 : memref<10240x64xf32, #tpu.memory_space<vmem_shared>>)
        tpu.yield
      }) : () -> ()
      %add3A_299 = arith.constant 0 : i32
      %add3A_300 = arith.addi %mul3A_288, %add3A_299 : i32
      %add3A_301 = arith.constant 2 : i32
      %add3A_302 = arith.addi %add3A_300, %add3A_301 : i32
      %dma_start3A_303 = arith.constant 0 : i32
      %dma_start3A_304 = tpu.memref_slice %arg7[%add3A_302, %dma_start3A_303] : memref<82x128xi32, #tpu.memory_space<vmem>> -> memref<1x128xi32, #tpu.memory_space<vmem>>
      %dma_start3A_305 = tpu.memref_squeeze %dma_start3A_304 : memref<1x128xi32, #tpu.memory_space<vmem>> -> memref<128xi32, #tpu.memory_space<vmem>>
      %dma_start3A_306 = arith.constant 0 : i32
      %dma_start3A_307 = arith.constant 0 : i32
      %dma_start3A_308 = tpu.memref_slice %arg12[%dma_start3A_306, %dma_start3A_307] : memref<10240x64xf32, #tpu.memory_space<vmem_shared>> -> memref<10240x64xf32, #tpu.memory_space<vmem_shared>>
      tpu.enqueue_indirect_dma source(%dma_start3A_308 : memref<10240x64xf32, #tpu.memory_space<vmem_shared>>) target(%arg9 : memref<128x64xf32, #tpu.memory_space<vmem>>) offsets(%dma_start3A_305 : memref<128xi32, #tpu.memory_space<vmem>>) semaphore(%arg14 : memref<!tpu.dma_semaphore, #tpu.memory_space<semaphore_mem>>)
      %add3A_309 = arith.constant 1 : i32
      %add3A_310 = arith.addi %mul3A_288, %add3A_309 : i32
      %dma_wait3A_311 = arith.constant 0 : i32
      %dma_wait3A_312 = tpu.memref_slice %arg7[%add3A_310, %dma_wait3A_311] : memref<82x128xi32, #tpu.memory_space<vmem>> -> memref<1x128xi32, #tpu.memory_space<vmem>>
      %dma_wait3A_313 = tpu.memref_squeeze %dma_wait3A_312 : memref<1x128xi32, #tpu.memory_space<vmem>> -> memref<128xi32, #tpu.memory_space<vmem>>
      %dma_wait3A_314 = arith.constant 0 : i32
      %dma_wait3A_315 = arith.constant 0 : i32
      %dma_wait3A_316 = tpu.memref_slice %arg12[%dma_wait3A_314, %dma_wait3A_315] : memref<10240x64xf32, #tpu.memory_space<vmem_shared>> -> memref<10240x64xf32, #tpu.memory_space<vmem_shared>>
      tpu.wait_indirect_dma semaphore(%arg15 : memref<!tpu.dma_semaphore, #tpu.memory_space<semaphore_mem>>) src(%dma_wait3A_316 : memref<10240x64xf32, #tpu.memory_space<vmem_shared>>) dst(%arg10 : memref<128x64xf32, #tpu.memory_space<vmem>>)
      %add3A_317 = arith.constant 1 : i32
      %add3A_318 = arith.addi %mul3A_288, %add3A_317 : i32
      "tpu.region"() ({
        %run_scoped3A = tpu.sem_alloc : memref<!tpu.dma_semaphore, #tpu.memory_space<semaphore_mem>>
        %dma_start3A_329 = arith.constant 0 : i32
        %dma_start3A_330 = tpu.memref_slice %arg8[%add3A_318, %dma_start3A_329] : memref<80x128xi32, #tpu.memory_space<vmem>> -> memref<1x128xi32, #tpu.memory_space<vmem>>
        %dma_start3A_331 = tpu.memref_squeeze %dma_start3A_330 : memref<1x128xi32, #tpu.memory_space<vmem>> -> memref<128xi32, #tpu.memory_space<vmem>>
        %dma_start3A_332 = arith.constant 0 : i32
        %dma_start3A_333 = arith.constant 0 : i32
        %dma_start3A_334 = tpu.memref_slice %arg13[%dma_start3A_332, %dma_start3A_333] : memref<10240x64xf32, #tpu.memory_space<vmem_shared>> -> memref<10240x64xf32, #tpu.memory_space<vmem_shared>>
        tpu.enqueue_indirect_dma source(%arg10 : memref<128x64xf32, #tpu.memory_space<vmem>>) target(%dma_start3A_334 : memref<10240x64xf32, #tpu.memory_space<vmem_shared>>) offsets(%dma_start3A_331 : memref<128xi32, #tpu.memory_space<vmem>>) semaphore(%run_scoped3A : memref<!tpu.dma_semaphore, #tpu.memory_space<semaphore_mem>>) {add = true}
        %dma_wait3A_335 = arith.constant 0 : i32
        %dma_wait3A_336 = tpu.memref_slice %arg8[%add3A_318, %dma_wait3A_335] : memref<80x128xi32, #tpu.memory_space<vmem>> -> memref<1x128xi32, #tpu.memory_space<vmem>>
        %dma_wait3A_337 = tpu.memref_squeeze %dma_wait3A_336 : memref<1x128xi32, #tpu.memory_space<vmem>> -> memref<128xi32, #tpu.memory_space<vmem>>
        %dma_wait3A_338 = arith.constant 0 : i32
        %dma_wait3A_339 = arith.constant 0 : i32
        %dma_wait3A_340 = tpu.memref_slice %arg13[%dma_wait3A_338, %dma_wait3A_339] : memref<10240x64xf32, #tpu.memory_space<vmem_shared>> -> memref<10240x64xf32, #tpu.memory_space<vmem_shared>>
        tpu.wait_indirect_dma semaphore(%run_scoped3A : memref<!tpu.dma_semaphore, #tpu.memory_space<semaphore_mem>>) src(%arg10 : memref<128x64xf32, #tpu.memory_space<vmem>>) dst(%dma_wait3A_340 : memref<10240x64xf32, #tpu.memory_space<vmem_shared>>)
        tpu.yield
      }) : () -> ()
      %add3A_319 = arith.constant 1 : i32
      %add3A_320 = arith.addi %mul3A_288, %add3A_319 : i32
      %add3A_321 = arith.constant 2 : i32
      %add3A_322 = arith.addi %add3A_320, %add3A_321 : i32
      %dma_start3A_323 = arith.constant 0 : i32
      %dma_start3A_324 = tpu.memref_slice %arg7[%add3A_322, %dma_start3A_323] : memref<82x128xi32, #tpu.memory_space<vmem>> -> memref<1x128xi32, #tpu.memory_space<vmem>>
      %dma_start3A_325 = tpu.memref_squeeze %dma_start3A_324 : memref<1x128xi32, #tpu.memory_space<vmem>> -> memref<128xi32, #tpu.memory_space<vmem>>
      %dma_start3A_326 = arith.constant 0 : i32
      %dma_start3A_327 = arith.constant 0 : i32
      %dma_start3A_328 = tpu.memref_slice %arg12[%dma_start3A_326, %dma_start3A_327] : memref<10240x64xf32, #tpu.memory_space<vmem_shared>> -> memref<10240x64xf32, #tpu.memory_space<vmem_shared>>
      tpu.enqueue_indirect_dma source(%dma_start3A_328 : memref<10240x64xf32, #tpu.memory_space<vmem_shared>>) target(%arg10 : memref<128x64xf32, #tpu.memory_space<vmem>>) offsets(%dma_start3A_325 : memref<128xi32, #tpu.memory_space<vmem>>) semaphore(%arg15 : memref<!tpu.dma_semaphore, #tpu.memory_space<semaphore_mem>>)
    }
    %scan3A_18 = arith.constant 40 : i32
    %dma_wait3A = arith.constant 80 : i32
    %dma_wait3A_19 = arith.constant 0 : i32
    %dma_wait3A_20 = tpu.memref_slice %arg7[%dma_wait3A, %dma_wait3A_19] : memref<82x128xi32, #tpu.memory_space<vmem>> -> memref<1x128xi32, #tpu.memory_space<vmem>>
    %dma_wait3A_21 = tpu.memref_squeeze %dma_wait3A_20 : memref<1x128xi32, #tpu.memory_space<vmem>> -> memref<128xi32, #tpu.memory_space<vmem>>
    %dma_wait3A_22 = arith.constant 0 : i32
    %dma_wait3A_23 = arith.constant 0 : i32
    %dma_wait3A_24 = tpu.memref_slice %arg12[%dma_wait3A_22, %dma_wait3A_23] : memref<10240x64xf32, #tpu.memory_space<vmem_shared>> -> memref<10240x64xf32, #tpu.memory_space<vmem_shared>>
    tpu.wait_indirect_dma semaphore(%arg14 : memref<!tpu.dma_semaphore, #tpu.memory_space<semaphore_mem>>) src(%dma_wait3A_24 : memref<10240x64xf32, #tpu.memory_space<vmem_shared>>) dst(%arg9 : memref<128x64xf32, #tpu.memory_space<vmem>>)
    %dma_wait3A_25 = arith.constant 81 : i32
    %dma_wait3A_26 = arith.constant 0 : i32
    %dma_wait3A_27 = tpu.memref_slice %arg7[%dma_wait3A_25, %dma_wait3A_26] : memref<82x128xi32, #tpu.memory_space<vmem>> -> memref<1x128xi32, #tpu.memory_space<vmem>>
    %dma_wait3A_28 = tpu.memref_squeeze %dma_wait3A_27 : memref<1x128xi32, #tpu.memory_space<vmem>> -> memref<128xi32, #tpu.memory_space<vmem>>
    %dma_wait3A_29 = arith.constant 0 : i32
    %dma_wait3A_30 = arith.constant 0 : i32
    %dma_wait3A_31 = tpu.memref_slice %arg12[%dma_wait3A_29, %dma_wait3A_30] : memref<10240x64xf32, #tpu.memory_space<vmem_shared>> -> memref<10240x64xf32, #tpu.memory_space<vmem_shared>>
    tpu.wait_indirect_dma semaphore(%arg15 : memref<!tpu.dma_semaphore, #tpu.memory_space<semaphore_mem>>) src(%dma_wait3A_31 : memref<10240x64xf32, #tpu.memory_space<vmem_shared>>) dst(%arg10 : memref<128x64xf32, #tpu.memory_space<vmem>>)
    "tpu.region"() ({
      %run_scoped3A = tpu.sem_alloc : memref<!tpu.dma_semaphore, #tpu.memory_space<semaphore_mem>>
      %dma_start3A_286 = arith.constant 80 : i32
      %dma_start3A_287 = arith.constant 0 : i32
      %dma_start3A_288 = tpu.memref_slice %arg3[%arg1, %dma_start3A_286, %dma_start3A_287] : memref<16x162x128xi32, #tpu.memory_space<hbm>> -> memref<1x82x128xi32, #tpu.memory_space<hbm>>
      %dma_start3A_289 = tpu.memref_squeeze %dma_start3A_288 : memref<1x82x128xi32, #tpu.memory_space<hbm>> -> memref<82x128xi32, #tpu.memory_space<hbm>>
      %dma_start3A_290 = arith.constant 80 : i32
      %dma_start3A_291 = arith.constant 0 : i32
      %dma_start3A_292 = tpu.memref_slice %arg3[%arg1, %dma_start3A_290, %dma_start3A_291] : memref<16x162x128xi32, #tpu.memory_space<hbm>> -> memref<1x82x128xi32, #tpu.memory_space<hbm>>
      %dma_start3A_293 = tpu.memref_squeeze %dma_start3A_292 : memref<1x82x128xi32, #tpu.memory_space<hbm>> -> memref<82x128xi32, #tpu.memory_space<hbm>>
      tpu.enqueue_dma source(%dma_start3A_293 : memref<82x128xi32, #tpu.memory_space<hbm>>) target(%arg7 : memref<82x128xi32, #tpu.memory_space<vmem>>) target_semaphore(%run_scoped3A : memref<!tpu.dma_semaphore, #tpu.memory_space<semaphore_mem>>)
      %dma_wait3A_294 = arith.constant 80 : i32
      %dma_wait3A_295 = arith.constant 0 : i32
      %dma_wait3A_296 = tpu.memref_slice %arg3[%arg1, %dma_wait3A_294, %dma_wait3A_295] : memref<16x162x128xi32, #tpu.memory_space<hbm>> -> memref<1x82x128xi32, #tpu.memory_space<hbm>>
      %dma_wait3A_297 = tpu.memref_squeeze %dma_wait3A_296 : memref<1x82x128xi32, #tpu.memory_space<hbm>> -> memref<82x128xi32, #tpu.memory_space<hbm>>
      %dma_wait3A_298 = arith.constant 80 : i32
      %dma_wait3A_299 = arith.constant 0 : i32
      %dma_wait3A_300 = tpu.memref_slice %arg3[%arg1, %dma_wait3A_298, %dma_wait3A_299] : memref<16x162x128xi32, #tpu.memory_space<hbm>> -> memref<1x82x128xi32, #tpu.memory_space<hbm>>
      %dma_wait3A_301 = tpu.memref_squeeze %dma_wait3A_300 : memref<1x82x128xi32, #tpu.memory_space<hbm>> -> memref<82x128xi32, #tpu.memory_space<hbm>>
      tpu.wait_dma2 semaphore(%run_scoped3A : memref<!tpu.dma_semaphore, #tpu.memory_space<semaphore_mem>>) src(%dma_wait3A_301 : memref<82x128xi32, #tpu.memory_space<hbm>>) dst(%arg7 : memref<82x128xi32, #tpu.memory_space<vmem>>)
      tpu.yield
    }) : () -> ()
    "tpu.region"() ({
      %run_scoped3A = tpu.sem_alloc : memref<!tpu.dma_semaphore, #tpu.memory_space<semaphore_mem>>
      %dma_start3A_286 = arith.constant 80 : i32
      %dma_start3A_287 = arith.constant 0 : i32
      %dma_start3A_288 = tpu.memref_slice %arg4[%arg1, %dma_start3A_286, %dma_start3A_287] : memref<16x160x128xi32, #tpu.memory_space<hbm>> -> memref<1x80x128xi32, #tpu.memory_space<hbm>>
      %dma_start3A_289 = tpu.memref_squeeze %dma_start3A_288 : memref<1x80x128xi32, #tpu.memory_space<hbm>> -> memref<80x128xi32, #tpu.memory_space<hbm>>
      %dma_start3A_290 = arith.constant 80 : i32
      %dma_start3A_291 = arith.constant 0 : i32
      %dma_start3A_292 = tpu.memref_slice %arg4[%arg1, %dma_start3A_290, %dma_start3A_291] : memref<16x160x128xi32, #tpu.memory_space<hbm>> -> memref<1x80x128xi32, #tpu.memory_space<hbm>>
      %dma_start3A_293 = tpu.memref_squeeze %dma_start3A_292 : memref<1x80x128xi32, #tpu.memory_space<hbm>> -> memref<80x128xi32, #tpu.memory_space<hbm>>
      tpu.enqueue_dma source(%dma_start3A_293 : memref<80x128xi32, #tpu.memory_space<hbm>>) target(%arg8 : memref<80x128xi32, #tpu.memory_space<vmem>>) target_semaphore(%run_scoped3A : memref<!tpu.dma_semaphore, #tpu.memory_space<semaphore_mem>>)
      %dma_wait3A_294 = arith.constant 80 : i32
      %dma_wait3A_295 = arith.constant 0 : i32
      %dma_wait3A_296 = tpu.memref_slice %arg4[%arg1, %dma_wait3A_294, %dma_wait3A_295] : memref<16x160x128xi32, #tpu.memory_space<hbm>> -> memref<1x80x128xi32, #tpu.memory_space<hbm>>
      %dma_wait3A_297 = tpu.memref_squeeze %dma_wait3A_296 : memref<1x80x128xi32, #tpu.memory_space<hbm>> -> memref<80x128xi32, #tpu.memory_space<hbm>>
      %dma_wait3A_298 = arith.constant 80 : i32
      %dma_wait3A_299 = arith.constant 0 : i32
      %dma_wait3A_300 = tpu.memref_slice %arg4[%arg1, %dma_wait3A_298, %dma_wait3A_299] : memref<16x160x128xi32, #tpu.memory_space<hbm>> -> memref<1x80x128xi32, #tpu.memory_space<hbm>>
      %dma_wait3A_301 = tpu.memref_squeeze %dma_wait3A_300 : memref<1x80x128xi32, #tpu.memory_space<hbm>> -> memref<80x128xi32, #tpu.memory_space<hbm>>
      tpu.wait_dma2 semaphore(%run_scoped3A : memref<!tpu.dma_semaphore, #tpu.memory_space<semaphore_mem>>) src(%dma_wait3A_301 : memref<80x128xi32, #tpu.memory_space<hbm>>) dst(%arg8 : memref<80x128xi32, #tpu.memory_space<vmem>>)
      tpu.yield
    }) : () -> ()
    %dma_start3A_32 = arith.constant 0 : i32
    %dma_start3A_33 = arith.constant 0 : i32
    %dma_start3A_34 = tpu.memref_slice %arg7[%dma_start3A_32, %dma_start3A_33] : memref<82x128xi32, #tpu.memory_space<vmem>> -> memref<1x128xi32, #tpu.memory_space<vmem>>
    %dma_start3A_35 = tpu.memref_squeeze %dma_start3A_34 : memref<1x128xi32, #tpu.memory_space<vmem>> -> memref<128xi32, #tpu.memory_space<vmem>>
    %dma_start3A_36 = arith.constant 0 : i32
    %dma_start3A_37 = arith.constant 0 : i32
    %dma_start3A_38 = tpu.memref_slice %arg12[%dma_start3A_36, %dma_start3A_37] : memref<10240x64xf32, #tpu.memory_space<vmem_shared>> -> memref<10240x64xf32, #tpu.memory_space<vmem_shared>>
    tpu.enqueue_indirect_dma source(%dma_start3A_38 : memref<10240x64xf32, #tpu.memory_space<vmem_shared>>) target(%arg9 : memref<128x64xf32, #tpu.memory_space<vmem>>) offsets(%dma_start3A_35 : memref<128xi32, #tpu.memory_space<vmem>>) semaphore(%arg14 : memref<!tpu.dma_semaphore, #tpu.memory_space<semaphore_mem>>)
    %dma_start3A_39 = arith.constant 1 : i32
    %dma_start3A_40 = arith.constant 0 : i32
    %dma_start3A_41 = tpu.memref_slice %arg7[%dma_start3A_39, %dma_start3A_40] : memref<82x128xi32, #tpu.memory_space<vmem>> -> memref<1x128xi32, #tpu.memory_space<vmem>>
    %dma_start3A_42 = tpu.memref_squeeze %dma_start3A_41 : memref<1x128xi32, #tpu.memory_space<vmem>> -> memref<128xi32, #tpu.memory_space<vmem>>
    %dma_start3A_43 = arith.constant 0 : i32
    %dma_start3A_44 = arith.constant 0 : i32
    %dma_start3A_45 = tpu.memref_slice %arg12[%dma_start3A_43, %dma_start3A_44] : memref<10240x64xf32, #tpu.memory_space<vmem_shared>> -> memref<10240x64xf32, #tpu.memory_space<vmem_shared>>
    tpu.enqueue_indirect_dma source(%dma_start3A_45 : memref<10240x64xf32, #tpu.memory_space<vmem_shared>>) target(%arg10 : memref<128x64xf32, #tpu.memory_space<vmem>>) offsets(%dma_start3A_42 : memref<128xi32, #tpu.memory_space<vmem>>) semaphore(%arg15 : memref<!tpu.dma_semaphore, #tpu.memory_space<semaphore_mem>>)
    %scan3A_46 = arith.constant 0 : i32
    %scan3A_47 = arith.constant 0 : i32
    %scan3A_48 = arith.constant 40 : i32
    %scan3A_49 = arith.addi %scan3A_47, %scan3A_48 : i32
    %scan3A_50 = arith.constant 1 : i32
    scf.for %scan3A_286 = %scan3A_47 to %scan3A_49 step %scan3A_50  : i32 {
      %mul3A_287 = arith.constant 2 : i32
      %mul3A_288 = arith.muli %scan3A_286, %mul3A_287 : i32
      %add3A_289 = arith.constant 0 : i32
      %add3A_290 = arith.addi %mul3A_288, %add3A_289 : i32
      %dma_wait3A_291 = arith.constant 0 : i32
      %dma_wait3A_292 = tpu.memref_slice %arg7[%add3A_290, %dma_wait3A_291] : memref<82x128xi32, #tpu.memory_space<vmem>> -> memref<1x128xi32, #tpu.memory_space<vmem>>
      %dma_wait3A_293 = tpu.memref_squeeze %dma_wait3A_292 : memref<1x128xi32, #tpu.memory_space<vmem>> -> memref<128xi32, #tpu.memory_space<vmem>>
      %dma_wait3A_294 = arith.constant 0 : i32
      %dma_wait3A_295 = arith.constant 0 : i32
      %dma_wait3A_296 = tpu.memref_slice %arg12[%dma_wait3A_294, %dma_wait3A_295] : memref<10240x64xf32, #tpu.memory_space<vmem_shared>> -> memref<10240x64xf32, #tpu.memory_space<vmem_shared>>
      tpu.wait_indirect_dma semaphore(%arg14 : memref<!tpu.dma_semaphore, #tpu.memory_space<semaphore_mem>>) src(%dma_wait3A_296 : memref<10240x64xf32, #tpu.memory_space<vmem_shared>>) dst(%arg9 : memref<128x64xf32, #tpu.memory_space<vmem>>)
      %add3A_297 = arith.constant 0 : i32
      %add3A_298 = arith.addi %mul3A_288, %add3A_297 : i32
      "tpu.region"() ({
        %run_scoped3A = tpu.sem_alloc : memref<!tpu.dma_semaphore, #tpu.memory_space<semaphore_mem>>
        %dma_start3A_329 = arith.constant 0 : i32
        %dma_start3A_330 = tpu.memref_slice %arg8[%add3A_298, %dma_start3A_329] : memref<80x128xi32, #tpu.memory_space<vmem>> -> memref<1x128xi32, #tpu.memory_space<vmem>>
        %dma_start3A_331 = tpu.memref_squeeze %dma_start3A_330 : memref<1x128xi32, #tpu.memory_space<vmem>> -> memref<128xi32, #tpu.memory_space<vmem>>
        %dma_start3A_332 = arith.constant 0 : i32
        %dma_start3A_333 = arith.constant 0 : i32
        %dma_start3A_334 = tpu.memref_slice %arg13[%dma_start3A_332, %dma_start3A_333] : memref<10240x64xf32, #tpu.memory_space<vmem_shared>> -> memref<10240x64xf32, #tpu.memory_space<vmem_shared>>
        tpu.enqueue_indirect_dma source(%arg9 : memref<128x64xf32, #tpu.memory_space<vmem>>) target(%dma_start3A_334 : memref<10240x64xf32, #tpu.memory_space<vmem_shared>>) offsets(%dma_start3A_331 : memref<128xi32, #tpu.memory_space<vmem>>) semaphore(%run_scoped3A : memref<!tpu.dma_semaphore, #tpu.memory_space<semaphore_mem>>) {add = true}
        %dma_wait3A_335 = arith.constant 0 : i32
        %dma_wait3A_336 = tpu.memref_slice %arg8[%add3A_298, %dma_wait3A_335] : memref<80x128xi32, #tpu.memory_space<vmem>> -> memref<1x128xi32, #tpu.memory_space<vmem>>
        %dma_wait3A_337 = tpu.memref_squeeze %dma_wait3A_336 : memref<1x128xi32, #tpu.memory_space<vmem>> -> memref<128xi32, #tpu.memory_space<vmem>>
        %dma_wait3A_338 = arith.constant 0 : i32
        %dma_wait3A_339 = arith.constant 0 : i32
        %dma_wait3A_340 = tpu.memref_slice %arg13[%dma_wait3A_338, %dma_wait3A_339] : memref<10240x64xf32, #tpu.memory_space<vmem_shared>> -> memref<10240x64xf32, #tpu.memory_space<vmem_shared>>
        tpu.wait_indirect_dma semaphore(%run_scoped3A : memref<!tpu.dma_semaphore, #tpu.memory_space<semaphore_mem>>) src(%arg9 : memref<128x64xf32, #tpu.memory_space<vmem>>) dst(%dma_wait3A_340 : memref<10240x64xf32, #tpu.memory_space<vmem_shared>>)
        tpu.yield
      }) : () -> ()
      %add3A_299 = arith.constant 0 : i32
      %add3A_300 = arith.addi %mul3A_288, %add3A_299 : i32
      %add3A_301 = arith.constant 2 : i32
      %add3A_302 = arith.addi %add3A_300, %add3A_301 : i32
      %dma_start3A_303 = arith.constant 0 : i32
      %dma_start3A_304 = tpu.memref_slice %arg7[%add3A_302, %dma_start3A_303] : memref<82x128xi32, #tpu.memory_space<vmem>> -> memref<1x128xi32, #tpu.memory_space<vmem>>
      %dma_start3A_305 = tpu.memref_squeeze %dma_start3A_304 : memref<1x128xi32, #tpu.memory_space<vmem>> -> memref<128xi32, #tpu.memory_space<vmem>>
      %dma_start3A_306 = arith.constant 0 : i32
      %dma_start3A_307 = arith.constant 0 : i32
      %dma_start3A_308 = tpu.memref_slice %arg12[%dma_start3A_306, %dma_start3A_307] : memref<10240x64xf32, #tpu.memory_space<vmem_shared>> -> memref<10240x64xf32, #tpu.memory_space<vmem_shared>>
      tpu.enqueue_indirect_dma source(%dma_start3A_308 : memref<10240x64xf32, #tpu.memory_space<vmem_shared>>) target(%arg9 : memref<128x64xf32, #tpu.memory_space<vmem>>) offsets(%dma_start3A_305 : memref<128xi32, #tpu.memory_space<vmem>>) semaphore(%arg14 : memref<!tpu.dma_semaphore, #tpu.memory_space<semaphore_mem>>)
      %add3A_309 = arith.constant 1 : i32
      %add3A_310 = arith.addi %mul3A_288, %add3A_309 : i32
      %dma_wait3A_311 = arith.constant 0 : i32
      %dma_wait3A_312 = tpu.memref_slice %arg7[%add3A_310, %dma_wait3A_311] : memref<82x128xi32, #tpu.memory_space<vmem>> -> memref<1x128xi32, #tpu.memory_space<vmem>>
      %dma_wait3A_313 = tpu.memref_squeeze %dma_wait3A_312 : memref<1x128xi32, #tpu.memory_space<vmem>> -> memref<128xi32, #tpu.memory_space<vmem>>
      %dma_wait3A_314 = arith.constant 0 : i32
      %dma_wait3A_315 = arith.constant 0 : i32
      %dma_wait3A_316 = tpu.memref_slice %arg12[%dma_wait3A_314, %dma_wait3A_315] : memref<10240x64xf32, #tpu.memory_space<vmem_shared>> -> memref<10240x64xf32, #tpu.memory_space<vmem_shared>>
      tpu.wait_indirect_dma semaphore(%arg15 : memref<!tpu.dma_semaphore, #tpu.memory_space<semaphore_mem>>) src(%dma_wait3A_316 : memref<10240x64xf32, #tpu.memory_space<vmem_shared>>) dst(%arg10 : memref<128x64xf32, #tpu.memory_space<vmem>>)
      %add3A_317 = arith.constant 1 : i32
      %add3A_318 = arith.addi %mul3A_288, %add3A_317 : i32
      "tpu.region"() ({
        %run_scoped3A = tpu.sem_alloc : memref<!tpu.dma_semaphore, #tpu.memory_space<semaphore_mem>>
        %dma_start3A_329 = arith.constant 0 : i32
        %dma_start3A_330 = tpu.memref_slice %arg8[%add3A_318, %dma_start3A_329] : memref<80x128xi32, #tpu.memory_space<vmem>> -> memref<1x128xi32, #tpu.memory_space<vmem>>
        %dma_start3A_331 = tpu.memref_squeeze %dma_start3A_330 : memref<1x128xi32, #tpu.memory_space<vmem>> -> memref<128xi32, #tpu.memory_space<vmem>>
        %dma_start3A_332 = arith.constant 0 : i32
        %dma_start3A_333 = arith.constant 0 : i32
        %dma_start3A_334 = tpu.memref_slice %arg13[%dma_start3A_332, %dma_start3A_333] : memref<10240x64xf32, #tpu.memory_space<vmem_shared>> -> memref<10240x64xf32, #tpu.memory_space<vmem_shared>>
        tpu.enqueue_indirect_dma source(%arg10 : memref<128x64xf32, #tpu.memory_space<vmem>>) target(%dma_start3A_334 : memref<10240x64xf32, #tpu.memory_space<vmem_shared>>) offsets(%dma_start3A_331 : memref<128xi32, #tpu.memory_space<vmem>>) semaphore(%run_scoped3A : memref<!tpu.dma_semaphore, #tpu.memory_space<semaphore_mem>>) {add = true}
        %dma_wait3A_335 = arith.constant 0 : i32
        %dma_wait3A_336 = tpu.memref_slice %arg8[%add3A_318, %dma_wait3A_335] : memref<80x128xi32, #tpu.memory_space<vmem>> -> memref<1x128xi32, #tpu.memory_space<vmem>>
        %dma_wait3A_337 = tpu.memref_squeeze %dma_wait3A_336 : memref<1x128xi32, #tpu.memory_space<vmem>> -> memref<128xi32, #tpu.memory_space<vmem>>
        %dma_wait3A_338 = arith.constant 0 : i32
        %dma_wait3A_339 = arith.constant 0 : i32
        %dma_wait3A_340 = tpu.memref_slice %arg13[%dma_wait3A_338, %dma_wait3A_339] : memref<10240x64xf32, #tpu.memory_space<vmem_shared>> -> memref<10240x64xf32, #tpu.memory_space<vmem_shared>>
        tpu.wait_indirect_dma semaphore(%run_scoped3A : memref<!tpu.dma_semaphore, #tpu.memory_space<semaphore_mem>>) src(%arg10 : memref<128x64xf32, #tpu.memory_space<vmem>>) dst(%dma_wait3A_340 : memref<10240x64xf32, #tpu.memory_space<vmem_shared>>)
        tpu.yield
      }) : () -> ()
      %add3A_319 = arith.constant 1 : i32
      %add3A_320 = arith.addi %mul3A_288, %add3A_319 : i32
      %add3A_321 = arith.constant 2 : i32
      %add3A_322 = arith.addi %add3A_320, %add3A_321 : i32
      %dma_start3A_323 = arith.constant 0 : i32
      %dma_start3A_324 = tpu.memref_slice %arg7[%add3A_322, %dma_start3A_323] : memref<82x128xi32, #tpu.memory_space<vmem>> -> memref<1x128xi32, #tpu.memory_space<vmem>>
      %dma_start3A_325 = tpu.memref_squeeze %dma_start3A_324 : memref<1x128xi32, #tpu.memory_space<vmem>> -> memref<128xi32, #tpu.memory_space<vmem>>
      %dma_start3A_326 = arith.constant 0 : i32
      %dma_start3A_327 = arith.constant 0 : i32
      %dma_start3A_328 = tpu.memref_slice %arg12[%dma_start3A_326, %dma_start3A_327] : memref<10240x64xf32, #tpu.memory_space<vmem_shared>> -> memref<10240x64xf32, #tpu.memory_space<vmem_shared>>
      tpu.enqueue_indirect_dma source(%dma_start3A_328 : memref<10240x64xf32, #tpu.memory_space<vmem_shared>>) target(%arg10 : memref<128x64xf32, #tpu.memory_space<vmem>>) offsets(%dma_start3A_325 : memref<128xi32, #tpu.memory_space<vmem>>) semaphore(%arg15 : memref<!tpu.dma_semaphore, #tpu.memory_space<semaphore_mem>>)
    }
    %scan3A_51 = arith.constant 40 : i32
    %dma_wait3A_52 = arith.constant 80 : i32
    %dma_wait3A_53 = arith.constant 0 : i32
    %dma_wait3A_54 = tpu.memref_slice %arg7[%dma_wait3A_52, %dma_wait3A_53] : memref<82x128xi32, #tpu.memory_space<vmem>> -> memref<1x128xi32, #tpu.memory_space<vmem>>
    %dma_wait3A_55 = tpu.memref_squeeze %dma_wait3A_54 : memref<1x128xi32, #tpu.memory_space<vmem>> -> memref<128xi32, #tpu.memory_space<vmem>>
    %dma_wait3A_56 = arith.constant 0 : i32
    %dma_wait3A_57 = arith.constant 0 : i32
    %dma_wait3A_58 = tpu.memref_slice %arg12[%dma_wait3A_56, %dma_wait3A_57] : memref<10240x64xf32, #tpu.memory_space<vmem_shared>> -> memref<10240x64xf32, #tpu.memory_space<vmem_shared>>
    tpu.wait_indirect_dma semaphore(%arg14 : memref<!tpu.dma_semaphore, #tpu.memory_space<semaphore_mem>>) src(%dma_wait3A_58 : memref<10240x64xf32, #tpu.memory_space<vmem_shared>>) dst(%arg9 : memref<128x64xf32, #tpu.memory_space<vmem>>)
    %dma_wait3A_59 = arith.constant 81 : i32
    %dma_wait3A_60 = arith.constant 0 : i32
    %dma_wait3A_61 = tpu.memref_slice %arg7[%dma_wait3A_59, %dma_wait3A_60] : memref<82x128xi32, #tpu.memory_space<vmem>> -> memref<1x128xi32, #tpu.memory_space<vmem>>
    %dma_wait3A_62 = tpu.memref_squeeze %dma_wait3A_61 : memref<1x128xi32, #tpu.memory_space<vmem>> -> memref<128xi32, #tpu.memory_space<vmem>>
    %dma_wait3A_63 = arith.constant 0 : i32
    %dma_wait3A_64 = arith.constant 0 : i32
    %dma_wait3A_65 = tpu.memref_slice %arg12[%dma_wait3A_63, %dma_wait3A_64] : memref<10240x64xf32, #tpu.memory_space<vmem_shared>> -> memref<10240x64xf32, #tpu.memory_space<vmem_shared>>
    tpu.wait_indirect_dma semaphore(%arg15 : memref<!tpu.dma_semaphore, #tpu.memory_space<semaphore_mem>>) src(%dma_wait3A_65 : memref<10240x64xf32, #tpu.memory_space<vmem_shared>>) dst(%arg10 : memref<128x64xf32, #tpu.memory_space<vmem>>)
    %barrier3A_66 = arith.constant 0 : index
    tpu.barrier barrier_id(%barrier3A_66)
    %add3A = arith.constant 0 : i32
    %add3A_67 = arith.addi %mul3A_0, %add3A : i32
    "tpu.region"() ({
      %run_scoped3A = tpu.sem_alloc : memref<!tpu.dma_semaphore, #tpu.memory_space<semaphore_mem>>
      %dma_start3A_286 = arith.constant 0 : i32
      %dma_start3A_287 = tpu.memref_slice %arg13[%add3A_67, %dma_start3A_286] : memref<10240x64xf32, #tpu.memory_space<vmem_shared>> -> memref<128x64xf32, #tpu.memory_space<vmem_shared>>
      %dma_start3A_288 = arith.constant 0 : i32
      %dma_start3A_289 = tpu.memref_slice %arg13[%add3A_67, %dma_start3A_288] : memref<10240x64xf32, #tpu.memory_space<vmem_shared>> -> memref<128x64xf32, #tpu.memory_space<vmem_shared>>
      tpu.enqueue_dma source(%dma_start3A_289 : memref<128x64xf32, #tpu.memory_space<vmem_shared>>) target(%arg9 : memref<128x64xf32, #tpu.memory_space<vmem>>) target_semaphore(%run_scoped3A : memref<!tpu.dma_semaphore, #tpu.memory_space<semaphore_mem>>)
      %dma_wait3A_290 = arith.constant 0 : i32
      %dma_wait3A_291 = tpu.memref_slice %arg13[%add3A_67, %dma_wait3A_290] : memref<10240x64xf32, #tpu.memory_space<vmem_shared>> -> memref<128x64xf32, #tpu.memory_space<vmem_shared>>
      %dma_wait3A_292 = arith.constant 0 : i32
      %dma_wait3A_293 = tpu.memref_slice %arg13[%add3A_67, %dma_wait3A_292] : memref<10240x64xf32, #tpu.memory_space<vmem_shared>> -> memref<128x64xf32, #tpu.memory_space<vmem_shared>>
      tpu.wait_dma2 semaphore(%run_scoped3A : memref<!tpu.dma_semaphore, #tpu.memory_space<semaphore_mem>>) src(%dma_wait3A_293 : memref<128x64xf32, #tpu.memory_space<vmem_shared>>) dst(%arg9 : memref<128x64xf32, #tpu.memory_space<vmem>>)
      tpu.yield
    }) : () -> ()
    "tpu.region"() ({
      %run_scoped3A = tpu.sem_alloc : memref<!tpu.dma_semaphore, #tpu.memory_space<semaphore_mem>>
      %dma_start3A_286 = arith.constant 0 : i32
      %dma_start3A_287 = tpu.memref_slice %arg5[%add3A_67, %dma_start3A_286] : memref<10240x16xf32, #tpu.memory_space<hbm>> -> memref<128x16xf32, #tpu.memory_space<hbm>>
      %dma_start3A_288 = arith.constant 0 : i32
      %dma_start3A_289 = tpu.memref_slice %arg5[%add3A_67, %dma_start3A_288] : memref<10240x16xf32, #tpu.memory_space<hbm>> -> memref<128x16xf32, #tpu.memory_space<hbm>>
      tpu.enqueue_dma source(%dma_start3A_289 : memref<128x16xf32, #tpu.memory_space<hbm>>) target(%arg11 : memref<128x16xf32, #tpu.memory_space<vmem>>) target_semaphore(%run_scoped3A : memref<!tpu.dma_semaphore, #tpu.memory_space<semaphore_mem>>)
      %dma_wait3A_290 = arith.constant 0 : i32
      %dma_wait3A_291 = tpu.memref_slice %arg5[%add3A_67, %dma_wait3A_290] : memref<10240x16xf32, #tpu.memory_space<hbm>> -> memref<128x16xf32, #tpu.memory_space<hbm>>
      %dma_wait3A_292 = arith.constant 0 : i32
      %dma_wait3A_293 = tpu.memref_slice %arg5[%add3A_67, %dma_wait3A_292] : memref<10240x16xf32, #tpu.memory_space<hbm>> -> memref<128x16xf32, #tpu.memory_space<hbm>>
      tpu.wait_dma2 semaphore(%run_scoped3A : memref<!tpu.dma_semaphore, #tpu.memory_space<semaphore_mem>>) src(%dma_wait3A_293 : memref<128x16xf32, #tpu.memory_space<hbm>>) dst(%arg11 : memref<128x16xf32, #tpu.memory_space<vmem>>)
      tpu.yield
    }) : () -> ()
    %scan3A_68 = arith.constant 0 : i32
    %scan3A_69 = arith.constant 0 : i32
    %scan3A_70 = arith.constant 128 : i32
    %scan3A_71 = arith.addi %scan3A_69, %scan3A_70 : i32
    %scan3A_72 = arith.constant 1 : i32
    scf.for %scan3A_286 = %scan3A_69 to %scan3A_71 step %scan3A_72  : i32 {
      %get3A = arith.index_cast %scan3A_286 : i32 to index
      %get3A_287 = arith.constant 0 : index
      %get3A_288 = tpu.vector_load %arg11[%get3A, %get3A_287] {strides = array<i32>} : memref<128x16xf32, #tpu.memory_space<vmem>>, vector<1x16xf32>,
      %get3A_289 = vector.shape_cast %get3A_288 : vector<1x16xf32> to vector<16xf32>
      %get3A_290 = arith.index_cast %scan3A_286 : i32 to index
      %get3A_291 = arith.constant 0 : index
      %get3A_292 = tpu.vector_load %arg9[%get3A_290, %get3A_291] {strides = array<i32>} : memref<128x64xf32, #tpu.memory_space<vmem>>, vector<1x16xf32>,
      %get3A_293 = vector.shape_cast %get3A_292 : vector<1x16xf32> to vector<16xf32>
      %mul3A_294 = arith.mulf %get3A_293, %get3A_289 : vector<16xf32>
      %swap3A = arith.index_cast %scan3A_286 : i32 to index
      %swap3A_295 = arith.constant 0 : index
      %swap3A_296 = tpu.vector_load %arg9[%swap3A, %swap3A_295] {strides = array<i32>} : memref<128x64xf32, #tpu.memory_space<vmem>>, vector<1x16xf32>,
      %swap3A_297 = vector.shape_cast %swap3A_296 : vector<1x16xf32> to vector<16xf32>
      %swap3A_298 = vector.shape_cast %mul3A_294 : vector<16xf32> to vector<1x16xf32>
      tpu.vector_store %arg9[%swap3A, %swap3A_295], %swap3A_298 {strides = array<i32>} : memref<128x64xf32, #tpu.memory_space<vmem>>, vector<1x16xf32>,
      %get3A_299 = arith.index_cast %scan3A_286 : i32 to index
      %get3A_300 = arith.constant 16 : index
      %get3A_301 = tpu.vector_load %arg9[%get3A_299, %get3A_300] {strides = array<i32>} : memref<128x64xf32, #tpu.memory_space<vmem>>, vector<1x16xf32>,
      %get3A_302 = vector.shape_cast %get3A_301 : vector<1x16xf32> to vector<16xf32>
      %mul3A_303 = arith.mulf %get3A_302, %get3A_289 : vector<16xf32>
      %swap3A_304 = arith.index_cast %scan3A_286 : i32 to index
      %swap3A_305 = arith.constant 16 : index
      %swap3A_306 = tpu.vector_load %arg9[%swap3A_304, %swap3A_305] {strides = array<i32>} : memref<128x64xf32, #tpu.memory_space<vmem>>, vector<1x16xf32>,
      %swap3A_307 = vector.shape_cast %swap3A_306 : vector<1x16xf32> to vector<16xf32>
      %swap3A_308 = vector.shape_cast %mul3A_303 : vector<16xf32> to vector<1x16xf32>
      tpu.vector_store %arg9[%swap3A_304, %swap3A_305], %swap3A_308 {strides = array<i32>} : memref<128x64xf32, #tpu.memory_space<vmem>>, vector<1x16xf32>,
      %get3A_309 = arith.index_cast %scan3A_286 : i32 to index
      %get3A_310 = arith.constant 32 : index
      %get3A_311 = tpu.vector_load %arg9[%get3A_309, %get3A_310] {strides = array<i32>} : memref<128x64xf32, #tpu.memory_space<vmem>>, vector<1x16xf32>,
      %get3A_312 = vector.shape_cast %get3A_311 : vector<1x16xf32> to vector<16xf32>
      %mul3A_313 = arith.mulf %get3A_312, %get3A_289 : vector<16xf32>
      %swap3A_314 = arith.index_cast %scan3A_286 : i32 to index
      %swap3A_315 = arith.constant 32 : index
      %swap3A_316 = tpu.vector_load %arg9[%swap3A_314, %swap3A_315] {strides = array<i32>} : memref<128x64xf32, #tpu.memory_space<vmem>>, vector<1x16xf32>,
      %swap3A_317 = vector.shape_cast %swap3A_316 : vector<1x16xf32> to vector<16xf32>
      %swap3A_318 = vector.shape_cast %mul3A_313 : vector<16xf32> to vector<1x16xf32>
      tpu.vector_store %arg9[%swap3A_314, %swap3A_315], %swap3A_318 {strides = array<i32>} : memref<128x64xf32, #tpu.memory_space<vmem>>, vector<1x16xf32>,
      %get3A_319 = arith.index_cast %scan3A_286 : i32 to index
      %get3A_320 = arith.constant 48 : index
      %get3A_321 = tpu.vector_load %arg9[%get3A_319, %get3A_320] {strides = array<i32>} : memref<128x64xf32, #tpu.memory_space<vmem>>, vector<1x16xf32>,
      %get3A_322 = vector.shape_cast %get3A_321 : vector<1x16xf32> to vector<16xf32>
      %mul3A_323 = arith.mulf %get3A_322, %get3A_289 : vector<16xf32>
      %swap3A_324 = arith.index_cast %scan3A_286 : i32 to index
      %swap3A_325 = arith.constant 48 : index
      %swap3A_326 = tpu.vector_load %arg9[%swap3A_324, %swap3A_325] {strides = array<i32>} : memref<128x64xf32, #tpu.memory_space<vmem>>, vector<1x16xf32>,
      %swap3A_327 = vector.shape_cast %swap3A_326 : vector<1x16xf32> to vector<16xf32>
      %swap3A_328 = vector.shape_cast %mul3A_323 : vector<16xf32> to vector<1x16xf32>
      tpu.vector_store %arg9[%swap3A_324, %swap3A_325], %swap3A_328 {strides = array<i32>} : memref<128x64xf32, #tpu.memory_space<vmem>>, vector<1x16xf32>,
    }
    %scan3A_73 = arith.constant 128 : i32
    "tpu.region"() ({
      %run_scoped3A = tpu.sem_alloc : memref<!tpu.dma_semaphore, #tpu.memory_space<semaphore_mem>>
      %dma_start3A_286 = arith.constant 0 : i32
      %dma_start3A_287 = tpu.memref_slice %arg12[%add3A_67, %dma_start3A_286] : memref<10240x64xf32, #tpu.memory_space<vmem_shared>> -> memref<128x64xf32, #tpu.memory_space<vmem_shared>>
      %dma_start3A_288 = arith.constant 0 : i32
      %dma_start3A_289 = tpu.memref_slice %arg12[%add3A_67, %dma_start3A_288] : memref<10240x64xf32, #tpu.memory_space<vmem_shared>> -> memref<128x64xf32, #tpu.memory_space<vmem_shared>>
      tpu.enqueue_dma source(%arg9 : memref<128x64xf32, #tpu.memory_space<vmem>>) target(%dma_start3A_289 : memref<128x64xf32, #tpu.memory_space<vmem_shared>>) target_semaphore(%run_scoped3A : memref<!tpu.dma_semaphore, #tpu.memory_space<semaphore_mem>>)
      %dma_wait3A_290 = arith.constant 0 : i32
      %dma_wait3A_291 = tpu.memref_slice %arg12[%add3A_67, %dma_wait3A_290] : memref<10240x64xf32, #tpu.memory_space<vmem_shared>> -> memref<128x64xf32, #tpu.memory_space<vmem_shared>>
      %dma_wait3A_292 = arith.constant 0 : i32
      %dma_wait3A_293 = tpu.memref_slice %arg12[%add3A_67, %dma_wait3A_292] : memref<10240x64xf32, #tpu.memory_space<vmem_shared>> -> memref<128x64xf32, #tpu.memory_space<vmem_shared>>
      tpu.wait_dma2 semaphore(%run_scoped3A : memref<!tpu.dma_semaphore, #tpu.memory_space<semaphore_mem>>) src(%arg9 : memref<128x64xf32, #tpu.memory_space<vmem>>) dst(%dma_wait3A_293 : memref<128x64xf32, #tpu.memory_space<vmem_shared>>)
      tpu.yield
    }) : () -> ()
    "tpu.region"() ({
      %run_scoped3A = tpu.sem_alloc : memref<!tpu.dma_semaphore, #tpu.memory_space<semaphore_mem>>
      %dma_start3A_286 = arith.constant 0 : i32
      %dma_start3A_287 = tpu.memref_slice %arg13[%add3A_67, %dma_start3A_286] : memref<10240x64xf32, #tpu.memory_space<vmem_shared>> -> memref<128x64xf32, #tpu.memory_space<vmem_shared>>
      %dma_start3A_288 = arith.constant 0 : i32
      %dma_start3A_289 = tpu.memref_slice %arg13[%add3A_67, %dma_start3A_288] : memref<10240x64xf32, #tpu.memory_space<vmem_shared>> -> memref<128x64xf32, #tpu.memory_space<vmem_shared>>
      tpu.enqueue_dma source(%arg9 : memref<128x64xf32, #tpu.memory_space<vmem>>) target(%dma_start3A_289 : memref<128x64xf32, #tpu.memory_space<vmem_shared>>) target_semaphore(%run_scoped3A : memref<!tpu.dma_semaphore, #tpu.memory_space<semaphore_mem>>)
      %dma_wait3A_290 = arith.constant 0 : i32
      %dma_wait3A_291 = tpu.memref_slice %arg13[%add3A_67, %dma_wait3A_290] : memref<10240x64xf32, #tpu.memory_space<vmem_shared>> -> memref<128x64xf32, #tpu.memory_space<vmem_shared>>
      %dma_wait3A_292 = arith.constant 0 : i32
      %dma_wait3A_293 = tpu.memref_slice %arg13[%add3A_67, %dma_wait3A_292] : memref<10240x64xf32, #tpu.memory_space<vmem_shared>> -> memref<128x64xf32, #tpu.memory_space<vmem_shared>>
      tpu.wait_dma2 semaphore(%run_scoped3A : memref<!tpu.dma_semaphore, #tpu.memory_space<semaphore_mem>>) src(%arg9 : memref<128x64xf32, #tpu.memory_space<vmem>>) dst(%dma_wait3A_293 : memref<128x64xf32, #tpu.memory_space<vmem_shared>>)
      tpu.yield
    }) : () -> ()
    %add3A_74 = arith.constant 128 : i32
    %add3A_75 = arith.addi %mul3A_0, %add3A_74 : i32
    "tpu.region"() ({
      %run_scoped3A = tpu.sem_alloc : memref<!tpu.dma_semaphore, #tpu.memory_space<semaphore_mem>>
      %dma_start3A_286 = arith.constant 0 : i32
      %dma_start3A_287 = tpu.memref_slice %arg13[%add3A_75, %dma_start3A_286] : memref<10240x64xf32, #tpu.memory_space<vmem_shared>> -> memref<128x64xf32, #tpu.memory_space<vmem_shared>>
      %dma_start3A_288 = arith.constant 0 : i32
      %dma_start3A_289 = tpu.memref_slice %arg13[%add3A_75, %dma_start3A_288] : memref<10240x64xf32, #tpu.memory_space<vmem_shared>> -> memref<128x64xf32, #tpu.memory_space<vmem_shared>>
      tpu.enqueue_dma source(%dma_start3A_289 : memref<128x64xf32, #tpu.memory_space<vmem_shared>>) target(%arg9 : memref<128x64xf32, #tpu.memory_space<vmem>>) target_semaphore(%run_scoped3A : memref<!tpu.dma_semaphore, #tpu.memory_space<semaphore_mem>>)
      %dma_wait3A_290 = arith.constant 0 : i32
      %dma_wait3A_291 = tpu.memref_slice %arg13[%add3A_75, %dma_wait3A_290] : memref<10240x64xf32, #tpu.memory_space<vmem_shared>> -> memref<128x64xf32, #tpu.memory_space<vmem_shared>>
      %dma_wait3A_292 = arith.constant 0 : i32
      %dma_wait3A_293 = tpu.memref_slice %arg13[%add3A_75, %dma_wait3A_292] : memref<10240x64xf32, #tpu.memory_space<vmem_shared>> -> memref<128x64xf32, #tpu.memory_space<vmem_shared>>
      tpu.wait_dma2 semaphore(%run_scoped3A : memref<!tpu.dma_semaphore, #tpu.memory_space<semaphore_mem>>) src(%dma_wait3A_293 : memref<128x64xf32, #tpu.memory_space<vmem_shared>>) dst(%arg9 : memref<128x64xf32, #tpu.memory_space<vmem>>)
      tpu.yield
    }) : () -> ()
    "tpu.region"() ({
      %run_scoped3A = tpu.sem_alloc : memref<!tpu.dma_semaphore, #tpu.memory_space<semaphore_mem>>
      %dma_start3A_286 = arith.constant 0 : i32
      %dma_start3A_287 = tpu.memref_slice %arg5[%add3A_75, %dma_start3A_286] : memref<10240x16xf32, #tpu.memory_space<hbm>> -> memref<128x16xf32, #tpu.memory_space<hbm>>
      %dma_start3A_288 = arith.constant 0 : i32
      %dma_start3A_289 = tpu.memref_slice %arg5[%add3A_75, %dma_start3A_288] : memref<10240x16xf32, #tpu.memory_space<hbm>> -> memref<128x16xf32, #tpu.memory_space<hbm>>
      tpu.enqueue_dma source(%dma_start3A_289 : memref<128x16xf32, #tpu.memory_space<hbm>>) target(%arg11 : memref<128x16xf32, #tpu.memory_space<vmem>>) target_semaphore(%run_scoped3A : memref<!tpu.dma_semaphore, #tpu.memory_space<semaphore_mem>>)
      %dma_wait3A_290 = arith.constant 0 : i32
      %dma_wait3A_291 = tpu.memref_slice %arg5[%add3A_75, %dma_wait3A_290] : memref<10240x16xf32, #tpu.memory_space<hbm>> -> memref<128x16xf32, #tpu.memory_space<hbm>>
      %dma_wait3A_292 = arith.constant 0 : i32
      %dma_wait3A_293 = tpu.memref_slice %arg5[%add3A_75, %dma_wait3A_292] : memref<10240x16xf32, #tpu.memory_space<hbm>> -> memref<128x16xf32, #tpu.memory_space<hbm>>
      tpu.wait_dma2 semaphore(%run_scoped3A : memref<!tpu.dma_semaphore, #tpu.memory_space<semaphore_mem>>) src(%dma_wait3A_293 : memref<128x16xf32, #tpu.memory_space<hbm>>) dst(%arg11 : memref<128x16xf32, #tpu.memory_space<vmem>>)
      tpu.yield
    }) : () -> ()
    %scan3A_76 = arith.constant 0 : i32
    %scan3A_77 = arith.constant 0 : i32
    %scan3A_78 = arith.constant 128 : i32
    %scan3A_79 = arith.addi %scan3A_77, %scan3A_78 : i32
    %scan3A_80 = arith.constant 1 : i32
    scf.for %scan3A_286 = %scan3A_77 to %scan3A_79 step %scan3A_80  : i32 {
      %get3A = arith.index_cast %scan3A_286 : i32 to index
      %get3A_287 = arith.constant 0 : index
      %get3A_288 = tpu.vector_load %arg11[%get3A, %get3A_287] {strides = array<i32>} : memref<128x16xf32, #tpu.memory_space<vmem>>, vector<1x16xf32>,
      %get3A_289 = vector.shape_cast %get3A_288 : vector<1x16xf32> to vector<16xf32>
      %get3A_290 = arith.index_cast %scan3A_286 : i32 to index
      %get3A_291 = arith.constant 0 : index
      %get3A_292 = tpu.vector_load %arg9[%get3A_290, %get3A_291] {strides = array<i32>} : memref<128x64xf32, #tpu.memory_space<vmem>>, vector<1x16xf32>,
      %get3A_293 = vector.shape_cast %get3A_292 : vector<1x16xf32> to vector<16xf32>
      %mul3A_294 = arith.mulf %get3A_293, %get3A_289 : vector<16xf32>
      %swap3A = arith.index_cast %scan3A_286 : i32 to index
      %swap3A_295 = arith.constant 0 : index
      %swap3A_296 = tpu.vector_load %arg9[%swap3A, %swap3A_295] {strides = array<i32>} : memref<128x64xf32, #tpu.memory_space<vmem>>, vector<1x16xf32>,
      %swap3A_297 = vector.shape_cast %swap3A_296 : vector<1x16xf32> to vector<16xf32>
      %swap3A_298 = vector.shape_cast %mul3A_294 : vector<16xf32> to vector<1x16xf32>
      tpu.vector_store %arg9[%swap3A, %swap3A_295], %swap3A_298 {strides = array<i32>} : memref<128x64xf32, #tpu.memory_space<vmem>>, vector<1x16xf32>,
      %get3A_299 = arith.index_cast %scan3A_286 : i32 to index
      %get3A_300 = arith.constant 16 : index
      %get3A_301 = tpu.vector_load %arg9[%get3A_299, %get3A_300] {strides = array<i32>} : memref<128x64xf32, #tpu.memory_space<vmem>>, vector<1x16xf32>,
      %get3A_302 = vector.shape_cast %get3A_301 : vector<1x16xf32> to vector<16xf32>
      %mul3A_303 = arith.mulf %get3A_302, %get3A_289 : vector<16xf32>
      %swap3A_304 = arith.index_cast %scan3A_286 : i32 to index
      %swap3A_305 = arith.constant 16 : index
      %swap3A_306 = tpu.vector_load %arg9[%swap3A_304, %swap3A_305] {strides = array<i32>} : memref<128x64xf32, #tpu.memory_space<vmem>>, vector<1x16xf32>,
      %swap3A_307 = vector.shape_cast %swap3A_306 : vector<1x16xf32> to vector<16xf32>
      %swap3A_308 = vector.shape_cast %mul3A_303 : vector<16xf32> to vector<1x16xf32>
      tpu.vector_store %arg9[%swap3A_304, %swap3A_305], %swap3A_308 {strides = array<i32>} : memref<128x64xf32, #tpu.memory_space<vmem>>, vector<1x16xf32>,
      %get3A_309 = arith.index_cast %scan3A_286 : i32 to index
      %get3A_310 = arith.constant 32 : index
      %get3A_311 = tpu.vector_load %arg9[%get3A_309, %get3A_310] {strides = array<i32>} : memref<128x64xf32, #tpu.memory_space<vmem>>, vector<1x16xf32>,
      %get3A_312 = vector.shape_cast %get3A_311 : vector<1x16xf32> to vector<16xf32>
      %mul3A_313 = arith.mulf %get3A_312, %get3A_289 : vector<16xf32>
      %swap3A_314 = arith.index_cast %scan3A_286 : i32 to index
      %swap3A_315 = arith.constant 32 : index
      %swap3A_316 = tpu.vector_load %arg9[%swap3A_314, %swap3A_315] {strides = array<i32>} : memref<128x64xf32, #tpu.memory_space<vmem>>, vector<1x16xf32>,
      %swap3A_317 = vector.shape_cast %swap3A_316 : vector<1x16xf32> to vector<16xf32>
      %swap3A_318 = vector.shape_cast %mul3A_313 : vector<16xf32> to vector<1x16xf32>
      tpu.vector_store %arg9[%swap3A_314, %swap3A_315], %swap3A_318 {strides = array<i32>} : memref<128x64xf32, #tpu.memory_space<vmem>>, vector<1x16xf32>,
      %get3A_319 = arith.index_cast %scan3A_286 : i32 to index
      %get3A_320 = arith.constant 48 : index
      %get3A_321 = tpu.vector_load %arg9[%get3A_319, %get3A_320] {strides = array<i32>} : memref<128x64xf32, #tpu.memory_space<vmem>>, vector<1x16xf32>,
      %get3A_322 = vector.shape_cast %get3A_321 : vector<1x16xf32> to vector<16xf32>
      %mul3A_323 = arith.mulf %get3A_322, %get3A_289 : vector<16xf32>
      %swap3A_324 = arith.index_cast %scan3A_286 : i32 to index
      %swap3A_325 = arith.constant 48 : index
      %swap3A_326 = tpu.vector_load %arg9[%swap3A_324, %swap3A_325] {strides = array<i32>} : memref<128x64xf32, #tpu.memory_space<vmem>>, vector<1x16xf32>,
      %swap3A_327 = vector.shape_cast %swap3A_326 : vector<1x16xf32> to vector<16xf32>
      %swap3A_328 = vector.shape_cast %mul3A_323 : vector<16xf32> to vector<1x16xf32>
      tpu.vector_store %arg9[%swap3A_324, %swap3A_325], %swap3A_328 {strides = array<i32>} : memref<128x64xf32, #tpu.memory_space<vmem>>, vector<1x16xf32>,
    }
    %scan3A_81 = arith.constant 128 : i32
    "tpu.region"() ({
      %run_scoped3A = tpu.sem_alloc : memref<!tpu.dma_semaphore, #tpu.memory_space<semaphore_mem>>
      %dma_start3A_286 = arith.constant 0 : i32
      %dma_start3A_287 = tpu.memref_slice %arg12[%add3A_75, %dma_start3A_286] : memref<10240x64xf32, #tpu.memory_space<vmem_shared>> -> memref<128x64xf32, #tpu.memory_space<vmem_shared>>
      %dma_start3A_288 = arith.constant 0 : i32
      %dma_start3A_289 = tpu.memref_slice %arg12[%add3A_75, %dma_start3A_288] : memref<10240x64xf32, #tpu.memory_space<vmem_shared>> -> memref<128x64xf32, #tpu.memory_space<vmem_shared>>
      tpu.enqueue_dma source(%arg9 : memref<128x64xf32, #tpu.memory_space<vmem>>) target(%dma_start3A_289 : memref<128x64xf32, #tpu.memory_space<vmem_shared>>) target_semaphore(%run_scoped3A : memref<!tpu.dma_semaphore, #tpu.memory_space<semaphore_mem>>)
      %dma_wait3A_290 = arith.constant 0 : i32
      %dma_wait3A_291 = tpu.memref_slice %arg12[%add3A_75, %dma_wait3A_290] : memref<10240x64xf32, #tpu.memory_space<vmem_shared>> -> memref<128x64xf32, #tpu.memory_space<vmem_shared>>
      %dma_wait3A_292 = arith.constant 0 : i32
      %dma_wait3A_293 = tpu.memref_slice %arg12[%add3A_75, %dma_wait3A_292] : memref<10240x64xf32, #tpu.memory_space<vmem_shared>> -> memref<128x64xf32, #tpu.memory_space<vmem_shared>>
      tpu.wait_dma2 semaphore(%run_scoped3A : memref<!tpu.dma_semaphore, #tpu.memory_space<semaphore_mem>>) src(%arg9 : memref<128x64xf32, #tpu.memory_space<vmem>>) dst(%dma_wait3A_293 : memref<128x64xf32, #tpu.memory_space<vmem_shared>>)
      tpu.yield
    }) : () -> ()
    "tpu.region"() ({
      %run_scoped3A = tpu.sem_alloc : memref<!tpu.dma_semaphore, #tpu.memory_space<semaphore_mem>>
      %dma_start3A_286 = arith.constant 0 : i32
      %dma_start3A_287 = tpu.memref_slice %arg13[%add3A_75, %dma_start3A_286] : memref<10240x64xf32, #tpu.memory_space<vmem_shared>> -> memref<128x64xf32, #tpu.memory_space<vmem_shared>>
      %dma_start3A_288 = arith.constant 0 : i32
      %dma_start3A_289 = tpu.memref_slice %arg13[%add3A_75, %dma_start3A_288] : memref<10240x64xf32, #tpu.memory_space<vmem_shared>> -> memref<128x64xf32, #tpu.memory_space<vmem_shared>>
      tpu.enqueue_dma source(%arg9 : memref<128x64xf32, #tpu.memory_space<vmem>>) target(%dma_start3A_289 : memref<128x64xf32, #tpu.memory_space<vmem_shared>>) target_semaphore(%run_scoped3A : memref<!tpu.dma_semaphore, #tpu.memory_space<semaphore_mem>>)
      %dma_wait3A_290 = arith.constant 0 : i32
      %dma_wait3A_291 = tpu.memref_slice %arg13[%add3A_75, %dma_wait3A_290] : memref<10240x64xf32, #tpu.memory_space<vmem_shared>> -> memref<128x64xf32, #tpu.memory_space<vmem_shared>>
      %dma_wait3A_292 = arith.constant 0 : i32
      %dma_wait3A_293 = tpu.memref_slice %arg13[%add3A_75, %dma_wait3A_292] : memref<10240x64xf32, #tpu.memory_space<vmem_shared>> -> memref<128x64xf32, #tpu.memory_space<vmem_shared>>
      tpu.wait_dma2 semaphore(%run_scoped3A : memref<!tpu.dma_semaphore, #tpu.memory_space<semaphore_mem>>) src(%arg9 : memref<128x64xf32, #tpu.memory_space<vmem>>) dst(%dma_wait3A_293 : memref<128x64xf32, #tpu.memory_space<vmem_shared>>)
      tpu.yield
    }) : () -> ()
    %add3A_82 = arith.constant 256 : i32
    %add3A_83 = arith.addi %mul3A_0, %add3A_82 : i32
    "tpu.region"() ({
      %run_scoped3A = tpu.sem_alloc : memref<!tpu.dma_semaphore, #tpu.memory_space<semaphore_mem>>
      %dma_start3A_286 = arith.constant 0 : i32
      %dma_start3A_287 = tpu.memref_slice %arg13[%add3A_83, %dma_start3A_286] : memref<10240x64xf32, #tpu.memory_space<vmem_shared>> -> memref<128x64xf32, #tpu.memory_space<vmem_shared>>
      %dma_start3A_288 = arith.constant 0 : i32
      %dma_start3A_289 = tpu.memref_slice %arg13[%add3A_83, %dma_start3A_288] : memref<10240x64xf32, #tpu.memory_space<vmem_shared>> -> memref<128x64xf32, #tpu.memory_space<vmem_shared>>
      tpu.enqueue_dma source(%dma_start3A_289 : memref<128x64xf32, #tpu.memory_space<vmem_shared>>) target(%arg9 : memref<128x64xf32, #tpu.memory_space<vmem>>) target_semaphore(%run_scoped3A : memref<!tpu.dma_semaphore, #tpu.memory_space<semaphore_mem>>)
      %dma_wait3A_290 = arith.constant 0 : i32
      %dma_wait3A_291 = tpu.memref_slice %arg13[%add3A_83, %dma_wait3A_290] : memref<10240x64xf32, #tpu.memory_space<vmem_shared>> -> memref<128x64xf32, #tpu.memory_space<vmem_shared>>
      %dma_wait3A_292 = arith.constant 0 : i32
      %dma_wait3A_293 = tpu.memref_slice %arg13[%add3A_83, %dma_wait3A_292] : memref<10240x64xf32, #tpu.memory_space<vmem_shared>> -> memref<128x64xf32, #tpu.memory_space<vmem_shared>>
      tpu.wait_dma2 semaphore(%run_scoped3A : memref<!tpu.dma_semaphore, #tpu.memory_space<semaphore_mem>>) src(%dma_wait3A_293 : memref<128x64xf32, #tpu.memory_space<vmem_shared>>) dst(%arg9 : memref<128x64xf32, #tpu.memory_space<vmem>>)
      tpu.yield
    }) : () -> ()
    "tpu.region"() ({
      %run_scoped3A = tpu.sem_alloc : memref<!tpu.dma_semaphore, #tpu.memory_space<semaphore_mem>>
      %dma_start3A_286 = arith.constant 0 : i32
      %dma_start3A_287 = tpu.memref_slice %arg5[%add3A_83, %dma_start3A_286] : memref<10240x16xf32, #tpu.memory_space<hbm>> -> memref<128x16xf32, #tpu.memory_space<hbm>>
      %dma_start3A_288 = arith.constant 0 : i32
      %dma_start3A_289 = tpu.memref_slice %arg5[%add3A_83, %dma_start3A_288] : memref<10240x16xf32, #tpu.memory_space<hbm>> -> memref<128x16xf32, #tpu.memory_space<hbm>>
      tpu.enqueue_dma source(%dma_start3A_289 : memref<128x16xf32, #tpu.memory_space<hbm>>) target(%arg11 : memref<128x16xf32, #tpu.memory_space<vmem>>) target_semaphore(%run_scoped3A : memref<!tpu.dma_semaphore, #tpu.memory_space<semaphore_mem>>)
      %dma_wait3A_290 = arith.constant 0 : i32
      %dma_wait3A_291 = tpu.memref_slice %arg5[%add3A_83, %dma_wait3A_290] : memref<10240x16xf32, #tpu.memory_space<hbm>> -> memref<128x16xf32, #tpu.memory_space<hbm>>
      %dma_wait3A_292 = arith.constant 0 : i32
      %dma_wait3A_293 = tpu.memref_slice %arg5[%add3A_83, %dma_wait3A_292] : memref<10240x16xf32, #tpu.memory_space<hbm>> -> memref<128x16xf32, #tpu.memory_space<hbm>>
      tpu.wait_dma2 semaphore(%run_scoped3A : memref<!tpu.dma_semaphore, #tpu.memory_space<semaphore_mem>>) src(%dma_wait3A_293 : memref<128x16xf32, #tpu.memory_space<hbm>>) dst(%arg11 : memref<128x16xf32, #tpu.memory_space<vmem>>)
      tpu.yield
    }) : () -> ()
    %scan3A_84 = arith.constant 0 : i32
    %scan3A_85 = arith.constant 0 : i32
    %scan3A_86 = arith.constant 128 : i32
    %scan3A_87 = arith.addi %scan3A_85, %scan3A_86 : i32
    %scan3A_88 = arith.constant 1 : i32
    scf.for %scan3A_286 = %scan3A_85 to %scan3A_87 step %scan3A_88  : i32 {
      %get3A = arith.index_cast %scan3A_286 : i32 to index
      %get3A_287 = arith.constant 0 : index
      %get3A_288 = tpu.vector_load %arg11[%get3A, %get3A_287] {strides = array<i32>} : memref<128x16xf32, #tpu.memory_space<vmem>>, vector<1x16xf32>,
      %get3A_289 = vector.shape_cast %get3A_288 : vector<1x16xf32> to vector<16xf32>
      %get3A_290 = arith.index_cast %scan3A_286 : i32 to index
      %get3A_291 = arith.constant 0 : index
      %get3A_292 = tpu.vector_load %arg9[%get3A_290, %get3A_291] {strides = array<i32>} : memref<128x64xf32, #tpu.memory_space<vmem>>, vector<1x16xf32>,
      %get3A_293 = vector.shape_cast %get3A_292 : vector<1x16xf32> to vector<16xf32>
      %mul3A_294 = arith.mulf %get3A_293, %get3A_289 : vector<16xf32>
      %swap3A = arith.index_cast %scan3A_286 : i32 to index
      %swap3A_295 = arith.constant 0 : index
      %swap3A_296 = tpu.vector_load %arg9[%swap3A, %swap3A_295] {strides = array<i32>} : memref<128x64xf32, #tpu.memory_space<vmem>>, vector<1x16xf32>,
      %swap3A_297 = vector.shape_cast %swap3A_296 : vector<1x16xf32> to vector<16xf32>
      %swap3A_298 = vector.shape_cast %mul3A_294 : vector<16xf32> to vector<1x16xf32>
      tpu.vector_store %arg9[%swap3A, %swap3A_295], %swap3A_298 {strides = array<i32>} : memref<128x64xf32, #tpu.memory_space<vmem>>, vector<1x16xf32>,
      %get3A_299 = arith.index_cast %scan3A_286 : i32 to index
      %get3A_300 = arith.constant 16 : index
      %get3A_301 = tpu.vector_load %arg9[%get3A_299, %get3A_300] {strides = array<i32>} : memref<128x64xf32, #tpu.memory_space<vmem>>, vector<1x16xf32>,
      %get3A_302 = vector.shape_cast %get3A_301 : vector<1x16xf32> to vector<16xf32>
      %mul3A_303 = arith.mulf %get3A_302, %get3A_289 : vector<16xf32>
      %swap3A_304 = arith.index_cast %scan3A_286 : i32 to index
      %swap3A_305 = arith.constant 16 : index
      %swap3A_306 = tpu.vector_load %arg9[%swap3A_304, %swap3A_305] {strides = array<i32>} : memref<128x64xf32, #tpu.memory_space<vmem>>, vector<1x16xf32>,
      %swap3A_307 = vector.shape_cast %swap3A_306 : vector<1x16xf32> to vector<16xf32>
      %swap3A_308 = vector.shape_cast %mul3A_303 : vector<16xf32> to vector<1x16xf32>
      tpu.vector_store %arg9[%swap3A_304, %swap3A_305], %swap3A_308 {strides = array<i32>} : memref<128x64xf32, #tpu.memory_space<vmem>>, vector<1x16xf32>,
      %get3A_309 = arith.index_cast %scan3A_286 : i32 to index
      %get3A_310 = arith.constant 32 : index
      %get3A_311 = tpu.vector_load %arg9[%get3A_309, %get3A_310] {strides = array<i32>} : memref<128x64xf32, #tpu.memory_space<vmem>>, vector<1x16xf32>,
      %get3A_312 = vector.shape_cast %get3A_311 : vector<1x16xf32> to vector<16xf32>
      %mul3A_313 = arith.mulf %get3A_312, %get3A_289 : vector<16xf32>
      %swap3A_314 = arith.index_cast %scan3A_286 : i32 to index
      %swap3A_315 = arith.constant 32 : index
      %swap3A_316 = tpu.vector_load %arg9[%swap3A_314, %swap3A_315] {strides = array<i32>} : memref<128x64xf32, #tpu.memory_space<vmem>>, vector<1x16xf32>,
      %swap3A_317 = vector.shape_cast %swap3A_316 : vector<1x16xf32> to vector<16xf32>
      %swap3A_318 = vector.shape_cast %mul3A_313 : vector<16xf32> to vector<1x16xf32>
      tpu.vector_store %arg9[%swap3A_314, %swap3A_315], %swap3A_318 {strides = array<i32>} : memref<128x64xf32, #tpu.memory_space<vmem>>, vector<1x16xf32>,
      %get3A_319 = arith.index_cast %scan3A_286 : i32 to index
      %get3A_320 = arith.constant 48 : index
      %get3A_321 = tpu.vector_load %arg9[%get3A_319, %get3A_320] {strides = array<i32>} : memref<128x64xf32, #tpu.memory_space<vmem>>, vector<1x16xf32>,
      %get3A_322 = vector.shape_cast %get3A_321 : vector<1x16xf32> to vector<16xf32>
      %mul3A_323 = arith.mulf %get3A_322, %get3A_289 : vector<16xf32>
      %swap3A_324 = arith.index_cast %scan3A_286 : i32 to index
      %swap3A_325 = arith.constant 48 : index
      %swap3A_326 = tpu.vector_load %arg9[%swap3A_324, %swap3A_325] {strides = array<i32>} : memref<128x64xf32, #tpu.memory_space<vmem>>, vector<1x16xf32>,
      %swap3A_327 = vector.shape_cast %swap3A_326 : vector<1x16xf32> to vector<16xf32>
      %swap3A_328 = vector.shape_cast %mul3A_323 : vector<16xf32> to vector<1x16xf32>
      tpu.vector_store %arg9[%swap3A_324, %swap3A_325], %swap3A_328 {strides = array<i32>} : memref<128x64xf32, #tpu.memory_space<vmem>>, vector<1x16xf32>,
    }
    %scan3A_89 = arith.constant 128 : i32
    "tpu.region"() ({
      %run_scoped3A = tpu.sem_alloc : memref<!tpu.dma_semaphore, #tpu.memory_space<semaphore_mem>>
      %dma_start3A_286 = arith.constant 0 : i32
      %dma_start3A_287 = tpu.memref_slice %arg12[%add3A_83, %dma_start3A_286] : memref<10240x64xf32, #tpu.memory_space<vmem_shared>> -> memref<128x64xf32, #tpu.memory_space<vmem_shared>>
      %dma_start3A_288 = arith.constant 0 : i32
      %dma_start3A_289 = tpu.memref_slice %arg12[%add3A_83, %dma_start3A_288] : memref<10240x64xf32, #tpu.memory_space<vmem_shared>> -> memref<128x64xf32, #tpu.memory_space<vmem_shared>>
      tpu.enqueue_dma source(%arg9 : memref<128x64xf32, #tpu.memory_space<vmem>>) target(%dma_start3A_289 : memref<128x64xf32, #tpu.memory_space<vmem_shared>>) target_semaphore(%run_scoped3A : memref<!tpu.dma_semaphore, #tpu.memory_space<semaphore_mem>>)
      %dma_wait3A_290 = arith.constant 0 : i32
      %dma_wait3A_291 = tpu.memref_slice %arg12[%add3A_83, %dma_wait3A_290] : memref<10240x64xf32, #tpu.memory_space<vmem_shared>> -> memref<128x64xf32, #tpu.memory_space<vmem_shared>>
      %dma_wait3A_292 = arith.constant 0 : i32
      %dma_wait3A_293 = tpu.memref_slice %arg12[%add3A_83, %dma_wait3A_292] : memref<10240x64xf32, #tpu.memory_space<vmem_shared>> -> memref<128x64xf32, #tpu.memory_space<vmem_shared>>
      tpu.wait_dma2 semaphore(%run_scoped3A : memref<!tpu.dma_semaphore, #tpu.memory_space<semaphore_mem>>) src(%arg9 : memref<128x64xf32, #tpu.memory_space<vmem>>) dst(%dma_wait3A_293 : memref<128x64xf32, #tpu.memory_space<vmem_shared>>)
      tpu.yield
    }) : () -> ()
    "tpu.region"() ({
      %run_scoped3A = tpu.sem_alloc : memref<!tpu.dma_semaphore, #tpu.memory_space<semaphore_mem>>
      %dma_start3A_286 = arith.constant 0 : i32
      %dma_start3A_287 = tpu.memref_slice %arg13[%add3A_83, %dma_start3A_286] : memref<10240x64xf32, #tpu.memory_space<vmem_shared>> -> memref<128x64xf32, #tpu.memory_space<vmem_shared>>
      %dma_start3A_288 = arith.constant 0 : i32
      %dma_start3A_289 = tpu.memref_slice %arg13[%add3A_83, %dma_start3A_288] : memref<10240x64xf32, #tpu.memory_space<vmem_shared>> -> memref<128x64xf32, #tpu.memory_space<vmem_shared>>
      tpu.enqueue_dma source(%arg9 : memref<128x64xf32, #tpu.memory_space<vmem>>) target(%dma_start3A_289 : memref<128x64xf32, #tpu.memory_space<vmem_shared>>) target_semaphore(%run_scoped3A : memref<!tpu.dma_semaphore, #tpu.memory_space<semaphore_mem>>)
      %dma_wait3A_290 = arith.constant 0 : i32
      %dma_wait3A_291 = tpu.memref_slice %arg13[%add3A_83, %dma_wait3A_290] : memref<10240x64xf32, #tpu.memory_space<vmem_shared>> -> memref<128x64xf32, #tpu.memory_space<vmem_shared>>
      %dma_wait3A_292 = arith.constant 0 : i32
      %dma_wait3A_293 = tpu.memref_slice %arg13[%add3A_83, %dma_wait3A_292] : memref<10240x64xf32, #tpu.memory_space<vmem_shared>> -> memref<128x64xf32, #tpu.memory_space<vmem_shared>>
      tpu.wait_dma2 semaphore(%run_scoped3A : memref<!tpu.dma_semaphore, #tpu.memory_space<semaphore_mem>>) src(%arg9 : memref<128x64xf32, #tpu.memory_space<vmem>>) dst(%dma_wait3A_293 : memref<128x64xf32, #tpu.memory_space<vmem_shared>>)
      tpu.yield
    }) : () -> ()
    %add3A_90 = arith.constant 384 : i32
    %add3A_91 = arith.addi %mul3A_0, %add3A_90 : i32
    "tpu.region"() ({
      %run_scoped3A = tpu.sem_alloc : memref<!tpu.dma_semaphore, #tpu.memory_space<semaphore_mem>>
      %dma_start3A_286 = arith.constant 0 : i32
      %dma_start3A_287 = tpu.memref_slice %arg13[%add3A_91, %dma_start3A_286] : memref<10240x64xf32, #tpu.memory_space<vmem_shared>> -> memref<128x64xf32, #tpu.memory_space<vmem_shared>>
      %dma_start3A_288 = arith.constant 0 : i32
      %dma_start3A_289 = tpu.memref_slice %arg13[%add3A_91, %dma_start3A_288] : memref<10240x64xf32, #tpu.memory_space<vmem_shared>> -> memref<128x64xf32, #tpu.memory_space<vmem_shared>>
      tpu.enqueue_dma source(%dma_start3A_289 : memref<128x64xf32, #tpu.memory_space<vmem_shared>>) target(%arg9 : memref<128x64xf32, #tpu.memory_space<vmem>>) target_semaphore(%run_scoped3A : memref<!tpu.dma_semaphore, #tpu.memory_space<semaphore_mem>>)
      %dma_wait3A_290 = arith.constant 0 : i32
      %dma_wait3A_291 = tpu.memref_slice %arg13[%add3A_91, %dma_wait3A_290] : memref<10240x64xf32, #tpu.memory_space<vmem_shared>> -> memref<128x64xf32, #tpu.memory_space<vmem_shared>>
      %dma_wait3A_292 = arith.constant 0 : i32
      %dma_wait3A_293 = tpu.memref_slice %arg13[%add3A_91, %dma_wait3A_292] : memref<10240x64xf32, #tpu.memory_space<vmem_shared>> -> memref<128x64xf32, #tpu.memory_space<vmem_shared>>
      tpu.wait_dma2 semaphore(%run_scoped3A : memref<!tpu.dma_semaphore, #tpu.memory_space<semaphore_mem>>) src(%dma_wait3A_293 : memref<128x64xf32, #tpu.memory_space<vmem_shared>>) dst(%arg9 : memref<128x64xf32, #tpu.memory_space<vmem>>)
      tpu.yield
    }) : () -> ()
    "tpu.region"() ({
      %run_scoped3A = tpu.sem_alloc : memref<!tpu.dma_semaphore, #tpu.memory_space<semaphore_mem>>
      %dma_start3A_286 = arith.constant 0 : i32
      %dma_start3A_287 = tpu.memref_slice %arg5[%add3A_91, %dma_start3A_286] : memref<10240x16xf32, #tpu.memory_space<hbm>> -> memref<128x16xf32, #tpu.memory_space<hbm>>
      %dma_start3A_288 = arith.constant 0 : i32
      %dma_start3A_289 = tpu.memref_slice %arg5[%add3A_91, %dma_start3A_288] : memref<10240x16xf32, #tpu.memory_space<hbm>> -> memref<128x16xf32, #tpu.memory_space<hbm>>
      tpu.enqueue_dma source(%dma_start3A_289 : memref<128x16xf32, #tpu.memory_space<hbm>>) target(%arg11 : memref<128x16xf32, #tpu.memory_space<vmem>>) target_semaphore(%run_scoped3A : memref<!tpu.dma_semaphore, #tpu.memory_space<semaphore_mem>>)
      %dma_wait3A_290 = arith.constant 0 : i32
      %dma_wait3A_291 = tpu.memref_slice %arg5[%add3A_91, %dma_wait3A_290] : memref<10240x16xf32, #tpu.memory_space<hbm>> -> memref<128x16xf32, #tpu.memory_space<hbm>>
      %dma_wait3A_292 = arith.constant 0 : i32
      %dma_wait3A_293 = tpu.memref_slice %arg5[%add3A_91, %dma_wait3A_292] : memref<10240x16xf32, #tpu.memory_space<hbm>> -> memref<128x16xf32, #tpu.memory_space<hbm>>
      tpu.wait_dma2 semaphore(%run_scoped3A : memref<!tpu.dma_semaphore, #tpu.memory_space<semaphore_mem>>) src(%dma_wait3A_293 : memref<128x16xf32, #tpu.memory_space<hbm>>) dst(%arg11 : memref<128x16xf32, #tpu.memory_space<vmem>>)
      tpu.yield
    }) : () -> ()
    %scan3A_92 = arith.constant 0 : i32
    %scan3A_93 = arith.constant 0 : i32
    %scan3A_94 = arith.constant 128 : i32
    %scan3A_95 = arith.addi %scan3A_93, %scan3A_94 : i32
    %scan3A_96 = arith.constant 1 : i32
    scf.for %scan3A_286 = %scan3A_93 to %scan3A_95 step %scan3A_96  : i32 {
      %get3A = arith.index_cast %scan3A_286 : i32 to index
      %get3A_287 = arith.constant 0 : index
      %get3A_288 = tpu.vector_load %arg11[%get3A, %get3A_287] {strides = array<i32>} : memref<128x16xf32, #tpu.memory_space<vmem>>, vector<1x16xf32>,
      %get3A_289 = vector.shape_cast %get3A_288 : vector<1x16xf32> to vector<16xf32>
      %get3A_290 = arith.index_cast %scan3A_286 : i32 to index
      %get3A_291 = arith.constant 0 : index
      %get3A_292 = tpu.vector_load %arg9[%get3A_290, %get3A_291] {strides = array<i32>} : memref<128x64xf32, #tpu.memory_space<vmem>>, vector<1x16xf32>,
      %get3A_293 = vector.shape_cast %get3A_292 : vector<1x16xf32> to vector<16xf32>
      %mul3A_294 = arith.mulf %get3A_293, %get3A_289 : vector<16xf32>
      %swap3A = arith.index_cast %scan3A_286 : i32 to index
      %swap3A_295 = arith.constant 0 : index
      %swap3A_296 = tpu.vector_load %arg9[%swap3A, %swap3A_295] {strides = array<i32>} : memref<128x64xf32, #tpu.memory_space<vmem>>, vector<1x16xf32>,
      %swap3A_297 = vector.shape_cast %swap3A_296 : vector<1x16xf32> to vector<16xf32>
      %swap3A_298 = vector.shape_cast %mul3A_294 : vector<16xf32> to vector<1x16xf32>
      tpu.vector_store %arg9[%swap3A, %swap3A_295], %swap3A_298 {strides = array<i32>} : memref<128x64xf32, #tpu.memory_space<vmem>>, vector<1x16xf32>,
      %get3A_299 = arith.index_cast %scan3A_286 : i32 to index
      %get3A_300 = arith.constant 16 : index
      %get3A_301 = tpu.vector_load %arg9[%get3A_299, %get3A_300] {strides = array<i32>} : memref<128x64xf32, #tpu.memory_space<vmem>>, vector<1x16xf32>,
      %get3A_302 = vector.shape_cast %get3A_301 : vector<1x16xf32> to vector<16xf32>
      %mul3A_303 = arith.mulf %get3A_302, %get3A_289 : vector<16xf32>
      %swap3A_304 = arith.index_cast %scan3A_286 : i32 to index
      %swap3A_305 = arith.constant 16 : index
      %swap3A_306 = tpu.vector_load %arg9[%swap3A_304, %swap3A_305] {strides = array<i32>} : memref<128x64xf32, #tpu.memory_space<vmem>>, vector<1x16xf32>,
      %swap3A_307 = vector.shape_cast %swap3A_306 : vector<1x16xf32> to vector<16xf32>
      %swap3A_308 = vector.shape_cast %mul3A_303 : vector<16xf32> to vector<1x16xf32>
      tpu.vector_store %arg9[%swap3A_304, %swap3A_305], %swap3A_308 {strides = array<i32>} : memref<128x64xf32, #tpu.memory_space<vmem>>, vector<1x16xf32>,
      %get3A_309 = arith.index_cast %scan3A_286 : i32 to index
      %get3A_310 = arith.constant 32 : index
      %get3A_311 = tpu.vector_load %arg9[%get3A_309, %get3A_310] {strides = array<i32>} : memref<128x64xf32, #tpu.memory_space<vmem>>, vector<1x16xf32>,
      %get3A_312 = vector.shape_cast %get3A_311 : vector<1x16xf32> to vector<16xf32>
      %mul3A_313 = arith.mulf %get3A_312, %get3A_289 : vector<16xf32>
      %swap3A_314 = arith.index_cast %scan3A_286 : i32 to index
      %swap3A_315 = arith.constant 32 : index
      %swap3A_316 = tpu.vector_load %arg9[%swap3A_314, %swap3A_315] {strides = array<i32>} : memref<128x64xf32, #tpu.memory_space<vmem>>, vector<1x16xf32>,
      %swap3A_317 = vector.shape_cast %swap3A_316 : vector<1x16xf32> to vector<16xf32>
      %swap3A_318 = vector.shape_cast %mul3A_313 : vector<16xf32> to vector<1x16xf32>
      tpu.vector_store %arg9[%swap3A_314, %swap3A_315], %swap3A_318 {strides = array<i32>} : memref<128x64xf32, #tpu.memory_space<vmem>>, vector<1x16xf32>,
      %get3A_319 = arith.index_cast %scan3A_286 : i32 to index
      %get3A_320 = arith.constant 48 : index
      %get3A_321 = tpu.vector_load %arg9[%get3A_319, %get3A_320] {strides = array<i32>} : memref<128x64xf32, #tpu.memory_space<vmem>>, vector<1x16xf32>,
      %get3A_322 = vector.shape_cast %get3A_321 : vector<1x16xf32> to vector<16xf32>
      %mul3A_323 = arith.mulf %get3A_322, %get3A_289 : vector<16xf32>
      %swap3A_324 = arith.index_cast %scan3A_286 : i32 to index
      %swap3A_325 = arith.constant 48 : index
      %swap3A_326 = tpu.vector_load %arg9[%swap3A_324, %swap3A_325] {strides = array<i32>} : memref<128x64xf32, #tpu.memory_space<vmem>>, vector<1x16xf32>,
      %swap3A_327 = vector.shape_cast %swap3A_326 : vector<1x16xf32> to vector<16xf32>
      %swap3A_328 = vector.shape_cast %mul3A_323 : vector<16xf32> to vector<1x16xf32>
      tpu.vector_store %arg9[%swap3A_324, %swap3A_325], %swap3A_328 {strides = array<i32>} : memref<128x64xf32, #tpu.memory_space<vmem>>, vector<1x16xf32>,
    }
    %scan3A_97 = arith.constant 128 : i32
    "tpu.region"() ({
      %run_scoped3A = tpu.sem_alloc : memref<!tpu.dma_semaphore, #tpu.memory_space<semaphore_mem>>
      %dma_start3A_286 = arith.constant 0 : i32
      %dma_start3A_287 = tpu.memref_slice %arg12[%add3A_91, %dma_start3A_286] : memref<10240x64xf32, #tpu.memory_space<vmem_shared>> -> memref<128x64xf32, #tpu.memory_space<vmem_shared>>
      %dma_start3A_288 = arith.constant 0 : i32
      %dma_start3A_289 = tpu.memref_slice %arg12[%add3A_91, %dma_start3A_288] : memref<10240x64xf32, #tpu.memory_space<vmem_shared>> -> memref<128x64xf32, #tpu.memory_space<vmem_shared>>
      tpu.enqueue_dma source(%arg9 : memref<128x64xf32, #tpu.memory_space<vmem>>) target(%dma_start3A_289 : memref<128x64xf32, #tpu.memory_space<vmem_shared>>) target_semaphore(%run_scoped3A : memref<!tpu.dma_semaphore, #tpu.memory_space<semaphore_mem>>)
      %dma_wait3A_290 = arith.constant 0 : i32
      %dma_wait3A_291 = tpu.memref_slice %arg12[%add3A_91, %dma_wait3A_290] : memref<10240x64xf32, #tpu.memory_space<vmem_shared>> -> memref<128x64xf32, #tpu.memory_space<vmem_shared>>
      %dma_wait3A_292 = arith.constant 0 : i32
      %dma_wait3A_293 = tpu.memref_slice %arg12[%add3A_91, %dma_wait3A_292] : memref<10240x64xf32, #tpu.memory_space<vmem_shared>> -> memref<128x64xf32, #tpu.memory_space<vmem_shared>>
      tpu.wait_dma2 semaphore(%run_scoped3A : memref<!tpu.dma_semaphore, #tpu.memory_space<semaphore_mem>>) src(%arg9 : memref<128x64xf32, #tpu.memory_space<vmem>>) dst(%dma_wait3A_293 : memref<128x64xf32, #tpu.memory_space<vmem_shared>>)
      tpu.yield
    }) : () -> ()
    "tpu.region"() ({
      %run_scoped3A = tpu.sem_alloc : memref<!tpu.dma_semaphore, #tpu.memory_space<semaphore_mem>>
      %dma_start3A_286 = arith.constant 0 : i32
      %dma_start3A_287 = tpu.memref_slice %arg13[%add3A_91, %dma_start3A_286] : memref<10240x64xf32, #tpu.memory_space<vmem_shared>> -> memref<128x64xf32, #tpu.memory_space<vmem_shared>>
      %dma_start3A_288 = arith.constant 0 : i32
      %dma_start3A_289 = tpu.memref_slice %arg13[%add3A_91, %dma_start3A_288] : memref<10240x64xf32, #tpu.memory_space<vmem_shared>> -> memref<128x64xf32, #tpu.memory_space<vmem_shared>>
      tpu.enqueue_dma source(%arg9 : memref<128x64xf32, #tpu.memory_space<vmem>>) target(%dma_start3A_289 : memref<128x64xf32, #tpu.memory_space<vmem_shared>>) target_semaphore(%run_scoped3A : memref<!tpu.dma_semaphore, #tpu.memory_space<semaphore_mem>>)
      %dma_wait3A_290 = arith.constant 0 : i32
      %dma_wait3A_291 = tpu.memref_slice %arg13[%add3A_91, %dma_wait3A_290] : memref<10240x64xf32, #tpu.memory_space<vmem_shared>> -> memref<128x64xf32, #tpu.memory_space<vmem_shared>>
      %dma_wait3A_292 = arith.constant 0 : i32
      %dma_wait3A_293 = tpu.memref_slice %arg13[%add3A_91, %dma_wait3A_292] : memref<10240x64xf32, #tpu.memory_space<vmem_shared>> -> memref<128x64xf32, #tpu.memory_space<vmem_shared>>
      tpu.wait_dma2 semaphore(%run_scoped3A : memref<!tpu.dma_semaphore, #tpu.memory_space<semaphore_mem>>) src(%arg9 : memref<128x64xf32, #tpu.memory_space<vmem>>) dst(%dma_wait3A_293 : memref<128x64xf32, #tpu.memory_space<vmem_shared>>)
      tpu.yield
    }) : () -> ()
    %add3A_98 = arith.constant 512 : i32
    %add3A_99 = arith.addi %mul3A_0, %add3A_98 : i32
    "tpu.region"() ({
      %run_scoped3A = tpu.sem_alloc : memref<!tpu.dma_semaphore, #tpu.memory_space<semaphore_mem>>
      %dma_start3A_286 = arith.constant 0 : i32
      %dma_start3A_287 = tpu.memref_slice %arg13[%add3A_99, %dma_start3A_286] : memref<10240x64xf32, #tpu.memory_space<vmem_shared>> -> memref<128x64xf32, #tpu.memory_space<vmem_shared>>
      %dma_start3A_288 = arith.constant 0 : i32
      %dma_start3A_289 = tpu.memref_slice %arg13[%add3A_99, %dma_start3A_288] : memref<10240x64xf32, #tpu.memory_space<vmem_shared>> -> memref<128x64xf32, #tpu.memory_space<vmem_shared>>
      tpu.enqueue_dma source(%dma_start3A_289 : memref<128x64xf32, #tpu.memory_space<vmem_shared>>) target(%arg9 : memref<128x64xf32, #tpu.memory_space<vmem>>) target_semaphore(%run_scoped3A : memref<!tpu.dma_semaphore, #tpu.memory_space<semaphore_mem>>)
      %dma_wait3A_290 = arith.constant 0 : i32
      %dma_wait3A_291 = tpu.memref_slice %arg13[%add3A_99, %dma_wait3A_290] : memref<10240x64xf32, #tpu.memory_space<vmem_shared>> -> memref<128x64xf32, #tpu.memory_space<vmem_shared>>
      %dma_wait3A_292 = arith.constant 0 : i32
      %dma_wait3A_293 = tpu.memref_slice %arg13[%add3A_99, %dma_wait3A_292] : memref<10240x64xf32, #tpu.memory_space<vmem_shared>> -> memref<128x64xf32, #tpu.memory_space<vmem_shared>>
      tpu.wait_dma2 semaphore(%run_scoped3A : memref<!tpu.dma_semaphore, #tpu.memory_space<semaphore_mem>>) src(%dma_wait3A_293 : memref<128x64xf32, #tpu.memory_space<vmem_shared>>) dst(%arg9 : memref<128x64xf32, #tpu.memory_space<vmem>>)
      tpu.yield
    }) : () -> ()
    "tpu.region"() ({
      %run_scoped3A = tpu.sem_alloc : memref<!tpu.dma_semaphore, #tpu.memory_space<semaphore_mem>>
      %dma_start3A_286 = arith.constant 0 : i32
      %dma_start3A_287 = tpu.memref_slice %arg5[%add3A_99, %dma_start3A_286] : memref<10240x16xf32, #tpu.memory_space<hbm>> -> memref<128x16xf32, #tpu.memory_space<hbm>>
      %dma_start3A_288 = arith.constant 0 : i32
      %dma_start3A_289 = tpu.memref_slice %arg5[%add3A_99, %dma_start3A_288] : memref<10240x16xf32, #tpu.memory_space<hbm>> -> memref<128x16xf32, #tpu.memory_space<hbm>>
      tpu.enqueue_dma source(%dma_start3A_289 : memref<128x16xf32, #tpu.memory_space<hbm>>) target(%arg11 : memref<128x16xf32, #tpu.memory_space<vmem>>) target_semaphore(%run_scoped3A : memref<!tpu.dma_semaphore, #tpu.memory_space<semaphore_mem>>)
      %dma_wait3A_290 = arith.constant 0 : i32
      %dma_wait3A_291 = tpu.memref_slice %arg5[%add3A_99, %dma_wait3A_290] : memref<10240x16xf32, #tpu.memory_space<hbm>> -> memref<128x16xf32, #tpu.memory_space<hbm>>
      %dma_wait3A_292 = arith.constant 0 : i32
      %dma_wait3A_293 = tpu.memref_slice %arg5[%add3A_99, %dma_wait3A_292] : memref<10240x16xf32, #tpu.memory_space<hbm>> -> memref<128x16xf32, #tpu.memory_space<hbm>>
      tpu.wait_dma2 semaphore(%run_scoped3A : memref<!tpu.dma_semaphore, #tpu.memory_space<semaphore_mem>>) src(%dma_wait3A_293 : memref<128x16xf32, #tpu.memory_space<hbm>>) dst(%arg11 : memref<128x16xf32, #tpu.memory_space<vmem>>)
      tpu.yield
    }) : () -> ()
    %scan3A_100 = arith.constant 0 : i32
    %scan3A_101 = arith.constant 0 : i32
    %scan3A_102 = arith.constant 128 : i32
    %scan3A_103 = arith.addi %scan3A_101, %scan3A_102 : i32
    %scan3A_104 = arith.constant 1 : i32
    scf.for %scan3A_286 = %scan3A_101 to %scan3A_103 step %scan3A_104  : i32 {
      %get3A = arith.index_cast %scan3A_286 : i32 to index
      %get3A_287 = arith.constant 0 : index
      %get3A_288 = tpu.vector_load %arg11[%get3A, %get3A_287] {strides = array<i32>} : memref<128x16xf32, #tpu.memory_space<vmem>>, vector<1x16xf32>,
      %get3A_289 = vector.shape_cast %get3A_288 : vector<1x16xf32> to vector<16xf32>
      %get3A_290 = arith.index_cast %scan3A_286 : i32 to index
      %get3A_291 = arith.constant 0 : index
      %get3A_292 = tpu.vector_load %arg9[%get3A_290, %get3A_291] {strides = array<i32>} : memref<128x64xf32, #tpu.memory_space<vmem>>, vector<1x16xf32>,
      %get3A_293 = vector.shape_cast %get3A_292 : vector<1x16xf32> to vector<16xf32>
      %mul3A_294 = arith.mulf %get3A_293, %get3A_289 : vector<16xf32>
      %swap3A = arith.index_cast %scan3A_286 : i32 to index
      %swap3A_295 = arith.constant 0 : index
      %swap3A_296 = tpu.vector_load %arg9[%swap3A, %swap3A_295] {strides = array<i32>} : memref<128x64xf32, #tpu.memory_space<vmem>>, vector<1x16xf32>,
      %swap3A_297 = vector.shape_cast %swap3A_296 : vector<1x16xf32> to vector<16xf32>
      %swap3A_298 = vector.shape_cast %mul3A_294 : vector<16xf32> to vector<1x16xf32>
      tpu.vector_store %arg9[%swap3A, %swap3A_295], %swap3A_298 {strides = array<i32>} : memref<128x64xf32, #tpu.memory_space<vmem>>, vector<1x16xf32>,
      %get3A_299 = arith.index_cast %scan3A_286 : i32 to index
      %get3A_300 = arith.constant 16 : index
      %get3A_301 = tpu.vector_load %arg9[%get3A_299, %get3A_300] {strides = array<i32>} : memref<128x64xf32, #tpu.memory_space<vmem>>, vector<1x16xf32>,
      %get3A_302 = vector.shape_cast %get3A_301 : vector<1x16xf32> to vector<16xf32>
      %mul3A_303 = arith.mulf %get3A_302, %get3A_289 : vector<16xf32>
      %swap3A_304 = arith.index_cast %scan3A_286 : i32 to index
      %swap3A_305 = arith.constant 16 : index
      %swap3A_306 = tpu.vector_load %arg9[%swap3A_304, %swap3A_305] {strides = array<i32>} : memref<128x64xf32, #tpu.memory_space<vmem>>, vector<1x16xf32>,
      %swap3A_307 = vector.shape_cast %swap3A_306 : vector<1x16xf32> to vector<16xf32>
      %swap3A_308 = vector.shape_cast %mul3A_303 : vector<16xf32> to vector<1x16xf32>
      tpu.vector_store %arg9[%swap3A_304, %swap3A_305], %swap3A_308 {strides = array<i32>} : memref<128x64xf32, #tpu.memory_space<vmem>>, vector<1x16xf32>,
      %get3A_309 = arith.index_cast %scan3A_286 : i32 to index
      %get3A_310 = arith.constant 32 : index
      %get3A_311 = tpu.vector_load %arg9[%get3A_309, %get3A_310] {strides = array<i32>} : memref<128x64xf32, #tpu.memory_space<vmem>>, vector<1x16xf32>,
      %get3A_312 = vector.shape_cast %get3A_311 : vector<1x16xf32> to vector<16xf32>
      %mul3A_313 = arith.mulf %get3A_312, %get3A_289 : vector<16xf32>
      %swap3A_314 = arith.index_cast %scan3A_286 : i32 to index
      %swap3A_315 = arith.constant 32 : index
      %swap3A_316 = tpu.vector_load %arg9[%swap3A_314, %swap3A_315] {strides = array<i32>} : memref<128x64xf32, #tpu.memory_space<vmem>>, vector<1x16xf32>,
      %swap3A_317 = vector.shape_cast %swap3A_316 : vector<1x16xf32> to vector<16xf32>
      %swap3A_318 = vector.shape_cast %mul3A_313 : vector<16xf32> to vector<1x16xf32>
      tpu.vector_store %arg9[%swap3A_314, %swap3A_315], %swap3A_318 {strides = array<i32>} : memref<128x64xf32, #tpu.memory_space<vmem>>, vector<1x16xf32>,
      %get3A_319 = arith.index_cast %scan3A_286 : i32 to index
      %get3A_320 = arith.constant 48 : index
      %get3A_321 = tpu.vector_load %arg9[%get3A_319, %get3A_320] {strides = array<i32>} : memref<128x64xf32, #tpu.memory_space<vmem>>, vector<1x16xf32>,
      %get3A_322 = vector.shape_cast %get3A_321 : vector<1x16xf32> to vector<16xf32>
      %mul3A_323 = arith.mulf %get3A_322, %get3A_289 : vector<16xf32>
      %swap3A_324 = arith.index_cast %scan3A_286 : i32 to index
      %swap3A_325 = arith.constant 48 : index
      %swap3A_326 = tpu.vector_load %arg9[%swap3A_324, %swap3A_325] {strides = array<i32>} : memref<128x64xf32, #tpu.memory_space<vmem>>, vector<1x16xf32>,
      %swap3A_327 = vector.shape_cast %swap3A_326 : vector<1x16xf32> to vector<16xf32>
      %swap3A_328 = vector.shape_cast %mul3A_323 : vector<16xf32> to vector<1x16xf32>
      tpu.vector_store %arg9[%swap3A_324, %swap3A_325], %swap3A_328 {strides = array<i32>} : memref<128x64xf32, #tpu.memory_space<vmem>>, vector<1x16xf32>,
    }
    %scan3A_105 = arith.constant 128 : i32
    "tpu.region"() ({
      %run_scoped3A = tpu.sem_alloc : memref<!tpu.dma_semaphore, #tpu.memory_space<semaphore_mem>>
      %dma_start3A_286 = arith.constant 0 : i32
      %dma_start3A_287 = tpu.memref_slice %arg12[%add3A_99, %dma_start3A_286] : memref<10240x64xf32, #tpu.memory_space<vmem_shared>> -> memref<128x64xf32, #tpu.memory_space<vmem_shared>>
      %dma_start3A_288 = arith.constant 0 : i32
      %dma_start3A_289 = tpu.memref_slice %arg12[%add3A_99, %dma_start3A_288] : memref<10240x64xf32, #tpu.memory_space<vmem_shared>> -> memref<128x64xf32, #tpu.memory_space<vmem_shared>>
      tpu.enqueue_dma source(%arg9 : memref<128x64xf32, #tpu.memory_space<vmem>>) target(%dma_start3A_289 : memref<128x64xf32, #tpu.memory_space<vmem_shared>>) target_semaphore(%run_scoped3A : memref<!tpu.dma_semaphore, #tpu.memory_space<semaphore_mem>>)
      %dma_wait3A_290 = arith.constant 0 : i32
      %dma_wait3A_291 = tpu.memref_slice %arg12[%add3A_99, %dma_wait3A_290] : memref<10240x64xf32, #tpu.memory_space<vmem_shared>> -> memref<128x64xf32, #tpu.memory_space<vmem_shared>>
      %dma_wait3A_292 = arith.constant 0 : i32
      %dma_wait3A_293 = tpu.memref_slice %arg12[%add3A_99, %dma_wait3A_292] : memref<10240x64xf32, #tpu.memory_space<vmem_shared>> -> memref<128x64xf32, #tpu.memory_space<vmem_shared>>
      tpu.wait_dma2 semaphore(%run_scoped3A : memref<!tpu.dma_semaphore, #tpu.memory_space<semaphore_mem>>) src(%arg9 : memref<128x64xf32, #tpu.memory_space<vmem>>) dst(%dma_wait3A_293 : memref<128x64xf32, #tpu.memory_space<vmem_shared>>)
      tpu.yield
    }) : () -> ()
    "tpu.region"() ({
      %run_scoped3A = tpu.sem_alloc : memref<!tpu.dma_semaphore, #tpu.memory_space<semaphore_mem>>
      %dma_start3A_286 = arith.constant 0 : i32
      %dma_start3A_287 = tpu.memref_slice %arg13[%add3A_99, %dma_start3A_286] : memref<10240x64xf32, #tpu.memory_space<vmem_shared>> -> memref<128x64xf32, #tpu.memory_space<vmem_shared>>
      %dma_start3A_288 = arith.constant 0 : i32
      %dma_start3A_289 = tpu.memref_slice %arg13[%add3A_99, %dma_start3A_288] : memref<10240x64xf32, #tpu.memory_space<vmem_shared>> -> memref<128x64xf32, #tpu.memory_space<vmem_shared>>
      tpu.enqueue_dma source(%arg9 : memref<128x64xf32, #tpu.memory_space<vmem>>) target(%dma_start3A_289 : memref<128x64xf32, #tpu.memory_space<vmem_shared>>) target_semaphore(%run_scoped3A : memref<!tpu.dma_semaphore, #tpu.memory_space<semaphore_mem>>)
      %dma_wait3A_290 = arith.constant 0 : i32
      %dma_wait3A_291 = tpu.memref_slice %arg13[%add3A_99, %dma_wait3A_290] : memref<10240x64xf32, #tpu.memory_space<vmem_shared>> -> memref<128x64xf32, #tpu.memory_space<vmem_shared>>
      %dma_wait3A_292 = arith.constant 0 : i32
      %dma_wait3A_293 = tpu.memref_slice %arg13[%add3A_99, %dma_wait3A_292] : memref<10240x64xf32, #tpu.memory_space<vmem_shared>> -> memref<128x64xf32, #tpu.memory_space<vmem_shared>>
      tpu.wait_dma2 semaphore(%run_scoped3A : memref<!tpu.dma_semaphore, #tpu.memory_space<semaphore_mem>>) src(%arg9 : memref<128x64xf32, #tpu.memory_space<vmem>>) dst(%dma_wait3A_293 : memref<128x64xf32, #tpu.memory_space<vmem_shared>>)
      tpu.yield
    }) : () -> ()
    %barrier3A_106 = arith.constant 0 : index
    tpu.barrier barrier_id(%barrier3A_106)
    "tpu.region"() ({
      %run_scoped3A = tpu.sem_alloc : memref<!tpu.dma_semaphore, #tpu.memory_space<semaphore_mem>>
      %dma_start3A_286 = arith.constant 0 : i32
      %dma_start3A_287 = arith.constant 0 : i32
      %dma_start3A_288 = tpu.memref_slice %arg3[%arg1, %dma_start3A_286, %dma_start3A_287] : memref<16x162x128xi32, #tpu.memory_space<hbm>> -> memref<1x82x128xi32, #tpu.memory_space<hbm>>
      %dma_start3A_289 = tpu.memref_squeeze %dma_start3A_288 : memref<1x82x128xi32, #tpu.memory_space<hbm>> -> memref<82x128xi32, #tpu.memory_space<hbm>>
      %dma_start3A_290 = arith.constant 0 : i32
      %dma_start3A_291 = arith.constant 0 : i32
      %dma_start3A_292 = tpu.memref_slice %arg3[%arg1, %dma_start3A_290, %dma_start3A_291] : memref<16x162x128xi32, #tpu.memory_space<hbm>> -> memref<1x82x128xi32, #tpu.memory_space<hbm>>
      %dma_start3A_293 = tpu.memref_squeeze %dma_start3A_292 : memref<1x82x128xi32, #tpu.memory_space<hbm>> -> memref<82x128xi32, #tpu.memory_space<hbm>>
      tpu.enqueue_dma source(%dma_start3A_293 : memref<82x128xi32, #tpu.memory_space<hbm>>) target(%arg7 : memref<82x128xi32, #tpu.memory_space<vmem>>) target_semaphore(%run_scoped3A : memref<!tpu.dma_semaphore, #tpu.memory_space<semaphore_mem>>)
      %dma_wait3A_294 = arith.constant 0 : i32
      %dma_wait3A_295 = arith.constant 0 : i32
      %dma_wait3A_296 = tpu.memref_slice %arg3[%arg1, %dma_wait3A_294, %dma_wait3A_295] : memref<16x162x128xi32, #tpu.memory_space<hbm>> -> memref<1x82x128xi32, #tpu.memory_space<hbm>>
      %dma_wait3A_297 = tpu.memref_squeeze %dma_wait3A_296 : memref<1x82x128xi32, #tpu.memory_space<hbm>> -> memref<82x128xi32, #tpu.memory_space<hbm>>
      %dma_wait3A_298 = arith.constant 0 : i32
      %dma_wait3A_299 = arith.constant 0 : i32
      %dma_wait3A_300 = tpu.memref_slice %arg3[%arg1, %dma_wait3A_298, %dma_wait3A_299] : memref<16x162x128xi32, #tpu.memory_space<hbm>> -> memref<1x82x128xi32, #tpu.memory_space<hbm>>
      %dma_wait3A_301 = tpu.memref_squeeze %dma_wait3A_300 : memref<1x82x128xi32, #tpu.memory_space<hbm>> -> memref<82x128xi32, #tpu.memory_space<hbm>>
      tpu.wait_dma2 semaphore(%run_scoped3A : memref<!tpu.dma_semaphore, #tpu.memory_space<semaphore_mem>>) src(%dma_wait3A_301 : memref<82x128xi32, #tpu.memory_space<hbm>>) dst(%arg7 : memref<82x128xi32, #tpu.memory_space<vmem>>)
      tpu.yield
    }) : () -> ()
    "tpu.region"() ({
      %run_scoped3A = tpu.sem_alloc : memref<!tpu.dma_semaphore, #tpu.memory_space<semaphore_mem>>
      %dma_start3A_286 = arith.constant 0 : i32
      %dma_start3A_287 = arith.constant 0 : i32
      %dma_start3A_288 = tpu.memref_slice %arg4[%arg1, %dma_start3A_286, %dma_start3A_287] : memref<16x160x128xi32, #tpu.memory_space<hbm>> -> memref<1x80x128xi32, #tpu.memory_space<hbm>>
      %dma_start3A_289 = tpu.memref_squeeze %dma_start3A_288 : memref<1x80x128xi32, #tpu.memory_space<hbm>> -> memref<80x128xi32, #tpu.memory_space<hbm>>
      %dma_start3A_290 = arith.constant 0 : i32
      %dma_start3A_291 = arith.constant 0 : i32
      %dma_start3A_292 = tpu.memref_slice %arg4[%arg1, %dma_start3A_290, %dma_start3A_291] : memref<16x160x128xi32, #tpu.memory_space<hbm>> -> memref<1x80x128xi32, #tpu.memory_space<hbm>>
      %dma_start3A_293 = tpu.memref_squeeze %dma_start3A_292 : memref<1x80x128xi32, #tpu.memory_space<hbm>> -> memref<80x128xi32, #tpu.memory_space<hbm>>
      tpu.enqueue_dma source(%dma_start3A_293 : memref<80x128xi32, #tpu.memory_space<hbm>>) target(%arg8 : memref<80x128xi32, #tpu.memory_space<vmem>>) target_semaphore(%run_scoped3A : memref<!tpu.dma_semaphore, #tpu.memory_space<semaphore_mem>>)
      %dma_wait3A_294 = arith.constant 0 : i32
      %dma_wait3A_295 = arith.constant 0 : i32
      %dma_wait3A_296 = tpu.memref_slice %arg4[%arg1, %dma_wait3A_294, %dma_wait3A_295] : memref<16x160x128xi32, #tpu.memory_space<hbm>> -> memref<1x80x128xi32, #tpu.memory_space<hbm>>
      %dma_wait3A_297 = tpu.memref_squeeze %dma_wait3A_296 : memref<1x80x128xi32, #tpu.memory_space<hbm>> -> memref<80x128xi32, #tpu.memory_space<hbm>>
      %dma_wait3A_298 = arith.constant 0 : i32
      %dma_wait3A_299 = arith.constant 0 : i32
      %dma_wait3A_300 = tpu.memref_slice %arg4[%arg1, %dma_wait3A_298, %dma_wait3A_299] : memref<16x160x128xi32, #tpu.memory_space<hbm>> -> memref<1x80x128xi32, #tpu.memory_space<hbm>>
      %dma_wait3A_301 = tpu.memref_squeeze %dma_wait3A_300 : memref<1x80x128xi32, #tpu.memory_space<hbm>> -> memref<80x128xi32, #tpu.memory_space<hbm>>
      tpu.wait_dma2 semaphore(%run_scoped3A : memref<!tpu.dma_semaphore, #tpu.memory_space<semaphore_mem>>) src(%dma_wait3A_301 : memref<80x128xi32, #tpu.memory_space<hbm>>) dst(%arg8 : memref<80x128xi32, #tpu.memory_space<vmem>>)
      tpu.yield
    }) : () -> ()
    %dma_start3A_107 = arith.constant 0 : i32
    %dma_start3A_108 = arith.constant 0 : i32
    %dma_start3A_109 = tpu.memref_slice %arg7[%dma_start3A_107, %dma_start3A_108] : memref<82x128xi32, #tpu.memory_space<vmem>> -> memref<1x128xi32, #tpu.memory_space<vmem>>
    %dma_start3A_110 = tpu.memref_squeeze %dma_start3A_109 : memref<1x128xi32, #tpu.memory_space<vmem>> -> memref<128xi32, #tpu.memory_space<vmem>>
    %dma_start3A_111 = arith.constant 0 : i32
    %dma_start3A_112 = arith.constant 0 : i32
    %dma_start3A_113 = tpu.memref_slice %arg12[%dma_start3A_111, %dma_start3A_112] : memref<10240x64xf32, #tpu.memory_space<vmem_shared>> -> memref<10240x64xf32, #tpu.memory_space<vmem_shared>>
    tpu.enqueue_indirect_dma source(%dma_start3A_113 : memref<10240x64xf32, #tpu.memory_space<vmem_shared>>) target(%arg9 : memref<128x64xf32, #tpu.memory_space<vmem>>) offsets(%dma_start3A_110 : memref<128xi32, #tpu.memory_space<vmem>>) semaphore(%arg14 : memref<!tpu.dma_semaphore, #tpu.memory_space<semaphore_mem>>)
    %dma_start3A_114 = arith.constant 1 : i32
    %dma_start3A_115 = arith.constant 0 : i32
    %dma_start3A_116 = tpu.memref_slice %arg7[%dma_start3A_114, %dma_start3A_115] : memref<82x128xi32, #tpu.memory_space<vmem>> -> memref<1x128xi32, #tpu.memory_space<vmem>>
    %dma_start3A_117 = tpu.memref_squeeze %dma_start3A_116 : memref<1x128xi32, #tpu.memory_space<vmem>> -> memref<128xi32, #tpu.memory_space<vmem>>
    %dma_start3A_118 = arith.constant 0 : i32
    %dma_start3A_119 = arith.constant 0 : i32
    %dma_start3A_120 = tpu.memref_slice %arg12[%dma_start3A_118, %dma_start3A_119] : memref<10240x64xf32, #tpu.memory_space<vmem_shared>> -> memref<10240x64xf32, #tpu.memory_space<vmem_shared>>
    tpu.enqueue_indirect_dma source(%dma_start3A_120 : memref<10240x64xf32, #tpu.memory_space<vmem_shared>>) target(%arg10 : memref<128x64xf32, #tpu.memory_space<vmem>>) offsets(%dma_start3A_117 : memref<128xi32, #tpu.memory_space<vmem>>) semaphore(%arg15 : memref<!tpu.dma_semaphore, #tpu.memory_space<semaphore_mem>>)
    %scan3A_121 = arith.constant 0 : i32
    %scan3A_122 = arith.constant 0 : i32
    %scan3A_123 = arith.constant 40 : i32
    %scan3A_124 = arith.addi %scan3A_122, %scan3A_123 : i32
    %scan3A_125 = arith.constant 1 : i32
    scf.for %scan3A_286 = %scan3A_122 to %scan3A_124 step %scan3A_125  : i32 {
      %mul3A_287 = arith.constant 2 : i32
      %mul3A_288 = arith.muli %scan3A_286, %mul3A_287 : i32
      %add3A_289 = arith.constant 0 : i32
      %add3A_290 = arith.addi %mul3A_288, %add3A_289 : i32
      %dma_wait3A_291 = arith.constant 0 : i32
      %dma_wait3A_292 = tpu.memref_slice %arg7[%add3A_290, %dma_wait3A_291] : memref<82x128xi32, #tpu.memory_space<vmem>> -> memref<1x128xi32, #tpu.memory_space<vmem>>
      %dma_wait3A_293 = tpu.memref_squeeze %dma_wait3A_292 : memref<1x128xi32, #tpu.memory_space<vmem>> -> memref<128xi32, #tpu.memory_space<vmem>>
      %dma_wait3A_294 = arith.constant 0 : i32
      %dma_wait3A_295 = arith.constant 0 : i32
      %dma_wait3A_296 = tpu.memref_slice %arg12[%dma_wait3A_294, %dma_wait3A_295] : memref<10240x64xf32, #tpu.memory_space<vmem_shared>> -> memref<10240x64xf32, #tpu.memory_space<vmem_shared>>
      tpu.wait_indirect_dma semaphore(%arg14 : memref<!tpu.dma_semaphore, #tpu.memory_space<semaphore_mem>>) src(%dma_wait3A_296 : memref<10240x64xf32, #tpu.memory_space<vmem_shared>>) dst(%arg9 : memref<128x64xf32, #tpu.memory_space<vmem>>)
      %add3A_297 = arith.constant 0 : i32
      %add3A_298 = arith.addi %mul3A_288, %add3A_297 : i32
      "tpu.region"() ({
        %run_scoped3A = tpu.sem_alloc : memref<!tpu.dma_semaphore, #tpu.memory_space<semaphore_mem>>
        %dma_start3A_329 = arith.constant 0 : i32
        %dma_start3A_330 = tpu.memref_slice %arg8[%add3A_298, %dma_start3A_329] : memref<80x128xi32, #tpu.memory_space<vmem>> -> memref<1x128xi32, #tpu.memory_space<vmem>>
        %dma_start3A_331 = tpu.memref_squeeze %dma_start3A_330 : memref<1x128xi32, #tpu.memory_space<vmem>> -> memref<128xi32, #tpu.memory_space<vmem>>
        %dma_start3A_332 = arith.constant 0 : i32
        %dma_start3A_333 = arith.constant 0 : i32
        %dma_start3A_334 = tpu.memref_slice %arg13[%dma_start3A_332, %dma_start3A_333] : memref<10240x64xf32, #tpu.memory_space<vmem_shared>> -> memref<10240x64xf32, #tpu.memory_space<vmem_shared>>
        tpu.enqueue_indirect_dma source(%arg9 : memref<128x64xf32, #tpu.memory_space<vmem>>) target(%dma_start3A_334 : memref<10240x64xf32, #tpu.memory_space<vmem_shared>>) offsets(%dma_start3A_331 : memref<128xi32, #tpu.memory_space<vmem>>) semaphore(%run_scoped3A : memref<!tpu.dma_semaphore, #tpu.memory_space<semaphore_mem>>) {add = true}
        %dma_wait3A_335 = arith.constant 0 : i32
        %dma_wait3A_336 = tpu.memref_slice %arg8[%add3A_298, %dma_wait3A_335] : memref<80x128xi32, #tpu.memory_space<vmem>> -> memref<1x128xi32, #tpu.memory_space<vmem>>
        %dma_wait3A_337 = tpu.memref_squeeze %dma_wait3A_336 : memref<1x128xi32, #tpu.memory_space<vmem>> -> memref<128xi32, #tpu.memory_space<vmem>>
        %dma_wait3A_338 = arith.constant 0 : i32
        %dma_wait3A_339 = arith.constant 0 : i32
        %dma_wait3A_340 = tpu.memref_slice %arg13[%dma_wait3A_338, %dma_wait3A_339] : memref<10240x64xf32, #tpu.memory_space<vmem_shared>> -> memref<10240x64xf32, #tpu.memory_space<vmem_shared>>
        tpu.wait_indirect_dma semaphore(%run_scoped3A : memref<!tpu.dma_semaphore, #tpu.memory_space<semaphore_mem>>) src(%arg9 : memref<128x64xf32, #tpu.memory_space<vmem>>) dst(%dma_wait3A_340 : memref<10240x64xf32, #tpu.memory_space<vmem_shared>>)
        tpu.yield
      }) : () -> ()
      %add3A_299 = arith.constant 0 : i32
      %add3A_300 = arith.addi %mul3A_288, %add3A_299 : i32
      %add3A_301 = arith.constant 2 : i32
      %add3A_302 = arith.addi %add3A_300, %add3A_301 : i32
      %dma_start3A_303 = arith.constant 0 : i32
      %dma_start3A_304 = tpu.memref_slice %arg7[%add3A_302, %dma_start3A_303] : memref<82x128xi32, #tpu.memory_space<vmem>> -> memref<1x128xi32, #tpu.memory_space<vmem>>
      %dma_start3A_305 = tpu.memref_squeeze %dma_start3A_304 : memref<1x128xi32, #tpu.memory_space<vmem>> -> memref<128xi32, #tpu.memory_space<vmem>>
      %dma_start3A_306 = arith.constant 0 : i32
      %dma_start3A_307 = arith.constant 0 : i32
      %dma_start3A_308 = tpu.memref_slice %arg12[%dma_start3A_306, %dma_start3A_307] : memref<10240x64xf32, #tpu.memory_space<vmem_shared>> -> memref<10240x64xf32, #tpu.memory_space<vmem_shared>>
      tpu.enqueue_indirect_dma source(%dma_start3A_308 : memref<10240x64xf32, #tpu.memory_space<vmem_shared>>) target(%arg9 : memref<128x64xf32, #tpu.memory_space<vmem>>) offsets(%dma_start3A_305 : memref<128xi32, #tpu.memory_space<vmem>>) semaphore(%arg14 : memref<!tpu.dma_semaphore, #tpu.memory_space<semaphore_mem>>)
      %add3A_309 = arith.constant 1 : i32
      %add3A_310 = arith.addi %mul3A_288, %add3A_309 : i32
      %dma_wait3A_311 = arith.constant 0 : i32
      %dma_wait3A_312 = tpu.memref_slice %arg7[%add3A_310, %dma_wait3A_311] : memref<82x128xi32, #tpu.memory_space<vmem>> -> memref<1x128xi32, #tpu.memory_space<vmem>>
      %dma_wait3A_313 = tpu.memref_squeeze %dma_wait3A_312 : memref<1x128xi32, #tpu.memory_space<vmem>> -> memref<128xi32, #tpu.memory_space<vmem>>
      %dma_wait3A_314 = arith.constant 0 : i32
      %dma_wait3A_315 = arith.constant 0 : i32
      %dma_wait3A_316 = tpu.memref_slice %arg12[%dma_wait3A_314, %dma_wait3A_315] : memref<10240x64xf32, #tpu.memory_space<vmem_shared>> -> memref<10240x64xf32, #tpu.memory_space<vmem_shared>>
      tpu.wait_indirect_dma semaphore(%arg15 : memref<!tpu.dma_semaphore, #tpu.memory_space<semaphore_mem>>) src(%dma_wait3A_316 : memref<10240x64xf32, #tpu.memory_space<vmem_shared>>) dst(%arg10 : memref<128x64xf32, #tpu.memory_space<vmem>>)
      %add3A_317 = arith.constant 1 : i32
      %add3A_318 = arith.addi %mul3A_288, %add3A_317 : i32
      "tpu.region"() ({
        %run_scoped3A = tpu.sem_alloc : memref<!tpu.dma_semaphore, #tpu.memory_space<semaphore_mem>>
        %dma_start3A_329 = arith.constant 0 : i32
        %dma_start3A_330 = tpu.memref_slice %arg8[%add3A_318, %dma_start3A_329] : memref<80x128xi32, #tpu.memory_space<vmem>> -> memref<1x128xi32, #tpu.memory_space<vmem>>
        %dma_start3A_331 = tpu.memref_squeeze %dma_start3A_330 : memref<1x128xi32, #tpu.memory_space<vmem>> -> memref<128xi32, #tpu.memory_space<vmem>>
        %dma_start3A_332 = arith.constant 0 : i32
        %dma_start3A_333 = arith.constant 0 : i32
        %dma_start3A_334 = tpu.memref_slice %arg13[%dma_start3A_332, %dma_start3A_333] : memref<10240x64xf32, #tpu.memory_space<vmem_shared>> -> memref<10240x64xf32, #tpu.memory_space<vmem_shared>>
        tpu.enqueue_indirect_dma source(%arg10 : memref<128x64xf32, #tpu.memory_space<vmem>>) target(%dma_start3A_334 : memref<10240x64xf32, #tpu.memory_space<vmem_shared>>) offsets(%dma_start3A_331 : memref<128xi32, #tpu.memory_space<vmem>>) semaphore(%run_scoped3A : memref<!tpu.dma_semaphore, #tpu.memory_space<semaphore_mem>>) {add = true}
        %dma_wait3A_335 = arith.constant 0 : i32
        %dma_wait3A_336 = tpu.memref_slice %arg8[%add3A_318, %dma_wait3A_335] : memref<80x128xi32, #tpu.memory_space<vmem>> -> memref<1x128xi32, #tpu.memory_space<vmem>>
        %dma_wait3A_337 = tpu.memref_squeeze %dma_wait3A_336 : memref<1x128xi32, #tpu.memory_space<vmem>> -> memref<128xi32, #tpu.memory_space<vmem>>
        %dma_wait3A_338 = arith.constant 0 : i32
        %dma_wait3A_339 = arith.constant 0 : i32
        %dma_wait3A_340 = tpu.memref_slice %arg13[%dma_wait3A_338, %dma_wait3A_339] : memref<10240x64xf32, #tpu.memory_space<vmem_shared>> -> memref<10240x64xf32, #tpu.memory_space<vmem_shared>>
        tpu.wait_indirect_dma semaphore(%run_scoped3A : memref<!tpu.dma_semaphore, #tpu.memory_space<semaphore_mem>>) src(%arg10 : memref<128x64xf32, #tpu.memory_space<vmem>>) dst(%dma_wait3A_340 : memref<10240x64xf32, #tpu.memory_space<vmem_shared>>)
        tpu.yield
      }) : () -> ()
      %add3A_319 = arith.constant 1 : i32
      %add3A_320 = arith.addi %mul3A_288, %add3A_319 : i32
      %add3A_321 = arith.constant 2 : i32
      %add3A_322 = arith.addi %add3A_320, %add3A_321 : i32
      %dma_start3A_323 = arith.constant 0 : i32
      %dma_start3A_324 = tpu.memref_slice %arg7[%add3A_322, %dma_start3A_323] : memref<82x128xi32, #tpu.memory_space<vmem>> -> memref<1x128xi32, #tpu.memory_space<vmem>>
      %dma_start3A_325 = tpu.memref_squeeze %dma_start3A_324 : memref<1x128xi32, #tpu.memory_space<vmem>> -> memref<128xi32, #tpu.memory_space<vmem>>
      %dma_start3A_326 = arith.constant 0 : i32
      %dma_start3A_327 = arith.constant 0 : i32
      %dma_start3A_328 = tpu.memref_slice %arg12[%dma_start3A_326, %dma_start3A_327] : memref<10240x64xf32, #tpu.memory_space<vmem_shared>> -> memref<10240x64xf32, #tpu.memory_space<vmem_shared>>
      tpu.enqueue_indirect_dma source(%dma_start3A_328 : memref<10240x64xf32, #tpu.memory_space<vmem_shared>>) target(%arg10 : memref<128x64xf32, #tpu.memory_space<vmem>>) offsets(%dma_start3A_325 : memref<128xi32, #tpu.memory_space<vmem>>) semaphore(%arg15 : memref<!tpu.dma_semaphore, #tpu.memory_space<semaphore_mem>>)
    }
    %scan3A_126 = arith.constant 40 : i32
    %dma_wait3A_127 = arith.constant 80 : i32
    %dma_wait3A_128 = arith.constant 0 : i32
    %dma_wait3A_129 = tpu.memref_slice %arg7[%dma_wait3A_127, %dma_wait3A_128] : memref<82x128xi32, #tpu.memory_space<vmem>> -> memref<1x128xi32, #tpu.memory_space<vmem>>
    %dma_wait3A_130 = tpu.memref_squeeze %dma_wait3A_129 : memref<1x128xi32, #tpu.memory_space<vmem>> -> memref<128xi32, #tpu.memory_space<vmem>>
    %dma_wait3A_131 = arith.constant 0 : i32
    %dma_wait3A_132 = arith.constant 0 : i32
    %dma_wait3A_133 = tpu.memref_slice %arg12[%dma_wait3A_131, %dma_wait3A_132] : memref<10240x64xf32, #tpu.memory_space<vmem_shared>> -> memref<10240x64xf32, #tpu.memory_space<vmem_shared>>
    tpu.wait_indirect_dma semaphore(%arg14 : memref<!tpu.dma_semaphore, #tpu.memory_space<semaphore_mem>>) src(%dma_wait3A_133 : memref<10240x64xf32, #tpu.memory_space<vmem_shared>>) dst(%arg9 : memref<128x64xf32, #tpu.memory_space<vmem>>)
    %dma_wait3A_134 = arith.constant 81 : i32
    %dma_wait3A_135 = arith.constant 0 : i32
    %dma_wait3A_136 = tpu.memref_slice %arg7[%dma_wait3A_134, %dma_wait3A_135] : memref<82x128xi32, #tpu.memory_space<vmem>> -> memref<1x128xi32, #tpu.memory_space<vmem>>
    %dma_wait3A_137 = tpu.memref_squeeze %dma_wait3A_136 : memref<1x128xi32, #tpu.memory_space<vmem>> -> memref<128xi32, #tpu.memory_space<vmem>>
    %dma_wait3A_138 = arith.constant 0 : i32
    %dma_wait3A_139 = arith.constant 0 : i32
    %dma_wait3A_140 = tpu.memref_slice %arg12[%dma_wait3A_138, %dma_wait3A_139] : memref<10240x64xf32, #tpu.memory_space<vmem_shared>> -> memref<10240x64xf32, #tpu.memory_space<vmem_shared>>
    tpu.wait_indirect_dma semaphore(%arg15 : memref<!tpu.dma_semaphore, #tpu.memory_space<semaphore_mem>>) src(%dma_wait3A_140 : memref<10240x64xf32, #tpu.memory_space<vmem_shared>>) dst(%arg10 : memref<128x64xf32, #tpu.memory_space<vmem>>)
    "tpu.region"() ({
      %run_scoped3A = tpu.sem_alloc : memref<!tpu.dma_semaphore, #tpu.memory_space<semaphore_mem>>
      %dma_start3A_286 = arith.constant 80 : i32
      %dma_start3A_287 = arith.constant 0 : i32
      %dma_start3A_288 = tpu.memref_slice %arg3[%arg1, %dma_start3A_286, %dma_start3A_287] : memref<16x162x128xi32, #tpu.memory_space<hbm>> -> memref<1x82x128xi32, #tpu.memory_space<hbm>>
      %dma_start3A_289 = tpu.memref_squeeze %dma_start3A_288 : memref<1x82x128xi32, #tpu.memory_space<hbm>> -> memref<82x128xi32, #tpu.memory_space<hbm>>
      %dma_start3A_290 = arith.constant 80 : i32
      %dma_start3A_291 = arith.constant 0 : i32
      %dma_start3A_292 = tpu.memref_slice %arg3[%arg1, %dma_start3A_290, %dma_start3A_291] : memref<16x162x128xi32, #tpu.memory_space<hbm>> -> memref<1x82x128xi32, #tpu.memory_space<hbm>>
      %dma_start3A_293 = tpu.memref_squeeze %dma_start3A_292 : memref<1x82x128xi32, #tpu.memory_space<hbm>> -> memref<82x128xi32, #tpu.memory_space<hbm>>
      tpu.enqueue_dma source(%dma_start3A_293 : memref<82x128xi32, #tpu.memory_space<hbm>>) target(%arg7 : memref<82x128xi32, #tpu.memory_space<vmem>>) target_semaphore(%run_scoped3A : memref<!tpu.dma_semaphore, #tpu.memory_space<semaphore_mem>>)
      %dma_wait3A_294 = arith.constant 80 : i32
      %dma_wait3A_295 = arith.constant 0 : i32
      %dma_wait3A_296 = tpu.memref_slice %arg3[%arg1, %dma_wait3A_294, %dma_wait3A_295] : memref<16x162x128xi32, #tpu.memory_space<hbm>> -> memref<1x82x128xi32, #tpu.memory_space<hbm>>
      %dma_wait3A_297 = tpu.memref_squeeze %dma_wait3A_296 : memref<1x82x128xi32, #tpu.memory_space<hbm>> -> memref<82x128xi32, #tpu.memory_space<hbm>>
      %dma_wait3A_298 = arith.constant 80 : i32
      %dma_wait3A_299 = arith.constant 0 : i32
      %dma_wait3A_300 = tpu.memref_slice %arg3[%arg1, %dma_wait3A_298, %dma_wait3A_299] : memref<16x162x128xi32, #tpu.memory_space<hbm>> -> memref<1x82x128xi32, #tpu.memory_space<hbm>>
      %dma_wait3A_301 = tpu.memref_squeeze %dma_wait3A_300 : memref<1x82x128xi32, #tpu.memory_space<hbm>> -> memref<82x128xi32, #tpu.memory_space<hbm>>
      tpu.wait_dma2 semaphore(%run_scoped3A : memref<!tpu.dma_semaphore, #tpu.memory_space<semaphore_mem>>) src(%dma_wait3A_301 : memref<82x128xi32, #tpu.memory_space<hbm>>) dst(%arg7 : memref<82x128xi32, #tpu.memory_space<vmem>>)
      tpu.yield
    }) : () -> ()
    "tpu.region"() ({
      %run_scoped3A = tpu.sem_alloc : memref<!tpu.dma_semaphore, #tpu.memory_space<semaphore_mem>>
      %dma_start3A_286 = arith.constant 80 : i32
      %dma_start3A_287 = arith.constant 0 : i32
      %dma_start3A_288 = tpu.memref_slice %arg4[%arg1, %dma_start3A_286, %dma_start3A_287] : memref<16x160x128xi32, #tpu.memory_space<hbm>> -> memref<1x80x128xi32, #tpu.memory_space<hbm>>
      %dma_start3A_289 = tpu.memref_squeeze %dma_start3A_288 : memref<1x80x128xi32, #tpu.memory_space<hbm>> -> memref<80x128xi32, #tpu.memory_space<hbm>>
      %dma_start3A_290 = arith.constant 80 : i32
      %dma_start3A_291 = arith.constant 0 : i32
      %dma_start3A_292 = tpu.memref_slice %arg4[%arg1, %dma_start3A_290, %dma_start3A_291] : memref<16x160x128xi32, #tpu.memory_space<hbm>> -> memref<1x80x128xi32, #tpu.memory_space<hbm>>
      %dma_start3A_293 = tpu.memref_squeeze %dma_start3A_292 : memref<1x80x128xi32, #tpu.memory_space<hbm>> -> memref<80x128xi32, #tpu.memory_space<hbm>>
      tpu.enqueue_dma source(%dma_start3A_293 : memref<80x128xi32, #tpu.memory_space<hbm>>) target(%arg8 : memref<80x128xi32, #tpu.memory_space<vmem>>) target_semaphore(%run_scoped3A : memref<!tpu.dma_semaphore, #tpu.memory_space<semaphore_mem>>)
      %dma_wait3A_294 = arith.constant 80 : i32
      %dma_wait3A_295 = arith.constant 0 : i32
      %dma_wait3A_296 = tpu.memref_slice %arg4[%arg1, %dma_wait3A_294, %dma_wait3A_295] : memref<16x160x128xi32, #tpu.memory_space<hbm>> -> memref<1x80x128xi32, #tpu.memory_space<hbm>>
      %dma_wait3A_297 = tpu.memref_squeeze %dma_wait3A_296 : memref<1x80x128xi32, #tpu.memory_space<hbm>> -> memref<80x128xi32, #tpu.memory_space<hbm>>
      %dma_wait3A_298 = arith.constant 80 : i32
      %dma_wait3A_299 = arith.constant 0 : i32
      %dma_wait3A_300 = tpu.memref_slice %arg4[%arg1, %dma_wait3A_298, %dma_wait3A_299] : memref<16x160x128xi32, #tpu.memory_space<hbm>> -> memref<1x80x128xi32, #tpu.memory_space<hbm>>
      %dma_wait3A_301 = tpu.memref_squeeze %dma_wait3A_300 : memref<1x80x128xi32, #tpu.memory_space<hbm>> -> memref<80x128xi32, #tpu.memory_space<hbm>>
      tpu.wait_dma2 semaphore(%run_scoped3A : memref<!tpu.dma_semaphore, #tpu.memory_space<semaphore_mem>>) src(%dma_wait3A_301 : memref<80x128xi32, #tpu.memory_space<hbm>>) dst(%arg8 : memref<80x128xi32, #tpu.memory_space<vmem>>)
      tpu.yield
    }) : () -> ()
    %dma_start3A_141 = arith.constant 0 : i32
    %dma_start3A_142 = arith.constant 0 : i32
    %dma_start3A_143 = tpu.memref_slice %arg7[%dma_start3A_141, %dma_start3A_142] : memref<82x128xi32, #tpu.memory_space<vmem>> -> memref<1x128xi32, #tpu.memory_space<vmem>>
    %dma_start3A_144 = tpu.memref_squeeze %dma_start3A_143 : memref<1x128xi32, #tpu.memory_space<vmem>> -> memref<128xi32, #tpu.memory_space<vmem>>
    %dma_start3A_145 = arith.constant 0 : i32
    %dma_start3A_146 = arith.constant 0 : i32
    %dma_start3A_147 = tpu.memref_slice %arg12[%dma_start3A_145, %dma_start3A_146] : memref<10240x64xf32, #tpu.memory_space<vmem_shared>> -> memref<10240x64xf32, #tpu.memory_space<vmem_shared>>
    tpu.enqueue_indirect_dma source(%dma_start3A_147 : memref<10240x64xf32, #tpu.memory_space<vmem_shared>>) target(%arg9 : memref<128x64xf32, #tpu.memory_space<vmem>>) offsets(%dma_start3A_144 : memref<128xi32, #tpu.memory_space<vmem>>) semaphore(%arg14 : memref<!tpu.dma_semaphore, #tpu.memory_space<semaphore_mem>>)
    %dma_start3A_148 = arith.constant 1 : i32
    %dma_start3A_149 = arith.constant 0 : i32
    %dma_start3A_150 = tpu.memref_slice %arg7[%dma_start3A_148, %dma_start3A_149] : memref<82x128xi32, #tpu.memory_space<vmem>> -> memref<1x128xi32, #tpu.memory_space<vmem>>
    %dma_start3A_151 = tpu.memref_squeeze %dma_start3A_150 : memref<1x128xi32, #tpu.memory_space<vmem>> -> memref<128xi32, #tpu.memory_space<vmem>>
    %dma_start3A_152 = arith.constant 0 : i32
    %dma_start3A_153 = arith.constant 0 : i32
    %dma_start3A_154 = tpu.memref_slice %arg12[%dma_start3A_152, %dma_start3A_153] : memref<10240x64xf32, #tpu.memory_space<vmem_shared>> -> memref<10240x64xf32, #tpu.memory_space<vmem_shared>>
    tpu.enqueue_indirect_dma source(%dma_start3A_154 : memref<10240x64xf32, #tpu.memory_space<vmem_shared>>) target(%arg10 : memref<128x64xf32, #tpu.memory_space<vmem>>) offsets(%dma_start3A_151 : memref<128xi32, #tpu.memory_space<vmem>>) semaphore(%arg15 : memref<!tpu.dma_semaphore, #tpu.memory_space<semaphore_mem>>)
    %scan3A_155 = arith.constant 0 : i32
    %scan3A_156 = arith.constant 0 : i32
    %scan3A_157 = arith.constant 40 : i32
    %scan3A_158 = arith.addi %scan3A_156, %scan3A_157 : i32
    %scan3A_159 = arith.constant 1 : i32
    scf.for %scan3A_286 = %scan3A_156 to %scan3A_158 step %scan3A_159  : i32 {
      %mul3A_287 = arith.constant 2 : i32
      %mul3A_288 = arith.muli %scan3A_286, %mul3A_287 : i32
      %add3A_289 = arith.constant 0 : i32
      %add3A_290 = arith.addi %mul3A_288, %add3A_289 : i32
      %dma_wait3A_291 = arith.constant 0 : i32
      %dma_wait3A_292 = tpu.memref_slice %arg7[%add3A_290, %dma_wait3A_291] : memref<82x128xi32, #tpu.memory_space<vmem>> -> memref<1x128xi32, #tpu.memory_space<vmem>>
      %dma_wait3A_293 = tpu.memref_squeeze %dma_wait3A_292 : memref<1x128xi32, #tpu.memory_space<vmem>> -> memref<128xi32, #tpu.memory_space<vmem>>
      %dma_wait3A_294 = arith.constant 0 : i32
      %dma_wait3A_295 = arith.constant 0 : i32
      %dma_wait3A_296 = tpu.memref_slice %arg12[%dma_wait3A_294, %dma_wait3A_295] : memref<10240x64xf32, #tpu.memory_space<vmem_shared>> -> memref<10240x64xf32, #tpu.memory_space<vmem_shared>>
      tpu.wait_indirect_dma semaphore(%arg14 : memref<!tpu.dma_semaphore, #tpu.memory_space<semaphore_mem>>) src(%dma_wait3A_296 : memref<10240x64xf32, #tpu.memory_space<vmem_shared>>) dst(%arg9 : memref<128x64xf32, #tpu.memory_space<vmem>>)
      %add3A_297 = arith.constant 0 : i32
      %add3A_298 = arith.addi %mul3A_288, %add3A_297 : i32
      "tpu.region"() ({
        %run_scoped3A = tpu.sem_alloc : memref<!tpu.dma_semaphore, #tpu.memory_space<semaphore_mem>>
        %dma_start3A_329 = arith.constant 0 : i32
        %dma_start3A_330 = tpu.memref_slice %arg8[%add3A_298, %dma_start3A_329] : memref<80x128xi32, #tpu.memory_space<vmem>> -> memref<1x128xi32, #tpu.memory_space<vmem>>
        %dma_start3A_331 = tpu.memref_squeeze %dma_start3A_330 : memref<1x128xi32, #tpu.memory_space<vmem>> -> memref<128xi32, #tpu.memory_space<vmem>>
        %dma_start3A_332 = arith.constant 0 : i32
        %dma_start3A_333 = arith.constant 0 : i32
        %dma_start3A_334 = tpu.memref_slice %arg13[%dma_start3A_332, %dma_start3A_333] : memref<10240x64xf32, #tpu.memory_space<vmem_shared>> -> memref<10240x64xf32, #tpu.memory_space<vmem_shared>>
        tpu.enqueue_indirect_dma source(%arg9 : memref<128x64xf32, #tpu.memory_space<vmem>>) target(%dma_start3A_334 : memref<10240x64xf32, #tpu.memory_space<vmem_shared>>) offsets(%dma_start3A_331 : memref<128xi32, #tpu.memory_space<vmem>>) semaphore(%run_scoped3A : memref<!tpu.dma_semaphore, #tpu.memory_space<semaphore_mem>>) {add = true}
        %dma_wait3A_335 = arith.constant 0 : i32
        %dma_wait3A_336 = tpu.memref_slice %arg8[%add3A_298, %dma_wait3A_335] : memref<80x128xi32, #tpu.memory_space<vmem>> -> memref<1x128xi32, #tpu.memory_space<vmem>>
        %dma_wait3A_337 = tpu.memref_squeeze %dma_wait3A_336 : memref<1x128xi32, #tpu.memory_space<vmem>> -> memref<128xi32, #tpu.memory_space<vmem>>
        %dma_wait3A_338 = arith.constant 0 : i32
        %dma_wait3A_339 = arith.constant 0 : i32
        %dma_wait3A_340 = tpu.memref_slice %arg13[%dma_wait3A_338, %dma_wait3A_339] : memref<10240x64xf32, #tpu.memory_space<vmem_shared>> -> memref<10240x64xf32, #tpu.memory_space<vmem_shared>>
        tpu.wait_indirect_dma semaphore(%run_scoped3A : memref<!tpu.dma_semaphore, #tpu.memory_space<semaphore_mem>>) src(%arg9 : memref<128x64xf32, #tpu.memory_space<vmem>>) dst(%dma_wait3A_340 : memref<10240x64xf32, #tpu.memory_space<vmem_shared>>)
        tpu.yield
      }) : () -> ()
      %add3A_299 = arith.constant 0 : i32
      %add3A_300 = arith.addi %mul3A_288, %add3A_299 : i32
      %add3A_301 = arith.constant 2 : i32
      %add3A_302 = arith.addi %add3A_300, %add3A_301 : i32
      %dma_start3A_303 = arith.constant 0 : i32
      %dma_start3A_304 = tpu.memref_slice %arg7[%add3A_302, %dma_start3A_303] : memref<82x128xi32, #tpu.memory_space<vmem>> -> memref<1x128xi32, #tpu.memory_space<vmem>>
      %dma_start3A_305 = tpu.memref_squeeze %dma_start3A_304 : memref<1x128xi32, #tpu.memory_space<vmem>> -> memref<128xi32, #tpu.memory_space<vmem>>
      %dma_start3A_306 = arith.constant 0 : i32
      %dma_start3A_307 = arith.constant 0 : i32
      %dma_start3A_308 = tpu.memref_slice %arg12[%dma_start3A_306, %dma_start3A_307] : memref<10240x64xf32, #tpu.memory_space<vmem_shared>> -> memref<10240x64xf32, #tpu.memory_space<vmem_shared>>
      tpu.enqueue_indirect_dma source(%dma_start3A_308 : memref<10240x64xf32, #tpu.memory_space<vmem_shared>>) target(%arg9 : memref<128x64xf32, #tpu.memory_space<vmem>>) offsets(%dma_start3A_305 : memref<128xi32, #tpu.memory_space<vmem>>) semaphore(%arg14 : memref<!tpu.dma_semaphore, #tpu.memory_space<semaphore_mem>>)
      %add3A_309 = arith.constant 1 : i32
      %add3A_310 = arith.addi %mul3A_288, %add3A_309 : i32
      %dma_wait3A_311 = arith.constant 0 : i32
      %dma_wait3A_312 = tpu.memref_slice %arg7[%add3A_310, %dma_wait3A_311] : memref<82x128xi32, #tpu.memory_space<vmem>> -> memref<1x128xi32, #tpu.memory_space<vmem>>
      %dma_wait3A_313 = tpu.memref_squeeze %dma_wait3A_312 : memref<1x128xi32, #tpu.memory_space<vmem>> -> memref<128xi32, #tpu.memory_space<vmem>>
      %dma_wait3A_314 = arith.constant 0 : i32
      %dma_wait3A_315 = arith.constant 0 : i32
      %dma_wait3A_316 = tpu.memref_slice %arg12[%dma_wait3A_314, %dma_wait3A_315] : memref<10240x64xf32, #tpu.memory_space<vmem_shared>> -> memref<10240x64xf32, #tpu.memory_space<vmem_shared>>
      tpu.wait_indirect_dma semaphore(%arg15 : memref<!tpu.dma_semaphore, #tpu.memory_space<semaphore_mem>>) src(%dma_wait3A_316 : memref<10240x64xf32, #tpu.memory_space<vmem_shared>>) dst(%arg10 : memref<128x64xf32, #tpu.memory_space<vmem>>)
      %add3A_317 = arith.constant 1 : i32
      %add3A_318 = arith.addi %mul3A_288, %add3A_317 : i32
      "tpu.region"() ({
        %run_scoped3A = tpu.sem_alloc : memref<!tpu.dma_semaphore, #tpu.memory_space<semaphore_mem>>
        %dma_start3A_329 = arith.constant 0 : i32
        %dma_start3A_330 = tpu.memref_slice %arg8[%add3A_318, %dma_start3A_329] : memref<80x128xi32, #tpu.memory_space<vmem>> -> memref<1x128xi32, #tpu.memory_space<vmem>>
        %dma_start3A_331 = tpu.memref_squeeze %dma_start3A_330 : memref<1x128xi32, #tpu.memory_space<vmem>> -> memref<128xi32, #tpu.memory_space<vmem>>
        %dma_start3A_332 = arith.constant 0 : i32
        %dma_start3A_333 = arith.constant 0 : i32
        %dma_start3A_334 = tpu.memref_slice %arg13[%dma_start3A_332, %dma_start3A_333] : memref<10240x64xf32, #tpu.memory_space<vmem_shared>> -> memref<10240x64xf32, #tpu.memory_space<vmem_shared>>
        tpu.enqueue_indirect_dma source(%arg10 : memref<128x64xf32, #tpu.memory_space<vmem>>) target(%dma_start3A_334 : memref<10240x64xf32, #tpu.memory_space<vmem_shared>>) offsets(%dma_start3A_331 : memref<128xi32, #tpu.memory_space<vmem>>) semaphore(%run_scoped3A : memref<!tpu.dma_semaphore, #tpu.memory_space<semaphore_mem>>) {add = true}
        %dma_wait3A_335 = arith.constant 0 : i32
        %dma_wait3A_336 = tpu.memref_slice %arg8[%add3A_318, %dma_wait3A_335] : memref<80x128xi32, #tpu.memory_space<vmem>> -> memref<1x128xi32, #tpu.memory_space<vmem>>
        %dma_wait3A_337 = tpu.memref_squeeze %dma_wait3A_336 : memref<1x128xi32, #tpu.memory_space<vmem>> -> memref<128xi32, #tpu.memory_space<vmem>>
        %dma_wait3A_338 = arith.constant 0 : i32
        %dma_wait3A_339 = arith.constant 0 : i32
        %dma_wait3A_340 = tpu.memref_slice %arg13[%dma_wait3A_338, %dma_wait3A_339] : memref<10240x64xf32, #tpu.memory_space<vmem_shared>> -> memref<10240x64xf32, #tpu.memory_space<vmem_shared>>
        tpu.wait_indirect_dma semaphore(%run_scoped3A : memref<!tpu.dma_semaphore, #tpu.memory_space<semaphore_mem>>) src(%arg10 : memref<128x64xf32, #tpu.memory_space<vmem>>) dst(%dma_wait3A_340 : memref<10240x64xf32, #tpu.memory_space<vmem_shared>>)
        tpu.yield
      }) : () -> ()
      %add3A_319 = arith.constant 1 : i32
      %add3A_320 = arith.addi %mul3A_288, %add3A_319 : i32
      %add3A_321 = arith.constant 2 : i32
      %add3A_322 = arith.addi %add3A_320, %add3A_321 : i32
      %dma_start3A_323 = arith.constant 0 : i32
      %dma_start3A_324 = tpu.memref_slice %arg7[%add3A_322, %dma_start3A_323] : memref<82x128xi32, #tpu.memory_space<vmem>> -> memref<1x128xi32, #tpu.memory_space<vmem>>
      %dma_start3A_325 = tpu.memref_squeeze %dma_start3A_324 : memref<1x128xi32, #tpu.memory_space<vmem>> -> memref<128xi32, #tpu.memory_space<vmem>>
      %dma_start3A_326 = arith.constant 0 : i32
      %dma_start3A_327 = arith.constant 0 : i32
      %dma_start3A_328 = tpu.memref_slice %arg12[%dma_start3A_326, %dma_start3A_327] : memref<10240x64xf32, #tpu.memory_space<vmem_shared>> -> memref<10240x64xf32, #tpu.memory_space<vmem_shared>>
      tpu.enqueue_indirect_dma source(%dma_start3A_328 : memref<10240x64xf32, #tpu.memory_space<vmem_shared>>) target(%arg10 : memref<128x64xf32, #tpu.memory_space<vmem>>) offsets(%dma_start3A_325 : memref<128xi32, #tpu.memory_space<vmem>>) semaphore(%arg15 : memref<!tpu.dma_semaphore, #tpu.memory_space<semaphore_mem>>)
    }
    %scan3A_160 = arith.constant 40 : i32
    %dma_wait3A_161 = arith.constant 80 : i32
    %dma_wait3A_162 = arith.constant 0 : i32
    %dma_wait3A_163 = tpu.memref_slice %arg7[%dma_wait3A_161, %dma_wait3A_162] : memref<82x128xi32, #tpu.memory_space<vmem>> -> memref<1x128xi32, #tpu.memory_space<vmem>>
    %dma_wait3A_164 = tpu.memref_squeeze %dma_wait3A_163 : memref<1x128xi32, #tpu.memory_space<vmem>> -> memref<128xi32, #tpu.memory_space<vmem>>
    %dma_wait3A_165 = arith.constant 0 : i32
    %dma_wait3A_166 = arith.constant 0 : i32
    %dma_wait3A_167 = tpu.memref_slice %arg12[%dma_wait3A_165, %dma_wait3A_166] : memref<10240x64xf32, #tpu.memory_space<vmem_shared>> -> memref<10240x64xf32, #tpu.memory_space<vmem_shared>>
    tpu.wait_indirect_dma semaphore(%arg14 : memref<!tpu.dma_semaphore, #tpu.memory_space<semaphore_mem>>) src(%dma_wait3A_167 : memref<10240x64xf32, #tpu.memory_space<vmem_shared>>) dst(%arg9 : memref<128x64xf32, #tpu.memory_space<vmem>>)
    %dma_wait3A_168 = arith.constant 81 : i32
    %dma_wait3A_169 = arith.constant 0 : i32
    %dma_wait3A_170 = tpu.memref_slice %arg7[%dma_wait3A_168, %dma_wait3A_169] : memref<82x128xi32, #tpu.memory_space<vmem>> -> memref<1x128xi32, #tpu.memory_space<vmem>>
    %dma_wait3A_171 = tpu.memref_squeeze %dma_wait3A_170 : memref<1x128xi32, #tpu.memory_space<vmem>> -> memref<128xi32, #tpu.memory_space<vmem>>
    %dma_wait3A_172 = arith.constant 0 : i32
    %dma_wait3A_173 = arith.constant 0 : i32
    %dma_wait3A_174 = tpu.memref_slice %arg12[%dma_wait3A_172, %dma_wait3A_173] : memref<10240x64xf32, #tpu.memory_space<vmem_shared>> -> memref<10240x64xf32, #tpu.memory_space<vmem_shared>>
    tpu.wait_indirect_dma semaphore(%arg15 : memref<!tpu.dma_semaphore, #tpu.memory_space<semaphore_mem>>) src(%dma_wait3A_174 : memref<10240x64xf32, #tpu.memory_space<vmem_shared>>) dst(%arg10 : memref<128x64xf32, #tpu.memory_space<vmem>>)
    %barrier3A_175 = arith.constant 0 : index
    tpu.barrier barrier_id(%barrier3A_175)
    %add3A_176 = arith.constant 0 : i32
    %add3A_177 = arith.addi %mul3A_0, %add3A_176 : i32
    "tpu.region"() ({
      %run_scoped3A = tpu.sem_alloc : memref<!tpu.dma_semaphore, #tpu.memory_space<semaphore_mem>>
      %dma_start3A_286 = arith.constant 0 : i32
      %dma_start3A_287 = tpu.memref_slice %arg13[%add3A_177, %dma_start3A_286] : memref<10240x64xf32, #tpu.memory_space<vmem_shared>> -> memref<128x64xf32, #tpu.memory_space<vmem_shared>>
      %dma_start3A_288 = arith.constant 0 : i32
      %dma_start3A_289 = tpu.memref_slice %arg13[%add3A_177, %dma_start3A_288] : memref<10240x64xf32, #tpu.memory_space<vmem_shared>> -> memref<128x64xf32, #tpu.memory_space<vmem_shared>>
      tpu.enqueue_dma source(%dma_start3A_289 : memref<128x64xf32, #tpu.memory_space<vmem_shared>>) target(%arg9 : memref<128x64xf32, #tpu.memory_space<vmem>>) target_semaphore(%run_scoped3A : memref<!tpu.dma_semaphore, #tpu.memory_space<semaphore_mem>>)
      %dma_wait3A_290 = arith.constant 0 : i32
      %dma_wait3A_291 = tpu.memref_slice %arg13[%add3A_177, %dma_wait3A_290] : memref<10240x64xf32, #tpu.memory_space<vmem_shared>> -> memref<128x64xf32, #tpu.memory_space<vmem_shared>>
      %dma_wait3A_292 = arith.constant 0 : i32
      %dma_wait3A_293 = tpu.memref_slice %arg13[%add3A_177, %dma_wait3A_292] : memref<10240x64xf32, #tpu.memory_space<vmem_shared>> -> memref<128x64xf32, #tpu.memory_space<vmem_shared>>
      tpu.wait_dma2 semaphore(%run_scoped3A : memref<!tpu.dma_semaphore, #tpu.memory_space<semaphore_mem>>) src(%dma_wait3A_293 : memref<128x64xf32, #tpu.memory_space<vmem_shared>>) dst(%arg9 : memref<128x64xf32, #tpu.memory_space<vmem>>)
      tpu.yield
    }) : () -> ()
    "tpu.region"() ({
      %run_scoped3A = tpu.sem_alloc : memref<!tpu.dma_semaphore, #tpu.memory_space<semaphore_mem>>
      %dma_start3A_286 = arith.constant 0 : i32
      %dma_start3A_287 = tpu.memref_slice %arg5[%add3A_177, %dma_start3A_286] : memref<10240x16xf32, #tpu.memory_space<hbm>> -> memref<128x16xf32, #tpu.memory_space<hbm>>
      %dma_start3A_288 = arith.constant 0 : i32
      %dma_start3A_289 = tpu.memref_slice %arg5[%add3A_177, %dma_start3A_288] : memref<10240x16xf32, #tpu.memory_space<hbm>> -> memref<128x16xf32, #tpu.memory_space<hbm>>
      tpu.enqueue_dma source(%dma_start3A_289 : memref<128x16xf32, #tpu.memory_space<hbm>>) target(%arg11 : memref<128x16xf32, #tpu.memory_space<vmem>>) target_semaphore(%run_scoped3A : memref<!tpu.dma_semaphore, #tpu.memory_space<semaphore_mem>>)
      %dma_wait3A_290 = arith.constant 0 : i32
      %dma_wait3A_291 = tpu.memref_slice %arg5[%add3A_177, %dma_wait3A_290] : memref<10240x16xf32, #tpu.memory_space<hbm>> -> memref<128x16xf32, #tpu.memory_space<hbm>>
      %dma_wait3A_292 = arith.constant 0 : i32
      %dma_wait3A_293 = tpu.memref_slice %arg5[%add3A_177, %dma_wait3A_292] : memref<10240x16xf32, #tpu.memory_space<hbm>> -> memref<128x16xf32, #tpu.memory_space<hbm>>
      tpu.wait_dma2 semaphore(%run_scoped3A : memref<!tpu.dma_semaphore, #tpu.memory_space<semaphore_mem>>) src(%dma_wait3A_293 : memref<128x16xf32, #tpu.memory_space<hbm>>) dst(%arg11 : memref<128x16xf32, #tpu.memory_space<vmem>>)
      tpu.yield
    }) : () -> ()
    %scan3A_178 = arith.constant 0 : i32
    %scan3A_179 = arith.constant 0 : i32
    %scan3A_180 = arith.constant 128 : i32
    %scan3A_181 = arith.addi %scan3A_179, %scan3A_180 : i32
    %scan3A_182 = arith.constant 1 : i32
    scf.for %scan3A_286 = %scan3A_179 to %scan3A_181 step %scan3A_182  : i32 {
      %get3A = arith.index_cast %scan3A_286 : i32 to index
      %get3A_287 = arith.constant 0 : index
      %get3A_288 = tpu.vector_load %arg11[%get3A, %get3A_287] {strides = array<i32>} : memref<128x16xf32, #tpu.memory_space<vmem>>, vector<1x16xf32>,
      %get3A_289 = vector.shape_cast %get3A_288 : vector<1x16xf32> to vector<16xf32>
      %get3A_290 = arith.index_cast %scan3A_286 : i32 to index
      %get3A_291 = arith.constant 0 : index
      %get3A_292 = tpu.vector_load %arg9[%get3A_290, %get3A_291] {strides = array<i32>} : memref<128x64xf32, #tpu.memory_space<vmem>>, vector<1x16xf32>,
      %get3A_293 = vector.shape_cast %get3A_292 : vector<1x16xf32> to vector<16xf32>
      %mul3A_294 = arith.mulf %get3A_293, %get3A_289 : vector<16xf32>
      %swap3A = arith.index_cast %scan3A_286 : i32 to index
      %swap3A_295 = arith.constant 0 : index
      %swap3A_296 = tpu.vector_load %arg9[%swap3A, %swap3A_295] {strides = array<i32>} : memref<128x64xf32, #tpu.memory_space<vmem>>, vector<1x16xf32>,
      %swap3A_297 = vector.shape_cast %swap3A_296 : vector<1x16xf32> to vector<16xf32>
      %swap3A_298 = vector.shape_cast %mul3A_294 : vector<16xf32> to vector<1x16xf32>
      tpu.vector_store %arg9[%swap3A, %swap3A_295], %swap3A_298 {strides = array<i32>} : memref<128x64xf32, #tpu.memory_space<vmem>>, vector<1x16xf32>,
      %get3A_299 = arith.index_cast %scan3A_286 : i32 to index
      %get3A_300 = arith.constant 16 : index
      %get3A_301 = tpu.vector_load %arg9[%get3A_299, %get3A_300] {strides = array<i32>} : memref<128x64xf32, #tpu.memory_space<vmem>>, vector<1x16xf32>,
      %get3A_302 = vector.shape_cast %get3A_301 : vector<1x16xf32> to vector<16xf32>
      %mul3A_303 = arith.mulf %get3A_302, %get3A_289 : vector<16xf32>
      %swap3A_304 = arith.index_cast %scan3A_286 : i32 to index
      %swap3A_305 = arith.constant 16 : index
      %swap3A_306 = tpu.vector_load %arg9[%swap3A_304, %swap3A_305] {strides = array<i32>} : memref<128x64xf32, #tpu.memory_space<vmem>>, vector<1x16xf32>,
      %swap3A_307 = vector.shape_cast %swap3A_306 : vector<1x16xf32> to vector<16xf32>
      %swap3A_308 = vector.shape_cast %mul3A_303 : vector<16xf32> to vector<1x16xf32>
      tpu.vector_store %arg9[%swap3A_304, %swap3A_305], %swap3A_308 {strides = array<i32>} : memref<128x64xf32, #tpu.memory_space<vmem>>, vector<1x16xf32>,
      %get3A_309 = arith.index_cast %scan3A_286 : i32 to index
      %get3A_310 = arith.constant 32 : index
      %get3A_311 = tpu.vector_load %arg9[%get3A_309, %get3A_310] {strides = array<i32>} : memref<128x64xf32, #tpu.memory_space<vmem>>, vector<1x16xf32>,
      %get3A_312 = vector.shape_cast %get3A_311 : vector<1x16xf32> to vector<16xf32>
      %mul3A_313 = arith.mulf %get3A_312, %get3A_289 : vector<16xf32>
      %swap3A_314 = arith.index_cast %scan3A_286 : i32 to index
      %swap3A_315 = arith.constant 32 : index
      %swap3A_316 = tpu.vector_load %arg9[%swap3A_314, %swap3A_315] {strides = array<i32>} : memref<128x64xf32, #tpu.memory_space<vmem>>, vector<1x16xf32>,
      %swap3A_317 = vector.shape_cast %swap3A_316 : vector<1x16xf32> to vector<16xf32>
      %swap3A_318 = vector.shape_cast %mul3A_313 : vector<16xf32> to vector<1x16xf32>
      tpu.vector_store %arg9[%swap3A_314, %swap3A_315], %swap3A_318 {strides = array<i32>} : memref<128x64xf32, #tpu.memory_space<vmem>>, vector<1x16xf32>,
      %get3A_319 = arith.index_cast %scan3A_286 : i32 to index
      %get3A_320 = arith.constant 48 : index
      %get3A_321 = tpu.vector_load %arg9[%get3A_319, %get3A_320] {strides = array<i32>} : memref<128x64xf32, #tpu.memory_space<vmem>>, vector<1x16xf32>,
      %get3A_322 = vector.shape_cast %get3A_321 : vector<1x16xf32> to vector<16xf32>
      %mul3A_323 = arith.mulf %get3A_322, %get3A_289 : vector<16xf32>
      %swap3A_324 = arith.index_cast %scan3A_286 : i32 to index
      %swap3A_325 = arith.constant 48 : index
      %swap3A_326 = tpu.vector_load %arg9[%swap3A_324, %swap3A_325] {strides = array<i32>} : memref<128x64xf32, #tpu.memory_space<vmem>>, vector<1x16xf32>,
      %swap3A_327 = vector.shape_cast %swap3A_326 : vector<1x16xf32> to vector<16xf32>
      %swap3A_328 = vector.shape_cast %mul3A_323 : vector<16xf32> to vector<1x16xf32>
      tpu.vector_store %arg9[%swap3A_324, %swap3A_325], %swap3A_328 {strides = array<i32>} : memref<128x64xf32, #tpu.memory_space<vmem>>, vector<1x16xf32>,
    }
    %scan3A_183 = arith.constant 128 : i32
    "tpu.region"() ({
      %run_scoped3A = tpu.sem_alloc : memref<!tpu.dma_semaphore, #tpu.memory_space<semaphore_mem>>
      %dma_start3A_286 = arith.constant 0 : i32
      %dma_start3A_287 = tpu.memref_slice %arg12[%add3A_177, %dma_start3A_286] : memref<10240x64xf32, #tpu.memory_space<vmem_shared>> -> memref<128x64xf32, #tpu.memory_space<vmem_shared>>
      %dma_start3A_288 = arith.constant 0 : i32
      %dma_start3A_289 = tpu.memref_slice %arg12[%add3A_177, %dma_start3A_288] : memref<10240x64xf32, #tpu.memory_space<vmem_shared>> -> memref<128x64xf32, #tpu.memory_space<vmem_shared>>
      tpu.enqueue_dma source(%arg9 : memref<128x64xf32, #tpu.memory_space<vmem>>) target(%dma_start3A_289 : memref<128x64xf32, #tpu.memory_space<vmem_shared>>) target_semaphore(%run_scoped3A : memref<!tpu.dma_semaphore, #tpu.memory_space<semaphore_mem>>)
      %dma_wait3A_290 = arith.constant 0 : i32
      %dma_wait3A_291 = tpu.memref_slice %arg12[%add3A_177, %dma_wait3A_290] : memref<10240x64xf32, #tpu.memory_space<vmem_shared>> -> memref<128x64xf32, #tpu.memory_space<vmem_shared>>
      %dma_wait3A_292 = arith.constant 0 : i32
      %dma_wait3A_293 = tpu.memref_slice %arg12[%add3A_177, %dma_wait3A_292] : memref<10240x64xf32, #tpu.memory_space<vmem_shared>> -> memref<128x64xf32, #tpu.memory_space<vmem_shared>>
      tpu.wait_dma2 semaphore(%run_scoped3A : memref<!tpu.dma_semaphore, #tpu.memory_space<semaphore_mem>>) src(%arg9 : memref<128x64xf32, #tpu.memory_space<vmem>>) dst(%dma_wait3A_293 : memref<128x64xf32, #tpu.memory_space<vmem_shared>>)
      tpu.yield
    }) : () -> ()
    "tpu.region"() ({
      %run_scoped3A = tpu.sem_alloc : memref<!tpu.dma_semaphore, #tpu.memory_space<semaphore_mem>>
      %dma_start3A_286 = arith.constant 0 : i32
      %dma_start3A_287 = tpu.memref_slice %arg13[%add3A_177, %dma_start3A_286] : memref<10240x64xf32, #tpu.memory_space<vmem_shared>> -> memref<128x64xf32, #tpu.memory_space<vmem_shared>>
      %dma_start3A_288 = arith.constant 0 : i32
      %dma_start3A_289 = tpu.memref_slice %arg13[%add3A_177, %dma_start3A_288] : memref<10240x64xf32, #tpu.memory_space<vmem_shared>> -> memref<128x64xf32, #tpu.memory_space<vmem_shared>>
      tpu.enqueue_dma source(%arg9 : memref<128x64xf32, #tpu.memory_space<vmem>>) target(%dma_start3A_289 : memref<128x64xf32, #tpu.memory_space<vmem_shared>>) target_semaphore(%run_scoped3A : memref<!tpu.dma_semaphore, #tpu.memory_space<semaphore_mem>>)
      %dma_wait3A_290 = arith.constant 0 : i32
      %dma_wait3A_291 = tpu.memref_slice %arg13[%add3A_177, %dma_wait3A_290] : memref<10240x64xf32, #tpu.memory_space<vmem_shared>> -> memref<128x64xf32, #tpu.memory_space<vmem_shared>>
      %dma_wait3A_292 = arith.constant 0 : i32
      %dma_wait3A_293 = tpu.memref_slice %arg13[%add3A_177, %dma_wait3A_292] : memref<10240x64xf32, #tpu.memory_space<vmem_shared>> -> memref<128x64xf32, #tpu.memory_space<vmem_shared>>
      tpu.wait_dma2 semaphore(%run_scoped3A : memref<!tpu.dma_semaphore, #tpu.memory_space<semaphore_mem>>) src(%arg9 : memref<128x64xf32, #tpu.memory_space<vmem>>) dst(%dma_wait3A_293 : memref<128x64xf32, #tpu.memory_space<vmem_shared>>)
      tpu.yield
    }) : () -> ()
    %add3A_184 = arith.constant 128 : i32
    %add3A_185 = arith.addi %mul3A_0, %add3A_184 : i32
    "tpu.region"() ({
      %run_scoped3A = tpu.sem_alloc : memref<!tpu.dma_semaphore, #tpu.memory_space<semaphore_mem>>
      %dma_start3A_286 = arith.constant 0 : i32
      %dma_start3A_287 = tpu.memref_slice %arg13[%add3A_185, %dma_start3A_286] : memref<10240x64xf32, #tpu.memory_space<vmem_shared>> -> memref<128x64xf32, #tpu.memory_space<vmem_shared>>
      %dma_start3A_288 = arith.constant 0 : i32
      %dma_start3A_289 = tpu.memref_slice %arg13[%add3A_185, %dma_start3A_288] : memref<10240x64xf32, #tpu.memory_space<vmem_shared>> -> memref<128x64xf32, #tpu.memory_space<vmem_shared>>
      tpu.enqueue_dma source(%dma_start3A_289 : memref<128x64xf32, #tpu.memory_space<vmem_shared>>) target(%arg9 : memref<128x64xf32, #tpu.memory_space<vmem>>) target_semaphore(%run_scoped3A : memref<!tpu.dma_semaphore, #tpu.memory_space<semaphore_mem>>)
      %dma_wait3A_290 = arith.constant 0 : i32
      %dma_wait3A_291 = tpu.memref_slice %arg13[%add3A_185, %dma_wait3A_290] : memref<10240x64xf32, #tpu.memory_space<vmem_shared>> -> memref<128x64xf32, #tpu.memory_space<vmem_shared>>
      %dma_wait3A_292 = arith.constant 0 : i32
      %dma_wait3A_293 = tpu.memref_slice %arg13[%add3A_185, %dma_wait3A_292] : memref<10240x64xf32, #tpu.memory_space<vmem_shared>> -> memref<128x64xf32, #tpu.memory_space<vmem_shared>>
      tpu.wait_dma2 semaphore(%run_scoped3A : memref<!tpu.dma_semaphore, #tpu.memory_space<semaphore_mem>>) src(%dma_wait3A_293 : memref<128x64xf32, #tpu.memory_space<vmem_shared>>) dst(%arg9 : memref<128x64xf32, #tpu.memory_space<vmem>>)
      tpu.yield
    }) : () -> ()
    "tpu.region"() ({
      %run_scoped3A = tpu.sem_alloc : memref<!tpu.dma_semaphore, #tpu.memory_space<semaphore_mem>>
      %dma_start3A_286 = arith.constant 0 : i32
      %dma_start3A_287 = tpu.memref_slice %arg5[%add3A_185, %dma_start3A_286] : memref<10240x16xf32, #tpu.memory_space<hbm>> -> memref<128x16xf32, #tpu.memory_space<hbm>>
      %dma_start3A_288 = arith.constant 0 : i32
      %dma_start3A_289 = tpu.memref_slice %arg5[%add3A_185, %dma_start3A_288] : memref<10240x16xf32, #tpu.memory_space<hbm>> -> memref<128x16xf32, #tpu.memory_space<hbm>>
      tpu.enqueue_dma source(%dma_start3A_289 : memref<128x16xf32, #tpu.memory_space<hbm>>) target(%arg11 : memref<128x16xf32, #tpu.memory_space<vmem>>) target_semaphore(%run_scoped3A : memref<!tpu.dma_semaphore, #tpu.memory_space<semaphore_mem>>)
      %dma_wait3A_290 = arith.constant 0 : i32
      %dma_wait3A_291 = tpu.memref_slice %arg5[%add3A_185, %dma_wait3A_290] : memref<10240x16xf32, #tpu.memory_space<hbm>> -> memref<128x16xf32, #tpu.memory_space<hbm>>
      %dma_wait3A_292 = arith.constant 0 : i32
      %dma_wait3A_293 = tpu.memref_slice %arg5[%add3A_185, %dma_wait3A_292] : memref<10240x16xf32, #tpu.memory_space<hbm>> -> memref<128x16xf32, #tpu.memory_space<hbm>>
      tpu.wait_dma2 semaphore(%run_scoped3A : memref<!tpu.dma_semaphore, #tpu.memory_space<semaphore_mem>>) src(%dma_wait3A_293 : memref<128x16xf32, #tpu.memory_space<hbm>>) dst(%arg11 : memref<128x16xf32, #tpu.memory_space<vmem>>)
      tpu.yield
    }) : () -> ()
    %scan3A_186 = arith.constant 0 : i32
    %scan3A_187 = arith.constant 0 : i32
    %scan3A_188 = arith.constant 128 : i32
    %scan3A_189 = arith.addi %scan3A_187, %scan3A_188 : i32
    %scan3A_190 = arith.constant 1 : i32
    scf.for %scan3A_286 = %scan3A_187 to %scan3A_189 step %scan3A_190  : i32 {
      %get3A = arith.index_cast %scan3A_286 : i32 to index
      %get3A_287 = arith.constant 0 : index
      %get3A_288 = tpu.vector_load %arg11[%get3A, %get3A_287] {strides = array<i32>} : memref<128x16xf32, #tpu.memory_space<vmem>>, vector<1x16xf32>,
      %get3A_289 = vector.shape_cast %get3A_288 : vector<1x16xf32> to vector<16xf32>
      %get3A_290 = arith.index_cast %scan3A_286 : i32 to index
      %get3A_291 = arith.constant 0 : index
      %get3A_292 = tpu.vector_load %arg9[%get3A_290, %get3A_291] {strides = array<i32>} : memref<128x64xf32, #tpu.memory_space<vmem>>, vector<1x16xf32>,
      %get3A_293 = vector.shape_cast %get3A_292 : vector<1x16xf32> to vector<16xf32>
      %mul3A_294 = arith.mulf %get3A_293, %get3A_289 : vector<16xf32>
      %swap3A = arith.index_cast %scan3A_286 : i32 to index
      %swap3A_295 = arith.constant 0 : index
      %swap3A_296 = tpu.vector_load %arg9[%swap3A, %swap3A_295] {strides = array<i32>} : memref<128x64xf32, #tpu.memory_space<vmem>>, vector<1x16xf32>,
      %swap3A_297 = vector.shape_cast %swap3A_296 : vector<1x16xf32> to vector<16xf32>
      %swap3A_298 = vector.shape_cast %mul3A_294 : vector<16xf32> to vector<1x16xf32>
      tpu.vector_store %arg9[%swap3A, %swap3A_295], %swap3A_298 {strides = array<i32>} : memref<128x64xf32, #tpu.memory_space<vmem>>, vector<1x16xf32>,
      %get3A_299 = arith.index_cast %scan3A_286 : i32 to index
      %get3A_300 = arith.constant 16 : index
      %get3A_301 = tpu.vector_load %arg9[%get3A_299, %get3A_300] {strides = array<i32>} : memref<128x64xf32, #tpu.memory_space<vmem>>, vector<1x16xf32>,
      %get3A_302 = vector.shape_cast %get3A_301 : vector<1x16xf32> to vector<16xf32>
      %mul3A_303 = arith.mulf %get3A_302, %get3A_289 : vector<16xf32>
      %swap3A_304 = arith.index_cast %scan3A_286 : i32 to index
      %swap3A_305 = arith.constant 16 : index
      %swap3A_306 = tpu.vector_load %arg9[%swap3A_304, %swap3A_305] {strides = array<i32>} : memref<128x64xf32, #tpu.memory_space<vmem>>, vector<1x16xf32>,
      %swap3A_307 = vector.shape_cast %swap3A_306 : vector<1x16xf32> to vector<16xf32>
      %swap3A_308 = vector.shape_cast %mul3A_303 : vector<16xf32> to vector<1x16xf32>
      tpu.vector_store %arg9[%swap3A_304, %swap3A_305], %swap3A_308 {strides = array<i32>} : memref<128x64xf32, #tpu.memory_space<vmem>>, vector<1x16xf32>,
      %get3A_309 = arith.index_cast %scan3A_286 : i32 to index
      %get3A_310 = arith.constant 32 : index
      %get3A_311 = tpu.vector_load %arg9[%get3A_309, %get3A_310] {strides = array<i32>} : memref<128x64xf32, #tpu.memory_space<vmem>>, vector<1x16xf32>,
      %get3A_312 = vector.shape_cast %get3A_311 : vector<1x16xf32> to vector<16xf32>
      %mul3A_313 = arith.mulf %get3A_312, %get3A_289 : vector<16xf32>
      %swap3A_314 = arith.index_cast %scan3A_286 : i32 to index
      %swap3A_315 = arith.constant 32 : index
      %swap3A_316 = tpu.vector_load %arg9[%swap3A_314, %swap3A_315] {strides = array<i32>} : memref<128x64xf32, #tpu.memory_space<vmem>>, vector<1x16xf32>,
      %swap3A_317 = vector.shape_cast %swap3A_316 : vector<1x16xf32> to vector<16xf32>
      %swap3A_318 = vector.shape_cast %mul3A_313 : vector<16xf32> to vector<1x16xf32>
      tpu.vector_store %arg9[%swap3A_314, %swap3A_315], %swap3A_318 {strides = array<i32>} : memref<128x64xf32, #tpu.memory_space<vmem>>, vector<1x16xf32>,
      %get3A_319 = arith.index_cast %scan3A_286 : i32 to index
      %get3A_320 = arith.constant 48 : index
      %get3A_321 = tpu.vector_load %arg9[%get3A_319, %get3A_320] {strides = array<i32>} : memref<128x64xf32, #tpu.memory_space<vmem>>, vector<1x16xf32>,
      %get3A_322 = vector.shape_cast %get3A_321 : vector<1x16xf32> to vector<16xf32>
      %mul3A_323 = arith.mulf %get3A_322, %get3A_289 : vector<16xf32>
      %swap3A_324 = arith.index_cast %scan3A_286 : i32 to index
      %swap3A_325 = arith.constant 48 : index
      %swap3A_326 = tpu.vector_load %arg9[%swap3A_324, %swap3A_325] {strides = array<i32>} : memref<128x64xf32, #tpu.memory_space<vmem>>, vector<1x16xf32>,
      %swap3A_327 = vector.shape_cast %swap3A_326 : vector<1x16xf32> to vector<16xf32>
      %swap3A_328 = vector.shape_cast %mul3A_323 : vector<16xf32> to vector<1x16xf32>
      tpu.vector_store %arg9[%swap3A_324, %swap3A_325], %swap3A_328 {strides = array<i32>} : memref<128x64xf32, #tpu.memory_space<vmem>>, vector<1x16xf32>,
    }
    %scan3A_191 = arith.constant 128 : i32
    "tpu.region"() ({
      %run_scoped3A = tpu.sem_alloc : memref<!tpu.dma_semaphore, #tpu.memory_space<semaphore_mem>>
      %dma_start3A_286 = arith.constant 0 : i32
      %dma_start3A_287 = tpu.memref_slice %arg12[%add3A_185, %dma_start3A_286] : memref<10240x64xf32, #tpu.memory_space<vmem_shared>> -> memref<128x64xf32, #tpu.memory_space<vmem_shared>>
      %dma_start3A_288 = arith.constant 0 : i32
      %dma_start3A_289 = tpu.memref_slice %arg12[%add3A_185, %dma_start3A_288] : memref<10240x64xf32, #tpu.memory_space<vmem_shared>> -> memref<128x64xf32, #tpu.memory_space<vmem_shared>>
      tpu.enqueue_dma source(%arg9 : memref<128x64xf32, #tpu.memory_space<vmem>>) target(%dma_start3A_289 : memref<128x64xf32, #tpu.memory_space<vmem_shared>>) target_semaphore(%run_scoped3A : memref<!tpu.dma_semaphore, #tpu.memory_space<semaphore_mem>>)
      %dma_wait3A_290 = arith.constant 0 : i32
      %dma_wait3A_291 = tpu.memref_slice %arg12[%add3A_185, %dma_wait3A_290] : memref<10240x64xf32, #tpu.memory_space<vmem_shared>> -> memref<128x64xf32, #tpu.memory_space<vmem_shared>>
      %dma_wait3A_292 = arith.constant 0 : i32
      %dma_wait3A_293 = tpu.memref_slice %arg12[%add3A_185, %dma_wait3A_292] : memref<10240x64xf32, #tpu.memory_space<vmem_shared>> -> memref<128x64xf32, #tpu.memory_space<vmem_shared>>
      tpu.wait_dma2 semaphore(%run_scoped3A : memref<!tpu.dma_semaphore, #tpu.memory_space<semaphore_mem>>) src(%arg9 : memref<128x64xf32, #tpu.memory_space<vmem>>) dst(%dma_wait3A_293 : memref<128x64xf32, #tpu.memory_space<vmem_shared>>)
      tpu.yield
    }) : () -> ()
    "tpu.region"() ({
      %run_scoped3A = tpu.sem_alloc : memref<!tpu.dma_semaphore, #tpu.memory_space<semaphore_mem>>
      %dma_start3A_286 = arith.constant 0 : i32
      %dma_start3A_287 = tpu.memref_slice %arg13[%add3A_185, %dma_start3A_286] : memref<10240x64xf32, #tpu.memory_space<vmem_shared>> -> memref<128x64xf32, #tpu.memory_space<vmem_shared>>
      %dma_start3A_288 = arith.constant 0 : i32
      %dma_start3A_289 = tpu.memref_slice %arg13[%add3A_185, %dma_start3A_288] : memref<10240x64xf32, #tpu.memory_space<vmem_shared>> -> memref<128x64xf32, #tpu.memory_space<vmem_shared>>
      tpu.enqueue_dma source(%arg9 : memref<128x64xf32, #tpu.memory_space<vmem>>) target(%dma_start3A_289 : memref<128x64xf32, #tpu.memory_space<vmem_shared>>) target_semaphore(%run_scoped3A : memref<!tpu.dma_semaphore, #tpu.memory_space<semaphore_mem>>)
      %dma_wait3A_290 = arith.constant 0 : i32
      %dma_wait3A_291 = tpu.memref_slice %arg13[%add3A_185, %dma_wait3A_290] : memref<10240x64xf32, #tpu.memory_space<vmem_shared>> -> memref<128x64xf32, #tpu.memory_space<vmem_shared>>
      %dma_wait3A_292 = arith.constant 0 : i32
      %dma_wait3A_293 = tpu.memref_slice %arg13[%add3A_185, %dma_wait3A_292] : memref<10240x64xf32, #tpu.memory_space<vmem_shared>> -> memref<128x64xf32, #tpu.memory_space<vmem_shared>>
      tpu.wait_dma2 semaphore(%run_scoped3A : memref<!tpu.dma_semaphore, #tpu.memory_space<semaphore_mem>>) src(%arg9 : memref<128x64xf32, #tpu.memory_space<vmem>>) dst(%dma_wait3A_293 : memref<128x64xf32, #tpu.memory_space<vmem_shared>>)
      tpu.yield
    }) : () -> ()
    %add3A_192 = arith.constant 256 : i32
    %add3A_193 = arith.addi %mul3A_0, %add3A_192 : i32
    "tpu.region"() ({
      %run_scoped3A = tpu.sem_alloc : memref<!tpu.dma_semaphore, #tpu.memory_space<semaphore_mem>>
      %dma_start3A_286 = arith.constant 0 : i32
      %dma_start3A_287 = tpu.memref_slice %arg13[%add3A_193, %dma_start3A_286] : memref<10240x64xf32, #tpu.memory_space<vmem_shared>> -> memref<128x64xf32, #tpu.memory_space<vmem_shared>>
      %dma_start3A_288 = arith.constant 0 : i32
      %dma_start3A_289 = tpu.memref_slice %arg13[%add3A_193, %dma_start3A_288] : memref<10240x64xf32, #tpu.memory_space<vmem_shared>> -> memref<128x64xf32, #tpu.memory_space<vmem_shared>>
      tpu.enqueue_dma source(%dma_start3A_289 : memref<128x64xf32, #tpu.memory_space<vmem_shared>>) target(%arg9 : memref<128x64xf32, #tpu.memory_space<vmem>>) target_semaphore(%run_scoped3A : memref<!tpu.dma_semaphore, #tpu.memory_space<semaphore_mem>>)
      %dma_wait3A_290 = arith.constant 0 : i32
      %dma_wait3A_291 = tpu.memref_slice %arg13[%add3A_193, %dma_wait3A_290] : memref<10240x64xf32, #tpu.memory_space<vmem_shared>> -> memref<128x64xf32, #tpu.memory_space<vmem_shared>>
      %dma_wait3A_292 = arith.constant 0 : i32
      %dma_wait3A_293 = tpu.memref_slice %arg13[%add3A_193, %dma_wait3A_292] : memref<10240x64xf32, #tpu.memory_space<vmem_shared>> -> memref<128x64xf32, #tpu.memory_space<vmem_shared>>
      tpu.wait_dma2 semaphore(%run_scoped3A : memref<!tpu.dma_semaphore, #tpu.memory_space<semaphore_mem>>) src(%dma_wait3A_293 : memref<128x64xf32, #tpu.memory_space<vmem_shared>>) dst(%arg9 : memref<128x64xf32, #tpu.memory_space<vmem>>)
      tpu.yield
    }) : () -> ()
    "tpu.region"() ({
      %run_scoped3A = tpu.sem_alloc : memref<!tpu.dma_semaphore, #tpu.memory_space<semaphore_mem>>
      %dma_start3A_286 = arith.constant 0 : i32
      %dma_start3A_287 = tpu.memref_slice %arg5[%add3A_193, %dma_start3A_286] : memref<10240x16xf32, #tpu.memory_space<hbm>> -> memref<128x16xf32, #tpu.memory_space<hbm>>
      %dma_start3A_288 = arith.constant 0 : i32
      %dma_start3A_289 = tpu.memref_slice %arg5[%add3A_193, %dma_start3A_288] : memref<10240x16xf32, #tpu.memory_space<hbm>> -> memref<128x16xf32, #tpu.memory_space<hbm>>
      tpu.enqueue_dma source(%dma_start3A_289 : memref<128x16xf32, #tpu.memory_space<hbm>>) target(%arg11 : memref<128x16xf32, #tpu.memory_space<vmem>>) target_semaphore(%run_scoped3A : memref<!tpu.dma_semaphore, #tpu.memory_space<semaphore_mem>>)
      %dma_wait3A_290 = arith.constant 0 : i32
      %dma_wait3A_291 = tpu.memref_slice %arg5[%add3A_193, %dma_wait3A_290] : memref<10240x16xf32, #tpu.memory_space<hbm>> -> memref<128x16xf32, #tpu.memory_space<hbm>>
      %dma_wait3A_292 = arith.constant 0 : i32
      %dma_wait3A_293 = tpu.memref_slice %arg5[%add3A_193, %dma_wait3A_292] : memref<10240x16xf32, #tpu.memory_space<hbm>> -> memref<128x16xf32, #tpu.memory_space<hbm>>
      tpu.wait_dma2 semaphore(%run_scoped3A : memref<!tpu.dma_semaphore, #tpu.memory_space<semaphore_mem>>) src(%dma_wait3A_293 : memref<128x16xf32, #tpu.memory_space<hbm>>) dst(%arg11 : memref<128x16xf32, #tpu.memory_space<vmem>>)
      tpu.yield
    }) : () -> ()
    %scan3A_194 = arith.constant 0 : i32
    %scan3A_195 = arith.constant 0 : i32
    %scan3A_196 = arith.constant 128 : i32
    %scan3A_197 = arith.addi %scan3A_195, %scan3A_196 : i32
    %scan3A_198 = arith.constant 1 : i32
    scf.for %scan3A_286 = %scan3A_195 to %scan3A_197 step %scan3A_198  : i32 {
      %get3A = arith.index_cast %scan3A_286 : i32 to index
      %get3A_287 = arith.constant 0 : index
      %get3A_288 = tpu.vector_load %arg11[%get3A, %get3A_287] {strides = array<i32>} : memref<128x16xf32, #tpu.memory_space<vmem>>, vector<1x16xf32>,
      %get3A_289 = vector.shape_cast %get3A_288 : vector<1x16xf32> to vector<16xf32>
      %get3A_290 = arith.index_cast %scan3A_286 : i32 to index
      %get3A_291 = arith.constant 0 : index
      %get3A_292 = tpu.vector_load %arg9[%get3A_290, %get3A_291] {strides = array<i32>} : memref<128x64xf32, #tpu.memory_space<vmem>>, vector<1x16xf32>,
      %get3A_293 = vector.shape_cast %get3A_292 : vector<1x16xf32> to vector<16xf32>
      %mul3A_294 = arith.mulf %get3A_293, %get3A_289 : vector<16xf32>
      %swap3A = arith.index_cast %scan3A_286 : i32 to index
      %swap3A_295 = arith.constant 0 : index
      %swap3A_296 = tpu.vector_load %arg9[%swap3A, %swap3A_295] {strides = array<i32>} : memref<128x64xf32, #tpu.memory_space<vmem>>, vector<1x16xf32>,
      %swap3A_297 = vector.shape_cast %swap3A_296 : vector<1x16xf32> to vector<16xf32>
      %swap3A_298 = vector.shape_cast %mul3A_294 : vector<16xf32> to vector<1x16xf32>
      tpu.vector_store %arg9[%swap3A, %swap3A_295], %swap3A_298 {strides = array<i32>} : memref<128x64xf32, #tpu.memory_space<vmem>>, vector<1x16xf32>,
      %get3A_299 = arith.index_cast %scan3A_286 : i32 to index
      %get3A_300 = arith.constant 16 : index
      %get3A_301 = tpu.vector_load %arg9[%get3A_299, %get3A_300] {strides = array<i32>} : memref<128x64xf32, #tpu.memory_space<vmem>>, vector<1x16xf32>,
      %get3A_302 = vector.shape_cast %get3A_301 : vector<1x16xf32> to vector<16xf32>
      %mul3A_303 = arith.mulf %get3A_302, %get3A_289 : vector<16xf32>
      %swap3A_304 = arith.index_cast %scan3A_286 : i32 to index
      %swap3A_305 = arith.constant 16 : index
      %swap3A_306 = tpu.vector_load %arg9[%swap3A_304, %swap3A_305] {strides = array<i32>} : memref<128x64xf32, #tpu.memory_space<vmem>>, vector<1x16xf32>,
      %swap3A_307 = vector.shape_cast %swap3A_306 : vector<1x16xf32> to vector<16xf32>
      %swap3A_308 = vector.shape_cast %mul3A_303 : vector<16xf32> to vector<1x16xf32>
      tpu.vector_store %arg9[%swap3A_304, %swap3A_305], %swap3A_308 {strides = array<i32>} : memref<128x64xf32, #tpu.memory_space<vmem>>, vector<1x16xf32>,
      %get3A_309 = arith.index_cast %scan3A_286 : i32 to index
      %get3A_310 = arith.constant 32 : index
      %get3A_311 = tpu.vector_load %arg9[%get3A_309, %get3A_310] {strides = array<i32>} : memref<128x64xf32, #tpu.memory_space<vmem>>, vector<1x16xf32>,
      %get3A_312 = vector.shape_cast %get3A_311 : vector<1x16xf32> to vector<16xf32>
      %mul3A_313 = arith.mulf %get3A_312, %get3A_289 : vector<16xf32>
      %swap3A_314 = arith.index_cast %scan3A_286 : i32 to index
      %swap3A_315 = arith.constant 32 : index
      %swap3A_316 = tpu.vector_load %arg9[%swap3A_314, %swap3A_315] {strides = array<i32>} : memref<128x64xf32, #tpu.memory_space<vmem>>, vector<1x16xf32>,
      %swap3A_317 = vector.shape_cast %swap3A_316 : vector<1x16xf32> to vector<16xf32>
      %swap3A_318 = vector.shape_cast %mul3A_313 : vector<16xf32> to vector<1x16xf32>
      tpu.vector_store %arg9[%swap3A_314, %swap3A_315], %swap3A_318 {strides = array<i32>} : memref<128x64xf32, #tpu.memory_space<vmem>>, vector<1x16xf32>,
      %get3A_319 = arith.index_cast %scan3A_286 : i32 to index
      %get3A_320 = arith.constant 48 : index
      %get3A_321 = tpu.vector_load %arg9[%get3A_319, %get3A_320] {strides = array<i32>} : memref<128x64xf32, #tpu.memory_space<vmem>>, vector<1x16xf32>,
      %get3A_322 = vector.shape_cast %get3A_321 : vector<1x16xf32> to vector<16xf32>
      %mul3A_323 = arith.mulf %get3A_322, %get3A_289 : vector<16xf32>
      %swap3A_324 = arith.index_cast %scan3A_286 : i32 to index
      %swap3A_325 = arith.constant 48 : index
      %swap3A_326 = tpu.vector_load %arg9[%swap3A_324, %swap3A_325] {strides = array<i32>} : memref<128x64xf32, #tpu.memory_space<vmem>>, vector<1x16xf32>,
      %swap3A_327 = vector.shape_cast %swap3A_326 : vector<1x16xf32> to vector<16xf32>
      %swap3A_328 = vector.shape_cast %mul3A_323 : vector<16xf32> to vector<1x16xf32>
      tpu.vector_store %arg9[%swap3A_324, %swap3A_325], %swap3A_328 {strides = array<i32>} : memref<128x64xf32, #tpu.memory_space<vmem>>, vector<1x16xf32>,
    }
    %scan3A_199 = arith.constant 128 : i32
    "tpu.region"() ({
      %run_scoped3A = tpu.sem_alloc : memref<!tpu.dma_semaphore, #tpu.memory_space<semaphore_mem>>
      %dma_start3A_286 = arith.constant 0 : i32
      %dma_start3A_287 = tpu.memref_slice %arg12[%add3A_193, %dma_start3A_286] : memref<10240x64xf32, #tpu.memory_space<vmem_shared>> -> memref<128x64xf32, #tpu.memory_space<vmem_shared>>
      %dma_start3A_288 = arith.constant 0 : i32
      %dma_start3A_289 = tpu.memref_slice %arg12[%add3A_193, %dma_start3A_288] : memref<10240x64xf32, #tpu.memory_space<vmem_shared>> -> memref<128x64xf32, #tpu.memory_space<vmem_shared>>
      tpu.enqueue_dma source(%arg9 : memref<128x64xf32, #tpu.memory_space<vmem>>) target(%dma_start3A_289 : memref<128x64xf32, #tpu.memory_space<vmem_shared>>) target_semaphore(%run_scoped3A : memref<!tpu.dma_semaphore, #tpu.memory_space<semaphore_mem>>)
      %dma_wait3A_290 = arith.constant 0 : i32
      %dma_wait3A_291 = tpu.memref_slice %arg12[%add3A_193, %dma_wait3A_290] : memref<10240x64xf32, #tpu.memory_space<vmem_shared>> -> memref<128x64xf32, #tpu.memory_space<vmem_shared>>
      %dma_wait3A_292 = arith.constant 0 : i32
      %dma_wait3A_293 = tpu.memref_slice %arg12[%add3A_193, %dma_wait3A_292] : memref<10240x64xf32, #tpu.memory_space<vmem_shared>> -> memref<128x64xf32, #tpu.memory_space<vmem_shared>>
      tpu.wait_dma2 semaphore(%run_scoped3A : memref<!tpu.dma_semaphore, #tpu.memory_space<semaphore_mem>>) src(%arg9 : memref<128x64xf32, #tpu.memory_space<vmem>>) dst(%dma_wait3A_293 : memref<128x64xf32, #tpu.memory_space<vmem_shared>>)
      tpu.yield
    }) : () -> ()
    "tpu.region"() ({
      %run_scoped3A = tpu.sem_alloc : memref<!tpu.dma_semaphore, #tpu.memory_space<semaphore_mem>>
      %dma_start3A_286 = arith.constant 0 : i32
      %dma_start3A_287 = tpu.memref_slice %arg13[%add3A_193, %dma_start3A_286] : memref<10240x64xf32, #tpu.memory_space<vmem_shared>> -> memref<128x64xf32, #tpu.memory_space<vmem_shared>>
      %dma_start3A_288 = arith.constant 0 : i32
      %dma_start3A_289 = tpu.memref_slice %arg13[%add3A_193, %dma_start3A_288] : memref<10240x64xf32, #tpu.memory_space<vmem_shared>> -> memref<128x64xf32, #tpu.memory_space<vmem_shared>>
      tpu.enqueue_dma source(%arg9 : memref<128x64xf32, #tpu.memory_space<vmem>>) target(%dma_start3A_289 : memref<128x64xf32, #tpu.memory_space<vmem_shared>>) target_semaphore(%run_scoped3A : memref<!tpu.dma_semaphore, #tpu.memory_space<semaphore_mem>>)
      %dma_wait3A_290 = arith.constant 0 : i32
      %dma_wait3A_291 = tpu.memref_slice %arg13[%add3A_193, %dma_wait3A_290] : memref<10240x64xf32, #tpu.memory_space<vmem_shared>> -> memref<128x64xf32, #tpu.memory_space<vmem_shared>>
      %dma_wait3A_292 = arith.constant 0 : i32
      %dma_wait3A_293 = tpu.memref_slice %arg13[%add3A_193, %dma_wait3A_292] : memref<10240x64xf32, #tpu.memory_space<vmem_shared>> -> memref<128x64xf32, #tpu.memory_space<vmem_shared>>
      tpu.wait_dma2 semaphore(%run_scoped3A : memref<!tpu.dma_semaphore, #tpu.memory_space<semaphore_mem>>) src(%arg9 : memref<128x64xf32, #tpu.memory_space<vmem>>) dst(%dma_wait3A_293 : memref<128x64xf32, #tpu.memory_space<vmem_shared>>)
      tpu.yield
    }) : () -> ()
    %add3A_200 = arith.constant 384 : i32
    %add3A_201 = arith.addi %mul3A_0, %add3A_200 : i32
    "tpu.region"() ({
      %run_scoped3A = tpu.sem_alloc : memref<!tpu.dma_semaphore, #tpu.memory_space<semaphore_mem>>
      %dma_start3A_286 = arith.constant 0 : i32
      %dma_start3A_287 = tpu.memref_slice %arg13[%add3A_201, %dma_start3A_286] : memref<10240x64xf32, #tpu.memory_space<vmem_shared>> -> memref<128x64xf32, #tpu.memory_space<vmem_shared>>
      %dma_start3A_288 = arith.constant 0 : i32
      %dma_start3A_289 = tpu.memref_slice %arg13[%add3A_201, %dma_start3A_288] : memref<10240x64xf32, #tpu.memory_space<vmem_shared>> -> memref<128x64xf32, #tpu.memory_space<vmem_shared>>
      tpu.enqueue_dma source(%dma_start3A_289 : memref<128x64xf32, #tpu.memory_space<vmem_shared>>) target(%arg9 : memref<128x64xf32, #tpu.memory_space<vmem>>) target_semaphore(%run_scoped3A : memref<!tpu.dma_semaphore, #tpu.memory_space<semaphore_mem>>)
      %dma_wait3A_290 = arith.constant 0 : i32
      %dma_wait3A_291 = tpu.memref_slice %arg13[%add3A_201, %dma_wait3A_290] : memref<10240x64xf32, #tpu.memory_space<vmem_shared>> -> memref<128x64xf32, #tpu.memory_space<vmem_shared>>
      %dma_wait3A_292 = arith.constant 0 : i32
      %dma_wait3A_293 = tpu.memref_slice %arg13[%add3A_201, %dma_wait3A_292] : memref<10240x64xf32, #tpu.memory_space<vmem_shared>> -> memref<128x64xf32, #tpu.memory_space<vmem_shared>>
      tpu.wait_dma2 semaphore(%run_scoped3A : memref<!tpu.dma_semaphore, #tpu.memory_space<semaphore_mem>>) src(%dma_wait3A_293 : memref<128x64xf32, #tpu.memory_space<vmem_shared>>) dst(%arg9 : memref<128x64xf32, #tpu.memory_space<vmem>>)
      tpu.yield
    }) : () -> ()
    "tpu.region"() ({
      %run_scoped3A = tpu.sem_alloc : memref<!tpu.dma_semaphore, #tpu.memory_space<semaphore_mem>>
      %dma_start3A_286 = arith.constant 0 : i32
      %dma_start3A_287 = tpu.memref_slice %arg5[%add3A_201, %dma_start3A_286] : memref<10240x16xf32, #tpu.memory_space<hbm>> -> memref<128x16xf32, #tpu.memory_space<hbm>>
      %dma_start3A_288 = arith.constant 0 : i32
      %dma_start3A_289 = tpu.memref_slice %arg5[%add3A_201, %dma_start3A_288] : memref<10240x16xf32, #tpu.memory_space<hbm>> -> memref<128x16xf32, #tpu.memory_space<hbm>>
      tpu.enqueue_dma source(%dma_start3A_289 : memref<128x16xf32, #tpu.memory_space<hbm>>) target(%arg11 : memref<128x16xf32, #tpu.memory_space<vmem>>) target_semaphore(%run_scoped3A : memref<!tpu.dma_semaphore, #tpu.memory_space<semaphore_mem>>)
      %dma_wait3A_290 = arith.constant 0 : i32
      %dma_wait3A_291 = tpu.memref_slice %arg5[%add3A_201, %dma_wait3A_290] : memref<10240x16xf32, #tpu.memory_space<hbm>> -> memref<128x16xf32, #tpu.memory_space<hbm>>
      %dma_wait3A_292 = arith.constant 0 : i32
      %dma_wait3A_293 = tpu.memref_slice %arg5[%add3A_201, %dma_wait3A_292] : memref<10240x16xf32, #tpu.memory_space<hbm>> -> memref<128x16xf32, #tpu.memory_space<hbm>>
      tpu.wait_dma2 semaphore(%run_scoped3A : memref<!tpu.dma_semaphore, #tpu.memory_space<semaphore_mem>>) src(%dma_wait3A_293 : memref<128x16xf32, #tpu.memory_space<hbm>>) dst(%arg11 : memref<128x16xf32, #tpu.memory_space<vmem>>)
      tpu.yield
    }) : () -> ()
    %scan3A_202 = arith.constant 0 : i32
    %scan3A_203 = arith.constant 0 : i32
    %scan3A_204 = arith.constant 128 : i32
    %scan3A_205 = arith.addi %scan3A_203, %scan3A_204 : i32
    %scan3A_206 = arith.constant 1 : i32
    scf.for %scan3A_286 = %scan3A_203 to %scan3A_205 step %scan3A_206  : i32 {
      %get3A = arith.index_cast %scan3A_286 : i32 to index
      %get3A_287 = arith.constant 0 : index
      %get3A_288 = tpu.vector_load %arg11[%get3A, %get3A_287] {strides = array<i32>} : memref<128x16xf32, #tpu.memory_space<vmem>>, vector<1x16xf32>,
      %get3A_289 = vector.shape_cast %get3A_288 : vector<1x16xf32> to vector<16xf32>
      %get3A_290 = arith.index_cast %scan3A_286 : i32 to index
      %get3A_291 = arith.constant 0 : index
      %get3A_292 = tpu.vector_load %arg9[%get3A_290, %get3A_291] {strides = array<i32>} : memref<128x64xf32, #tpu.memory_space<vmem>>, vector<1x16xf32>,
      %get3A_293 = vector.shape_cast %get3A_292 : vector<1x16xf32> to vector<16xf32>
      %mul3A_294 = arith.mulf %get3A_293, %get3A_289 : vector<16xf32>
      %swap3A = arith.index_cast %scan3A_286 : i32 to index
      %swap3A_295 = arith.constant 0 : index
      %swap3A_296 = tpu.vector_load %arg9[%swap3A, %swap3A_295] {strides = array<i32>} : memref<128x64xf32, #tpu.memory_space<vmem>>, vector<1x16xf32>,
      %swap3A_297 = vector.shape_cast %swap3A_296 : vector<1x16xf32> to vector<16xf32>
      %swap3A_298 = vector.shape_cast %mul3A_294 : vector<16xf32> to vector<1x16xf32>
      tpu.vector_store %arg9[%swap3A, %swap3A_295], %swap3A_298 {strides = array<i32>} : memref<128x64xf32, #tpu.memory_space<vmem>>, vector<1x16xf32>,
      %get3A_299 = arith.index_cast %scan3A_286 : i32 to index
      %get3A_300 = arith.constant 16 : index
      %get3A_301 = tpu.vector_load %arg9[%get3A_299, %get3A_300] {strides = array<i32>} : memref<128x64xf32, #tpu.memory_space<vmem>>, vector<1x16xf32>,
      %get3A_302 = vector.shape_cast %get3A_301 : vector<1x16xf32> to vector<16xf32>
      %mul3A_303 = arith.mulf %get3A_302, %get3A_289 : vector<16xf32>
      %swap3A_304 = arith.index_cast %scan3A_286 : i32 to index
      %swap3A_305 = arith.constant 16 : index
      %swap3A_306 = tpu.vector_load %arg9[%swap3A_304, %swap3A_305] {strides = array<i32>} : memref<128x64xf32, #tpu.memory_space<vmem>>, vector<1x16xf32>,
      %swap3A_307 = vector.shape_cast %swap3A_306 : vector<1x16xf32> to vector<16xf32>
      %swap3A_308 = vector.shape_cast %mul3A_303 : vector<16xf32> to vector<1x16xf32>
      tpu.vector_store %arg9[%swap3A_304, %swap3A_305], %swap3A_308 {strides = array<i32>} : memref<128x64xf32, #tpu.memory_space<vmem>>, vector<1x16xf32>,
      %get3A_309 = arith.index_cast %scan3A_286 : i32 to index
      %get3A_310 = arith.constant 32 : index
      %get3A_311 = tpu.vector_load %arg9[%get3A_309, %get3A_310] {strides = array<i32>} : memref<128x64xf32, #tpu.memory_space<vmem>>, vector<1x16xf32>,
      %get3A_312 = vector.shape_cast %get3A_311 : vector<1x16xf32> to vector<16xf32>
      %mul3A_313 = arith.mulf %get3A_312, %get3A_289 : vector<16xf32>
      %swap3A_314 = arith.index_cast %scan3A_286 : i32 to index
      %swap3A_315 = arith.constant 32 : index
      %swap3A_316 = tpu.vector_load %arg9[%swap3A_314, %swap3A_315] {strides = array<i32>} : memref<128x64xf32, #tpu.memory_space<vmem>>, vector<1x16xf32>,
      %swap3A_317 = vector.shape_cast %swap3A_316 : vector<1x16xf32> to vector<16xf32>
      %swap3A_318 = vector.shape_cast %mul3A_313 : vector<16xf32> to vector<1x16xf32>
      tpu.vector_store %arg9[%swap3A_314, %swap3A_315], %swap3A_318 {strides = array<i32>} : memref<128x64xf32, #tpu.memory_space<vmem>>, vector<1x16xf32>,
      %get3A_319 = arith.index_cast %scan3A_286 : i32 to index
      %get3A_320 = arith.constant 48 : index
      %get3A_321 = tpu.vector_load %arg9[%get3A_319, %get3A_320] {strides = array<i32>} : memref<128x64xf32, #tpu.memory_space<vmem>>, vector<1x16xf32>,
      %get3A_322 = vector.shape_cast %get3A_321 : vector<1x16xf32> to vector<16xf32>
      %mul3A_323 = arith.mulf %get3A_322, %get3A_289 : vector<16xf32>
      %swap3A_324 = arith.index_cast %scan3A_286 : i32 to index
      %swap3A_325 = arith.constant 48 : index
      %swap3A_326 = tpu.vector_load %arg9[%swap3A_324, %swap3A_325] {strides = array<i32>} : memref<128x64xf32, #tpu.memory_space<vmem>>, vector<1x16xf32>,
      %swap3A_327 = vector.shape_cast %swap3A_326 : vector<1x16xf32> to vector<16xf32>
      %swap3A_328 = vector.shape_cast %mul3A_323 : vector<16xf32> to vector<1x16xf32>
      tpu.vector_store %arg9[%swap3A_324, %swap3A_325], %swap3A_328 {strides = array<i32>} : memref<128x64xf32, #tpu.memory_space<vmem>>, vector<1x16xf32>,
    }
    %scan3A_207 = arith.constant 128 : i32
    "tpu.region"() ({
      %run_scoped3A = tpu.sem_alloc : memref<!tpu.dma_semaphore, #tpu.memory_space<semaphore_mem>>
      %dma_start3A_286 = arith.constant 0 : i32
      %dma_start3A_287 = tpu.memref_slice %arg12[%add3A_201, %dma_start3A_286] : memref<10240x64xf32, #tpu.memory_space<vmem_shared>> -> memref<128x64xf32, #tpu.memory_space<vmem_shared>>
      %dma_start3A_288 = arith.constant 0 : i32
      %dma_start3A_289 = tpu.memref_slice %arg12[%add3A_201, %dma_start3A_288] : memref<10240x64xf32, #tpu.memory_space<vmem_shared>> -> memref<128x64xf32, #tpu.memory_space<vmem_shared>>
      tpu.enqueue_dma source(%arg9 : memref<128x64xf32, #tpu.memory_space<vmem>>) target(%dma_start3A_289 : memref<128x64xf32, #tpu.memory_space<vmem_shared>>) target_semaphore(%run_scoped3A : memref<!tpu.dma_semaphore, #tpu.memory_space<semaphore_mem>>)
      %dma_wait3A_290 = arith.constant 0 : i32
      %dma_wait3A_291 = tpu.memref_slice %arg12[%add3A_201, %dma_wait3A_290] : memref<10240x64xf32, #tpu.memory_space<vmem_shared>> -> memref<128x64xf32, #tpu.memory_space<vmem_shared>>
      %dma_wait3A_292 = arith.constant 0 : i32
      %dma_wait3A_293 = tpu.memref_slice %arg12[%add3A_201, %dma_wait3A_292] : memref<10240x64xf32, #tpu.memory_space<vmem_shared>> -> memref<128x64xf32, #tpu.memory_space<vmem_shared>>
      tpu.wait_dma2 semaphore(%run_scoped3A : memref<!tpu.dma_semaphore, #tpu.memory_space<semaphore_mem>>) src(%arg9 : memref<128x64xf32, #tpu.memory_space<vmem>>) dst(%dma_wait3A_293 : memref<128x64xf32, #tpu.memory_space<vmem_shared>>)
      tpu.yield
    }) : () -> ()
    "tpu.region"() ({
      %run_scoped3A = tpu.sem_alloc : memref<!tpu.dma_semaphore, #tpu.memory_space<semaphore_mem>>
      %dma_start3A_286 = arith.constant 0 : i32
      %dma_start3A_287 = tpu.memref_slice %arg13[%add3A_201, %dma_start3A_286] : memref<10240x64xf32, #tpu.memory_space<vmem_shared>> -> memref<128x64xf32, #tpu.memory_space<vmem_shared>>
      %dma_start3A_288 = arith.constant 0 : i32
      %dma_start3A_289 = tpu.memref_slice %arg13[%add3A_201, %dma_start3A_288] : memref<10240x64xf32, #tpu.memory_space<vmem_shared>> -> memref<128x64xf32, #tpu.memory_space<vmem_shared>>
      tpu.enqueue_dma source(%arg9 : memref<128x64xf32, #tpu.memory_space<vmem>>) target(%dma_start3A_289 : memref<128x64xf32, #tpu.memory_space<vmem_shared>>) target_semaphore(%run_scoped3A : memref<!tpu.dma_semaphore, #tpu.memory_space<semaphore_mem>>)
      %dma_wait3A_290 = arith.constant 0 : i32
      %dma_wait3A_291 = tpu.memref_slice %arg13[%add3A_201, %dma_wait3A_290] : memref<10240x64xf32, #tpu.memory_space<vmem_shared>> -> memref<128x64xf32, #tpu.memory_space<vmem_shared>>
      %dma_wait3A_292 = arith.constant 0 : i32
      %dma_wait3A_293 = tpu.memref_slice %arg13[%add3A_201, %dma_wait3A_292] : memref<10240x64xf32, #tpu.memory_space<vmem_shared>> -> memref<128x64xf32, #tpu.memory_space<vmem_shared>>
      tpu.wait_dma2 semaphore(%run_scoped3A : memref<!tpu.dma_semaphore, #tpu.memory_space<semaphore_mem>>) src(%arg9 : memref<128x64xf32, #tpu.memory_space<vmem>>) dst(%dma_wait3A_293 : memref<128x64xf32, #tpu.memory_space<vmem_shared>>)
      tpu.yield
    }) : () -> ()
    %add3A_208 = arith.constant 512 : i32
    %add3A_209 = arith.addi %mul3A_0, %add3A_208 : i32
    "tpu.region"() ({
      %run_scoped3A = tpu.sem_alloc : memref<!tpu.dma_semaphore, #tpu.memory_space<semaphore_mem>>
      %dma_start3A_286 = arith.constant 0 : i32
      %dma_start3A_287 = tpu.memref_slice %arg13[%add3A_209, %dma_start3A_286] : memref<10240x64xf32, #tpu.memory_space<vmem_shared>> -> memref<128x64xf32, #tpu.memory_space<vmem_shared>>
      %dma_start3A_288 = arith.constant 0 : i32
      %dma_start3A_289 = tpu.memref_slice %arg13[%add3A_209, %dma_start3A_288] : memref<10240x64xf32, #tpu.memory_space<vmem_shared>> -> memref<128x64xf32, #tpu.memory_space<vmem_shared>>
      tpu.enqueue_dma source(%dma_start3A_289 : memref<128x64xf32, #tpu.memory_space<vmem_shared>>) target(%arg9 : memref<128x64xf32, #tpu.memory_space<vmem>>) target_semaphore(%run_scoped3A : memref<!tpu.dma_semaphore, #tpu.memory_space<semaphore_mem>>)
      %dma_wait3A_290 = arith.constant 0 : i32
      %dma_wait3A_291 = tpu.memref_slice %arg13[%add3A_209, %dma_wait3A_290] : memref<10240x64xf32, #tpu.memory_space<vmem_shared>> -> memref<128x64xf32, #tpu.memory_space<vmem_shared>>
      %dma_wait3A_292 = arith.constant 0 : i32
      %dma_wait3A_293 = tpu.memref_slice %arg13[%add3A_209, %dma_wait3A_292] : memref<10240x64xf32, #tpu.memory_space<vmem_shared>> -> memref<128x64xf32, #tpu.memory_space<vmem_shared>>
      tpu.wait_dma2 semaphore(%run_scoped3A : memref<!tpu.dma_semaphore, #tpu.memory_space<semaphore_mem>>) src(%dma_wait3A_293 : memref<128x64xf32, #tpu.memory_space<vmem_shared>>) dst(%arg9 : memref<128x64xf32, #tpu.memory_space<vmem>>)
      tpu.yield
    }) : () -> ()
    "tpu.region"() ({
      %run_scoped3A = tpu.sem_alloc : memref<!tpu.dma_semaphore, #tpu.memory_space<semaphore_mem>>
      %dma_start3A_286 = arith.constant 0 : i32
      %dma_start3A_287 = tpu.memref_slice %arg5[%add3A_209, %dma_start3A_286] : memref<10240x16xf32, #tpu.memory_space<hbm>> -> memref<128x16xf32, #tpu.memory_space<hbm>>
      %dma_start3A_288 = arith.constant 0 : i32
      %dma_start3A_289 = tpu.memref_slice %arg5[%add3A_209, %dma_start3A_288] : memref<10240x16xf32, #tpu.memory_space<hbm>> -> memref<128x16xf32, #tpu.memory_space<hbm>>
      tpu.enqueue_dma source(%dma_start3A_289 : memref<128x16xf32, #tpu.memory_space<hbm>>) target(%arg11 : memref<128x16xf32, #tpu.memory_space<vmem>>) target_semaphore(%run_scoped3A : memref<!tpu.dma_semaphore, #tpu.memory_space<semaphore_mem>>)
      %dma_wait3A_290 = arith.constant 0 : i32
      %dma_wait3A_291 = tpu.memref_slice %arg5[%add3A_209, %dma_wait3A_290] : memref<10240x16xf32, #tpu.memory_space<hbm>> -> memref<128x16xf32, #tpu.memory_space<hbm>>
      %dma_wait3A_292 = arith.constant 0 : i32
      %dma_wait3A_293 = tpu.memref_slice %arg5[%add3A_209, %dma_wait3A_292] : memref<10240x16xf32, #tpu.memory_space<hbm>> -> memref<128x16xf32, #tpu.memory_space<hbm>>
      tpu.wait_dma2 semaphore(%run_scoped3A : memref<!tpu.dma_semaphore, #tpu.memory_space<semaphore_mem>>) src(%dma_wait3A_293 : memref<128x16xf32, #tpu.memory_space<hbm>>) dst(%arg11 : memref<128x16xf32, #tpu.memory_space<vmem>>)
      tpu.yield
    }) : () -> ()
    %scan3A_210 = arith.constant 0 : i32
    %scan3A_211 = arith.constant 0 : i32
    %scan3A_212 = arith.constant 128 : i32
    %scan3A_213 = arith.addi %scan3A_211, %scan3A_212 : i32
    %scan3A_214 = arith.constant 1 : i32
    scf.for %scan3A_286 = %scan3A_211 to %scan3A_213 step %scan3A_214  : i32 {
      %get3A = arith.index_cast %scan3A_286 : i32 to index
      %get3A_287 = arith.constant 0 : index
      %get3A_288 = tpu.vector_load %arg11[%get3A, %get3A_287] {strides = array<i32>} : memref<128x16xf32, #tpu.memory_space<vmem>>, vector<1x16xf32>,
      %get3A_289 = vector.shape_cast %get3A_288 : vector<1x16xf32> to vector<16xf32>
      %get3A_290 = arith.index_cast %scan3A_286 : i32 to index
      %get3A_291 = arith.constant 0 : index
      %get3A_292 = tpu.vector_load %arg9[%get3A_290, %get3A_291] {strides = array<i32>} : memref<128x64xf32, #tpu.memory_space<vmem>>, vector<1x16xf32>,
      %get3A_293 = vector.shape_cast %get3A_292 : vector<1x16xf32> to vector<16xf32>
      %mul3A_294 = arith.mulf %get3A_293, %get3A_289 : vector<16xf32>
      %swap3A = arith.index_cast %scan3A_286 : i32 to index
      %swap3A_295 = arith.constant 0 : index
      %swap3A_296 = tpu.vector_load %arg9[%swap3A, %swap3A_295] {strides = array<i32>} : memref<128x64xf32, #tpu.memory_space<vmem>>, vector<1x16xf32>,
      %swap3A_297 = vector.shape_cast %swap3A_296 : vector<1x16xf32> to vector<16xf32>
      %swap3A_298 = vector.shape_cast %mul3A_294 : vector<16xf32> to vector<1x16xf32>
      tpu.vector_store %arg9[%swap3A, %swap3A_295], %swap3A_298 {strides = array<i32>} : memref<128x64xf32, #tpu.memory_space<vmem>>, vector<1x16xf32>,
      %get3A_299 = arith.index_cast %scan3A_286 : i32 to index
      %get3A_300 = arith.constant 16 : index
      %get3A_301 = tpu.vector_load %arg9[%get3A_299, %get3A_300] {strides = array<i32>} : memref<128x64xf32, #tpu.memory_space<vmem>>, vector<1x16xf32>,
      %get3A_302 = vector.shape_cast %get3A_301 : vector<1x16xf32> to vector<16xf32>
      %mul3A_303 = arith.mulf %get3A_302, %get3A_289 : vector<16xf32>
      %swap3A_304 = arith.index_cast %scan3A_286 : i32 to index
      %swap3A_305 = arith.constant 16 : index
      %swap3A_306 = tpu.vector_load %arg9[%swap3A_304, %swap3A_305] {strides = array<i32>} : memref<128x64xf32, #tpu.memory_space<vmem>>, vector<1x16xf32>,
      %swap3A_307 = vector.shape_cast %swap3A_306 : vector<1x16xf32> to vector<16xf32>
      %swap3A_308 = vector.shape_cast %mul3A_303 : vector<16xf32> to vector<1x16xf32>
      tpu.vector_store %arg9[%swap3A_304, %swap3A_305], %swap3A_308 {strides = array<i32>} : memref<128x64xf32, #tpu.memory_space<vmem>>, vector<1x16xf32>,
      %get3A_309 = arith.index_cast %scan3A_286 : i32 to index
      %get3A_310 = arith.constant 32 : index
      %get3A_311 = tpu.vector_load %arg9[%get3A_309, %get3A_310] {strides = array<i32>} : memref<128x64xf32, #tpu.memory_space<vmem>>, vector<1x16xf32>,
      %get3A_312 = vector.shape_cast %get3A_311 : vector<1x16xf32> to vector<16xf32>
      %mul3A_313 = arith.mulf %get3A_312, %get3A_289 : vector<16xf32>
      %swap3A_314 = arith.index_cast %scan3A_286 : i32 to index
      %swap3A_315 = arith.constant 32 : index
      %swap3A_316 = tpu.vector_load %arg9[%swap3A_314, %swap3A_315] {strides = array<i32>} : memref<128x64xf32, #tpu.memory_space<vmem>>, vector<1x16xf32>,
      %swap3A_317 = vector.shape_cast %swap3A_316 : vector<1x16xf32> to vector<16xf32>
      %swap3A_318 = vector.shape_cast %mul3A_313 : vector<16xf32> to vector<1x16xf32>
      tpu.vector_store %arg9[%swap3A_314, %swap3A_315], %swap3A_318 {strides = array<i32>} : memref<128x64xf32, #tpu.memory_space<vmem>>, vector<1x16xf32>,
      %get3A_319 = arith.index_cast %scan3A_286 : i32 to index
      %get3A_320 = arith.constant 48 : index
      %get3A_321 = tpu.vector_load %arg9[%get3A_319, %get3A_320] {strides = array<i32>} : memref<128x64xf32, #tpu.memory_space<vmem>>, vector<1x16xf32>,
      %get3A_322 = vector.shape_cast %get3A_321 : vector<1x16xf32> to vector<16xf32>
      %mul3A_323 = arith.mulf %get3A_322, %get3A_289 : vector<16xf32>
      %swap3A_324 = arith.index_cast %scan3A_286 : i32 to index
      %swap3A_325 = arith.constant 48 : index
      %swap3A_326 = tpu.vector_load %arg9[%swap3A_324, %swap3A_325] {strides = array<i32>} : memref<128x64xf32, #tpu.memory_space<vmem>>, vector<1x16xf32>,
      %swap3A_327 = vector.shape_cast %swap3A_326 : vector<1x16xf32> to vector<16xf32>
      %swap3A_328 = vector.shape_cast %mul3A_323 : vector<16xf32> to vector<1x16xf32>
      tpu.vector_store %arg9[%swap3A_324, %swap3A_325], %swap3A_328 {strides = array<i32>} : memref<128x64xf32, #tpu.memory_space<vmem>>, vector<1x16xf32>,
    }
    %scan3A_215 = arith.constant 128 : i32
    "tpu.region"() ({
      %run_scoped3A = tpu.sem_alloc : memref<!tpu.dma_semaphore, #tpu.memory_space<semaphore_mem>>
      %dma_start3A_286 = arith.constant 0 : i32
      %dma_start3A_287 = tpu.memref_slice %arg12[%add3A_209, %dma_start3A_286] : memref<10240x64xf32, #tpu.memory_space<vmem_shared>> -> memref<128x64xf32, #tpu.memory_space<vmem_shared>>
      %dma_start3A_288 = arith.constant 0 : i32
      %dma_start3A_289 = tpu.memref_slice %arg12[%add3A_209, %dma_start3A_288] : memref<10240x64xf32, #tpu.memory_space<vmem_shared>> -> memref<128x64xf32, #tpu.memory_space<vmem_shared>>
      tpu.enqueue_dma source(%arg9 : memref<128x64xf32, #tpu.memory_space<vmem>>) target(%dma_start3A_289 : memref<128x64xf32, #tpu.memory_space<vmem_shared>>) target_semaphore(%run_scoped3A : memref<!tpu.dma_semaphore, #tpu.memory_space<semaphore_mem>>)
      %dma_wait3A_290 = arith.constant 0 : i32
      %dma_wait3A_291 = tpu.memref_slice %arg12[%add3A_209, %dma_wait3A_290] : memref<10240x64xf32, #tpu.memory_space<vmem_shared>> -> memref<128x64xf32, #tpu.memory_space<vmem_shared>>
      %dma_wait3A_292 = arith.constant 0 : i32
      %dma_wait3A_293 = tpu.memref_slice %arg12[%add3A_209, %dma_wait3A_292] : memref<10240x64xf32, #tpu.memory_space<vmem_shared>> -> memref<128x64xf32, #tpu.memory_space<vmem_shared>>
      tpu.wait_dma2 semaphore(%run_scoped3A : memref<!tpu.dma_semaphore, #tpu.memory_space<semaphore_mem>>) src(%arg9 : memref<128x64xf32, #tpu.memory_space<vmem>>) dst(%dma_wait3A_293 : memref<128x64xf32, #tpu.memory_space<vmem_shared>>)
      tpu.yield
    }) : () -> ()
    "tpu.region"() ({
      %run_scoped3A = tpu.sem_alloc : memref<!tpu.dma_semaphore, #tpu.memory_space<semaphore_mem>>
      %dma_start3A_286 = arith.constant 0 : i32
      %dma_start3A_287 = tpu.memref_slice %arg13[%add3A_209, %dma_start3A_286] : memref<10240x64xf32, #tpu.memory_space<vmem_shared>> -> memref<128x64xf32, #tpu.memory_space<vmem_shared>>
      %dma_start3A_288 = arith.constant 0 : i32
      %dma_start3A_289 = tpu.memref_slice %arg13[%add3A_209, %dma_start3A_288] : memref<10240x64xf32, #tpu.memory_space<vmem_shared>> -> memref<128x64xf32, #tpu.memory_space<vmem_shared>>
      tpu.enqueue_dma source(%arg9 : memref<128x64xf32, #tpu.memory_space<vmem>>) target(%dma_start3A_289 : memref<128x64xf32, #tpu.memory_space<vmem_shared>>) target_semaphore(%run_scoped3A : memref<!tpu.dma_semaphore, #tpu.memory_space<semaphore_mem>>)
      %dma_wait3A_290 = arith.constant 0 : i32
      %dma_wait3A_291 = tpu.memref_slice %arg13[%add3A_209, %dma_wait3A_290] : memref<10240x64xf32, #tpu.memory_space<vmem_shared>> -> memref<128x64xf32, #tpu.memory_space<vmem_shared>>
      %dma_wait3A_292 = arith.constant 0 : i32
      %dma_wait3A_293 = tpu.memref_slice %arg13[%add3A_209, %dma_wait3A_292] : memref<10240x64xf32, #tpu.memory_space<vmem_shared>> -> memref<128x64xf32, #tpu.memory_space<vmem_shared>>
      tpu.wait_dma2 semaphore(%run_scoped3A : memref<!tpu.dma_semaphore, #tpu.memory_space<semaphore_mem>>) src(%arg9 : memref<128x64xf32, #tpu.memory_space<vmem>>) dst(%dma_wait3A_293 : memref<128x64xf32, #tpu.memory_space<vmem_shared>>)
      tpu.yield
    }) : () -> ()
    %barrier3A_216 = arith.constant 0 : index
    tpu.barrier barrier_id(%barrier3A_216)
    "tpu.region"() ({
      %run_scoped3A = tpu.sem_alloc : memref<!tpu.dma_semaphore, #tpu.memory_space<semaphore_mem>>
      %dma_start3A_286 = arith.constant 0 : i32
      %dma_start3A_287 = arith.constant 0 : i32
      %dma_start3A_288 = tpu.memref_slice %arg3[%arg1, %dma_start3A_286, %dma_start3A_287] : memref<16x162x128xi32, #tpu.memory_space<hbm>> -> memref<1x82x128xi32, #tpu.memory_space<hbm>>
      %dma_start3A_289 = tpu.memref_squeeze %dma_start3A_288 : memref<1x82x128xi32, #tpu.memory_space<hbm>> -> memref<82x128xi32, #tpu.memory_space<hbm>>
      %dma_start3A_290 = arith.constant 0 : i32
      %dma_start3A_291 = arith.constant 0 : i32
      %dma_start3A_292 = tpu.memref_slice %arg3[%arg1, %dma_start3A_290, %dma_start3A_291] : memref<16x162x128xi32, #tpu.memory_space<hbm>> -> memref<1x82x128xi32, #tpu.memory_space<hbm>>
      %dma_start3A_293 = tpu.memref_squeeze %dma_start3A_292 : memref<1x82x128xi32, #tpu.memory_space<hbm>> -> memref<82x128xi32, #tpu.memory_space<hbm>>
      tpu.enqueue_dma source(%dma_start3A_293 : memref<82x128xi32, #tpu.memory_space<hbm>>) target(%arg7 : memref<82x128xi32, #tpu.memory_space<vmem>>) target_semaphore(%run_scoped3A : memref<!tpu.dma_semaphore, #tpu.memory_space<semaphore_mem>>)
      %dma_wait3A_294 = arith.constant 0 : i32
      %dma_wait3A_295 = arith.constant 0 : i32
      %dma_wait3A_296 = tpu.memref_slice %arg3[%arg1, %dma_wait3A_294, %dma_wait3A_295] : memref<16x162x128xi32, #tpu.memory_space<hbm>> -> memref<1x82x128xi32, #tpu.memory_space<hbm>>
      %dma_wait3A_297 = tpu.memref_squeeze %dma_wait3A_296 : memref<1x82x128xi32, #tpu.memory_space<hbm>> -> memref<82x128xi32, #tpu.memory_space<hbm>>
      %dma_wait3A_298 = arith.constant 0 : i32
      %dma_wait3A_299 = arith.constant 0 : i32
      %dma_wait3A_300 = tpu.memref_slice %arg3[%arg1, %dma_wait3A_298, %dma_wait3A_299] : memref<16x162x128xi32, #tpu.memory_space<hbm>> -> memref<1x82x128xi32, #tpu.memory_space<hbm>>
      %dma_wait3A_301 = tpu.memref_squeeze %dma_wait3A_300 : memref<1x82x128xi32, #tpu.memory_space<hbm>> -> memref<82x128xi32, #tpu.memory_space<hbm>>
      tpu.wait_dma2 semaphore(%run_scoped3A : memref<!tpu.dma_semaphore, #tpu.memory_space<semaphore_mem>>) src(%dma_wait3A_301 : memref<82x128xi32, #tpu.memory_space<hbm>>) dst(%arg7 : memref<82x128xi32, #tpu.memory_space<vmem>>)
      tpu.yield
    }) : () -> ()
    "tpu.region"() ({
      %run_scoped3A = tpu.sem_alloc : memref<!tpu.dma_semaphore, #tpu.memory_space<semaphore_mem>>
      %dma_start3A_286 = arith.constant 0 : i32
      %dma_start3A_287 = arith.constant 0 : i32
      %dma_start3A_288 = tpu.memref_slice %arg4[%arg1, %dma_start3A_286, %dma_start3A_287] : memref<16x160x128xi32, #tpu.memory_space<hbm>> -> memref<1x80x128xi32, #tpu.memory_space<hbm>>
      %dma_start3A_289 = tpu.memref_squeeze %dma_start3A_288 : memref<1x80x128xi32, #tpu.memory_space<hbm>> -> memref<80x128xi32, #tpu.memory_space<hbm>>
      %dma_start3A_290 = arith.constant 0 : i32
      %dma_start3A_291 = arith.constant 0 : i32
      %dma_start3A_292 = tpu.memref_slice %arg4[%arg1, %dma_start3A_290, %dma_start3A_291] : memref<16x160x128xi32, #tpu.memory_space<hbm>> -> memref<1x80x128xi32, #tpu.memory_space<hbm>>
      %dma_start3A_293 = tpu.memref_squeeze %dma_start3A_292 : memref<1x80x128xi32, #tpu.memory_space<hbm>> -> memref<80x128xi32, #tpu.memory_space<hbm>>
      tpu.enqueue_dma source(%dma_start3A_293 : memref<80x128xi32, #tpu.memory_space<hbm>>) target(%arg8 : memref<80x128xi32, #tpu.memory_space<vmem>>) target_semaphore(%run_scoped3A : memref<!tpu.dma_semaphore, #tpu.memory_space<semaphore_mem>>)
      %dma_wait3A_294 = arith.constant 0 : i32
      %dma_wait3A_295 = arith.constant 0 : i32
      %dma_wait3A_296 = tpu.memref_slice %arg4[%arg1, %dma_wait3A_294, %dma_wait3A_295] : memref<16x160x128xi32, #tpu.memory_space<hbm>> -> memref<1x80x128xi32, #tpu.memory_space<hbm>>
      %dma_wait3A_297 = tpu.memref_squeeze %dma_wait3A_296 : memref<1x80x128xi32, #tpu.memory_space<hbm>> -> memref<80x128xi32, #tpu.memory_space<hbm>>
      %dma_wait3A_298 = arith.constant 0 : i32
      %dma_wait3A_299 = arith.constant 0 : i32
      %dma_wait3A_300 = tpu.memref_slice %arg4[%arg1, %dma_wait3A_298, %dma_wait3A_299] : memref<16x160x128xi32, #tpu.memory_space<hbm>> -> memref<1x80x128xi32, #tpu.memory_space<hbm>>
      %dma_wait3A_301 = tpu.memref_squeeze %dma_wait3A_300 : memref<1x80x128xi32, #tpu.memory_space<hbm>> -> memref<80x128xi32, #tpu.memory_space<hbm>>
      tpu.wait_dma2 semaphore(%run_scoped3A : memref<!tpu.dma_semaphore, #tpu.memory_space<semaphore_mem>>) src(%dma_wait3A_301 : memref<80x128xi32, #tpu.memory_space<hbm>>) dst(%arg8 : memref<80x128xi32, #tpu.memory_space<vmem>>)
      tpu.yield
    }) : () -> ()
    %dma_start3A_217 = arith.constant 0 : i32
    %dma_start3A_218 = arith.constant 0 : i32
    %dma_start3A_219 = tpu.memref_slice %arg7[%dma_start3A_217, %dma_start3A_218] : memref<82x128xi32, #tpu.memory_space<vmem>> -> memref<1x128xi32, #tpu.memory_space<vmem>>
    %dma_start3A_220 = tpu.memref_squeeze %dma_start3A_219 : memref<1x128xi32, #tpu.memory_space<vmem>> -> memref<128xi32, #tpu.memory_space<vmem>>
    %dma_start3A_221 = arith.constant 0 : i32
    %dma_start3A_222 = arith.constant 0 : i32
    %dma_start3A_223 = tpu.memref_slice %arg12[%dma_start3A_221, %dma_start3A_222] : memref<10240x64xf32, #tpu.memory_space<vmem_shared>> -> memref<10240x64xf32, #tpu.memory_space<vmem_shared>>
    tpu.enqueue_indirect_dma source(%dma_start3A_223 : memref<10240x64xf32, #tpu.memory_space<vmem_shared>>) target(%arg9 : memref<128x64xf32, #tpu.memory_space<vmem>>) offsets(%dma_start3A_220 : memref<128xi32, #tpu.memory_space<vmem>>) semaphore(%arg14 : memref<!tpu.dma_semaphore, #tpu.memory_space<semaphore_mem>>)
    %dma_start3A_224 = arith.constant 1 : i32
    %dma_start3A_225 = arith.constant 0 : i32
    %dma_start3A_226 = tpu.memref_slice %arg7[%dma_start3A_224, %dma_start3A_225] : memref<82x128xi32, #tpu.memory_space<vmem>> -> memref<1x128xi32, #tpu.memory_space<vmem>>
    %dma_start3A_227 = tpu.memref_squeeze %dma_start3A_226 : memref<1x128xi32, #tpu.memory_space<vmem>> -> memref<128xi32, #tpu.memory_space<vmem>>
    %dma_start3A_228 = arith.constant 0 : i32
    %dma_start3A_229 = arith.constant 0 : i32
    %dma_start3A_230 = tpu.memref_slice %arg12[%dma_start3A_228, %dma_start3A_229] : memref<10240x64xf32, #tpu.memory_space<vmem_shared>> -> memref<10240x64xf32, #tpu.memory_space<vmem_shared>>
    tpu.enqueue_indirect_dma source(%dma_start3A_230 : memref<10240x64xf32, #tpu.memory_space<vmem_shared>>) target(%arg10 : memref<128x64xf32, #tpu.memory_space<vmem>>) offsets(%dma_start3A_227 : memref<128xi32, #tpu.memory_space<vmem>>) semaphore(%arg15 : memref<!tpu.dma_semaphore, #tpu.memory_space<semaphore_mem>>)
    %scan3A_231 = arith.constant 0 : i32
    %scan3A_232 = arith.constant 0 : i32
    %scan3A_233 = arith.constant 40 : i32
    %scan3A_234 = arith.addi %scan3A_232, %scan3A_233 : i32
    %scan3A_235 = arith.constant 1 : i32
    scf.for %scan3A_286 = %scan3A_232 to %scan3A_234 step %scan3A_235  : i32 {
      %mul3A_287 = arith.constant 2 : i32
      %mul3A_288 = arith.muli %scan3A_286, %mul3A_287 : i32
      %add3A_289 = arith.constant 0 : i32
      %add3A_290 = arith.addi %mul3A_288, %add3A_289 : i32
      %dma_wait3A_291 = arith.constant 0 : i32
      %dma_wait3A_292 = tpu.memref_slice %arg7[%add3A_290, %dma_wait3A_291] : memref<82x128xi32, #tpu.memory_space<vmem>> -> memref<1x128xi32, #tpu.memory_space<vmem>>
      %dma_wait3A_293 = tpu.memref_squeeze %dma_wait3A_292 : memref<1x128xi32, #tpu.memory_space<vmem>> -> memref<128xi32, #tpu.memory_space<vmem>>
      %dma_wait3A_294 = arith.constant 0 : i32
      %dma_wait3A_295 = arith.constant 0 : i32
      %dma_wait3A_296 = tpu.memref_slice %arg12[%dma_wait3A_294, %dma_wait3A_295] : memref<10240x64xf32, #tpu.memory_space<vmem_shared>> -> memref<10240x64xf32, #tpu.memory_space<vmem_shared>>
      tpu.wait_indirect_dma semaphore(%arg14 : memref<!tpu.dma_semaphore, #tpu.memory_space<semaphore_mem>>) src(%dma_wait3A_296 : memref<10240x64xf32, #tpu.memory_space<vmem_shared>>) dst(%arg9 : memref<128x64xf32, #tpu.memory_space<vmem>>)
      %add3A_297 = arith.constant 0 : i32
      %add3A_298 = arith.addi %mul3A_288, %add3A_297 : i32
      "tpu.region"() ({
        %run_scoped3A = tpu.sem_alloc : memref<!tpu.dma_semaphore, #tpu.memory_space<semaphore_mem>>
        %dma_start3A_329 = arith.constant 0 : i32
        %dma_start3A_330 = tpu.memref_slice %arg8[%add3A_298, %dma_start3A_329] : memref<80x128xi32, #tpu.memory_space<vmem>> -> memref<1x128xi32, #tpu.memory_space<vmem>>
        %dma_start3A_331 = tpu.memref_squeeze %dma_start3A_330 : memref<1x128xi32, #tpu.memory_space<vmem>> -> memref<128xi32, #tpu.memory_space<vmem>>
        %dma_start3A_332 = arith.constant 0 : i32
        %dma_start3A_333 = arith.constant 0 : i32
        %dma_start3A_334 = tpu.memref_slice %arg13[%dma_start3A_332, %dma_start3A_333] : memref<10240x64xf32, #tpu.memory_space<vmem_shared>> -> memref<10240x64xf32, #tpu.memory_space<vmem_shared>>
        tpu.enqueue_indirect_dma source(%arg9 : memref<128x64xf32, #tpu.memory_space<vmem>>) target(%dma_start3A_334 : memref<10240x64xf32, #tpu.memory_space<vmem_shared>>) offsets(%dma_start3A_331 : memref<128xi32, #tpu.memory_space<vmem>>) semaphore(%run_scoped3A : memref<!tpu.dma_semaphore, #tpu.memory_space<semaphore_mem>>) {add = true}
        %dma_wait3A_335 = arith.constant 0 : i32
        %dma_wait3A_336 = tpu.memref_slice %arg8[%add3A_298, %dma_wait3A_335] : memref<80x128xi32, #tpu.memory_space<vmem>> -> memref<1x128xi32, #tpu.memory_space<vmem>>
        %dma_wait3A_337 = tpu.memref_squeeze %dma_wait3A_336 : memref<1x128xi32, #tpu.memory_space<vmem>> -> memref<128xi32, #tpu.memory_space<vmem>>
        %dma_wait3A_338 = arith.constant 0 : i32
        %dma_wait3A_339 = arith.constant 0 : i32
        %dma_wait3A_340 = tpu.memref_slice %arg13[%dma_wait3A_338, %dma_wait3A_339] : memref<10240x64xf32, #tpu.memory_space<vmem_shared>> -> memref<10240x64xf32, #tpu.memory_space<vmem_shared>>
        tpu.wait_indirect_dma semaphore(%run_scoped3A : memref<!tpu.dma_semaphore, #tpu.memory_space<semaphore_mem>>) src(%arg9 : memref<128x64xf32, #tpu.memory_space<vmem>>) dst(%dma_wait3A_340 : memref<10240x64xf32, #tpu.memory_space<vmem_shared>>)
        tpu.yield
      }) : () -> ()
      %add3A_299 = arith.constant 0 : i32
      %add3A_300 = arith.addi %mul3A_288, %add3A_299 : i32
      %add3A_301 = arith.constant 2 : i32
      %add3A_302 = arith.addi %add3A_300, %add3A_301 : i32
      %dma_start3A_303 = arith.constant 0 : i32
      %dma_start3A_304 = tpu.memref_slice %arg7[%add3A_302, %dma_start3A_303] : memref<82x128xi32, #tpu.memory_space<vmem>> -> memref<1x128xi32, #tpu.memory_space<vmem>>
      %dma_start3A_305 = tpu.memref_squeeze %dma_start3A_304 : memref<1x128xi32, #tpu.memory_space<vmem>> -> memref<128xi32, #tpu.memory_space<vmem>>
      %dma_start3A_306 = arith.constant 0 : i32
      %dma_start3A_307 = arith.constant 0 : i32
      %dma_start3A_308 = tpu.memref_slice %arg12[%dma_start3A_306, %dma_start3A_307] : memref<10240x64xf32, #tpu.memory_space<vmem_shared>> -> memref<10240x64xf32, #tpu.memory_space<vmem_shared>>
      tpu.enqueue_indirect_dma source(%dma_start3A_308 : memref<10240x64xf32, #tpu.memory_space<vmem_shared>>) target(%arg9 : memref<128x64xf32, #tpu.memory_space<vmem>>) offsets(%dma_start3A_305 : memref<128xi32, #tpu.memory_space<vmem>>) semaphore(%arg14 : memref<!tpu.dma_semaphore, #tpu.memory_space<semaphore_mem>>)
      %add3A_309 = arith.constant 1 : i32
      %add3A_310 = arith.addi %mul3A_288, %add3A_309 : i32
      %dma_wait3A_311 = arith.constant 0 : i32
      %dma_wait3A_312 = tpu.memref_slice %arg7[%add3A_310, %dma_wait3A_311] : memref<82x128xi32, #tpu.memory_space<vmem>> -> memref<1x128xi32, #tpu.memory_space<vmem>>
      %dma_wait3A_313 = tpu.memref_squeeze %dma_wait3A_312 : memref<1x128xi32, #tpu.memory_space<vmem>> -> memref<128xi32, #tpu.memory_space<vmem>>
      %dma_wait3A_314 = arith.constant 0 : i32
      %dma_wait3A_315 = arith.constant 0 : i32
      %dma_wait3A_316 = tpu.memref_slice %arg12[%dma_wait3A_314, %dma_wait3A_315] : memref<10240x64xf32, #tpu.memory_space<vmem_shared>> -> memref<10240x64xf32, #tpu.memory_space<vmem_shared>>
      tpu.wait_indirect_dma semaphore(%arg15 : memref<!tpu.dma_semaphore, #tpu.memory_space<semaphore_mem>>) src(%dma_wait3A_316 : memref<10240x64xf32, #tpu.memory_space<vmem_shared>>) dst(%arg10 : memref<128x64xf32, #tpu.memory_space<vmem>>)
      %add3A_317 = arith.constant 1 : i32
      %add3A_318 = arith.addi %mul3A_288, %add3A_317 : i32
      "tpu.region"() ({
        %run_scoped3A = tpu.sem_alloc : memref<!tpu.dma_semaphore, #tpu.memory_space<semaphore_mem>>
        %dma_start3A_329 = arith.constant 0 : i32
        %dma_start3A_330 = tpu.memref_slice %arg8[%add3A_318, %dma_start3A_329] : memref<80x128xi32, #tpu.memory_space<vmem>> -> memref<1x128xi32, #tpu.memory_space<vmem>>
        %dma_start3A_331 = tpu.memref_squeeze %dma_start3A_330 : memref<1x128xi32, #tpu.memory_space<vmem>> -> memref<128xi32, #tpu.memory_space<vmem>>
        %dma_start3A_332 = arith.constant 0 : i32
        %dma_start3A_333 = arith.constant 0 : i32
        %dma_start3A_334 = tpu.memref_slice %arg13[%dma_start3A_332, %dma_start3A_333] : memref<10240x64xf32, #tpu.memory_space<vmem_shared>> -> memref<10240x64xf32, #tpu.memory_space<vmem_shared>>
        tpu.enqueue_indirect_dma source(%arg10 : memref<128x64xf32, #tpu.memory_space<vmem>>) target(%dma_start3A_334 : memref<10240x64xf32, #tpu.memory_space<vmem_shared>>) offsets(%dma_start3A_331 : memref<128xi32, #tpu.memory_space<vmem>>) semaphore(%run_scoped3A : memref<!tpu.dma_semaphore, #tpu.memory_space<semaphore_mem>>) {add = true}
        %dma_wait3A_335 = arith.constant 0 : i32
        %dma_wait3A_336 = tpu.memref_slice %arg8[%add3A_318, %dma_wait3A_335] : memref<80x128xi32, #tpu.memory_space<vmem>> -> memref<1x128xi32, #tpu.memory_space<vmem>>
        %dma_wait3A_337 = tpu.memref_squeeze %dma_wait3A_336 : memref<1x128xi32, #tpu.memory_space<vmem>> -> memref<128xi32, #tpu.memory_space<vmem>>
        %dma_wait3A_338 = arith.constant 0 : i32
        %dma_wait3A_339 = arith.constant 0 : i32
        %dma_wait3A_340 = tpu.memref_slice %arg13[%dma_wait3A_338, %dma_wait3A_339] : memref<10240x64xf32, #tpu.memory_space<vmem_shared>> -> memref<10240x64xf32, #tpu.memory_space<vmem_shared>>
        tpu.wait_indirect_dma semaphore(%run_scoped3A : memref<!tpu.dma_semaphore, #tpu.memory_space<semaphore_mem>>) src(%arg10 : memref<128x64xf32, #tpu.memory_space<vmem>>) dst(%dma_wait3A_340 : memref<10240x64xf32, #tpu.memory_space<vmem_shared>>)
        tpu.yield
      }) : () -> ()
      %add3A_319 = arith.constant 1 : i32
      %add3A_320 = arith.addi %mul3A_288, %add3A_319 : i32
      %add3A_321 = arith.constant 2 : i32
      %add3A_322 = arith.addi %add3A_320, %add3A_321 : i32
      %dma_start3A_323 = arith.constant 0 : i32
      %dma_start3A_324 = tpu.memref_slice %arg7[%add3A_322, %dma_start3A_323] : memref<82x128xi32, #tpu.memory_space<vmem>> -> memref<1x128xi32, #tpu.memory_space<vmem>>
      %dma_start3A_325 = tpu.memref_squeeze %dma_start3A_324 : memref<1x128xi32, #tpu.memory_space<vmem>> -> memref<128xi32, #tpu.memory_space<vmem>>
      %dma_start3A_326 = arith.constant 0 : i32
      %dma_start3A_327 = arith.constant 0 : i32
      %dma_start3A_328 = tpu.memref_slice %arg12[%dma_start3A_326, %dma_start3A_327] : memref<10240x64xf32, #tpu.memory_space<vmem_shared>> -> memref<10240x64xf32, #tpu.memory_space<vmem_shared>>
      tpu.enqueue_indirect_dma source(%dma_start3A_328 : memref<10240x64xf32, #tpu.memory_space<vmem_shared>>) target(%arg10 : memref<128x64xf32, #tpu.memory_space<vmem>>) offsets(%dma_start3A_325 : memref<128xi32, #tpu.memory_space<vmem>>) semaphore(%arg15 : memref<!tpu.dma_semaphore, #tpu.memory_space<semaphore_mem>>)
    }
    %scan3A_236 = arith.constant 40 : i32
    %dma_wait3A_237 = arith.constant 80 : i32
    %dma_wait3A_238 = arith.constant 0 : i32
    %dma_wait3A_239 = tpu.memref_slice %arg7[%dma_wait3A_237, %dma_wait3A_238] : memref<82x128xi32, #tpu.memory_space<vmem>> -> memref<1x128xi32, #tpu.memory_space<vmem>>
    %dma_wait3A_240 = tpu.memref_squeeze %dma_wait3A_239 : memref<1x128xi32, #tpu.memory_space<vmem>> -> memref<128xi32, #tpu.memory_space<vmem>>
    %dma_wait3A_241 = arith.constant 0 : i32
    %dma_wait3A_242 = arith.constant 0 : i32
    %dma_wait3A_243 = tpu.memref_slice %arg12[%dma_wait3A_241, %dma_wait3A_242] : memref<10240x64xf32, #tpu.memory_space<vmem_shared>> -> memref<10240x64xf32, #tpu.memory_space<vmem_shared>>
    tpu.wait_indirect_dma semaphore(%arg14 : memref<!tpu.dma_semaphore, #tpu.memory_space<semaphore_mem>>) src(%dma_wait3A_243 : memref<10240x64xf32, #tpu.memory_space<vmem_shared>>) dst(%arg9 : memref<128x64xf32, #tpu.memory_space<vmem>>)
    %dma_wait3A_244 = arith.constant 81 : i32
    %dma_wait3A_245 = arith.constant 0 : i32
    %dma_wait3A_246 = tpu.memref_slice %arg7[%dma_wait3A_244, %dma_wait3A_245] : memref<82x128xi32, #tpu.memory_space<vmem>> -> memref<1x128xi32, #tpu.memory_space<vmem>>
    %dma_wait3A_247 = tpu.memref_squeeze %dma_wait3A_246 : memref<1x128xi32, #tpu.memory_space<vmem>> -> memref<128xi32, #tpu.memory_space<vmem>>
    %dma_wait3A_248 = arith.constant 0 : i32
    %dma_wait3A_249 = arith.constant 0 : i32
    %dma_wait3A_250 = tpu.memref_slice %arg12[%dma_wait3A_248, %dma_wait3A_249] : memref<10240x64xf32, #tpu.memory_space<vmem_shared>> -> memref<10240x64xf32, #tpu.memory_space<vmem_shared>>
    tpu.wait_indirect_dma semaphore(%arg15 : memref<!tpu.dma_semaphore, #tpu.memory_space<semaphore_mem>>) src(%dma_wait3A_250 : memref<10240x64xf32, #tpu.memory_space<vmem_shared>>) dst(%arg10 : memref<128x64xf32, #tpu.memory_space<vmem>>)
    "tpu.region"() ({
      %run_scoped3A = tpu.sem_alloc : memref<!tpu.dma_semaphore, #tpu.memory_space<semaphore_mem>>
      %dma_start3A_286 = arith.constant 80 : i32
      %dma_start3A_287 = arith.constant 0 : i32
      %dma_start3A_288 = tpu.memref_slice %arg3[%arg1, %dma_start3A_286, %dma_start3A_287] : memref<16x162x128xi32, #tpu.memory_space<hbm>> -> memref<1x82x128xi32, #tpu.memory_space<hbm>>
      %dma_start3A_289 = tpu.memref_squeeze %dma_start3A_288 : memref<1x82x128xi32, #tpu.memory_space<hbm>> -> memref<82x128xi32, #tpu.memory_space<hbm>>
      %dma_start3A_290 = arith.constant 80 : i32
      %dma_start3A_291 = arith.constant 0 : i32
      %dma_start3A_292 = tpu.memref_slice %arg3[%arg1, %dma_start3A_290, %dma_start3A_291] : memref<16x162x128xi32, #tpu.memory_space<hbm>> -> memref<1x82x128xi32, #tpu.memory_space<hbm>>
      %dma_start3A_293 = tpu.memref_squeeze %dma_start3A_292 : memref<1x82x128xi32, #tpu.memory_space<hbm>> -> memref<82x128xi32, #tpu.memory_space<hbm>>
      tpu.enqueue_dma source(%dma_start3A_293 : memref<82x128xi32, #tpu.memory_space<hbm>>) target(%arg7 : memref<82x128xi32, #tpu.memory_space<vmem>>) target_semaphore(%run_scoped3A : memref<!tpu.dma_semaphore, #tpu.memory_space<semaphore_mem>>)
      %dma_wait3A_294 = arith.constant 80 : i32
      %dma_wait3A_295 = arith.constant 0 : i32
      %dma_wait3A_296 = tpu.memref_slice %arg3[%arg1, %dma_wait3A_294, %dma_wait3A_295] : memref<16x162x128xi32, #tpu.memory_space<hbm>> -> memref<1x82x128xi32, #tpu.memory_space<hbm>>
      %dma_wait3A_297 = tpu.memref_squeeze %dma_wait3A_296 : memref<1x82x128xi32, #tpu.memory_space<hbm>> -> memref<82x128xi32, #tpu.memory_space<hbm>>
      %dma_wait3A_298 = arith.constant 80 : i32
      %dma_wait3A_299 = arith.constant 0 : i32
      %dma_wait3A_300 = tpu.memref_slice %arg3[%arg1, %dma_wait3A_298, %dma_wait3A_299] : memref<16x162x128xi32, #tpu.memory_space<hbm>> -> memref<1x82x128xi32, #tpu.memory_space<hbm>>
      %dma_wait3A_301 = tpu.memref_squeeze %dma_wait3A_300 : memref<1x82x128xi32, #tpu.memory_space<hbm>> -> memref<82x128xi32, #tpu.memory_space<hbm>>
      tpu.wait_dma2 semaphore(%run_scoped3A : memref<!tpu.dma_semaphore, #tpu.memory_space<semaphore_mem>>) src(%dma_wait3A_301 : memref<82x128xi32, #tpu.memory_space<hbm>>) dst(%arg7 : memref<82x128xi32, #tpu.memory_space<vmem>>)
      tpu.yield
    }) : () -> ()
    "tpu.region"() ({
      %run_scoped3A = tpu.sem_alloc : memref<!tpu.dma_semaphore, #tpu.memory_space<semaphore_mem>>
      %dma_start3A_286 = arith.constant 80 : i32
      %dma_start3A_287 = arith.constant 0 : i32
      %dma_start3A_288 = tpu.memref_slice %arg4[%arg1, %dma_start3A_286, %dma_start3A_287] : memref<16x160x128xi32, #tpu.memory_space<hbm>> -> memref<1x80x128xi32, #tpu.memory_space<hbm>>
      %dma_start3A_289 = tpu.memref_squeeze %dma_start3A_288 : memref<1x80x128xi32, #tpu.memory_space<hbm>> -> memref<80x128xi32, #tpu.memory_space<hbm>>
      %dma_start3A_290 = arith.constant 80 : i32
      %dma_start3A_291 = arith.constant 0 : i32
      %dma_start3A_292 = tpu.memref_slice %arg4[%arg1, %dma_start3A_290, %dma_start3A_291] : memref<16x160x128xi32, #tpu.memory_space<hbm>> -> memref<1x80x128xi32, #tpu.memory_space<hbm>>
      %dma_start3A_293 = tpu.memref_squeeze %dma_start3A_292 : memref<1x80x128xi32, #tpu.memory_space<hbm>> -> memref<80x128xi32, #tpu.memory_space<hbm>>
      tpu.enqueue_dma source(%dma_start3A_293 : memref<80x128xi32, #tpu.memory_space<hbm>>) target(%arg8 : memref<80x128xi32, #tpu.memory_space<vmem>>) target_semaphore(%run_scoped3A : memref<!tpu.dma_semaphore, #tpu.memory_space<semaphore_mem>>)
      %dma_wait3A_294 = arith.constant 80 : i32
      %dma_wait3A_295 = arith.constant 0 : i32
      %dma_wait3A_296 = tpu.memref_slice %arg4[%arg1, %dma_wait3A_294, %dma_wait3A_295] : memref<16x160x128xi32, #tpu.memory_space<hbm>> -> memref<1x80x128xi32, #tpu.memory_space<hbm>>
      %dma_wait3A_297 = tpu.memref_squeeze %dma_wait3A_296 : memref<1x80x128xi32, #tpu.memory_space<hbm>> -> memref<80x128xi32, #tpu.memory_space<hbm>>
      %dma_wait3A_298 = arith.constant 80 : i32
      %dma_wait3A_299 = arith.constant 0 : i32
      %dma_wait3A_300 = tpu.memref_slice %arg4[%arg1, %dma_wait3A_298, %dma_wait3A_299] : memref<16x160x128xi32, #tpu.memory_space<hbm>> -> memref<1x80x128xi32, #tpu.memory_space<hbm>>
      %dma_wait3A_301 = tpu.memref_squeeze %dma_wait3A_300 : memref<1x80x128xi32, #tpu.memory_space<hbm>> -> memref<80x128xi32, #tpu.memory_space<hbm>>
      tpu.wait_dma2 semaphore(%run_scoped3A : memref<!tpu.dma_semaphore, #tpu.memory_space<semaphore_mem>>) src(%dma_wait3A_301 : memref<80x128xi32, #tpu.memory_space<hbm>>) dst(%arg8 : memref<80x128xi32, #tpu.memory_space<vmem>>)
      tpu.yield
    }) : () -> ()
    %dma_start3A_251 = arith.constant 0 : i32
    %dma_start3A_252 = arith.constant 0 : i32
    %dma_start3A_253 = tpu.memref_slice %arg7[%dma_start3A_251, %dma_start3A_252] : memref<82x128xi32, #tpu.memory_space<vmem>> -> memref<1x128xi32, #tpu.memory_space<vmem>>
    %dma_start3A_254 = tpu.memref_squeeze %dma_start3A_253 : memref<1x128xi32, #tpu.memory_space<vmem>> -> memref<128xi32, #tpu.memory_space<vmem>>
    %dma_start3A_255 = arith.constant 0 : i32
    %dma_start3A_256 = arith.constant 0 : i32
    %dma_start3A_257 = tpu.memref_slice %arg12[%dma_start3A_255, %dma_start3A_256] : memref<10240x64xf32, #tpu.memory_space<vmem_shared>> -> memref<10240x64xf32, #tpu.memory_space<vmem_shared>>
    tpu.enqueue_indirect_dma source(%dma_start3A_257 : memref<10240x64xf32, #tpu.memory_space<vmem_shared>>) target(%arg9 : memref<128x64xf32, #tpu.memory_space<vmem>>) offsets(%dma_start3A_254 : memref<128xi32, #tpu.memory_space<vmem>>) semaphore(%arg14 : memref<!tpu.dma_semaphore, #tpu.memory_space<semaphore_mem>>)
    %dma_start3A_258 = arith.constant 1 : i32
    %dma_start3A_259 = arith.constant 0 : i32
    %dma_start3A_260 = tpu.memref_slice %arg7[%dma_start3A_258, %dma_start3A_259] : memref<82x128xi32, #tpu.memory_space<vmem>> -> memref<1x128xi32, #tpu.memory_space<vmem>>
    %dma_start3A_261 = tpu.memref_squeeze %dma_start3A_260 : memref<1x128xi32, #tpu.memory_space<vmem>> -> memref<128xi32, #tpu.memory_space<vmem>>
    %dma_start3A_262 = arith.constant 0 : i32
    %dma_start3A_263 = arith.constant 0 : i32
    %dma_start3A_264 = tpu.memref_slice %arg12[%dma_start3A_262, %dma_start3A_263] : memref<10240x64xf32, #tpu.memory_space<vmem_shared>> -> memref<10240x64xf32, #tpu.memory_space<vmem_shared>>
    tpu.enqueue_indirect_dma source(%dma_start3A_264 : memref<10240x64xf32, #tpu.memory_space<vmem_shared>>) target(%arg10 : memref<128x64xf32, #tpu.memory_space<vmem>>) offsets(%dma_start3A_261 : memref<128xi32, #tpu.memory_space<vmem>>) semaphore(%arg15 : memref<!tpu.dma_semaphore, #tpu.memory_space<semaphore_mem>>)
    %scan3A_265 = arith.constant 0 : i32
    %scan3A_266 = arith.constant 0 : i32
    %scan3A_267 = arith.constant 40 : i32
    %scan3A_268 = arith.addi %scan3A_266, %scan3A_267 : i32
    %scan3A_269 = arith.constant 1 : i32
    scf.for %scan3A_286 = %scan3A_266 to %scan3A_268 step %scan3A_269  : i32 {
      %mul3A_287 = arith.constant 2 : i32
      %mul3A_288 = arith.muli %scan3A_286, %mul3A_287 : i32
      %add3A_289 = arith.constant 0 : i32
      %add3A_290 = arith.addi %mul3A_288, %add3A_289 : i32
      %dma_wait3A_291 = arith.constant 0 : i32
      %dma_wait3A_292 = tpu.memref_slice %arg7[%add3A_290, %dma_wait3A_291] : memref<82x128xi32, #tpu.memory_space<vmem>> -> memref<1x128xi32, #tpu.memory_space<vmem>>
      %dma_wait3A_293 = tpu.memref_squeeze %dma_wait3A_292 : memref<1x128xi32, #tpu.memory_space<vmem>> -> memref<128xi32, #tpu.memory_space<vmem>>
      %dma_wait3A_294 = arith.constant 0 : i32
      %dma_wait3A_295 = arith.constant 0 : i32
      %dma_wait3A_296 = tpu.memref_slice %arg12[%dma_wait3A_294, %dma_wait3A_295] : memref<10240x64xf32, #tpu.memory_space<vmem_shared>> -> memref<10240x64xf32, #tpu.memory_space<vmem_shared>>
      tpu.wait_indirect_dma semaphore(%arg14 : memref<!tpu.dma_semaphore, #tpu.memory_space<semaphore_mem>>) src(%dma_wait3A_296 : memref<10240x64xf32, #tpu.memory_space<vmem_shared>>) dst(%arg9 : memref<128x64xf32, #tpu.memory_space<vmem>>)
      %add3A_297 = arith.constant 0 : i32
      %add3A_298 = arith.addi %mul3A_288, %add3A_297 : i32
      "tpu.region"() ({
        %run_scoped3A = tpu.sem_alloc : memref<!tpu.dma_semaphore, #tpu.memory_space<semaphore_mem>>
        %dma_start3A_329 = arith.constant 0 : i32
        %dma_start3A_330 = tpu.memref_slice %arg8[%add3A_298, %dma_start3A_329] : memref<80x128xi32, #tpu.memory_space<vmem>> -> memref<1x128xi32, #tpu.memory_space<vmem>>
        %dma_start3A_331 = tpu.memref_squeeze %dma_start3A_330 : memref<1x128xi32, #tpu.memory_space<vmem>> -> memref<128xi32, #tpu.memory_space<vmem>>
        %dma_start3A_332 = arith.constant 0 : i32
        %dma_start3A_333 = arith.constant 0 : i32
        %dma_start3A_334 = tpu.memref_slice %arg13[%dma_start3A_332, %dma_start3A_333] : memref<10240x64xf32, #tpu.memory_space<vmem_shared>> -> memref<10240x64xf32, #tpu.memory_space<vmem_shared>>
        tpu.enqueue_indirect_dma source(%arg9 : memref<128x64xf32, #tpu.memory_space<vmem>>) target(%dma_start3A_334 : memref<10240x64xf32, #tpu.memory_space<vmem_shared>>) offsets(%dma_start3A_331 : memref<128xi32, #tpu.memory_space<vmem>>) semaphore(%run_scoped3A : memref<!tpu.dma_semaphore, #tpu.memory_space<semaphore_mem>>) {add = true}
        %dma_wait3A_335 = arith.constant 0 : i32
        %dma_wait3A_336 = tpu.memref_slice %arg8[%add3A_298, %dma_wait3A_335] : memref<80x128xi32, #tpu.memory_space<vmem>> -> memref<1x128xi32, #tpu.memory_space<vmem>>
        %dma_wait3A_337 = tpu.memref_squeeze %dma_wait3A_336 : memref<1x128xi32, #tpu.memory_space<vmem>> -> memref<128xi32, #tpu.memory_space<vmem>>
        %dma_wait3A_338 = arith.constant 0 : i32
        %dma_wait3A_339 = arith.constant 0 : i32
        %dma_wait3A_340 = tpu.memref_slice %arg13[%dma_wait3A_338, %dma_wait3A_339] : memref<10240x64xf32, #tpu.memory_space<vmem_shared>> -> memref<10240x64xf32, #tpu.memory_space<vmem_shared>>
        tpu.wait_indirect_dma semaphore(%run_scoped3A : memref<!tpu.dma_semaphore, #tpu.memory_space<semaphore_mem>>) src(%arg9 : memref<128x64xf32, #tpu.memory_space<vmem>>) dst(%dma_wait3A_340 : memref<10240x64xf32, #tpu.memory_space<vmem_shared>>)
        tpu.yield
      }) : () -> ()
      %add3A_299 = arith.constant 0 : i32
      %add3A_300 = arith.addi %mul3A_288, %add3A_299 : i32
      %add3A_301 = arith.constant 2 : i32
      %add3A_302 = arith.addi %add3A_300, %add3A_301 : i32
      %dma_start3A_303 = arith.constant 0 : i32
      %dma_start3A_304 = tpu.memref_slice %arg7[%add3A_302, %dma_start3A_303] : memref<82x128xi32, #tpu.memory_space<vmem>> -> memref<1x128xi32, #tpu.memory_space<vmem>>
      %dma_start3A_305 = tpu.memref_squeeze %dma_start3A_304 : memref<1x128xi32, #tpu.memory_space<vmem>> -> memref<128xi32, #tpu.memory_space<vmem>>
      %dma_start3A_306 = arith.constant 0 : i32
      %dma_start3A_307 = arith.constant 0 : i32
      %dma_start3A_308 = tpu.memref_slice %arg12[%dma_start3A_306, %dma_start3A_307] : memref<10240x64xf32, #tpu.memory_space<vmem_shared>> -> memref<10240x64xf32, #tpu.memory_space<vmem_shared>>
      tpu.enqueue_indirect_dma source(%dma_start3A_308 : memref<10240x64xf32, #tpu.memory_space<vmem_shared>>) target(%arg9 : memref<128x64xf32, #tpu.memory_space<vmem>>) offsets(%dma_start3A_305 : memref<128xi32, #tpu.memory_space<vmem>>) semaphore(%arg14 : memref<!tpu.dma_semaphore, #tpu.memory_space<semaphore_mem>>)
      %add3A_309 = arith.constant 1 : i32
      %add3A_310 = arith.addi %mul3A_288, %add3A_309 : i32
      %dma_wait3A_311 = arith.constant 0 : i32
      %dma_wait3A_312 = tpu.memref_slice %arg7[%add3A_310, %dma_wait3A_311] : memref<82x128xi32, #tpu.memory_space<vmem>> -> memref<1x128xi32, #tpu.memory_space<vmem>>
      %dma_wait3A_313 = tpu.memref_squeeze %dma_wait3A_312 : memref<1x128xi32, #tpu.memory_space<vmem>> -> memref<128xi32, #tpu.memory_space<vmem>>
      %dma_wait3A_314 = arith.constant 0 : i32
      %dma_wait3A_315 = arith.constant 0 : i32
      %dma_wait3A_316 = tpu.memref_slice %arg12[%dma_wait3A_314, %dma_wait3A_315] : memref<10240x64xf32, #tpu.memory_space<vmem_shared>> -> memref<10240x64xf32, #tpu.memory_space<vmem_shared>>
      tpu.wait_indirect_dma semaphore(%arg15 : memref<!tpu.dma_semaphore, #tpu.memory_space<semaphore_mem>>) src(%dma_wait3A_316 : memref<10240x64xf32, #tpu.memory_space<vmem_shared>>) dst(%arg10 : memref<128x64xf32, #tpu.memory_space<vmem>>)
      %add3A_317 = arith.constant 1 : i32
      %add3A_318 = arith.addi %mul3A_288, %add3A_317 : i32
      "tpu.region"() ({
        %run_scoped3A = tpu.sem_alloc : memref<!tpu.dma_semaphore, #tpu.memory_space<semaphore_mem>>
        %dma_start3A_329 = arith.constant 0 : i32
        %dma_start3A_330 = tpu.memref_slice %arg8[%add3A_318, %dma_start3A_329] : memref<80x128xi32, #tpu.memory_space<vmem>> -> memref<1x128xi32, #tpu.memory_space<vmem>>
        %dma_start3A_331 = tpu.memref_squeeze %dma_start3A_330 : memref<1x128xi32, #tpu.memory_space<vmem>> -> memref<128xi32, #tpu.memory_space<vmem>>
        %dma_start3A_332 = arith.constant 0 : i32
        %dma_start3A_333 = arith.constant 0 : i32
        %dma_start3A_334 = tpu.memref_slice %arg13[%dma_start3A_332, %dma_start3A_333] : memref<10240x64xf32, #tpu.memory_space<vmem_shared>> -> memref<10240x64xf32, #tpu.memory_space<vmem_shared>>
        tpu.enqueue_indirect_dma source(%arg10 : memref<128x64xf32, #tpu.memory_space<vmem>>) target(%dma_start3A_334 : memref<10240x64xf32, #tpu.memory_space<vmem_shared>>) offsets(%dma_start3A_331 : memref<128xi32, #tpu.memory_space<vmem>>) semaphore(%run_scoped3A : memref<!tpu.dma_semaphore, #tpu.memory_space<semaphore_mem>>) {add = true}
        %dma_wait3A_335 = arith.constant 0 : i32
        %dma_wait3A_336 = tpu.memref_slice %arg8[%add3A_318, %dma_wait3A_335] : memref<80x128xi32, #tpu.memory_space<vmem>> -> memref<1x128xi32, #tpu.memory_space<vmem>>
        %dma_wait3A_337 = tpu.memref_squeeze %dma_wait3A_336 : memref<1x128xi32, #tpu.memory_space<vmem>> -> memref<128xi32, #tpu.memory_space<vmem>>
        %dma_wait3A_338 = arith.constant 0 : i32
        %dma_wait3A_339 = arith.constant 0 : i32
        %dma_wait3A_340 = tpu.memref_slice %arg13[%dma_wait3A_338, %dma_wait3A_339] : memref<10240x64xf32, #tpu.memory_space<vmem_shared>> -> memref<10240x64xf32, #tpu.memory_space<vmem_shared>>
        tpu.wait_indirect_dma semaphore(%run_scoped3A : memref<!tpu.dma_semaphore, #tpu.memory_space<semaphore_mem>>) src(%arg10 : memref<128x64xf32, #tpu.memory_space<vmem>>) dst(%dma_wait3A_340 : memref<10240x64xf32, #tpu.memory_space<vmem_shared>>)
        tpu.yield
      }) : () -> ()
      %add3A_319 = arith.constant 1 : i32
      %add3A_320 = arith.addi %mul3A_288, %add3A_319 : i32
      %add3A_321 = arith.constant 2 : i32
      %add3A_322 = arith.addi %add3A_320, %add3A_321 : i32
      %dma_start3A_323 = arith.constant 0 : i32
      %dma_start3A_324 = tpu.memref_slice %arg7[%add3A_322, %dma_start3A_323] : memref<82x128xi32, #tpu.memory_space<vmem>> -> memref<1x128xi32, #tpu.memory_space<vmem>>
      %dma_start3A_325 = tpu.memref_squeeze %dma_start3A_324 : memref<1x128xi32, #tpu.memory_space<vmem>> -> memref<128xi32, #tpu.memory_space<vmem>>
      %dma_start3A_326 = arith.constant 0 : i32
      %dma_start3A_327 = arith.constant 0 : i32
      %dma_start3A_328 = tpu.memref_slice %arg12[%dma_start3A_326, %dma_start3A_327] : memref<10240x64xf32, #tpu.memory_space<vmem_shared>> -> memref<10240x64xf32, #tpu.memory_space<vmem_shared>>
      tpu.enqueue_indirect_dma source(%dma_start3A_328 : memref<10240x64xf32, #tpu.memory_space<vmem_shared>>) target(%arg10 : memref<128x64xf32, #tpu.memory_space<vmem>>) offsets(%dma_start3A_325 : memref<128xi32, #tpu.memory_space<vmem>>) semaphore(%arg15 : memref<!tpu.dma_semaphore, #tpu.memory_space<semaphore_mem>>)
    }
    %scan3A_270 = arith.constant 40 : i32
    %dma_wait3A_271 = arith.constant 80 : i32
    %dma_wait3A_272 = arith.constant 0 : i32
    %dma_wait3A_273 = tpu.memref_slice %arg7[%dma_wait3A_271, %dma_wait3A_272] : memref<82x128xi32, #tpu.memory_space<vmem>> -> memref<1x128xi32, #tpu.memory_space<vmem>>
    %dma_wait3A_274 = tpu.memref_squeeze %dma_wait3A_273 : memref<1x128xi32, #tpu.memory_space<vmem>> -> memref<128xi32, #tpu.memory_space<vmem>>
    %dma_wait3A_275 = arith.constant 0 : i32
    %dma_wait3A_276 = arith.constant 0 : i32
    %dma_wait3A_277 = tpu.memref_slice %arg12[%dma_wait3A_275, %dma_wait3A_276] : memref<10240x64xf32, #tpu.memory_space<vmem_shared>> -> memref<10240x64xf32, #tpu.memory_space<vmem_shared>>
    tpu.wait_indirect_dma semaphore(%arg14 : memref<!tpu.dma_semaphore, #tpu.memory_space<semaphore_mem>>) src(%dma_wait3A_277 : memref<10240x64xf32, #tpu.memory_space<vmem_shared>>) dst(%arg9 : memref<128x64xf32, #tpu.memory_space<vmem>>)
    %dma_wait3A_278 = arith.constant 81 : i32
    %dma_wait3A_279 = arith.constant 0 : i32
    %dma_wait3A_280 = tpu.memref_slice %arg7[%dma_wait3A_278, %dma_wait3A_279] : memref<82x128xi32, #tpu.memory_space<vmem>> -> memref<1x128xi32, #tpu.memory_space<vmem>>
    %dma_wait3A_281 = tpu.memref_squeeze %dma_wait3A_280 : memref<1x128xi32, #tpu.memory_space<vmem>> -> memref<128xi32, #tpu.memory_space<vmem>>
    %dma_wait3A_282 = arith.constant 0 : i32
    %dma_wait3A_283 = arith.constant 0 : i32
    %dma_wait3A_284 = tpu.memref_slice %arg12[%dma_wait3A_282, %dma_wait3A_283] : memref<10240x64xf32, #tpu.memory_space<vmem_shared>> -> memref<10240x64xf32, #tpu.memory_space<vmem_shared>>
    tpu.wait_indirect_dma semaphore(%arg15 : memref<!tpu.dma_semaphore, #tpu.memory_space<semaphore_mem>>) src(%dma_wait3A_284 : memref<10240x64xf32, #tpu.memory_space<vmem_shared>>) dst(%arg10 : memref<128x64xf32, #tpu.memory_space<vmem>>)
    %barrier3A_285 = arith.constant 0 : index
    tpu.barrier barrier_id(%barrier3A_285)
    "tpu.region"() ({
      %run_scoped3A = tpu.sem_alloc : memref<!tpu.dma_semaphore, #tpu.memory_space<semaphore_mem>>
      %dma_start3A_286 = arith.constant 0 : i32
      %dma_start3A_287 = tpu.memref_slice %arg6[%arg0, %mul3A_0, %dma_start3A_286] : memref<2x10240x64xf32, #tpu.memory_space<hbm>> -> memref<1x640x64xf32, #tpu.memory_space<hbm>>
      %dma_start3A_288 = tpu.memref_squeeze %dma_start3A_287 : memref<1x640x64xf32, #tpu.memory_space<hbm>> -> memref<640x64xf32, #tpu.memory_space<hbm>>
      %dma_start3A_289 = arith.constant 0 : i32
      %dma_start3A_290 = tpu.memref_slice %arg13[%mul3A_0, %dma_start3A_289] : memref<10240x64xf32, #tpu.memory_space<vmem_shared>> -> memref<640x64xf32, #tpu.memory_space<vmem_shared>>
      tpu.enqueue_dma source(%dma_start3A_290 : memref<640x64xf32, #tpu.memory_space<vmem_shared>>) target(%dma_start3A_288 : memref<640x64xf32, #tpu.memory_space<hbm>>) target_semaphore(%run_scoped3A : memref<!tpu.dma_semaphore, #tpu.memory_space<semaphore_mem>>)
      %dma_wait3A_291 = arith.constant 0 : i32
      %dma_wait3A_292 = tpu.memref_slice %arg6[%arg0, %mul3A_0, %dma_wait3A_291] : memref<2x10240x64xf32, #tpu.memory_space<hbm>> -> memref<1x640x64xf32, #tpu.memory_space<hbm>>
      %dma_wait3A_293 = tpu.memref_squeeze %dma_wait3A_292 : memref<1x640x64xf32, #tpu.memory_space<hbm>> -> memref<640x64xf32, #tpu.memory_space<hbm>>
      %dma_wait3A_294 = arith.constant 0 : i32
      %dma_wait3A_295 = tpu.memref_slice %arg13[%mul3A_0, %dma_wait3A_294] : memref<10240x64xf32, #tpu.memory_space<vmem_shared>> -> memref<640x64xf32, #tpu.memory_space<vmem_shared>>
      tpu.wait_dma2 semaphore(%run_scoped3A : memref<!tpu.dma_semaphore, #tpu.memory_space<semaphore_mem>>) src(%dma_wait3A_295 : memref<640x64xf32, #tpu.memory_space<vmem_shared>>) dst(%dma_wait3A_293 : memref<640x64xf32, #tpu.memory_space<hbm>>)
      tpu.yield
    }) : () -> ()
    return
  }
}

module attributes {stable_mosaic.version = 14 : i64} {
  func.func @body(%arg0: memref<10000x16xf32, #tpu.memory_space<vmem>>, %arg1: memref<10000x16xf32, #tpu.memory_space<vmem>>, %arg2: memref<10000x128xf32, #tpu.memory_space<vmem>>, %arg3: memref<2x10240x64xf32, #tpu.memory_space<vmem>>, %arg4: memref<10240x16xf32, #tpu.memory_space<vmem>>, %arg5: memref<10000x64xf32, #tpu.memory_space<vmem>>) attributes {dimension_semantics = [], scalar_prefetch = 0 : i64, scratch_operands = 0 : i64, tpu.core_type = #tpu.core_type<tc>} {
    %get3A = arith.constant 0 : index
    %get3A_0 = arith.constant 0 : index
    %get3A_1 = vector.load %arg0[%get3A, %get3A_0] : memref<10000x16xf32, #tpu.memory_space<vmem>>, vector<10000x1xf32>
    %get3A_2 = arith.constant 0 : index
    %get3A_3 = arith.constant 0 : index
    %get3A_4 = vector.load %arg1[%get3A_2, %get3A_3] : memref<10000x16xf32, #tpu.memory_space<vmem>>, vector<10000x1xf32>
    %add3A = arith.addf %get3A_1, %get3A_4 : vector<10000x1xf32>
    %add3A_5 = arith.constant 1.000000e+00 : f32
    %add3A_6 = vector.broadcast %add3A_5 : f32 to vector<10000x1xf32>
    %add3A_7 = arith.addf %add3A, %add3A_6 : vector<10000x1xf32>
    %gt3A = arith.constant 0.000000e+00 : f32
    %gt3A_8 = vector.broadcast %gt3A : f32 to vector<10000x1xf32>
    %gt3A_9 = arith.cmpf ogt, %add3A_7, %gt3A_8 : vector<10000x1xf32>
    %rsqrt3A = math.rsqrt %add3A_7 : vector<10000x1xf32>
    %jit3A = arith.constant 0.000000e+00 : f32
    %broadcast_in_dim3A = vector.broadcast %jit3A : f32 to vector<10000x1xf32>
    %select_n3A = arith.select %gt3A_9, %rsqrt3A, %broadcast_in_dim3A : vector<10000x1xi1>, vector<10000x1xf32>
    %gt3A_10 = arith.constant 0.000000e+00 : f32
    %gt3A_11 = vector.broadcast %gt3A_10 : f32 to vector<10000x1xf32>
    %gt3A_12 = arith.cmpf ogt, %add3A_7, %gt3A_11 : vector<10000x1xf32>
    %div3A = arith.constant 1.000000e+00 : f32
    %div3A_13 = vector.broadcast %div3A : f32 to vector<10000x1xf32>
    %div3A_14 = arith.divf %div3A_13, %add3A_7 : vector<10000x1xf32>
    %jit3A_15 = arith.constant 0.000000e+00 : f32
    %broadcast_in_dim3A_16 = vector.broadcast %jit3A_15 : f32 to vector<10000x1xf32>
    %select_n3A_17 = arith.select %gt3A_12, %div3A_14, %broadcast_in_dim3A_16 : vector<10000x1xi1>, vector<10000x1xf32>
    %get3A_18 = arith.constant 0 : index
    %get3A_19 = arith.constant 0 : index
    %get3A_20 = vector.load %arg2[%get3A_18, %get3A_19] : memref<10000x128xf32, #tpu.memory_space<vmem>>, vector<10000x128xf32>
    %mul3A = vector.broadcast %select_n3A : vector<10000x1xf32> to vector<10000x128xf32>
    %mul3A_21 = arith.mulf %get3A_20, %mul3A : vector<10000x128xf32>
    %broadcast_in_dim3A_22 = arith.constant 0.000000e+00 : f32
    %broadcast_in_dim3A_23 = vector.broadcast %broadcast_in_dim3A_22 : f32 to vector<240x64xf32>
    %slice3A = vector.extract_strided_slice %mul3A_21 {offsets = [0, 0], sizes = [10000, 64], strides = [1, 1]} : vector<10000x128xf32> to vector<10000x64xf32>
    %concatenate3A = tpu.concatenate %slice3A, %broadcast_in_dim3A_23 in 0 : vector<10000x64xf32>, vector<240x64xf32> -> vector<10240x64xf32>
    %slice3A_24 = vector.extract_strided_slice %mul3A_21 {offsets = [0, 64], sizes = [10000, 64], strides = [1, 1]} : vector<10000x128xf32> to vector<10000x64xf32>
    %concatenate3A_25 = tpu.concatenate %slice3A_24, %broadcast_in_dim3A_23 in 0 : vector<10000x64xf32>, vector<240x64xf32> -> vector<10240x64xf32>
    %stack3A = vector.shape_cast %concatenate3A : vector<10240x64xf32> to vector<1x10240x64xf32>
    %stack3A_26 = vector.shape_cast %concatenate3A_25 : vector<10240x64xf32> to vector<1x10240x64xf32>
    %stack3A_27 = tpu.concatenate %stack3A, %stack3A_26 in 0 : vector<1x10240x64xf32>, vector<1x10240x64xf32> -> vector<2x10240x64xf32>
    %swap3A = arith.constant 0 : index
    %swap3A_28 = arith.constant 0 : index
    %swap3A_29 = arith.constant 0 : index
    %swap3A_30 = vector.load %arg3[%swap3A, %swap3A_28, %swap3A_29] : memref<2x10240x64xf32, #tpu.memory_space<vmem>>, vector<2x10240x64xf32>
    tpu.vector_store %arg3[%swap3A, %swap3A_28, %swap3A_29], %stack3A_27 {strides = array<i32>} : memref<2x10240x64xf32, #tpu.memory_space<vmem>>, vector<2x10240x64xf32>,
    %broadcast_in_dim3A_31 = vector.shape_cast %select_n3A_17 : vector<10000x1xf32> to vector<10000x1xf32>
    %broadcast_in_dim3A_32 = vector.broadcast %broadcast_in_dim3A_31 : vector<10000x1xf32> to vector<10000x16xf32>
    %broadcast_in_dim3A_33 = arith.constant 0.000000e+00 : f32
    %broadcast_in_dim3A_34 = vector.broadcast %broadcast_in_dim3A_33 : f32 to vector<240x16xf32>
    %concatenate3A_35 = tpu.concatenate %broadcast_in_dim3A_32, %broadcast_in_dim3A_34 in 0 : vector<10000x16xf32>, vector<240x16xf32> -> vector<10240x16xf32>
    %swap3A_36 = arith.constant 0 : index
    %swap3A_37 = arith.constant 0 : index
    %swap3A_38 = vector.load %arg4[%swap3A_36, %swap3A_37] : memref<10240x16xf32, #tpu.memory_space<vmem>>, vector<10240x16xf32>
    tpu.vector_store %arg4[%swap3A_36, %swap3A_37], %concatenate3A_35 {strides = array<i32>} : memref<10240x16xf32, #tpu.memory_space<vmem>>, vector<10240x16xf32>,
    %broadcast_in_dim3A_39 = vector.shape_cast %select_n3A : vector<10000x1xf32> to vector<10000x1xf32>
    %broadcast_in_dim3A_40 = vector.broadcast %broadcast_in_dim3A_39 : vector<10000x1xf32> to vector<10000x64xf32>
    %swap3A_41 = arith.constant 0 : index
    %swap3A_42 = arith.constant 0 : index
    %swap3A_43 = vector.load %arg5[%swap3A_41, %swap3A_42] : memref<10000x64xf32, #tpu.memory_space<vmem>>, vector<10000x64xf32>
    tpu.vector_store %arg5[%swap3A_41, %swap3A_42], %broadcast_in_dim3A_40 {strides = array<i32>} : memref<10000x64xf32, #tpu.memory_space<vmem>>, vector<10000x64xf32>,
    return
  }
}

module attributes {stable_mosaic.version = 14 : i64} {
  func.func @body(%arg0: memref<2x10240x64xf32, #tpu.memory_space<vmem>>, %arg1: memref<10000x64xf32, #tpu.memory_space<vmem>>, %arg2: memref<128x128xf32, #tpu.memory_space<vmem>>, %arg3: memref<1x128xf32, #tpu.memory_space<vmem>>, %arg4: memref<10000x128xf32, #tpu.memory_space<vmem>>) attributes {dimension_semantics = [], scalar_prefetch = 0 : i64, scratch_operands = 0 : i64, tpu.core_type = #tpu.core_type<tc>} {
    %get3A = arith.constant 0 : index
    %get3A_0 = arith.constant 0 : index
    %get3A_1 = vector.load %arg1[%get3A, %get3A_0] : memref<10000x64xf32, #tpu.memory_space<vmem>>, vector<10000x64xf32>
    %get3A_2 = arith.constant 0 : index
    %get3A_3 = arith.constant 0 : index
    %get3A_4 = vector.load %arg2[%get3A_2, %get3A_3] : memref<128x128xf32, #tpu.memory_space<vmem>>, vector<128x128xf32>
    %get3A_5 = arith.constant 0 : index
    %get3A_6 = arith.constant 0 : index
    %get3A_7 = arith.constant 0 : index
    %get3A_8 = vector.load %arg0[%get3A_5, %get3A_6, %get3A_7] : memref<2x10240x64xf32, #tpu.memory_space<vmem>>, vector<1x10000x64xf32>
    %get3A_9 = vector.shape_cast %get3A_8 : vector<1x10000x64xf32> to vector<10000x64xf32>
    %mul3A = arith.mulf %get3A_1, %get3A_9 : vector<10000x64xf32>
    %get3A_10 = arith.constant 1 : index
    %get3A_11 = arith.constant 0 : index
    %get3A_12 = arith.constant 0 : index
    %get3A_13 = vector.load %arg0[%get3A_10, %get3A_11, %get3A_12] : memref<2x10240x64xf32, #tpu.memory_space<vmem>>, vector<1x10000x64xf32>
    %get3A_14 = vector.shape_cast %get3A_13 : vector<1x10000x64xf32> to vector<10000x64xf32>
    %mul3A_15 = arith.mulf %get3A_1, %get3A_14 : vector<10000x64xf32>
    %slice3A = vector.extract_strided_slice %get3A_4 {offsets = [0, 0], sizes = [128, 64], strides = [1, 1]} : vector<128x128xf32> to vector<128x64xf32>
    %dot_general3A = arith.constant dense<0.000000e+00> : vector<10000x128xf32>
    %dot_general3A_16 = tpu.matmul %mul3A, %slice3A, %dot_general3A {dimension_numbers = #tpu.dot_dimension_numbers<[1], [1], [0], [0], [0, 0, 1, 0], [], []>, transpose_lhs_hint = false} : vector<10000x64xf32>, vector<128x64xf32>, vector<10000x128xf32> -> vector<10000x128xf32>
    %slice3A_17 = vector.extract_strided_slice %get3A_4 {offsets = [0, 64], sizes = [128, 64], strides = [1, 1]} : vector<128x128xf32> to vector<128x64xf32>
    %dot_general3A_18 = arith.constant dense<0.000000e+00> : vector<10000x128xf32>
    %dot_general3A_19 = tpu.matmul %mul3A_15, %slice3A_17, %dot_general3A_18 {dimension_numbers = #tpu.dot_dimension_numbers<[1], [1], [0], [0], [0, 0, 1, 0], [], []>, transpose_lhs_hint = false} : vector<10000x64xf32>, vector<128x64xf32>, vector<10000x128xf32> -> vector<10000x128xf32>
    %add3A = arith.addf %dot_general3A_16, %dot_general3A_19 : vector<10000x128xf32>
    %get3A_20 = arith.constant 0 : index
    %get3A_21 = arith.constant 0 : index
    %get3A_22 = vector.load %arg3[%get3A_20, %get3A_21] : memref<1x128xf32, #tpu.memory_space<vmem>>, vector<1x128xf32>
    %add3A_23 = vector.broadcast %get3A_22 : vector<1x128xf32> to vector<10000x128xf32>
    %add3A_24 = arith.addf %add3A, %add3A_23 : vector<10000x128xf32>
    %swap3A = arith.constant 0 : index
    %swap3A_25 = arith.constant 0 : index
    %swap3A_26 = vector.load %arg4[%swap3A, %swap3A_25] : memref<10000x128xf32, #tpu.memory_space<vmem>>, vector<10000x128xf32>
    tpu.vector_store %arg4[%swap3A, %swap3A_25], %add3A_24 {strides = array<i32>} : memref<10000x128xf32, #tpu.memory_space<vmem>>, vector<10000x128xf32>,
    return
  }
}

</mosaic_0001>

<sc_bundles>
// kernel: kernel.6.cloned.1.call-start
scs
__scs_entry_jumppad:
0x0: {  	(pc) =	sbr.rel $0x88, $3  }
0x1: {  	(tag) =	ssettag $0x0;
	lr =	simm.s32 $0x1  }
0x2: {  	[smem:$0x3F9D] =	sst lr;
	_ =	strace $0xD0000000  }
0x3: {  	_ = 	snop  }
0x4: {  	_ = 	snop  }
0x5: {  	_ = 	snop  }
0x6: {  	_ = 	snop  }
0x7: {  	_ = 	snop  }
__scs_overlays_trampoline_lowered:
0x8: {  	[smem:$0x3FAC] =	sst s0  }
0x9: {  	[smem:$0x3FAD] =	sst s1  }
0xa: {  	[smem:$0x3FAE] =	sst s2  }
0xb: {  	[smem:$0x3FAF] =	sst s3  }
0xc: {  	[smem:$0x3FB0] =	sst s4  }
0xd: {  	[smem:$0x3FB1] =	sst s5  }
0xe: {  	[smem:$0x3FB2] =	sst s6  }
0xf: {  	[smem:$0x3FB3] =	sst s7  }
0x10: {  	[smem:$0x3FB4] =	sst s8  }
0x11: {  	[smem:$0x3FB5] =	sst s9;
	s0 =	simm.s32 @!p0 $0x0  }
0x12: {  	s1 =	sld [smem:$0x3F9B];
	s0 =	simm.s32 @p0 $0x1  }
0x13: {  	[smem:$0x3FB6] =	sst s0;
	s0 =	simm.s32 @!p1 $0x0  }
0x14: {  	s2 =	sld [smem:$0x3F9A];
	s0 =	simm.s32 @p1 $0x1  }
0x15: {  	[smem:$0x3FB7] =	sst s0;
	s0 =	simm.s32 @!p2 $0x0  }
0x16: {  	s3 =	sld [smem:$0x3FDB];
	s0 =	simm.s32 @p2 $0x1  }
0x17: {  	s4 =	simm.s32 $0x1BF5;
	[smem:$0x3FB9] =	sst s0  }
0x18: {  	s0 =	sld [smem:$0x3F9C];
	_ =	swait.ge [sflag:s4], $0x0  }
0x19: {  	s7 =	sld [smem:$0x3F9D]  }
0x1a: {  	s8 =	sadd.s32 $0xFFFFE003, lr  }
0x1b: {  	s9 =	sadd.s32 $0xFFFFFEF7, lr;
	s5 =	simm.s32 $0xFFFFFFFF;
	p2 =	slt.u32 s8, $0xFFFFF086  }
0x1c: {  	p1 =	slt.u32 s9, $0xF7A;
	s5 =	simm.s32 @!p2 $0x0  }
0x1d: {  	s5 =	simm.s32 @p1 $0x1;
	p0 =	seq.s32 s7, s2  }
0x1e: {  	s7 =	smul.u32 @!p0 $0xF7A, s2;
	p2 =	seq.s32 @!p0 s5, $0x0  }
0x1f: {  	s9 =	smul.u32 $0xF7A, s1;
	s8 =	simm.s32 @!p0 $0x1BF5;
	p2 =	por !p2, p0  }
0x20: {  	[sflag:s8] =	ssyncset.s32 @!p0 $0xFFFFF086;
	s6 =	sadd.s32 @!p0 s3, s7;
	s7 =	simm.s32 @!p0 $0x108  }
0x21: {  	s3 =	sadd.s32 s3, s9;
	s6 =	sadd.s32 @!p0 $0x88, s6;
	s7 =	simm.s32 @p2 $0x1082  }
0x22: {  	[simem:s7], [sflag:s8] =	dma.local @!p0 [hbm:s6], $0xF7A  }
0x23: {  	s9 =	sor.u32 $0xD0000000, s2;
	s6 =	simm.s32 $0x108;
	_ =	swait.ge @!p0 [sflag:s8], $0x0  }
0x24: {  	s3 =	sadd.s32 $0x88, s3;
	s6 =	simm.s32 @!p1 $0x1082;
	[sflag:s4] =	ssyncset.s32 $0xFFFFF086  }
0x25: {  	[simem:s6], [sflag:s4] =	dma.local [hbm:s3], $0xF7A  }
0x26: {  	[smem:$0x3F9D] =	sst s1;
	(tag) =	ssettag s2;
	_ =	strace s9  }
0x27: {  	s1 =	sld [smem:$0x3FAD]  }
0x28: {  	s2 =	sld [smem:$0x3FAE]  }
0x29: {  	s4 =	sld [smem:$0x3FB0]  }
0x2a: {  	p0 =	seq.s32 s5, $0x0;
	s5 =	sld [smem:$0x3FB1]  }
0x2b: {  	s6 =	sld [smem:$0x3FB2]  }
0x2c: {  	s7 =	sld [smem:$0x3FB3]  }
0x2d: {  	s3 =	simm.s32 $0x108;
	s8 =	sld [smem:$0x3FB4]  }
0x2e: {  	s3 =	simm.s32 @!p0 $0x1082;
	s9 =	sld [smem:$0x3FB5]  }
0x2f: {  	lr =	sadd.s32 s0, s3;
	s0 =	sld [smem:$0x3FAC]  }
0x30: {  	s3 =	sld [smem:$0x3FAF]  }
0x31: {  	[smem:$0x3FB8] =	sst s10  }
0x32: {  	s10 =	sld [smem:$0x3FB6];
	_ =	sdelay $0x3  }
0x33: {  	p0 =	seq.s32 s10, $0x1;
	s10 =	sld [smem:$0x3FB8];
	_ =	sdelay $0x3  }
0x34: {  	[smem:$0x3FB8] =	sst s10  }
0x35: {  	s10 =	sld [smem:$0x3FB7];
	_ =	sdelay $0x3  }
0x36: {  	p1 =	seq.s32 s10, $0x1;
	s10 =	sld [smem:$0x3FB8];
	_ =	sdelay $0x3  }
0x37: {  	[smem:$0x3FB8] =	sst s10  }
0x38: {  	s10 =	sld [smem:$0x3FB9]  }
0x39: {  	_ = 	snop;
	(pc) =	sbr.ind lr, $3  }
0x3a: {  	_ = 	snop  }
0x3b: {  	_ = 	snop  }
0x3c: {  	p2 =	seq.s32 s10, $0x1;
	s10 =	sld [smem:$0x3FB8]  }
0x3d: {  	_ =	shalt  }
0x3e: {  	_ =	shalt  }
0x3f: {  	_ =	shalt  }
0x40: {  	_ =	shalt  }
0x41: {  	_ =	shalt  }
0x42: {  	_ =	shalt  }
0x43: {  	_ =	shalt  }
0x44: {  	_ =	shalt  }
0x45: {  	_ =	shalt  }
0x46: {  	_ =	shalt  }
0x47: {  	_ =	shalt  }
0x48: {  	_ =	shalt  }
0x49: {  	_ =	shalt  }
0x4a: {  	_ =	shalt  }
0x4b: {  	_ =	shalt  }
0x4c: {  	_ =	shalt  }
0x4d: {  	_ =	shalt  }
0x4e: {  	_ =	shalt  }
0x4f: {  	_ =	shalt  }
0x50: {  	_ =	shalt  }
0x51: {  	_ =	shalt  }
0x52: {  	_ =	shalt  }
0x53: {  	_ =	shalt  }
0x54: {  	_ =	shalt  }
0x55: {  	_ =	shalt  }
0x56: {  	_ =	shalt  }
0x57: {  	_ =	shalt  }
0x58: {  	_ =	shalt  }
0x59: {  	_ =	shalt  }
0x5a: {  	_ =	shalt  }
0x5b: {  	_ =	shalt  }
0x5c: {  	_ =	shalt  }
0x5d: {  	_ =	shalt  }
0x5e: {  	_ =	shalt  }
0x5f: {  	_ =	shalt  }
0x60: {  	_ =	shalt  }
0x61: {  	_ =	shalt  }
0x62: {  	_ =	shalt  }
0x63: {  	_ =	shalt  }
0x64: {  	_ =	shalt  }
0x65: {  	_ =	shalt  }
0x66: {  	_ =	shalt  }
0x67: {  	_ =	shalt  }
0x68: {  	_ =	shalt  }
0x69: {  	_ =	shalt  }
0x6a: {  	_ =	shalt  }
0x6b: {  	_ =	shalt  }
0x6c: {  	_ =	shalt  }
0x6d: {  	_ =	shalt  }
0x6e: {  	_ =	shalt  }
0x6f: {  	_ =	shalt  }
0x70: {  	_ =	shalt  }
0x71: {  	_ =	shalt  }
0x72: {  	_ =	shalt  }
0x73: {  	_ =	shalt  }
0x74: {  	_ =	shalt  }
0x75: {  	_ =	shalt  }
0x76: {  	_ =	shalt  }
0x77: {  	_ =	shalt  }
0x78: {  	_ =	shalt  }
0x79: {  	_ =	shalt  }
0x7a: {  	_ =	shalt  }
0x7b: {  	_ =	shalt  }
0x7c: {  	_ =	shalt  }
0x7d: {  	_ =	shalt  }
0x7e: {  	_ =	shalt  }
0x7f: {  	_ =	shalt  }
0x80: {  	_ =	shalt  }
0x81: {  	_ =	shalt  }
0x82: {  	_ =	shalt  }
0x83: {  	_ =	shalt  }
0x84: {  	_ =	shalt  }
0x85: {  	_ =	shalt  }
0x86: {  	_ =	shalt  }
0x87: {  	_ =	shalt  }
.Lfunc_end0:
.L_simem_size_0:
called_computation_lowered:
.L_overlay_start_0:
0x88: {  	s2 =	sld [smem:$0x3FD9]  }
0x89: {  	s3 =	sld [smem:$0x3FFE];
	_ =	sdelay $0x1  }
0x8a: {  	s1 =	srdreg.scid  }
0x8b: {  	s0 =	sand.u32 $0x1, s1  }
0x8c: {  	s16 =	sshll.u32 s0, $0xA;
	s2 =	sadd.s32 s3, s2  }
0x8d: {  	s2 =	sadd.s32 s2, s16  }
0x8e: {  	[smem:$0x3FC4] =	sst s2  }
0x8f: {  	_ = 	snop  }
0x90: {  	(tm) =	ssettm $0x1  }
0x91: {  	s17 =	sld [smem:$0x3FFB];
	_ =	sdelay $0x3  }
0x92: {  	_ =	strace s17  }
0x93: {  	s2 =	sld [smem:$0x3FFC];
	_ =	sdelay $0x3  }
0x94: {  	_ =	strace s2  }
0x95: {  	s2 =	sld [smem:$0x3FFD];
	_ =	sdelay $0x3  }
0x96: {  	_ =	strace s2  }
0x97: {  	_ =	strace $0x8FFFFFFF  }
0x98: {  	s18 =	sld [smem:$0x3FDB];
	_ =	sdelay $0x1  }
0x99: {  	s19 =	simm.s32 $_scs_section_size  }
0x9a: {  	s4 =	simm.s32 $_size__tile_overlayer_lowered;
	s5 =	simm.s32 $_tile_overlayer_lowered  }
0x9b: {  	s22 =	simm.s32 $0x1BFF;
	s21 =	sshll.u32 s5, $0x1;
	s2 =	sadd.s32 s19, s18  }
0x9c: {  	s6 =	simm.s32 $0x0;
	s20 =	sshll.u32 s4, $0x1;
	s4 =	sadd.s32 s21, s2  }
0x9d: {  	[timem:s6], [sflag:s22] =	dma.local [hbm:s4], s20  }
0x9e: {  	_ =	swait.ge [sflag:s22], s20  }
0x9f: {  	s3 =	ssub.s32 $0x0, s20;
	[sflag:s22] =	ssyncset.done $0x0  }
0xa0: {  	[sflag:s22] =	ssyncadd.s32 s3;
	_ =	sdelay $0x1  }
0xa1: {  	s23 =	simm.s32 $0x1B8B  }
0xa2: {  	_ =	swait.ge [sflag:s23], $0x1  }
0xa3: {  	[sflag:s23] =	ssyncset.done $0x0  }
0xa4: {  	s25 =	simm.s32 $0x1B8E;
	s24 =	sld [smem:$0x3FFE];
	[sflag:s23] =	ssyncadd.s32 $0xFFFFFFFF  }
0xa5: {  	s26 =	simm.s32 $execute0_lowered;
	[smem:$0x3FD2] =	sst s25  }
0xa6: {  	s4 =	sshll.u32 s26, $0x1;
	_ =	strace $0x80000046;
	[dreg:$0x1] =	wrdreg $0xFFFFFFFF  }
0xa7: {  	s28 =	simm.s32 $_size_execute0_lowered;
	s2 =	sadd.s32 s2, s4;
	[dreg:$0x0] =	wrdreg $0x0  }
0xa8: {  	s4 =	sshll.u32 s28, $0x1;
	[dreg:$0x2] =	wrdreg s2  }
0xa9: {  	[dreg:$0x3] =	wrdreg s4  }
0xaa: {  	[dreg:$0x4] =	wrdreg $0xC0  }
0xab: {  	_ =	task [dreg:s6], $0x5FFFF  }
0xac: {  	[dreg:$0x1] =	wrdreg $0xFFFFFFFF  }
0xad: {  	[dreg:$0x0] =	wrdreg $0x60  }
0xae: {  	[dreg:$0x2] =	wrdreg s24  }
0xaf: {  	[dreg:$0x3] =	wrdreg $0x30000  }
0xb0: {  	[dreg:$0x4] =	wrdreg $0x9  }
0xb1: {  	_ =	task.clear_ibuf [dreg:s6], $0x5FFFF;
	_ =	strace $0x90000046  }
0xb2: {  	s29 =	simm.s32 $0x9;
	_ =	strace $0x80000048  }
0xb3: {  	_ =	swait.ge [sflag:s29], $0x1  }
0xb4: {  	[sflag:s29] =	ssyncadd.s32 $0xFFFFFFFF  }
0xb5: {  	_ =	strace $0x90000048  }
0xb6: {  	_ =	sfence  }
0xb7: {  	s30 =	sld [smem:$0x0];
	_ =	sdelay $0x2  }
0xb8: {  	s31 =	sshll.u32 s1, $0xD;
	s1 =	sshrl.u32 s1, $0x2  }
0xb9: {  	s3 =	sand.u32 $0x4000, s31;
	s1 =	sadd.s32 s1, s30  }
0xba: {  	s0 =	sor.u32 s3, s0;
	s1 =	sshll.u32 s1, $0x11  }
0xbb: {  	s0 =	sor.u32 s1, s0  }
0xbc: {  	s0 =	sadd.s32 $0x8F2B, s0  }
0xbd: {  	[sflag:s0] =	ssyncadd.remote.s32 $0x1  }
0xbe: {  	_ =	sfence.sel $0xFFFF  }
0xbf: {  	[dreg:$0x0] =	wrdreg $0xFFFFFFFF;
	(pc) =	sbr.abs _section_cstart, $3  }
0xc0: {  	[dreg:$0x1] =	wrdreg $0xFFFFFFFF  }
0xc1: {  	_ =	task.clear_ibuf [dreg:s6], $0x2FFFF;
	_ =	strace $0x9FFFFFFF  }
0xc2: {  	(tm) =	ssettm $0x7FFFFFFF  }
0xc3: {  	_ =	shalt  }
tec
execute0_lowered:
.L_overlay_start_1:
0x0: {  	(tag) =	ssettag $0x1  }
0x1: {  	s6 =	rddreg [dreg:$0x0];
	s1 =	srdreg.scid  }
0x2: {  	s0 =	stileid.u32;
	s2 =	rddreg [dreg:$0x1]  }
0x3: {  	s3 =	simm.s32 $0x0;
	s14 =	simm.s32 $0x80;
	s17 =	simm.s32 $0x0  }
0x4: {  	s4 =	sand.u32 $0x1, s1;
	s5 =	sshll.u32 s0, $0x1;
	s1 =	rddreg [dreg:$0x2]  }
0x5: {  	[smem:$0x7FF] =	sst s3;
	s7 =	smul.u32 $0x2800, s0;
	s12 =	sadd.s32 $0xBA00, s6  }
0x6: {  	s31 =	sshll.u32 s0, $0x6;
	p0 =	seq.s32 s0, $0xF;
	s5 =	sor.u32 s4, s5  }
0x7: {  	_ =	strace $0x80000047;
	s9 =	ssub.s32 $0x2, s4;
	s10 =	smul.u32 $0x27100, s4  }
0x8: {  	s4 =	sadd.s32 $0xB800, s6;
	s5 =	smul.u32 $0x500, s5;
	s11 =	sshrl.u32 s9, $0x1  }
0x9: {  	s16 =	sadd.s32 s7, s2;
	s9 =	ssub.s32 s9, s11;
	s28 =	sadd.s32 s7, s10  }
0xa: {  	s10 =	sshrl.u32 s10, $0x3;
	s11 =	simm.s32 $0x2800;
	s13 =	sshrl.u32 s16, $0x3  }
0xb: {  	s15 =	sshrl.u32 @p0 s16, $0x3;
	s16 =	sshrl.u32 @!p0 s16, $0x3;
	s8 =	sadd.s32 s5, s6  }
0xc: {  	s5 =	sadd.s32 $0xB200, s6;
	s29 =	sshrl.u32 s28, $0x3;
	s30 =	sadd.s32 s12, s10  }
0xd: {  	s9 =	smax.u32 s9, $0x1;
	s10 =	simm.s32 $0x1;
	s6 =	sadd.s32 $0x1200, s8  }
0xe: {  	s7 =	sadd.s32 s12, s29;
	s8 =	sadd.s32 $0x4B00, s30;
	s12 =	sor.u32 $0x1C01, s31  }
.LBB2_1:
0xf: {  	[tilespmem:s3], [sflag:$0x1] =	stream.linear.gather [hbm4b:s6+s3], $0x2800, $0x38;
	[tilespmem:$0x5800] =	vst v63  }
0x10: {  	_ =	swait.ge [sflag:s10], $0x2800  }
0x11: {  	[sflag:s10] =	ssyncset.done $0x0  }
0x12: {  	[sflag:s10] =	ssyncadd.s32 $0xFFFFD800  }
0x13: {  	[tilespmem:s11], [sflag:$0x1] =	stream.linear.gather [hbm4b:s4+s3], $0x800, $0x38;
	[tilespmem:$0x5800] =	vst v63  }
0x14: {  	_ =	swait.ge [sflag:s10], $0x800  }
0x15: {  	[sflag:s10] =	ssyncset.done $0x0  }
0x16: {  	[sflag:s10] =	ssyncadd.s32 $0xFFFFF800  }
0x17: {  	[spmem:s13], [sflag:s12] =	dma.local [hbm:s5], $0x500  }
0x18: {  	_ =	swait.ge [sflag:s10], $0x500  }
0x19: {  	[sflag:s10] =	ssyncset.done $0x0  }
0x1a: {  	[sflag:s10] =	ssyncadd.s32 $0xFFFFFB00  }
0x1b: {  	s18 =	simm.s32 $0x0;
	[bflag:$0x0] =	sbarrier.arrive $0xFFFF  }
0x1c: {  	[spmem:s2] =	stream.indirect.scatter.add.f32 [tilespmem:s11], [sflag:$0x1], $0x10, s18, s14, $0xb8;
	[tilespmem:$0x5800] =	vst v63  }
0x1d: {  	_ =	swait.ge [sflag:s10], $0x800  }
0x1e: {  	s18 =	simm.s32 $0x200;
	[sflag:s10] =	ssyncset.done $0x0  }
.LBB2_2:
0x1f: {  	s19 =	sshra.s32 s18, $0x2;
	[sflag:s10] =	ssyncadd.s32 $0xFFFFF800;
	p1 =	sne.s32 s18, $0x9E00  }
0x20: {  	[spmem:s2] =	stream.indirect.scatter.add.f32 [tilespmem:s11], [sflag:$0x1], $0x10, s19, s14, $0xb8;
	[tilespmem:$0x5800] =	vst v63  }
.Ltmp0:
0x21: {  	_ = 	snop;
	(pc) =	sbr.rel @p1 .LBB2_2-.Ltmp0, $4  }
0x22: {  	_ = 	snop  }
0x23: {  	s18 =	sadd.s32 $0x200, s18  }
0x24: {  	_ =	swait.ge [sflag:s10], $0x800  }
0x25: {  	[sflag:s10] =	ssyncset.done $0x0  }
0x26: {  	[sflag:s10] =	ssyncadd.s32 $0xFFFFF800  }
0x27: {  	s18 =	simm.s32 @p0 $0x1;
	[bflag:$0x0] =	sbarrier.arrive $0xFFFF  }
0x28: {  	[hbm:s8], [sflag:s12] =	dma.local @p0 [spmem:s15], $0x320  }
0x29: {  	s17 =	sadd.s32 $0x1, s17;
	_ =	swait.ge @p0 [sflag:s18], $0x320  }
0x2a: {  	p1 =	sne.s32 s17, s9;
	[sflag:s18] =	ssyncset.done @p0 $0x0  }
.Ltmp1:
0x2b: {  	[sflag:s18] =	ssyncadd.s32 @p0 $0xFFFFFCE0;
	s18 =	simm.s32 @!p0 $0x1;
	(pc) =	sbr.rel @p1 .LBB2_1-.Ltmp1, $4  }
0x2c: {  	[hbm:s7], [sflag:s12] =	dma.local @!p0 [spmem:s16], $0x500  }
0x2d: {  	_ =	swait.ge @!p0 [sflag:s18], $0x500  }
0x2e: {  	[sflag:s18] =	ssyncset.done @!p0 $0x0  }
0x2f: {  	[sflag:s18] =	ssyncadd.s32 @!p0 $0xFFFFFB00  }
0x30: {  	_ =	sfence.sel $0x180000  }
0x31: {  	[bflag:$0x0] =	sbarrier.arrive $0xFFFF  }
0x32: {  	p0 =	sne.s32 s0, $0x0;
	_ =	strace $0x90000047  }
0x33: {  	s0 =	sadd.s32 @!p0 $0x100000, s1;
	[bflag:$0x2] =	sbarrier.arrive $0xFFFF  }
0x34: {  	[sflag:s0] =	ssyncadd.tile.s32 @!p0 $0x1;
	_ =	shalt  }
.Lfunc_end2:
_tile_overlayer_lowered:
.L_overlay_start_2:
0x35: {  	(tag) =	ssettag $0x2  }
0x36: {  	s0 =	rddreg [dreg:$0x0];
	s2 =	stileid.u32  }
0x37: {  	s1 =	rddreg [dreg:$0x1];
	p0 =	sne.s32 s2, $0x0  }
0x38: {  	s3 =	rddreg [dreg:$0x2];
	[bflag:$0x3] =	sbarrier.arrive $0xFFFF;
	s2 =	simm.s32 @!p0 $0x1C01  }
0x39: {  	[timem:s3], [sflag:s2] =	dma.local @!p0 [hbm:s0], s1  }
0x3a: {  	s0 =	simm.s32 @!p0 $0x1  }
0x3b: {  	_ =	swait.ge @!p0 [sflag:s0], s1  }
0x3c: {  	s1 =	ssub.s32 @!p0 $0x0, s1;
	[sflag:s0] =	ssyncset.done @!p0 $0x0  }
0x3d: {  	[sflag:s0] =	ssyncadd.s32 @!p0 s1  }
0x3e: {  	[bflag:$0x3] =	sbarrier.arrive $0xFFFF  }
0x3f: {  	_ =	shalt  }

// kernel: kernel.9.cloned.1.call-start
scs
__scs_entry_jumppad:
0x0: {  	(pc) =	sbr.rel $0x88, $3  }
0x1: {  	(tag) =	ssettag $0x0;
	lr =	simm.s32 $0x1  }
0x2: {  	[smem:$0x3F9D] =	sst lr;
	_ =	strace $0xD0000000  }
0x3: {  	_ = 	snop  }
0x4: {  	_ = 	snop  }
0x5: {  	_ = 	snop  }
0x6: {  	_ = 	snop  }
0x7: {  	_ = 	snop  }
__scs_overlays_trampoline_lowered:
0x8: {  	[smem:$0x3FAC] =	sst s0  }
0x9: {  	[smem:$0x3FAD] =	sst s1  }
0xa: {  	[smem:$0x3FAE] =	sst s2  }
0xb: {  	[smem:$0x3FAF] =	sst s3  }
0xc: {  	[smem:$0x3FB0] =	sst s4  }
0xd: {  	[smem:$0x3FB1] =	sst s5  }
0xe: {  	[smem:$0x3FB2] =	sst s6  }
0xf: {  	[smem:$0x3FB3] =	sst s7  }
0x10: {  	[smem:$0x3FB4] =	sst s8  }
0x11: {  	[smem:$0x3FB5] =	sst s9;
	s0 =	simm.s32 @!p0 $0x0  }
0x12: {  	s1 =	sld [smem:$0x3F9B];
	s0 =	simm.s32 @p0 $0x1  }
0x13: {  	[smem:$0x3FB6] =	sst s0;
	s0 =	simm.s32 @!p1 $0x0  }
0x14: {  	s2 =	sld [smem:$0x3F9A];
	s0 =	simm.s32 @p1 $0x1  }
0x15: {  	[smem:$0x3FB7] =	sst s0;
	s0 =	simm.s32 @!p2 $0x0  }
0x16: {  	s3 =	sld [smem:$0x3FDB];
	s0 =	simm.s32 @p2 $0x1  }
0x17: {  	s4 =	simm.s32 $0x1BF5;
	[smem:$0x3FB9] =	sst s0  }
0x18: {  	s0 =	sld [smem:$0x3F9C];
	_ =	swait.ge [sflag:s4], $0x0  }
0x19: {  	s7 =	sld [smem:$0x3F9D]  }
0x1a: {  	s8 =	sadd.s32 $0xFFFFE003, lr  }
0x1b: {  	s9 =	sadd.s32 $0xFFFFFEF7, lr;
	s5 =	simm.s32 $0xFFFFFFFF;
	p2 =	slt.u32 s8, $0xFFFFF086  }
0x1c: {  	p1 =	slt.u32 s9, $0xF7A;
	s5 =	simm.s32 @!p2 $0x0  }
0x1d: {  	s5 =	simm.s32 @p1 $0x1;
	p0 =	seq.s32 s7, s2  }
0x1e: {  	s7 =	smul.u32 @!p0 $0xF7A, s2;
	p2 =	seq.s32 @!p0 s5, $0x0  }
0x1f: {  	s9 =	smul.u32 $0xF7A, s1;
	s8 =	simm.s32 @!p0 $0x1BF5;
	p2 =	por !p2, p0  }
0x20: {  	[sflag:s8] =	ssyncset.s32 @!p0 $0xFFFFF086;
	s6 =	sadd.s32 @!p0 s3, s7;
	s7 =	simm.s32 @!p0 $0x108  }
0x21: {  	s3 =	sadd.s32 s3, s9;
	s6 =	sadd.s32 @!p0 $0x88, s6;
	s7 =	simm.s32 @p2 $0x1082  }
0x22: {  	[simem:s7], [sflag:s8] =	dma.local @!p0 [hbm:s6], $0xF7A  }
0x23: {  	s9 =	sor.u32 $0xD0000000, s2;
	s6 =	simm.s32 $0x108;
	_ =	swait.ge @!p0 [sflag:s8], $0x0  }
0x24: {  	s3 =	sadd.s32 $0x88, s3;
	s6 =	simm.s32 @!p1 $0x1082;
	[sflag:s4] =	ssyncset.s32 $0xFFFFF086  }
0x25: {  	[simem:s6], [sflag:s4] =	dma.local [hbm:s3], $0xF7A  }
0x26: {  	[smem:$0x3F9D] =	sst s1;
	(tag) =	ssettag s2;
	_ =	strace s9  }
0x27: {  	s1 =	sld [smem:$0x3FAD]  }
0x28: {  	s2 =	sld [smem:$0x3FAE]  }
0x29: {  	s4 =	sld [smem:$0x3FB0]  }
0x2a: {  	p0 =	seq.s32 s5, $0x0;
	s5 =	sld [smem:$0x3FB1]  }
0x2b: {  	s6 =	sld [smem:$0x3FB2]  }
0x2c: {  	s7 =	sld [smem:$0x3FB3]  }
0x2d: {  	s3 =	simm.s32 $0x108;
	s8 =	sld [smem:$0x3FB4]  }
0x2e: {  	s3 =	simm.s32 @!p0 $0x1082;
	s9 =	sld [smem:$0x3FB5]  }
0x2f: {  	lr =	sadd.s32 s0, s3;
	s0 =	sld [smem:$0x3FAC]  }
0x30: {  	s3 =	sld [smem:$0x3FAF]  }
0x31: {  	[smem:$0x3FB8] =	sst s10  }
0x32: {  	s10 =	sld [smem:$0x3FB6];
	_ =	sdelay $0x3  }
0x33: {  	p0 =	seq.s32 s10, $0x1;
	s10 =	sld [smem:$0x3FB8];
	_ =	sdelay $0x3  }
0x34: {  	[smem:$0x3FB8] =	sst s10  }
0x35: {  	s10 =	sld [smem:$0x3FB7];
	_ =	sdelay $0x3  }
0x36: {  	p1 =	seq.s32 s10, $0x1;
	s10 =	sld [smem:$0x3FB8];
	_ =	sdelay $0x3  }
0x37: {  	[smem:$0x3FB8] =	sst s10  }
0x38: {  	s10 =	sld [smem:$0x3FB9]  }
0x39: {  	_ = 	snop;
	(pc) =	sbr.ind lr, $3  }
0x3a: {  	_ = 	snop  }
0x3b: {  	_ = 	snop  }
0x3c: {  	p2 =	seq.s32 s10, $0x1;
	s10 =	sld [smem:$0x3FB8]  }
0x3d: {  	_ =	shalt  }
0x3e: {  	_ =	shalt  }
0x3f: {  	_ =	shalt  }
0x40: {  	_ =	shalt  }
0x41: {  	_ =	shalt  }
0x42: {  	_ =	shalt  }
0x43: {  	_ =	shalt  }
0x44: {  	_ =	shalt  }
0x45: {  	_ =	shalt  }
0x46: {  	_ =	shalt  }
0x47: {  	_ =	shalt  }
0x48: {  	_ =	shalt  }
0x49: {  	_ =	shalt  }
0x4a: {  	_ =	shalt  }
0x4b: {  	_ =	shalt  }
0x4c: {  	_ =	shalt  }
0x4d: {  	_ =	shalt  }
0x4e: {  	_ =	shalt  }
0x4f: {  	_ =	shalt  }
0x50: {  	_ =	shalt  }
0x51: {  	_ =	shalt  }
0x52: {  	_ =	shalt  }
0x53: {  	_ =	shalt  }
0x54: {  	_ =	shalt  }
0x55: {  	_ =	shalt  }
0x56: {  	_ =	shalt  }
0x57: {  	_ =	shalt  }
0x58: {  	_ =	shalt  }
0x59: {  	_ =	shalt  }
0x5a: {  	_ =	shalt  }
0x5b: {  	_ =	shalt  }
0x5c: {  	_ =	shalt  }
0x5d: {  	_ =	shalt  }
0x5e: {  	_ =	shalt  }
0x5f: {  	_ =	shalt  }
0x60: {  	_ =	shalt  }
0x61: {  	_ =	shalt  }
0x62: {  	_ =	shalt  }
0x63: {  	_ =	shalt  }
0x64: {  	_ =	shalt  }
0x65: {  	_ =	shalt  }
0x66: {  	_ =	shalt  }
0x67: {  	_ =	shalt  }
0x68: {  	_ =	shalt  }
0x69: {  	_ =	shalt  }
0x6a: {  	_ =	shalt  }
0x6b: {  	_ =	shalt  }
0x6c: {  	_ =	shalt  }
0x6d: {  	_ =	shalt  }
0x6e: {  	_ =	shalt  }
0x6f: {  	_ =	shalt  }
0x70: {  	_ =	shalt  }
0x71: {  	_ =	shalt  }
0x72: {  	_ =	shalt  }
0x73: {  	_ =	shalt  }
0x74: {  	_ =	shalt  }
0x75: {  	_ =	shalt  }
0x76: {  	_ =	shalt  }
0x77: {  	_ =	shalt  }
0x78: {  	_ =	shalt  }
0x79: {  	_ =	shalt  }
0x7a: {  	_ =	shalt  }
0x7b: {  	_ =	shalt  }
0x7c: {  	_ =	shalt  }
0x7d: {  	_ =	shalt  }
0x7e: {  	_ =	shalt  }
0x7f: {  	_ =	shalt  }
0x80: {  	_ =	shalt  }
0x81: {  	_ =	shalt  }
0x82: {  	_ =	shalt  }
0x83: {  	_ =	shalt  }
0x84: {  	_ =	shalt  }
0x85: {  	_ =	shalt  }
0x86: {  	_ =	shalt  }
0x87: {  	_ =	shalt  }
.Lfunc_end0:
.L_simem_size_0:
called_computation.1_lowered:
.L_overlay_start_0:
0x88: {  	s2 =	sld [smem:$0x3FD9]  }
0x89: {  	s3 =	sld [smem:$0x3FFE];
	_ =	sdelay $0x1  }
0x8a: {  	s1 =	srdreg.scid  }
0x8b: {  	s0 =	sand.u32 $0x1, s1  }
0x8c: {  	s17 =	sshll.u32 s0, $0xA;
	s2 =	sadd.s32 s3, s2  }
0x8d: {  	s2 =	sadd.s32 s2, s17  }
0x8e: {  	[smem:$0x3FC4] =	sst s2  }
0x8f: {  	_ = 	snop  }
0x90: {  	s2 =	sld [smem:$0x3FD0];
	(tm) =	ssettm $0x1  }
0x91: {  	s18 =	sld [smem:$0x3FFB];
	_ =	sdelay $0x3  }
0x92: {  	_ =	strace s18  }
0x93: {  	s3 =	sld [smem:$0x3FFC];
	_ =	sdelay $0x3  }
0x94: {  	_ =	strace s3  }
0x95: {  	s3 =	sld [smem:$0x3FFD];
	_ =	sdelay $0x3  }
0x96: {  	_ =	strace s3  }
0x97: {  	_ =	strace $0x8FFFFFFF  }
0x98: {  	s19 =	sld [smem:$0x3FDB];
	_ =	sdelay $0x1  }
0x99: {  	s4 =	simm.s32 $_scs_section_size  }
0x9a: {  	s5 =	simm.s32 $_size__tile_overlayer_lowered;
	s6 =	simm.s32 $_tile_overlayer_lowered  }
0x9b: {  	s22 =	simm.s32 $0x1BFF;
	s21 =	sshll.u32 s6, $0x1;
	s3 =	sadd.s32 s4, s19  }
0x9c: {  	s7 =	simm.s32 $0x0;
	s20 =	sshll.u32 s5, $0x1;
	s5 =	sadd.s32 s21, s3  }
0x9d: {  	[timem:s7], [sflag:s22] =	dma.local [hbm:s5], s20  }
0x9e: {  	_ =	swait.ge [sflag:s22], s20  }
0x9f: {  	s4 =	ssub.s32 $0x0, s20;
	[sflag:s22] =	ssyncset.done $0x0  }
0xa0: {  	[sflag:s22] =	ssyncadd.s32 s4;
	_ =	sdelay $0x1  }
0xa1: {  	s23 =	simm.s32 $0x1B8B  }
0xa2: {  	_ =	swait.ge [sflag:s23], $0x1  }
0xa3: {  	[sflag:s23] =	ssyncset.done $0x0  }
0xa4: {  	s25 =	simm.s32 $0x1B8E;
	s24 =	sld [smem:$0x3FFE];
	[sflag:s23] =	ssyncadd.s32 $0xFFFFFFFF  }
0xa5: {  	s26 =	simm.s32 $execute0_lowered;
	[smem:$0x3FD2] =	sst s25  }
0xa6: {  	s5 =	sshll.u32 s26, $0x1;
	_ =	strace $0x80000049;
	[dreg:$0x1] =	wrdreg $0xFFFFFFFF  }
0xa7: {  	s28 =	simm.s32 $_size_execute0_lowered;
	s3 =	sadd.s32 s3, s5;
	[dreg:$0x0] =	wrdreg $0x0  }
0xa8: {  	s5 =	sshll.u32 s28, $0x1;
	[dreg:$0x2] =	wrdreg s3  }
0xa9: {  	[dreg:$0x3] =	wrdreg s5  }
0xaa: {  	[dreg:$0x4] =	wrdreg $0xC0  }
0xab: {  	_ =	task [dreg:s7], $0x5FFFF  }
0xac: {  	[dreg:$0x1] =	wrdreg $0xFFFFFFFF  }
0xad: {  	[dreg:$0x0] =	wrdreg $0x60  }
0xae: {  	[dreg:$0x2] =	wrdreg s24  }
0xaf: {  	[dreg:$0x3] =	wrdreg s2  }
0xb0: {  	[dreg:$0x4] =	wrdreg $0x99000  }
0xb1: {  	[dreg:$0x5] =	wrdreg $0x139000  }
0xb2: {  	[dreg:$0x6] =	wrdreg $0x9  }
0xb3: {  	_ =	task.clear_ibuf [dreg:s7], $0x7FFFF;
	_ =	strace $0x90000049  }
0xb4: {  	s29 =	simm.s32 $0x9;
	_ =	strace $0x8000004B  }
0xb5: {  	_ =	swait.ge [sflag:s29], $0x1  }
0xb6: {  	[sflag:s29] =	ssyncadd.s32 $0xFFFFFFFF  }
0xb7: {  	_ =	strace $0x9000004B  }
0xb8: {  	_ =	sfence  }
0xb9: {  	s30 =	sld [smem:$0x0];
	_ =	sdelay $0x2  }
0xba: {  	s31 =	sshll.u32 s1, $0xD;
	s1 =	sshrl.u32 s1, $0x2  }
0xbb: {  	s3 =	sand.u32 $0x4000, s31;
	s1 =	sadd.s32 s1, s30  }
0xbc: {  	s0 =	sor.u32 s3, s0;
	s1 =	sshll.u32 s1, $0x11  }
0xbd: {  	s0 =	sor.u32 s1, s0  }
0xbe: {  	s0 =	sadd.s32 $0x8F2B, s0  }
0xbf: {  	[sflag:s0] =	ssyncadd.remote.s32 $0x1  }
0xc0: {  	_ =	sfence.sel $0xFFFF  }
0xc1: {  	[dreg:$0x0] =	wrdreg $0xFFFFFFFF;
	(pc) =	sbr.abs _section_cstart, $3  }
0xc2: {  	[dreg:$0x1] =	wrdreg $0xFFFFFFFF  }
0xc3: {  	_ =	task.clear_ibuf [dreg:s7], $0x2FFFF;
	_ =	strace $0x9FFFFFFF  }
0xc4: {  	(tm) =	ssettm $0x7FFFFFFF  }
0xc5: {  	_ =	shalt  }
tec
execute0_lowered:
.L_overlay_start_1:
0x0: {  	(tag) =	ssettag $0x1  }
0x1: {  	s0 =	rddreg [dreg:$0x0]  }
0x2: {  	s1 =	rddreg [dreg:$0x1]  }
0x3: {  	s2 =	rddreg [dreg:$0x2]  }
0x4: {  	s3 =	rddreg [dreg:$0x3];
	s9 =	stileid.u32  }
0x5: {  	s5 =	srdreg.scid;
	s4 =	smul.u32 $0x5000, s9  }
0x6: {  	s6 =	simm.s32 $0x0;
	s29 =	simm.s32 $0x3;
	s7 =	smul.u32 $0xA000, s9  }
0x7: {  	s30 =	simm.s32 $0x2900;
	s31 =	simm.s32 $0x80;
	s15 =	smul.u32 $0x5100, s9  }
0x8: {  	s5 =	sand.u32 $0x1, s5;
	[smem:$0x7FF] =	sst s6;
	s12 =	smul.u32 $0x500, s9  }
0x9: {  	s11 =	sadd.s32 $0x1200, s0;
	s16 =	sshll.u32 s9, $0x6;
	s14 =	smul.u32 $0xA0000, s5  }
0xa: {  	_ =	strace $0x8000004A;
	s5 =	ssub.s32 $0x2, s5;
	s4 =	sshrl.u32 s4, $0x3  }
0xb: {  	s8 =	sshrl.u32 s5, $0x1;
	s17 =	sadd.s32 s11, s12;
	s4 =	sadd.s32 s4, s0  }
0xc: {  	s6 =	sadd.s32 s7, s14;
	s13 =	ssub.s32 s5, s8;
	s14 =	smul.u32 $0x280, s9  }
0xd: {  	s5 =	sadd.s32 s7, s2;
	s8 =	sshrl.u32 s15, $0x3;
	s7 =	sadd.s32 s7, s3  }
0xe: {  	[dreg:$0x5] =	wrdreg s17;
	s6 =	sshrl.u32 s6, $0x3;
	s8 =	sadd.s32 s1, s8  }
0xf: {  	s9 =	sadd.s32 $0x15800, s4;
	s10 =	sadd.s32 $0x15D00, s4;
	s26 =	smax.u32 s13, $0x1  }
0x10: {  	s0 =	sadd.s32 s6, s0;
	s6 =	sor.u32 $0x1C03, s16;
	s18 =	sadd.s32 $0x80, s14  }
0x11: {  	s16 =	sadd.s32 $0x100, s14;
	s22 =	sadd.s32 $0x180, s14;
	s14 =	sadd.s32 $0x200, s14  }
0x12: {  	[dreg:$0xc] =	wrdreg s26;
	s28 =	sadd.s32 $0x500, s8;
	s26 =	simm.s32 $0x2  }
0x13: {  	s19 =	sshll.u32 s18, $0x6;
	s1 =	sshll.u32 s18, $0x1;
	s20 =	sshll.u32 s16, $0x6  }
0x14: {  	s21 =	sshll.u32 s16, $0x1;
	s23 =	sshll.u32 s22, $0x6;
	s24 =	sshll.u32 s14, $0x1  }
0x15: {  	s25 =	sshll.u32 s14, $0x6;
	s12 =	sadd.s32 s19, s3;
	s1 =	sadd.s32 s11, s1  }
0x16: {  	s4 =	sadd.s32 s19, s2;
	s15 =	sadd.s32 s20, s3;
	[dreg:$0x6] =	wrdreg s1  }
0x17: {  	s18 =	sadd.s32 s23, s3;
	[dreg:$0x7] =	wrdreg s4;
	s4 =	sadd.s32 s11, s21  }
0x18: {  	s1 =	sadd.s32 s20, s2;
	s20 =	sadd.s32 s23, s2;
	s21 =	sadd.s32 s11, s24  }
0x19: {  	s23 =	sadd.s32 s25, s2;
	s24 =	sadd.s32 $0x97800, s0;
	[dreg:$0x8] =	wrdreg s4  }
0x1a: {  	s0 =	sadd.s32 $0x1F800, s0;
	[dreg:$0x9] =	wrdreg s1;
	s1 =	sshll.u32 s22, $0x1  }
0x1b: {  	s22 =	sadd.s32 s25, s3;
	[dreg:$0xb] =	wrdreg s0;
	s0 =	simm.s32 $0x5100  }
0x1c: {  	s25 =	simm.s32 $0x1;
	s4 =	simm.s32 $0x9100;
	s1 =	sadd.s32 s11, s1  }
0x1d: {  	s11 =	simm.s32 $0x0;
	[dreg:$0xa] =	wrdreg s1;
	s1 =	simm.s32 $0x7100  }
.LBB2_1:
0x1e: {  	s13 =	sshrl.u32 s5, $0x3  }
0x1f: {  	[spmem:s13], [sflag:s6] =	dma.local [hbm:s24], $0x1400  }
0x20: {  	_ =	swait.ge [sflag:s29], $0x1400  }
0x21: {  	[sflag:s29] =	ssyncset.done $0x0  }
0x22: {  	s13 =	sshrl.u32 s7, $0x3;
	[sflag:s29] =	ssyncadd.s32 $0xFFFFEC00  }
0x23: {  	[spmem:s13], [sflag:s6] =	dma.local [hbm:s24], $0x1400  }
0x24: {  	_ =	swait.ge [sflag:s29], $0x1400  }
0x25: {  	[sflag:s29] =	ssyncset.done $0x0  }
0x26: {  	[sflag:s29] =	ssyncadd.s32 $0xFFFFEC00  }
0x27: {  	s14 =	simm.s32 $0x0;
	[bflag:$0x0] =	sbarrier.arrive $0xFFFF  }
0x28: {  	[tilespmem:s14], [sflag:$0x3] =	stream.linear.gather [hbm4b:s8+s14], $0x2900, $0x38;
	[tilespmem:$0x1D900] =	vst v63  }
0x29: {  	_ =	swait.ge [sflag:s29], $0x2900  }
0x2a: {  	[sflag:s29] =	ssyncset.done $0x0  }
0x2b: {  	[sflag:s29] =	ssyncadd.s32 $0xFFFFD700  }
0x2c: {  	[tilespmem:s30], [sflag:$0x3] =	stream.linear.gather [hbm4b:s9+s14], $0x2800, $0x38;
	[tilespmem:$0x1D900] =	vst v63  }
0x2d: {  	_ =	swait.ge [sflag:s29], $0x2800  }
0x2e: {  	[sflag:s29] =	ssyncset.done $0x0  }
0x2f: {  	[sflag:s29] =	ssyncadd.s32 $0xFFFFD800  }
0x30: {  	[tilespmem:s0], [sflag:$0x1] =	stream.indirect.gather [spmem:s2], $0x40, s14, s31, $0xb8;
	[tilespmem:$0x1D900] =	vst v63  }
0x31: {  	_ = 	snop  }
0x32: {  	[tilespmem:s1], [sflag:$0x2] =	stream.indirect.gather [spmem:s2], $0x40, s31, s31, $0xb8;
	[tilespmem:$0x1D900] =	vst v63  }
0x33: {  	_ =	swait.ge [sflag:s25], $0x2000  }
0x34: {  	[sflag:s25] =	ssyncset.done $0x0  }
0x35: {  	s16 =	simm.s32 $0x2900;
	[sflag:s25] =	ssyncadd.s32 $0xFFFFE000  }
0x36: {  	[spmem:s3] =	stream.indirect.scatter.add.f32 [tilespmem:s0], [sflag:$0x3], $0x40, s16, s31, $0xb8;
	[tilespmem:$0x1D900] =	vst v63  }
0x37: {  	_ =	swait.ge [sflag:s29], $0x2000  }
0x38: {  	[sflag:s29] =	ssyncset.done $0x0  }
0x39: {  	s17 =	simm.s32 $0x100;
	[sflag:s29] =	ssyncadd.s32 $0xFFFFE000  }
0x3a: {  	[tilespmem:s0], [sflag:$0x1] =	stream.indirect.gather [spmem:s2], $0x40, s17, s31, $0xb8;
	[tilespmem:$0x1D900] =	vst v63  }
0x3b: {  	_ =	swait.ge [sflag:s26], $0x2000  }
0x3c: {  	[sflag:s26] =	ssyncset.done $0x0  }
0x3d: {  	s19 =	simm.s32 $0x2980;
	[sflag:s26] =	ssyncadd.s32 $0xFFFFE000  }
0x3e: {  	[spmem:s3] =	stream.indirect.scatter.add.f32 [tilespmem:s1], [sflag:$0x3], $0x40, s19, s31, $0xb8;
	[tilespmem:$0x1D900] =	vst v63  }
0x3f: {  	_ =	swait.ge [sflag:s29], $0x2000  }
0x40: {  	[sflag:s29] =	ssyncset.done $0x0  }
0x41: {  	s14 =	simm.s32 $0x400;
	s16 =	simm.s32 $0x180;
	[sflag:s29] =	ssyncadd.s32 $0xFFFFE000  }
.LBB2_2:
0x42: {  	[tilespmem:s1], [sflag:$0x2] =	stream.indirect.gather [spmem:s2], $0x40, s16, s31, $0xb8;
	[tilespmem:$0x1D900] =	vst v63  }
0x43: {  	s16 =	smov.u32 s14  }
0x44: {  	p0 =	sne.s32 s14, $0x9C00;
	s14 =	sadd.s32 $0x400, s14;
	_ =	swait.ge [sflag:s25], $0x2000  }
0x45: {  	s16 =	sshra.s32 s16, $0x2;
	[sflag:s25] =	ssyncset.done $0x0  }
0x46: {  	s17 =	sadd.s32 $0x2900, s16;
	[sflag:s25] =	ssyncadd.s32 $0xFFFFE000  }
0x47: {  	[spmem:s3] =	stream.indirect.scatter.add.f32 [tilespmem:s0], [sflag:$0x3], $0x40, s17, s31, $0xb8;
	[tilespmem:$0x1D900] =	vst v63  }
0x48: {  	_ =	swait.ge [sflag:s29], $0x2000  }
0x49: {  	[sflag:s29] =	ssyncset.done $0x0  }
0x4a: {  	s17 =	sadd.s32 $0x100, s16;
	[sflag:s29] =	ssyncadd.s32 $0xFFFFE000  }
0x4b: {  	[tilespmem:s0], [sflag:$0x1] =	stream.indirect.gather [spmem:s2], $0x40, s17, s31, $0xb8;
	[tilespmem:$0x1D900] =	vst v63  }
0x4c: {  	_ =	swait.ge [sflag:s26], $0x2000  }
0x4d: {  	[sflag:s26] =	ssyncset.done $0x0  }
.Ltmp0:
0x4e: {  	s17 =	sadd.s32 $0x2980, s16;
	[sflag:s26] =	ssyncadd.s32 $0xFFFFE000;
	(pc) =	sbr.rel @p0 .LBB2_2-.Ltmp0, $4  }
0x4f: {  	[spmem:s3] =	stream.indirect.scatter.add.f32 [tilespmem:s1], [sflag:$0x3], $0x40, s17, s31, $0xb8;
	[tilespmem:$0x1D900] =	vst v63  }
0x50: {  	_ =	swait.ge [sflag:s29], $0x2000  }
0x51: {  	[sflag:s29] =	ssyncset.done $0x0  }
0x52: {  	s16 =	sadd.s32 $0x180, s16;
	[sflag:s29] =	ssyncadd.s32 $0xFFFFE000  }
0x53: {  	[tilespmem:s1], [sflag:$0x2] =	stream.indirect.gather [spmem:s2], $0x40, s16, s31, $0xb8;
	[tilespmem:$0x1D900] =	vst v63  }
0x54: {  	_ =	swait.ge [sflag:s25], $0x2000  }
0x55: {  	[sflag:s25] =	ssyncset.done $0x0  }
0x56: {  	[sflag:s25] =	ssyncadd.s32 $0xFFFFE000  }
0x57: {  	_ =	swait.ge [sflag:s26], $0x2000  }
0x58: {  	[sflag:s26] =	ssyncset.done $0x0  }
0x59: {  	s14 =	simm.s32 $0x0;
	[sflag:s26] =	ssyncadd.s32 $0xFFFFE000  }
0x5a: {  	[tilespmem:s14], [sflag:$0x3] =	stream.linear.gather [hbm4b:s28+s14], $0x2900, $0x38;
	[tilespmem:$0x1D900] =	vst v63  }
0x5b: {  	_ =	swait.ge [sflag:s29], $0x2900  }
0x5c: {  	[sflag:s29] =	ssyncset.done $0x0  }
0x5d: {  	[sflag:s29] =	ssyncadd.s32 $0xFFFFD700  }
0x5e: {  	[tilespmem:s30], [sflag:$0x3] =	stream.linear.gather [hbm4b:s10+s14], $0x2800, $0x38;
	[tilespmem:$0x1D900] =	vst v63  }
0x5f: {  	_ =	swait.ge [sflag:s29], $0x2800  }
0x60: {  	[sflag:s29] =	ssyncset.done $0x0  }
0x61: {  	[sflag:s29] =	ssyncadd.s32 $0xFFFFD800  }
0x62: {  	[tilespmem:s0], [sflag:$0x1] =	stream.indirect.gather [spmem:s2], $0x40, s14, s31, $0xb8;
	[tilespmem:$0x1D900] =	vst v63  }
0x63: {  	_ = 	snop  }
0x64: {  	[tilespmem:s1], [sflag:$0x2] =	stream.indirect.gather [spmem:s2], $0x40, s31, s31, $0xb8;
	[tilespmem:$0x1D900] =	vst v63  }
0x65: {  	_ =	swait.ge [sflag:s25], $0x2000  }
0x66: {  	[sflag:s25] =	ssyncset.done $0x0  }
0x67: {  	s16 =	simm.s32 $0x2900;
	[sflag:s25] =	ssyncadd.s32 $0xFFFFE000  }
0x68: {  	[spmem:s3] =	stream.indirect.scatter.add.f32 [tilespmem:s0], [sflag:$0x3], $0x40, s16, s31, $0xb8;
	[tilespmem:$0x1D900] =	vst v63  }
0x69: {  	_ =	swait.ge [sflag:s29], $0x2000  }
0x6a: {  	[sflag:s29] =	ssyncset.done $0x0  }
0x6b: {  	s17 =	simm.s32 $0x100;
	[sflag:s29] =	ssyncadd.s32 $0xFFFFE000  }
0x6c: {  	[tilespmem:s0], [sflag:$0x1] =	stream.indirect.gather [spmem:s2], $0x40, s17, s31, $0xb8;
	[tilespmem:$0x1D900] =	vst v63  }
0x6d: {  	_ =	swait.ge [sflag:s26], $0x2000  }
0x6e: {  	[sflag:s26] =	ssyncset.done $0x0  }
0x6f: {  	s19 =	simm.s32 $0x2980;
	[sflag:s26] =	ssyncadd.s32 $0xFFFFE000  }
0x70: {  	[spmem:s3] =	stream.indirect.scatter.add.f32 [tilespmem:s1], [sflag:$0x3], $0x40, s19, s31, $0xb8;
	[tilespmem:$0x1D900] =	vst v63  }
0x71: {  	_ =	swait.ge [sflag:s29], $0x2000  }
0x72: {  	[sflag:s29] =	ssyncset.done $0x0  }
0x73: {  	s14 =	simm.s32 $0x400;
	s16 =	simm.s32 $0x180;
	[sflag:s29] =	ssyncadd.s32 $0xFFFFE000  }
.LBB2_4:
0x74: {  	[tilespmem:s1], [sflag:$0x2] =	stream.indirect.gather [spmem:s2], $0x40, s16, s31, $0xb8;
	[tilespmem:$0x1D900] =	vst v63  }
0x75: {  	s16 =	smov.u32 s14  }
0x76: {  	p0 =	sne.s32 s14, $0x9C00;
	s14 =	sadd.s32 $0x400, s14;
	_ =	swait.ge [sflag:s25], $0x2000  }
0x77: {  	s16 =	sshra.s32 s16, $0x2;
	[sflag:s25] =	ssyncset.done $0x0  }
0x78: {  	s17 =	sadd.s32 $0x2900, s16;
	[sflag:s25] =	ssyncadd.s32 $0xFFFFE000  }
0x79: {  	[spmem:s3] =	stream.indirect.scatter.add.f32 [tilespmem:s0], [sflag:$0x3], $0x40, s17, s31, $0xb8;
	[tilespmem:$0x1D900] =	vst v63  }
0x7a: {  	_ =	swait.ge [sflag:s29], $0x2000  }
0x7b: {  	[sflag:s29] =	ssyncset.done $0x0  }
0x7c: {  	s17 =	sadd.s32 $0x100, s16;
	[sflag:s29] =	ssyncadd.s32 $0xFFFFE000  }
0x7d: {  	[tilespmem:s0], [sflag:$0x1] =	stream.indirect.gather [spmem:s2], $0x40, s17, s31, $0xb8;
	[tilespmem:$0x1D900] =	vst v63  }
0x7e: {  	_ =	swait.ge [sflag:s26], $0x2000  }
0x7f: {  	[sflag:s26] =	ssyncset.done $0x0  }
.Ltmp1:
0x80: {  	s17 =	sadd.s32 $0x2980, s16;
	[sflag:s26] =	ssyncadd.s32 $0xFFFFE000;
	(pc) =	sbr.rel @p0 .LBB2_4-.Ltmp1, $4  }
0x81: {  	[spmem:s3] =	stream.indirect.scatter.add.f32 [tilespmem:s1], [sflag:$0x3], $0x40, s17, s31, $0xb8;
	[tilespmem:$0x1D900] =	vst v63  }
0x82: {  	_ =	swait.ge [sflag:s29], $0x2000  }
0x83: {  	[sflag:s29] =	ssyncset.done $0x0  }
0x84: {  	s16 =	sadd.s32 $0x180, s16;
	[sflag:s29] =	ssyncadd.s32 $0xFFFFE000  }
0x85: {  	[tilespmem:s1], [sflag:$0x2] =	stream.indirect.gather [spmem:s2], $0x40, s16, s31, $0xb8;
	[tilespmem:$0x1D900] =	vst v63  }
0x86: {  	_ =	swait.ge [sflag:s25], $0x2000  }
0x87: {  	[sflag:s25] =	ssyncset.done $0x0  }
0x88: {  	[sflag:s25] =	ssyncadd.s32 $0xFFFFE000  }
0x89: {  	_ =	swait.ge [sflag:s26], $0x2000  }
0x8a: {  	[sflag:s26] =	ssyncset.done $0x0  }
0x8b: {  	[sflag:s26] =	ssyncadd.s32 $0xFFFFE000  }
0x8c: {  	[bflag:$0x0] =	sbarrier.arrive $0xFFFF  }
0x8d: {  	[tilespmem:s0], [sflag:$0x3] =	stream.linear.gather [spmem:s7], $0x2000, $0x38;
	[tilespmem:$0x1D900] =	vst v63  }
0x8e: {  	_ =	swait.ge [sflag:s29], $0x2000  }
0x8f: {  	[sflag:s29] =	ssyncset.done $0x0  }
0x90: {  	s14 =	simm.s32 $0x0;
	s17 =	rddreg [dreg:$0x5];
	[sflag:s29] =	ssyncadd.s32 $0xFFFFE000  }
0x91: {  	[tilespmem:s4], [sflag:$0x3] =	stream.linear.gather [hbm4b:s17+s14], $0x800, $0x38;
	[tilespmem:$0x1D900] =	vst v63  }
0x92: {  	_ =	swait.ge [sflag:s29], $0x800  }
0x93: {  	[sflag:s29] =	ssyncset.done $0x0  }
0x94: {  	s14 =	simm.s32 $0x5120;
	[sflag:s29] =	ssyncadd.s32 $0xFFFFF800  }
0x95: {  	v0 =	vld [tilespmem:s14+$0xFFFFFFF0]  }
0x96: {  	v2 =	vld [tilespmem:s14+$0x10]  }
0x97: {  	s19 =	simm.s32 $0x0;
	v1 =	vld [tilespmem:s14+$0xFFFFFFE0]  }
0x98: {  	v4 =	vld [tilespmem:s19+$0x9100]  }
0x99: {  	v5 =	vld [tilespmem:s14+$0x0];
	_ =	sdelay $0x3  }
0x9a: {  	v1 =	vmul.f32 v1, v4;
	v3 =	vmul.f32 v2, v4  }
0x9b: {  	s16 =	simm.s32 $0x40;
	s17 =	simm.s32 $0x5120;
	v2 =	vmul.f32 v0, v4;
	v0 =	vmul.f32 v5, v4  }
.LBB2_6:
0x9c: {  	p0 =	sne.s32 s16, $0x1FC0  }
0x9d: {  	[tilespmem:s14+$0x10] =	vst v3;
	s17 =	sadd.s32 $0x40, s17;
	s19 =	smov.u32 s16;
	s16 =	sadd.s32 $0x40, s16  }
0x9e: {  	v4 =	vld [tilespmem:s17+$0xFFFFFFF0];
	[tilespmem:s14+$0xFFFFFFE0] =	vst v1  }
0x9f: {  	v3 =	vld [tilespmem:s17+$0x10];
	[tilespmem:s14+$0xFFFFFFF0] =	vst v2  }
0xa0: {  	s19 =	sshra.s32 s19, $0x2;
	v1 =	vld [tilespmem:s17+$0xFFFFFFE0];
	[tilespmem:s14+$0x0] =	vst v0;
	s14 =	smov.u32 s17  }
0xa1: {  	v0 =	vld [tilespmem:s19+$0x9100]  }
0xa2: {  	v5 =	vld [tilespmem:s17+$0x0]  }
.Ltmp2:
0xa3: {  	(pc) =	sbr.rel @p0 .LBB2_6-.Ltmp2, $3  }
0xa4: {  	_ =	sdelay $0x1  }
0xa5: {  	v1 =	vmul.f32 v1, v0;
	v3 =	vmul.f32 v3, v0  }
0xa6: {  	v2 =	vmul.f32 v4, v0;
	v0 =	vmul.f32 v5, v0  }
0xa7: {  	[tilespmem:s14+$0x10] =	vst v3  }
0xa8: {  	[tilespmem:s14+$0xFFFFFFE0] =	vst v1  }
0xa9: {  	[tilespmem:s14+$0xFFFFFFF0] =	vst v2  }
0xaa: {  	[tilespmem:s14+$0x0] =	vst v0  }
0xab: {  	[spmem:s5] =	stream.linear.scatter [tilespmem:s0], [sflag:$0x3], $0x2000, $0x38;
	[tilespmem:$0x1D900] =	vst v63  }
0xac: {  	_ =	swait.ge [sflag:s29], $0x2000  }
0xad: {  	[sflag:s29] =	ssyncset.done $0x0  }
0xae: {  	[sflag:s29] =	ssyncadd.s32 $0xFFFFE000  }
0xaf: {  	[spmem:s7] =	stream.linear.scatter [tilespmem:s0], [sflag:$0x3], $0x2000, $0x38;
	[tilespmem:$0x1D900] =	vst v63  }
0xb0: {  	_ =	swait.ge [sflag:s29], $0x2000  }
0xb1: {  	[sflag:s29] =	ssyncset.done $0x0  }
0xb2: {  	[sflag:s29] =	ssyncadd.s32 $0xFFFFE000  }
0xb3: {  	[tilespmem:s0], [sflag:$0x3] =	stream.linear.gather [spmem:s12], $0x2000, $0x38;
	[tilespmem:$0x1D900] =	vst v63  }
0xb4: {  	_ =	swait.ge [sflag:s29], $0x2000  }
0xb5: {  	[sflag:s29] =	ssyncset.done $0x0  }
0xb6: {  	s17 =	simm.s32 $0x0;
	s16 =	rddreg [dreg:$0x6];
	[sflag:s29] =	ssyncadd.s32 $0xFFFFE000  }
0xb7: {  	[tilespmem:s4], [sflag:$0x3] =	stream.linear.gather [hbm4b:s16+s17], $0x800, $0x38;
	[tilespmem:$0x1D900] =	vst v63  }
0xb8: {  	_ =	swait.ge [sflag:s29], $0x800  }
0xb9: {  	[sflag:s29] =	ssyncset.done $0x0  }
0xba: {  	s14 =	simm.s32 $0x5120;
	[sflag:s29] =	ssyncadd.s32 $0xFFFFF800  }
0xbb: {  	v0 =	vld [tilespmem:s14+$0xFFFFFFF0]  }
0xbc: {  	v2 =	vld [tilespmem:s14+$0x10]  }
0xbd: {  	s19 =	simm.s32 $0x0;
	v1 =	vld [tilespmem:s14+$0xFFFFFFE0]  }
0xbe: {  	v4 =	vld [tilespmem:s19+$0x9100]  }
0xbf: {  	v5 =	vld [tilespmem:s14+$0x0];
	_ =	sdelay $0x3  }
0xc0: {  	v1 =	vmul.f32 v1, v4;
	v3 =	vmul.f32 v2, v4  }
0xc1: {  	s16 =	simm.s32 $0x40;
	s17 =	simm.s32 $0x5120;
	v2 =	vmul.f32 v0, v4;
	v0 =	vmul.f32 v5, v4  }
.LBB2_8:
0xc2: {  	p0 =	sne.s32 s16, $0x1FC0  }
0xc3: {  	[tilespmem:s14+$0x10] =	vst v3;
	s17 =	sadd.s32 $0x40, s17;
	s19 =	smov.u32 s16;
	s16 =	sadd.s32 $0x40, s16  }
0xc4: {  	v4 =	vld [tilespmem:s17+$0xFFFFFFF0];
	[tilespmem:s14+$0xFFFFFFE0] =	vst v1  }
0xc5: {  	v3 =	vld [tilespmem:s17+$0x10];
	[tilespmem:s14+$0xFFFFFFF0] =	vst v2  }
0xc6: {  	s19 =	sshra.s32 s19, $0x2;
	v1 =	vld [tilespmem:s17+$0xFFFFFFE0];
	[tilespmem:s14+$0x0] =	vst v0;
	s14 =	smov.u32 s17  }
0xc7: {  	v0 =	vld [tilespmem:s19+$0x9100]  }
0xc8: {  	v5 =	vld [tilespmem:s17+$0x0]  }
.Ltmp3:
0xc9: {  	(pc) =	sbr.rel @p0 .LBB2_8-.Ltmp3, $3  }
0xca: {  	_ =	sdelay $0x1  }
0xcb: {  	v1 =	vmul.f32 v1, v0;
	v3 =	vmul.f32 v3, v0  }
0xcc: {  	v2 =	vmul.f32 v4, v0;
	v0 =	vmul.f32 v5, v0  }
0xcd: {  	[tilespmem:s14+$0x10] =	vst v3  }
0xce: {  	[tilespmem:s14+$0xFFFFFFE0] =	vst v1  }
0xcf: {  	[tilespmem:s14+$0xFFFFFFF0] =	vst v2  }
0xd0: {  	s16 =	rddreg [dreg:$0x7];
	[tilespmem:s14+$0x0] =	vst v0  }
0xd1: {  	[spmem:s16] =	stream.linear.scatter [tilespmem:s0], [sflag:$0x3], $0x2000, $0x38;
	[tilespmem:$0x1D900] =	vst v63  }
0xd2: {  	_ =	swait.ge [sflag:s29], $0x2000  }
0xd3: {  	[sflag:s29] =	ssyncset.done $0x0  }
0xd4: {  	[sflag:s29] =	ssyncadd.s32 $0xFFFFE000  }
0xd5: {  	[spmem:s12] =	stream.linear.scatter [tilespmem:s0], [sflag:$0x3], $0x2000, $0x38;
	[tilespmem:$0x1D900] =	vst v63  }
0xd6: {  	_ =	swait.ge [sflag:s29], $0x2000  }
0xd7: {  	[sflag:s29] =	ssyncset.done $0x0  }
0xd8: {  	[sflag:s29] =	ssyncadd.s32 $0xFFFFE000  }
0xd9: {  	[tilespmem:s0], [sflag:$0x3] =	stream.linear.gather [spmem:s15], $0x2000, $0x38;
	[tilespmem:$0x1D900] =	vst v63  }
0xda: {  	_ =	swait.ge [sflag:s29], $0x2000  }
0xdb: {  	[sflag:s29] =	ssyncset.done $0x0  }
0xdc: {  	s17 =	simm.s32 $0x0;
	s16 =	rddreg [dreg:$0x8];
	[sflag:s29] =	ssyncadd.s32 $0xFFFFE000  }
0xdd: {  	[tilespmem:s4], [sflag:$0x3] =	stream.linear.gather [hbm4b:s16+s17], $0x800, $0x38;
	[tilespmem:$0x1D900] =	vst v63  }
0xde: {  	_ =	swait.ge [sflag:s29], $0x800  }
0xdf: {  	[sflag:s29] =	ssyncset.done $0x0  }
0xe0: {  	s14 =	simm.s32 $0x5120;
	[sflag:s29] =	ssyncadd.s32 $0xFFFFF800  }
0xe1: {  	v0 =	vld [tilespmem:s14+$0xFFFFFFF0]  }
0xe2: {  	v2 =	vld [tilespmem:s14+$0x10]  }
0xe3: {  	s19 =	simm.s32 $0x0;
	v1 =	vld [tilespmem:s14+$0xFFFFFFE0]  }
0xe4: {  	v4 =	vld [tilespmem:s19+$0x9100]  }
0xe5: {  	v5 =	vld [tilespmem:s14+$0x0];
	_ =	sdelay $0x3  }
0xe6: {  	v1 =	vmul.f32 v1, v4;
	v3 =	vmul.f32 v2, v4  }
0xe7: {  	s16 =	simm.s32 $0x40;
	s17 =	simm.s32 $0x5120;
	v2 =	vmul.f32 v0, v4;
	v0 =	vmul.f32 v5, v4  }
.LBB2_10:
0xe8: {  	p0 =	sne.s32 s16, $0x1FC0  }
0xe9: {  	[tilespmem:s14+$0x10] =	vst v3;
	s17 =	sadd.s32 $0x40, s17;
	s19 =	smov.u32 s16;
	s16 =	sadd.s32 $0x40, s16  }
0xea: {  	v4 =	vld [tilespmem:s17+$0xFFFFFFF0];
	[tilespmem:s14+$0xFFFFFFE0] =	vst v1  }
0xeb: {  	v3 =	vld [tilespmem:s17+$0x10];
	[tilespmem:s14+$0xFFFFFFF0] =	vst v2  }
0xec: {  	s19 =	sshra.s32 s19, $0x2;
	v1 =	vld [tilespmem:s17+$0xFFFFFFE0];
	[tilespmem:s14+$0x0] =	vst v0;
	s14 =	smov.u32 s17  }
0xed: {  	v0 =	vld [tilespmem:s19+$0x9100]  }
0xee: {  	v5 =	vld [tilespmem:s17+$0x0]  }
.Ltmp4:
0xef: {  	(pc) =	sbr.rel @p0 .LBB2_10-.Ltmp4, $3  }
0xf0: {  	_ =	sdelay $0x1  }
0xf1: {  	v1 =	vmul.f32 v1, v0;
	v3 =	vmul.f32 v3, v0  }
0xf2: {  	v2 =	vmul.f32 v4, v0;
	v0 =	vmul.f32 v5, v0  }
0xf3: {  	[tilespmem:s14+$0x10] =	vst v3  }
0xf4: {  	[tilespmem:s14+$0xFFFFFFE0] =	vst v1  }
0xf5: {  	[tilespmem:s14+$0xFFFFFFF0] =	vst v2  }
0xf6: {  	s16 =	rddreg [dreg:$0x9];
	[tilespmem:s14+$0x0] =	vst v0  }
0xf7: {  	[spmem:s16] =	stream.linear.scatter [tilespmem:s0], [sflag:$0x3], $0x2000, $0x38;
	[tilespmem:$0x1D900] =	vst v63  }
0xf8: {  	_ =	swait.ge [sflag:s29], $0x2000  }
0xf9: {  	[sflag:s29] =	ssyncset.done $0x0  }
0xfa: {  	[sflag:s29] =	ssyncadd.s32 $0xFFFFE000  }
0xfb: {  	[spmem:s15] =	stream.linear.scatter [tilespmem:s0], [sflag:$0x3], $0x2000, $0x38;
	[tilespmem:$0x1D900] =	vst v63  }
0xfc: {  	_ =	swait.ge [sflag:s29], $0x2000  }
0xfd: {  	[sflag:s29] =	ssyncset.done $0x0  }
0xfe: {  	[sflag:s29] =	ssyncadd.s32 $0xFFFFE000  }
0xff: {  	[tilespmem:s0], [sflag:$0x3] =	stream.linear.gather [spmem:s18], $0x2000, $0x38;
	[tilespmem:$0x1D900] =	vst v63  }
0x100: {  	_ =	swait.ge [sflag:s29], $0x2000  }
0x101: {  	[sflag:s29] =	ssyncset.done $0x0  }
0x102: {  	s17 =	simm.s32 $0x0;
	s16 =	rddreg [dreg:$0xa];
	[sflag:s29] =	ssyncadd.s32 $0xFFFFE000  }
0x103: {  	[tilespmem:s4], [sflag:$0x3] =	stream.linear.gather [hbm4b:s16+s17], $0x800, $0x38;
	[tilespmem:$0x1D900] =	vst v63  }
0x104: {  	_ =	swait.ge [sflag:s29], $0x800  }
0x105: {  	[sflag:s29] =	ssyncset.done $0x0  }
0x106: {  	s14 =	simm.s32 $0x5120;
	[sflag:s29] =	ssyncadd.s32 $0xFFFFF800  }
0x107: {  	v0 =	vld [tilespmem:s14+$0xFFFFFFF0]  }
0x108: {  	v2 =	vld [tilespmem:s14+$0x10]  }
0x109: {  	s19 =	simm.s32 $0x0;
	v1 =	vld [tilespmem:s14+$0xFFFFFFE0]  }
0x10a: {  	v4 =	vld [tilespmem:s19+$0x9100]  }
0x10b: {  	v5 =	vld [tilespmem:s14+$0x0];
	_ =	sdelay $0x3  }
0x10c: {  	v1 =	vmul.f32 v1, v4;
	v3 =	vmul.f32 v2, v4  }
0x10d: {  	s16 =	simm.s32 $0x40;
	s17 =	simm.s32 $0x5120;
	v2 =	vmul.f32 v0, v4;
	v0 =	vmul.f32 v5, v4  }
.LBB2_12:
0x10e: {  	p0 =	sne.s32 s16, $0x1FC0  }
0x10f: {  	[tilespmem:s14+$0x10] =	vst v3;
	s17 =	sadd.s32 $0x40, s17;
	s19 =	smov.u32 s16;
	s16 =	sadd.s32 $0x40, s16  }
0x110: {  	v4 =	vld [tilespmem:s17+$0xFFFFFFF0];
	[tilespmem:s14+$0xFFFFFFE0] =	vst v1  }
0x111: {  	v3 =	vld [tilespmem:s17+$0x10];
	[tilespmem:s14+$0xFFFFFFF0] =	vst v2  }
0x112: {  	s19 =	sshra.s32 s19, $0x2;
	v1 =	vld [tilespmem:s17+$0xFFFFFFE0];
	[tilespmem:s14+$0x0] =	vst v0;
	s14 =	smov.u32 s17  }
0x113: {  	v0 =	vld [tilespmem:s19+$0x9100]  }
0x114: {  	v5 =	vld [tilespmem:s17+$0x0]  }
.Ltmp5:
0x115: {  	(pc) =	sbr.rel @p0 .LBB2_12-.Ltmp5, $3  }
0x116: {  	_ =	sdelay $0x1  }
0x117: {  	v1 =	vmul.f32 v1, v0;
	v3 =	vmul.f32 v3, v0  }
0x118: {  	v2 =	vmul.f32 v4, v0;
	v0 =	vmul.f32 v5, v0  }
0x119: {  	[tilespmem:s14+$0x10] =	vst v3  }
0x11a: {  	[tilespmem:s14+$0xFFFFFFE0] =	vst v1  }
0x11b: {  	[tilespmem:s14+$0xFFFFFFF0] =	vst v2  }
0x11c: {  	[tilespmem:s14+$0x0] =	vst v0  }
0x11d: {  	[spmem:s20] =	stream.linear.scatter [tilespmem:s0], [sflag:$0x3], $0x2000, $0x38;
	[tilespmem:$0x1D900] =	vst v63  }
0x11e: {  	_ =	swait.ge [sflag:s29], $0x2000  }
0x11f: {  	[sflag:s29] =	ssyncset.done $0x0  }
0x120: {  	[sflag:s29] =	ssyncadd.s32 $0xFFFFE000  }
0x121: {  	[spmem:s18] =	stream.linear.scatter [tilespmem:s0], [sflag:$0x3], $0x2000, $0x38;
	[tilespmem:$0x1D900] =	vst v63  }
0x122: {  	_ =	swait.ge [sflag:s29], $0x2000  }
0x123: {  	[sflag:s29] =	ssyncset.done $0x0  }
0x124: {  	[sflag:s29] =	ssyncadd.s32 $0xFFFFE000  }
0x125: {  	[tilespmem:s0], [sflag:$0x3] =	stream.linear.gather [spmem:s22], $0x2000, $0x38;
	[tilespmem:$0x1D900] =	vst v63  }
0x126: {  	_ =	swait.ge [sflag:s29], $0x2000  }
0x127: {  	[sflag:s29] =	ssyncset.done $0x0  }
0x128: {  	s19 =	simm.s32 $0x0;
	[sflag:s29] =	ssyncadd.s32 $0xFFFFE000  }
0x129: {  	[tilespmem:s4], [sflag:$0x3] =	stream.linear.gather [hbm4b:s21+s19], $0x800, $0x38;
	[tilespmem:$0x1D900] =	vst v63  }
0x12a: {  	_ =	swait.ge [sflag:s29], $0x800  }
0x12b: {  	[sflag:s29] =	ssyncset.done $0x0  }
0x12c: {  	s14 =	simm.s32 $0x5120;
	[sflag:s29] =	ssyncadd.s32 $0xFFFFF800  }
0x12d: {  	v0 =	vld [tilespmem:s14+$0xFFFFFFF0]  }
0x12e: {  	v2 =	vld [tilespmem:s14+$0x10]  }
0x12f: {  	s16 =	simm.s32 $0x0;
	v1 =	vld [tilespmem:s14+$0xFFFFFFE0]  }
0x130: {  	v4 =	vld [tilespmem:s16+$0x9100]  }
0x131: {  	v5 =	vld [tilespmem:s14+$0x0];
	_ =	sdelay $0x3  }
0x132: {  	v1 =	vmul.f32 v1, v4;
	v3 =	vmul.f32 v2, v4  }
0x133: {  	s17 =	simm.s32 $0x5120;
	s16 =	simm.s32 $0x40;
	v2 =	vmul.f32 v0, v4;
	v0 =	vmul.f32 v5, v4  }
.LBB2_14:
0x134: {  	p0 =	sne.s32 s16, $0x1FC0  }
0x135: {  	[tilespmem:s14+$0x10] =	vst v3;
	s17 =	sadd.s32 $0x40, s17;
	s19 =	smov.u32 s16;
	s16 =	sadd.s32 $0x40, s16  }
0x136: {  	v4 =	vld [tilespmem:s17+$0xFFFFFFF0];
	[tilespmem:s14+$0xFFFFFFE0] =	vst v1  }
0x137: {  	v3 =	vld [tilespmem:s17+$0x10];
	[tilespmem:s14+$0xFFFFFFF0] =	vst v2  }
0x138: {  	s19 =	sshra.s32 s19, $0x2;
	v1 =	vld [tilespmem:s17+$0xFFFFFFE0];
	[tilespmem:s14+$0x0] =	vst v0;
	s14 =	smov.u32 s17  }
0x139: {  	v0 =	vld [tilespmem:s19+$0x9100]  }
0x13a: {  	v5 =	vld [tilespmem:s17+$0x0]  }
.Ltmp6:
0x13b: {  	(pc) =	sbr.rel @p0 .LBB2_14-.Ltmp6, $3  }
0x13c: {  	_ =	sdelay $0x1  }
0x13d: {  	v1 =	vmul.f32 v1, v0;
	v3 =	vmul.f32 v3, v0  }
0x13e: {  	v2 =	vmul.f32 v4, v0;
	v0 =	vmul.f32 v5, v0  }
0x13f: {  	[tilespmem:s14+$0x10] =	vst v3  }
0x140: {  	[tilespmem:s14+$0xFFFFFFE0] =	vst v1  }
0x141: {  	[tilespmem:s14+$0xFFFFFFF0] =	vst v2  }
0x142: {  	[tilespmem:s14+$0x0] =	vst v0  }
0x143: {  	[spmem:s23] =	stream.linear.scatter [tilespmem:s0], [sflag:$0x3], $0x2000, $0x38;
	[tilespmem:$0x1D900] =	vst v63  }
0x144: {  	_ =	swait.ge [sflag:s29], $0x2000  }
0x145: {  	[sflag:s29] =	ssyncset.done $0x0  }
0x146: {  	[sflag:s29] =	ssyncadd.s32 $0xFFFFE000  }
0x147: {  	[spmem:s22] =	stream.linear.scatter [tilespmem:s0], [sflag:$0x3], $0x2000, $0x38;
	[tilespmem:$0x1D900] =	vst v63  }
0x148: {  	_ =	swait.ge [sflag:s29], $0x2000  }
0x149: {  	[sflag:s29] =	ssyncset.done $0x0  }
0x14a: {  	[sflag:s29] =	ssyncadd.s32 $0xFFFFE000  }
0x14b: {  	s19 =	simm.s32 $0x0;
	[bflag:$0x0] =	sbarrier.arrive $0xFFFF  }
0x14c: {  	[tilespmem:s19], [sflag:$0x3] =	stream.linear.gather [hbm4b:s8+s19], $0x2900, $0x38;
	[tilespmem:$0x1D900] =	vst v63  }
0x14d: {  	_ =	swait.ge [sflag:s29], $0x2900  }
0x14e: {  	[sflag:s29] =	ssyncset.done $0x0  }
0x14f: {  	[sflag:s29] =	ssyncadd.s32 $0xFFFFD700  }
0x150: {  	[tilespmem:s30], [sflag:$0x3] =	stream.linear.gather [hbm4b:s9+s19], $0x2800, $0x38;
	[tilespmem:$0x1D900] =	vst v63  }
0x151: {  	_ =	swait.ge [sflag:s29], $0x2800  }
0x152: {  	[sflag:s29] =	ssyncset.done $0x0  }
0x153: {  	[sflag:s29] =	ssyncadd.s32 $0xFFFFD800  }
0x154: {  	[tilespmem:s0], [sflag:$0x1] =	stream.indirect.gather [spmem:s2], $0x40, s19, s31, $0xb8;
	[tilespmem:$0x1D900] =	vst v63  }
0x155: {  	_ = 	snop  }
0x156: {  	[tilespmem:s1], [sflag:$0x2] =	stream.indirect.gather [spmem:s2], $0x40, s31, s31, $0xb8;
	[tilespmem:$0x1D900] =	vst v63  }
0x157: {  	_ =	swait.ge [sflag:s25], $0x2000  }
0x158: {  	[sflag:s25] =	ssyncset.done $0x0  }
0x159: {  	s16 =	simm.s32 $0x2900;
	[sflag:s25] =	ssyncadd.s32 $0xFFFFE000  }
0x15a: {  	[spmem:s3] =	stream.indirect.scatter.add.f32 [tilespmem:s0], [sflag:$0x3], $0x40, s16, s31, $0xb8;
	[tilespmem:$0x1D900] =	vst v63  }
0x15b: {  	_ =	swait.ge [sflag:s29], $0x2000  }
0x15c: {  	[sflag:s29] =	ssyncset.done $0x0  }
0x15d: {  	s17 =	simm.s32 $0x100;
	[sflag:s29] =	ssyncadd.s32 $0xFFFFE000  }
0x15e: {  	[tilespmem:s0], [sflag:$0x1] =	stream.indirect.gather [spmem:s2], $0x40, s17, s31, $0xb8;
	[tilespmem:$0x1D900] =	vst v63  }
0x15f: {  	_ =	swait.ge [sflag:s26], $0x2000  }
0x160: {  	[sflag:s26] =	ssyncset.done $0x0  }
0x161: {  	s19 =	simm.s32 $0x2980;
	[sflag:s26] =	ssyncadd.s32 $0xFFFFE000  }
0x162: {  	[spmem:s3] =	stream.indirect.scatter.add.f32 [tilespmem:s1], [sflag:$0x3], $0x40, s19, s31, $0xb8;
	[tilespmem:$0x1D900] =	vst v63  }
0x163: {  	_ =	swait.ge [sflag:s29], $0x2000  }
0x164: {  	[sflag:s29] =	ssyncset.done $0x0  }
0x165: {  	s14 =	simm.s32 $0x400;
	s16 =	simm.s32 $0x180;
	[sflag:s29] =	ssyncadd.s32 $0xFFFFE000  }
.LBB2_16:
0x166: {  	[tilespmem:s1], [sflag:$0x2] =	stream.indirect.gather [spmem:s2], $0x40, s16, s31, $0xb8;
	[tilespmem:$0x1D900] =	vst v63  }
0x167: {  	s16 =	smov.u32 s14  }
0x168: {  	p0 =	sne.s32 s14, $0x9C00;
	s14 =	sadd.s32 $0x400, s14;
	_ =	swait.ge [sflag:s25], $0x2000  }
0x169: {  	s16 =	sshra.s32 s16, $0x2;
	[sflag:s25] =	ssyncset.done $0x0  }
0x16a: {  	s17 =	sadd.s32 $0x2900, s16;
	[sflag:s25] =	ssyncadd.s32 $0xFFFFE000  }
0x16b: {  	[spmem:s3] =	stream.indirect.scatter.add.f32 [tilespmem:s0], [sflag:$0x3], $0x40, s17, s31, $0xb8;
	[tilespmem:$0x1D900] =	vst v63  }
0x16c: {  	_ =	swait.ge [sflag:s29], $0x2000  }
0x16d: {  	[sflag:s29] =	ssyncset.done $0x0  }
0x16e: {  	s17 =	sadd.s32 $0x100, s16;
	[sflag:s29] =	ssyncadd.s32 $0xFFFFE000  }
0x16f: {  	[tilespmem:s0], [sflag:$0x1] =	stream.indirect.gather [spmem:s2], $0x40, s17, s31, $0xb8;
	[tilespmem:$0x1D900] =	vst v63  }
0x170: {  	_ =	swait.ge [sflag:s26], $0x2000  }
0x171: {  	[sflag:s26] =	ssyncset.done $0x0  }
.Ltmp7:
0x172: {  	s17 =	sadd.s32 $0x2980, s16;
	[sflag:s26] =	ssyncadd.s32 $0xFFFFE000;
	(pc) =	sbr.rel @p0 .LBB2_16-.Ltmp7, $4  }
0x173: {  	[spmem:s3] =	stream.indirect.scatter.add.f32 [tilespmem:s1], [sflag:$0x3], $0x40, s17, s31, $0xb8;
	[tilespmem:$0x1D900] =	vst v63  }
0x174: {  	_ =	swait.ge [sflag:s29], $0x2000  }
0x175: {  	[sflag:s29] =	ssyncset.done $0x0  }
0x176: {  	s16 =	sadd.s32 $0x180, s16;
	[sflag:s29] =	ssyncadd.s32 $0xFFFFE000  }
0x177: {  	[tilespmem:s1], [sflag:$0x2] =	stream.indirect.gather [spmem:s2], $0x40, s16, s31, $0xb8;
	[tilespmem:$0x1D900] =	vst v63  }
0x178: {  	_ =	swait.ge [sflag:s25], $0x2000  }
0x179: {  	[sflag:s25] =	ssyncset.done $0x0  }
0x17a: {  	[sflag:s25] =	ssyncadd.s32 $0xFFFFE000  }
0x17b: {  	_ =	swait.ge [sflag:s26], $0x2000  }
0x17c: {  	[sflag:s26] =	ssyncset.done $0x0  }
0x17d: {  	s14 =	simm.s32 $0x0;
	[sflag:s26] =	ssyncadd.s32 $0xFFFFE000  }
0x17e: {  	[tilespmem:s14], [sflag:$0x3] =	stream.linear.gather [hbm4b:s28+s14], $0x2900, $0x38;
	[tilespmem:$0x1D900] =	vst v63  }
0x17f: {  	_ =	swait.ge [sflag:s29], $0x2900  }
0x180: {  	[sflag:s29] =	ssyncset.done $0x0  }
0x181: {  	[sflag:s29] =	ssyncadd.s32 $0xFFFFD700  }
0x182: {  	[tilespmem:s30], [sflag:$0x3] =	stream.linear.gather [hbm4b:s10+s14], $0x2800, $0x38;
	[tilespmem:$0x1D900] =	vst v63  }
0x183: {  	_ =	swait.ge [sflag:s29], $0x2800  }
0x184: {  	[sflag:s29] =	ssyncset.done $0x0  }
0x185: {  	[sflag:s29] =	ssyncadd.s32 $0xFFFFD800  }
0x186: {  	[tilespmem:s0], [sflag:$0x1] =	stream.indirect.gather [spmem:s2], $0x40, s14, s31, $0xb8;
	[tilespmem:$0x1D900] =	vst v63  }
0x187: {  	_ = 	snop  }
0x188: {  	[tilespmem:s1], [sflag:$0x2] =	stream.indirect.gather [spmem:s2], $0x40, s31, s31, $0xb8;
	[tilespmem:$0x1D900] =	vst v63  }
0x189: {  	_ =	swait.ge [sflag:s25], $0x2000  }
0x18a: {  	[sflag:s25] =	ssyncset.done $0x0  }
0x18b: {  	s16 =	simm.s32 $0x2900;
	[sflag:s25] =	ssyncadd.s32 $0xFFFFE000  }
0x18c: {  	[spmem:s3] =	stream.indirect.scatter.add.f32 [tilespmem:s0], [sflag:$0x3], $0x40, s16, s31, $0xb8;
	[tilespmem:$0x1D900] =	vst v63  }
0x18d: {  	_ =	swait.ge [sflag:s29], $0x2000  }
0x18e: {  	[sflag:s29] =	ssyncset.done $0x0  }
0x18f: {  	s17 =	simm.s32 $0x100;
	[sflag:s29] =	ssyncadd.s32 $0xFFFFE000  }
0x190: {  	[tilespmem:s0], [sflag:$0x1] =	stream.indirect.gather [spmem:s2], $0x40, s17, s31, $0xb8;
	[tilespmem:$0x1D900] =	vst v63  }
0x191: {  	_ =	swait.ge [sflag:s26], $0x2000  }
0x192: {  	[sflag:s26] =	ssyncset.done $0x0  }
0x193: {  	s19 =	simm.s32 $0x2980;
	[sflag:s26] =	ssyncadd.s32 $0xFFFFE000  }
0x194: {  	[spmem:s3] =	stream.indirect.scatter.add.f32 [tilespmem:s1], [sflag:$0x3], $0x40, s19, s31, $0xb8;
	[tilespmem:$0x1D900] =	vst v63  }
0x195: {  	_ =	swait.ge [sflag:s29], $0x2000  }
0x196: {  	[sflag:s29] =	ssyncset.done $0x0  }
0x197: {  	s14 =	simm.s32 $0x400;
	s16 =	simm.s32 $0x180;
	[sflag:s29] =	ssyncadd.s32 $0xFFFFE000  }
.LBB2_18:
0x198: {  	[tilespmem:s1], [sflag:$0x2] =	stream.indirect.gather [spmem:s2], $0x40, s16, s31, $0xb8;
	[tilespmem:$0x1D900] =	vst v63  }
0x199: {  	s16 =	smov.u32 s14  }
0x19a: {  	p0 =	sne.s32 s14, $0x9C00;
	s14 =	sadd.s32 $0x400, s14;
	_ =	swait.ge [sflag:s25], $0x2000  }
0x19b: {  	s16 =	sshra.s32 s16, $0x2;
	[sflag:s25] =	ssyncset.done $0x0  }
0x19c: {  	s17 =	sadd.s32 $0x2900, s16;
	[sflag:s25] =	ssyncadd.s32 $0xFFFFE000  }
0x19d: {  	[spmem:s3] =	stream.indirect.scatter.add.f32 [tilespmem:s0], [sflag:$0x3], $0x40, s17, s31, $0xb8;
	[tilespmem:$0x1D900] =	vst v63  }
0x19e: {  	_ =	swait.ge [sflag:s29], $0x2000  }
0x19f: {  	[sflag:s29] =	ssyncset.done $0x0  }
0x1a0: {  	s17 =	sadd.s32 $0x100, s16;
	[sflag:s29] =	ssyncadd.s32 $0xFFFFE000  }
0x1a1: {  	[tilespmem:s0], [sflag:$0x1] =	stream.indirect.gather [spmem:s2], $0x40, s17, s31, $0xb8;
	[tilespmem:$0x1D900] =	vst v63  }
0x1a2: {  	_ =	swait.ge [sflag:s26], $0x2000  }
0x1a3: {  	[sflag:s26] =	ssyncset.done $0x0  }
.Ltmp8:
0x1a4: {  	s17 =	sadd.s32 $0x2980, s16;
	[sflag:s26] =	ssyncadd.s32 $0xFFFFE000;
	(pc) =	sbr.rel @p0 .LBB2_18-.Ltmp8, $4  }
0x1a5: {  	[spmem:s3] =	stream.indirect.scatter.add.f32 [tilespmem:s1], [sflag:$0x3], $0x40, s17, s31, $0xb8;
	[tilespmem:$0x1D900] =	vst v63  }
0x1a6: {  	_ =	swait.ge [sflag:s29], $0x2000  }
0x1a7: {  	[sflag:s29] =	ssyncset.done $0x0  }
0x1a8: {  	s16 =	sadd.s32 $0x180, s16;
	[sflag:s29] =	ssyncadd.s32 $0xFFFFE000  }
0x1a9: {  	[tilespmem:s1], [sflag:$0x2] =	stream.indirect.gather [spmem:s2], $0x40, s16, s31, $0xb8;
	[tilespmem:$0x1D900] =	vst v63  }
0x1aa: {  	_ =	swait.ge [sflag:s25], $0x2000  }
0x1ab: {  	[sflag:s25] =	ssyncset.done $0x0  }
0x1ac: {  	[sflag:s25] =	ssyncadd.s32 $0xFFFFE000  }
0x1ad: {  	_ =	swait.ge [sflag:s26], $0x2000  }
0x1ae: {  	[sflag:s26] =	ssyncset.done $0x0  }
0x1af: {  	[sflag:s26] =	ssyncadd.s32 $0xFFFFE000  }
0x1b0: {  	[bflag:$0x0] =	sbarrier.arrive $0xFFFF  }
0x1b1: {  	[tilespmem:s0], [sflag:$0x3] =	stream.linear.gather [spmem:s7], $0x2000, $0x38;
	[tilespmem:$0x1D900] =	vst v63  }
0x1b2: {  	_ =	swait.ge [sflag:s29], $0x2000  }
0x1b3: {  	[sflag:s29] =	ssyncset.done $0x0  }
0x1b4: {  	s14 =	simm.s32 $0x0;
	s17 =	rddreg [dreg:$0x5];
	[sflag:s29] =	ssyncadd.s32 $0xFFFFE000  }
0x1b5: {  	[tilespmem:s4], [sflag:$0x3] =	stream.linear.gather [hbm4b:s17+s14], $0x800, $0x38;
	[tilespmem:$0x1D900] =	vst v63  }
0x1b6: {  	_ =	swait.ge [sflag:s29], $0x800  }
0x1b7: {  	[sflag:s29] =	ssyncset.done $0x0  }
0x1b8: {  	s14 =	simm.s32 $0x5120;
	[sflag:s29] =	ssyncadd.s32 $0xFFFFF800  }
0x1b9: {  	v0 =	vld [tilespmem:s14+$0xFFFFFFF0]  }
0x1ba: {  	v2 =	vld [tilespmem:s14+$0x10]  }
0x1bb: {  	s19 =	simm.s32 $0x0;
	v1 =	vld [tilespmem:s14+$0xFFFFFFE0]  }
0x1bc: {  	v4 =	vld [tilespmem:s19+$0x9100]  }
0x1bd: {  	v5 =	vld [tilespmem:s14+$0x0];
	_ =	sdelay $0x3  }
0x1be: {  	v1 =	vmul.f32 v1, v4;
	v3 =	vmul.f32 v2, v4  }
0x1bf: {  	s16 =	simm.s32 $0x40;
	s17 =	simm.s32 $0x5120;
	v2 =	vmul.f32 v0, v4;
	v0 =	vmul.f32 v5, v4  }
.LBB2_20:
0x1c0: {  	p0 =	sne.s32 s16, $0x1FC0  }
0x1c1: {  	[tilespmem:s14+$0x10] =	vst v3;
	s17 =	sadd.s32 $0x40, s17;
	s19 =	smov.u32 s16;
	s16 =	sadd.s32 $0x40, s16  }
0x1c2: {  	v4 =	vld [tilespmem:s17+$0xFFFFFFF0];
	[tilespmem:s14+$0xFFFFFFE0] =	vst v1  }
0x1c3: {  	v3 =	vld [tilespmem:s17+$0x10];
	[tilespmem:s14+$0xFFFFFFF0] =	vst v2  }
0x1c4: {  	s19 =	sshra.s32 s19, $0x2;
	v1 =	vld [tilespmem:s17+$0xFFFFFFE0];
	[tilespmem:s14+$0x0] =	vst v0;
	s14 =	smov.u32 s17  }
0x1c5: {  	v0 =	vld [tilespmem:s19+$0x9100]  }
0x1c6: {  	v5 =	vld [tilespmem:s17+$0x0]  }
.Ltmp9:
0x1c7: {  	(pc) =	sbr.rel @p0 .LBB2_20-.Ltmp9, $3  }
0x1c8: {  	_ =	sdelay $0x1  }
0x1c9: {  	v1 =	vmul.f32 v1, v0;
	v3 =	vmul.f32 v3, v0  }
0x1ca: {  	v2 =	vmul.f32 v4, v0;
	v0 =	vmul.f32 v5, v0  }
0x1cb: {  	[tilespmem:s14+$0x10] =	vst v3  }
0x1cc: {  	[tilespmem:s14+$0xFFFFFFE0] =	vst v1  }
0x1cd: {  	[tilespmem:s14+$0xFFFFFFF0] =	vst v2  }
0x1ce: {  	[tilespmem:s14+$0x0] =	vst v0  }
0x1cf: {  	[spmem:s5] =	stream.linear.scatter [tilespmem:s0], [sflag:$0x3], $0x2000, $0x38;
	[tilespmem:$0x1D900] =	vst v63  }
0x1d0: {  	_ =	swait.ge [sflag:s29], $0x2000  }
0x1d1: {  	[sflag:s29] =	ssyncset.done $0x0  }
0x1d2: {  	[sflag:s29] =	ssyncadd.s32 $0xFFFFE000  }
0x1d3: {  	[spmem:s7] =	stream.linear.scatter [tilespmem:s0], [sflag:$0x3], $0x2000, $0x38;
	[tilespmem:$0x1D900] =	vst v63  }
0x1d4: {  	_ =	swait.ge [sflag:s29], $0x2000  }
0x1d5: {  	[sflag:s29] =	ssyncset.done $0x0  }
0x1d6: {  	[sflag:s29] =	ssyncadd.s32 $0xFFFFE000  }
0x1d7: {  	[tilespmem:s0], [sflag:$0x3] =	stream.linear.gather [spmem:s12], $0x2000, $0x38;
	[tilespmem:$0x1D900] =	vst v63  }
0x1d8: {  	_ =	swait.ge [sflag:s29], $0x2000  }
0x1d9: {  	[sflag:s29] =	ssyncset.done $0x0  }
0x1da: {  	s17 =	simm.s32 $0x0;
	s16 =	rddreg [dreg:$0x6];
	[sflag:s29] =	ssyncadd.s32 $0xFFFFE000  }
0x1db: {  	[tilespmem:s4], [sflag:$0x3] =	stream.linear.gather [hbm4b:s16+s17], $0x800, $0x38;
	[tilespmem:$0x1D900] =	vst v63  }
0x1dc: {  	_ =	swait.ge [sflag:s29], $0x800  }
0x1dd: {  	[sflag:s29] =	ssyncset.done $0x0  }
0x1de: {  	s14 =	simm.s32 $0x5120;
	[sflag:s29] =	ssyncadd.s32 $0xFFFFF800  }
0x1df: {  	v0 =	vld [tilespmem:s14+$0xFFFFFFF0]  }
0x1e0: {  	v2 =	vld [tilespmem:s14+$0x10]  }
0x1e1: {  	s19 =	simm.s32 $0x0;
	v1 =	vld [tilespmem:s14+$0xFFFFFFE0]  }
0x1e2: {  	v4 =	vld [tilespmem:s19+$0x9100]  }
0x1e3: {  	v5 =	vld [tilespmem:s14+$0x0];
	_ =	sdelay $0x3  }
0x1e4: {  	v1 =	vmul.f32 v1, v4;
	v3 =	vmul.f32 v2, v4  }
0x1e5: {  	s16 =	simm.s32 $0x40;
	s17 =	simm.s32 $0x5120;
	v2 =	vmul.f32 v0, v4;
	v0 =	vmul.f32 v5, v4  }
.LBB2_22:
0x1e6: {  	p0 =	sne.s32 s16, $0x1FC0  }
0x1e7: {  	[tilespmem:s14+$0x10] =	vst v3;
	s17 =	sadd.s32 $0x40, s17;
	s19 =	smov.u32 s16;
	s16 =	sadd.s32 $0x40, s16  }
0x1e8: {  	v4 =	vld [tilespmem:s17+$0xFFFFFFF0];
	[tilespmem:s14+$0xFFFFFFE0] =	vst v1  }
0x1e9: {  	v3 =	vld [tilespmem:s17+$0x10];
	[tilespmem:s14+$0xFFFFFFF0] =	vst v2  }
0x1ea: {  	s19 =	sshra.s32 s19, $0x2;
	v1 =	vld [tilespmem:s17+$0xFFFFFFE0];
	[tilespmem:s14+$0x0] =	vst v0;
	s14 =	smov.u32 s17  }
0x1eb: {  	v0 =	vld [tilespmem:s19+$0x9100]  }
0x1ec: {  	v5 =	vld [tilespmem:s17+$0x0]  }
.Ltmp10:
0x1ed: {  	(pc) =	sbr.rel @p0 .LBB2_22-.Ltmp10, $3  }
0x1ee: {  	_ =	sdelay $0x1  }
0x1ef: {  	v1 =	vmul.f32 v1, v0;
	v3 =	vmul.f32 v3, v0  }
0x1f0: {  	v2 =	vmul.f32 v4, v0;
	v0 =	vmul.f32 v5, v0  }
0x1f1: {  	[tilespmem:s14+$0x10] =	vst v3  }
0x1f2: {  	[tilespmem:s14+$0xFFFFFFE0] =	vst v1  }
0x1f3: {  	[tilespmem:s14+$0xFFFFFFF0] =	vst v2  }
0x1f4: {  	s16 =	rddreg [dreg:$0x7];
	[tilespmem:s14+$0x0] =	vst v0  }
0x1f5: {  	[spmem:s16] =	stream.linear.scatter [tilespmem:s0], [sflag:$0x3], $0x2000, $0x38;
	[tilespmem:$0x1D900] =	vst v63  }
0x1f6: {  	_ =	swait.ge [sflag:s29], $0x2000  }
0x1f7: {  	[sflag:s29] =	ssyncset.done $0x0  }
0x1f8: {  	[sflag:s29] =	ssyncadd.s32 $0xFFFFE000  }
0x1f9: {  	[spmem:s12] =	stream.linear.scatter [tilespmem:s0], [sflag:$0x3], $0x2000, $0x38;
	[tilespmem:$0x1D900] =	vst v63  }
0x1fa: {  	_ =	swait.ge [sflag:s29], $0x2000  }
0x1fb: {  	[sflag:s29] =	ssyncset.done $0x0  }
0x1fc: {  	[sflag:s29] =	ssyncadd.s32 $0xFFFFE000  }
0x1fd: {  	[tilespmem:s0], [sflag:$0x3] =	stream.linear.gather [spmem:s15], $0x2000, $0x38;
	[tilespmem:$0x1D900] =	vst v63  }
0x1fe: {  	_ =	swait.ge [sflag:s29], $0x2000  }
0x1ff: {  	[sflag:s29] =	ssyncset.done $0x0  }
0x200: {  	s17 =	simm.s32 $0x0;
	s16 =	rddreg [dreg:$0x8];
	[sflag:s29] =	ssyncadd.s32 $0xFFFFE000  }
0x201: {  	[tilespmem:s4], [sflag:$0x3] =	stream.linear.gather [hbm4b:s16+s17], $0x800, $0x38;
	[tilespmem:$0x1D900] =	vst v63  }
0x202: {  	_ =	swait.ge [sflag:s29], $0x800  }
0x203: {  	[sflag:s29] =	ssyncset.done $0x0  }
0x204: {  	s14 =	simm.s32 $0x5120;
	[sflag:s29] =	ssyncadd.s32 $0xFFFFF800  }
0x205: {  	v0 =	vld [tilespmem:s14+$0xFFFFFFF0]  }
0x206: {  	v2 =	vld [tilespmem:s14+$0x10]  }
0x207: {  	s19 =	simm.s32 $0x0;
	v1 =	vld [tilespmem:s14+$0xFFFFFFE0]  }
0x208: {  	v4 =	vld [tilespmem:s19+$0x9100]  }
0x209: {  	v5 =	vld [tilespmem:s14+$0x0];
	_ =	sdelay $0x3  }
0x20a: {  	v1 =	vmul.f32 v1, v4;
	v3 =	vmul.f32 v2, v4  }
0x20b: {  	s16 =	simm.s32 $0x40;
	s17 =	simm.s32 $0x5120;
	v2 =	vmul.f32 v0, v4;
	v0 =	vmul.f32 v5, v4  }
.LBB2_24:
0x20c: {  	p0 =	sne.s32 s16, $0x1FC0  }
0x20d: {  	[tilespmem:s14+$0x10] =	vst v3;
	s17 =	sadd.s32 $0x40, s17;
	s19 =	smov.u32 s16;
	s16 =	sadd.s32 $0x40, s16  }
0x20e: {  	v4 =	vld [tilespmem:s17+$0xFFFFFFF0];
	[tilespmem:s14+$0xFFFFFFE0] =	vst v1  }
0x20f: {  	v3 =	vld [tilespmem:s17+$0x10];
	[tilespmem:s14+$0xFFFFFFF0] =	vst v2  }
0x210: {  	s19 =	sshra.s32 s19, $0x2;
	v1 =	vld [tilespmem:s17+$0xFFFFFFE0];
	[tilespmem:s14+$0x0] =	vst v0;
	s14 =	smov.u32 s17  }
0x211: {  	v0 =	vld [tilespmem:s19+$0x9100]  }
0x212: {  	v5 =	vld [tilespmem:s17+$0x0]  }
.Ltmp11:
0x213: {  	(pc) =	sbr.rel @p0 .LBB2_24-.Ltmp11, $3  }
0x214: {  	_ =	sdelay $0x1  }
0x215: {  	v1 =	vmul.f32 v1, v0;
	v3 =	vmul.f32 v3, v0  }
0x216: {  	v2 =	vmul.f32 v4, v0;
	v0 =	vmul.f32 v5, v0  }
0x217: {  	[tilespmem:s14+$0x10] =	vst v3  }
0x218: {  	[tilespmem:s14+$0xFFFFFFE0] =	vst v1  }
0x219: {  	[tilespmem:s14+$0xFFFFFFF0] =	vst v2  }
0x21a: {  	s16 =	rddreg [dreg:$0x9];
	[tilespmem:s14+$0x0] =	vst v0  }
0x21b: {  	[spmem:s16] =	stream.linear.scatter [tilespmem:s0], [sflag:$0x3], $0x2000, $0x38;
	[tilespmem:$0x1D900] =	vst v63  }
0x21c: {  	_ =	swait.ge [sflag:s29], $0x2000  }
0x21d: {  	[sflag:s29] =	ssyncset.done $0x0  }
0x21e: {  	[sflag:s29] =	ssyncadd.s32 $0xFFFFE000  }
0x21f: {  	[spmem:s15] =	stream.linear.scatter [tilespmem:s0], [sflag:$0x3], $0x2000, $0x38;
	[tilespmem:$0x1D900] =	vst v63  }
0x220: {  	_ =	swait.ge [sflag:s29], $0x2000  }
0x221: {  	[sflag:s29] =	ssyncset.done $0x0  }
0x222: {  	[sflag:s29] =	ssyncadd.s32 $0xFFFFE000  }
0x223: {  	[tilespmem:s0], [sflag:$0x3] =	stream.linear.gather [spmem:s18], $0x2000, $0x38;
	[tilespmem:$0x1D900] =	vst v63  }
0x224: {  	_ =	swait.ge [sflag:s29], $0x2000  }
0x225: {  	[sflag:s29] =	ssyncset.done $0x0  }
0x226: {  	s17 =	simm.s32 $0x0;
	s16 =	rddreg [dreg:$0xa];
	[sflag:s29] =	ssyncadd.s32 $0xFFFFE000  }
0x227: {  	[tilespmem:s4], [sflag:$0x3] =	stream.linear.gather [hbm4b:s16+s17], $0x800, $0x38;
	[tilespmem:$0x1D900] =	vst v63  }
0x228: {  	_ =	swait.ge [sflag:s29], $0x800  }
0x229: {  	[sflag:s29] =	ssyncset.done $0x0  }
0x22a: {  	s14 =	simm.s32 $0x5120;
	[sflag:s29] =	ssyncadd.s32 $0xFFFFF800  }
0x22b: {  	v0 =	vld [tilespmem:s14+$0xFFFFFFF0]  }
0x22c: {  	v2 =	vld [tilespmem:s14+$0x10]  }
0x22d: {  	s19 =	simm.s32 $0x0;
	v1 =	vld [tilespmem:s14+$0xFFFFFFE0]  }
0x22e: {  	v4 =	vld [tilespmem:s19+$0x9100]  }
0x22f: {  	v5 =	vld [tilespmem:s14+$0x0];
	_ =	sdelay $0x3  }
0x230: {  	v1 =	vmul.f32 v1, v4;
	v3 =	vmul.f32 v2, v4  }
0x231: {  	s16 =	simm.s32 $0x40;
	s17 =	simm.s32 $0x5120;
	v2 =	vmul.f32 v0, v4;
	v0 =	vmul.f32 v5, v4  }
.LBB2_26:
0x232: {  	p0 =	sne.s32 s16, $0x1FC0  }
0x233: {  	[tilespmem:s14+$0x10] =	vst v3;
	s17 =	sadd.s32 $0x40, s17;
	s19 =	smov.u32 s16;
	s16 =	sadd.s32 $0x40, s16  }
0x234: {  	v4 =	vld [tilespmem:s17+$0xFFFFFFF0];
	[tilespmem:s14+$0xFFFFFFE0] =	vst v1  }
0x235: {  	v3 =	vld [tilespmem:s17+$0x10];
	[tilespmem:s14+$0xFFFFFFF0] =	vst v2  }
0x236: {  	s19 =	sshra.s32 s19, $0x2;
	v1 =	vld [tilespmem:s17+$0xFFFFFFE0];
	[tilespmem:s14+$0x0] =	vst v0;
	s14 =	smov.u32 s17  }
0x237: {  	v0 =	vld [tilespmem:s19+$0x9100]  }
0x238: {  	v5 =	vld [tilespmem:s17+$0x0]  }
.Ltmp12:
0x239: {  	(pc) =	sbr.rel @p0 .LBB2_26-.Ltmp12, $3  }
0x23a: {  	_ =	sdelay $0x1  }
0x23b: {  	v1 =	vmul.f32 v1, v0;
	v3 =	vmul.f32 v3, v0  }
0x23c: {  	v2 =	vmul.f32 v4, v0;
	v0 =	vmul.f32 v5, v0  }
0x23d: {  	[tilespmem:s14+$0x10] =	vst v3  }
0x23e: {  	[tilespmem:s14+$0xFFFFFFE0] =	vst v1  }
0x23f: {  	[tilespmem:s14+$0xFFFFFFF0] =	vst v2  }
0x240: {  	[tilespmem:s14+$0x0] =	vst v0  }
0x241: {  	[spmem:s20] =	stream.linear.scatter [tilespmem:s0], [sflag:$0x3], $0x2000, $0x38;
	[tilespmem:$0x1D900] =	vst v63  }
0x242: {  	_ =	swait.ge [sflag:s29], $0x2000  }
0x243: {  	[sflag:s29] =	ssyncset.done $0x0  }
0x244: {  	[sflag:s29] =	ssyncadd.s32 $0xFFFFE000  }
0x245: {  	[spmem:s18] =	stream.linear.scatter [tilespmem:s0], [sflag:$0x3], $0x2000, $0x38;
	[tilespmem:$0x1D900] =	vst v63  }
0x246: {  	_ =	swait.ge [sflag:s29], $0x2000  }
0x247: {  	[sflag:s29] =	ssyncset.done $0x0  }
0x248: {  	[sflag:s29] =	ssyncadd.s32 $0xFFFFE000  }
0x249: {  	[tilespmem:s0], [sflag:$0x3] =	stream.linear.gather [spmem:s22], $0x2000, $0x38;
	[tilespmem:$0x1D900] =	vst v63  }
0x24a: {  	_ =	swait.ge [sflag:s29], $0x2000  }
0x24b: {  	[sflag:s29] =	ssyncset.done $0x0  }
0x24c: {  	s19 =	simm.s32 $0x0;
	[sflag:s29] =	ssyncadd.s32 $0xFFFFE000  }
0x24d: {  	[tilespmem:s4], [sflag:$0x3] =	stream.linear.gather [hbm4b:s21+s19], $0x800, $0x38;
	[tilespmem:$0x1D900] =	vst v63  }
0x24e: {  	_ =	swait.ge [sflag:s29], $0x800  }
0x24f: {  	[sflag:s29] =	ssyncset.done $0x0  }
0x250: {  	s14 =	simm.s32 $0x5120;
	[sflag:s29] =	ssyncadd.s32 $0xFFFFF800  }
0x251: {  	v0 =	vld [tilespmem:s14+$0xFFFFFFF0]  }
0x252: {  	v2 =	vld [tilespmem:s14+$0x10]  }
0x253: {  	s16 =	simm.s32 $0x0;
	v1 =	vld [tilespmem:s14+$0xFFFFFFE0]  }
0x254: {  	v4 =	vld [tilespmem:s16+$0x9100]  }
0x255: {  	v5 =	vld [tilespmem:s14+$0x0];
	_ =	sdelay $0x3  }
0x256: {  	v1 =	vmul.f32 v1, v4;
	v3 =	vmul.f32 v2, v4  }
0x257: {  	s17 =	simm.s32 $0x5120;
	s16 =	simm.s32 $0x40;
	v2 =	vmul.f32 v0, v4;
	v0 =	vmul.f32 v5, v4  }
.LBB2_28:
0x258: {  	p0 =	sne.s32 s16, $0x1FC0  }
0x259: {  	[tilespmem:s14+$0x10] =	vst v3;
	s17 =	sadd.s32 $0x40, s17;
	s19 =	smov.u32 s16;
	s16 =	sadd.s32 $0x40, s16  }
0x25a: {  	v4 =	vld [tilespmem:s17+$0xFFFFFFF0];
	[tilespmem:s14+$0xFFFFFFE0] =	vst v1  }
0x25b: {  	v3 =	vld [tilespmem:s17+$0x10];
	[tilespmem:s14+$0xFFFFFFF0] =	vst v2  }
0x25c: {  	s19 =	sshra.s32 s19, $0x2;
	v1 =	vld [tilespmem:s17+$0xFFFFFFE0];
	[tilespmem:s14+$0x0] =	vst v0;
	s14 =	smov.u32 s17  }
0x25d: {  	v0 =	vld [tilespmem:s19+$0x9100]  }
0x25e: {  	v5 =	vld [tilespmem:s17+$0x0]  }
.Ltmp13:
0x25f: {  	(pc) =	sbr.rel @p0 .LBB2_28-.Ltmp13, $3  }
0x260: {  	_ =	sdelay $0x1  }
0x261: {  	v1 =	vmul.f32 v1, v0;
	v3 =	vmul.f32 v3, v0  }
0x262: {  	v2 =	vmul.f32 v4, v0;
	v0 =	vmul.f32 v5, v0  }
0x263: {  	[tilespmem:s14+$0x10] =	vst v3  }
0x264: {  	[tilespmem:s14+$0xFFFFFFE0] =	vst v1  }
0x265: {  	[tilespmem:s14+$0xFFFFFFF0] =	vst v2  }
0x266: {  	[tilespmem:s14+$0x0] =	vst v0  }
0x267: {  	[spmem:s23] =	stream.linear.scatter [tilespmem:s0], [sflag:$0x3], $0x2000, $0x38;
	[tilespmem:$0x1D900] =	vst v63  }
0x268: {  	_ =	swait.ge [sflag:s29], $0x2000  }
0x269: {  	[sflag:s29] =	ssyncset.done $0x0  }
0x26a: {  	[sflag:s29] =	ssyncadd.s32 $0xFFFFE000  }
0x26b: {  	[spmem:s22] =	stream.linear.scatter [tilespmem:s0], [sflag:$0x3], $0x2000, $0x38;
	[tilespmem:$0x1D900] =	vst v63  }
0x26c: {  	_ =	swait.ge [sflag:s29], $0x2000  }
0x26d: {  	[sflag:s29] =	ssyncset.done $0x0  }
0x26e: {  	[sflag:s29] =	ssyncadd.s32 $0xFFFFE000  }
0x26f: {  	s19 =	simm.s32 $0x0;
	[bflag:$0x0] =	sbarrier.arrive $0xFFFF  }
0x270: {  	[tilespmem:s19], [sflag:$0x3] =	stream.linear.gather [hbm4b:s8+s19], $0x2900, $0x38;
	[tilespmem:$0x1D900] =	vst v63  }
0x271: {  	_ =	swait.ge [sflag:s29], $0x2900  }
0x272: {  	[sflag:s29] =	ssyncset.done $0x0  }
0x273: {  	[sflag:s29] =	ssyncadd.s32 $0xFFFFD700  }
0x274: {  	[tilespmem:s30], [sflag:$0x3] =	stream.linear.gather [hbm4b:s9+s19], $0x2800, $0x38;
	[tilespmem:$0x1D900] =	vst v63  }
0x275: {  	_ =	swait.ge [sflag:s29], $0x2800  }
0x276: {  	[sflag:s29] =	ssyncset.done $0x0  }
0x277: {  	[sflag:s29] =	ssyncadd.s32 $0xFFFFD800  }
0x278: {  	[tilespmem:s0], [sflag:$0x1] =	stream.indirect.gather [spmem:s2], $0x40, s19, s31, $0xb8;
	[tilespmem:$0x1D900] =	vst v63  }
0x279: {  	_ = 	snop  }
0x27a: {  	[tilespmem:s1], [sflag:$0x2] =	stream.indirect.gather [spmem:s2], $0x40, s31, s31, $0xb8;
	[tilespmem:$0x1D900] =	vst v63  }
0x27b: {  	_ =	swait.ge [sflag:s25], $0x2000  }
0x27c: {  	[sflag:s25] =	ssyncset.done $0x0  }
0x27d: {  	s16 =	simm.s32 $0x2900;
	[sflag:s25] =	ssyncadd.s32 $0xFFFFE000  }
0x27e: {  	[spmem:s3] =	stream.indirect.scatter.add.f32 [tilespmem:s0], [sflag:$0x3], $0x40, s16, s31, $0xb8;
	[tilespmem:$0x1D900] =	vst v63  }
0x27f: {  	_ =	swait.ge [sflag:s29], $0x2000  }
0x280: {  	[sflag:s29] =	ssyncset.done $0x0  }
0x281: {  	s17 =	simm.s32 $0x100;
	[sflag:s29] =	ssyncadd.s32 $0xFFFFE000  }
0x282: {  	[tilespmem:s0], [sflag:$0x1] =	stream.indirect.gather [spmem:s2], $0x40, s17, s31, $0xb8;
	[tilespmem:$0x1D900] =	vst v63  }
0x283: {  	_ =	swait.ge [sflag:s26], $0x2000  }
0x284: {  	[sflag:s26] =	ssyncset.done $0x0  }
0x285: {  	s19 =	simm.s32 $0x2980;
	[sflag:s26] =	ssyncadd.s32 $0xFFFFE000  }
0x286: {  	[spmem:s3] =	stream.indirect.scatter.add.f32 [tilespmem:s1], [sflag:$0x3], $0x40, s19, s31, $0xb8;
	[tilespmem:$0x1D900] =	vst v63  }
0x287: {  	_ =	swait.ge [sflag:s29], $0x2000  }
0x288: {  	[sflag:s29] =	ssyncset.done $0x0  }
0x289: {  	s14 =	simm.s32 $0x400;
	s16 =	simm.s32 $0x180;
	[sflag:s29] =	ssyncadd.s32 $0xFFFFE000  }
.LBB2_30:
0x28a: {  	[tilespmem:s1], [sflag:$0x2] =	stream.indirect.gather [spmem:s2], $0x40, s16, s31, $0xb8;
	[tilespmem:$0x1D900] =	vst v63  }
0x28b: {  	s16 =	smov.u32 s14  }
0x28c: {  	p0 =	sne.s32 s14, $0x9C00;
	s14 =	sadd.s32 $0x400, s14;
	_ =	swait.ge [sflag:s25], $0x2000  }
0x28d: {  	s16 =	sshra.s32 s16, $0x2;
	[sflag:s25] =	ssyncset.done $0x0  }
0x28e: {  	s17 =	sadd.s32 $0x2900, s16;
	[sflag:s25] =	ssyncadd.s32 $0xFFFFE000  }
0x28f: {  	[spmem:s3] =	stream.indirect.scatter.add.f32 [tilespmem:s0], [sflag:$0x3], $0x40, s17, s31, $0xb8;
	[tilespmem:$0x1D900] =	vst v63  }
0x290: {  	_ =	swait.ge [sflag:s29], $0x2000  }
0x291: {  	[sflag:s29] =	ssyncset.done $0x0  }
0x292: {  	s17 =	sadd.s32 $0x100, s16;
	[sflag:s29] =	ssyncadd.s32 $0xFFFFE000  }
0x293: {  	[tilespmem:s0], [sflag:$0x1] =	stream.indirect.gather [spmem:s2], $0x40, s17, s31, $0xb8;
	[tilespmem:$0x1D900] =	vst v63  }
0x294: {  	_ =	swait.ge [sflag:s26], $0x2000  }
0x295: {  	[sflag:s26] =	ssyncset.done $0x0  }
.Ltmp14:
0x296: {  	s17 =	sadd.s32 $0x2980, s16;
	[sflag:s26] =	ssyncadd.s32 $0xFFFFE000;
	(pc) =	sbr.rel @p0 .LBB2_30-.Ltmp14, $4  }
0x297: {  	[spmem:s3] =	stream.indirect.scatter.add.f32 [tilespmem:s1], [sflag:$0x3], $0x40, s17, s31, $0xb8;
	[tilespmem:$0x1D900] =	vst v63  }
0x298: {  	_ =	swait.ge [sflag:s29], $0x2000  }
0x299: {  	[sflag:s29] =	ssyncset.done $0x0  }
0x29a: {  	s16 =	sadd.s32 $0x180, s16;
	[sflag:s29] =	ssyncadd.s32 $0xFFFFE000  }
0x29b: {  	[tilespmem:s1], [sflag:$0x2] =	stream.indirect.gather [spmem:s2], $0x40, s16, s31, $0xb8;
	[tilespmem:$0x1D900] =	vst v63  }
0x29c: {  	_ =	swait.ge [sflag:s25], $0x2000  }
0x29d: {  	[sflag:s25] =	ssyncset.done $0x0  }
0x29e: {  	[sflag:s25] =	ssyncadd.s32 $0xFFFFE000  }
0x29f: {  	_ =	swait.ge [sflag:s26], $0x2000  }
0x2a0: {  	[sflag:s26] =	ssyncset.done $0x0  }
0x2a1: {  	s14 =	simm.s32 $0x0;
	[sflag:s26] =	ssyncadd.s32 $0xFFFFE000  }
0x2a2: {  	[tilespmem:s14], [sflag:$0x3] =	stream.linear.gather [hbm4b:s28+s14], $0x2900, $0x38;
	[tilespmem:$0x1D900] =	vst v63  }
0x2a3: {  	_ =	swait.ge [sflag:s29], $0x2900  }
0x2a4: {  	[sflag:s29] =	ssyncset.done $0x0  }
0x2a5: {  	[sflag:s29] =	ssyncadd.s32 $0xFFFFD700  }
0x2a6: {  	[tilespmem:s30], [sflag:$0x3] =	stream.linear.gather [hbm4b:s10+s14], $0x2800, $0x38;
	[tilespmem:$0x1D900] =	vst v63  }
0x2a7: {  	_ =	swait.ge [sflag:s29], $0x2800  }
0x2a8: {  	[sflag:s29] =	ssyncset.done $0x0  }
0x2a9: {  	[sflag:s29] =	ssyncadd.s32 $0xFFFFD800  }
0x2aa: {  	[tilespmem:s0], [sflag:$0x1] =	stream.indirect.gather [spmem:s2], $0x40, s14, s31, $0xb8;
	[tilespmem:$0x1D900] =	vst v63  }
0x2ab: {  	_ = 	snop  }
0x2ac: {  	[tilespmem:s1], [sflag:$0x2] =	stream.indirect.gather [spmem:s2], $0x40, s31, s31, $0xb8;
	[tilespmem:$0x1D900] =	vst v63  }
0x2ad: {  	_ =	swait.ge [sflag:s25], $0x2000  }
0x2ae: {  	[sflag:s25] =	ssyncset.done $0x0  }
0x2af: {  	s16 =	simm.s32 $0x2900;
	[sflag:s25] =	ssyncadd.s32 $0xFFFFE000  }
0x2b0: {  	[spmem:s3] =	stream.indirect.scatter.add.f32 [tilespmem:s0], [sflag:$0x3], $0x40, s16, s31, $0xb8;
	[tilespmem:$0x1D900] =	vst v63  }
0x2b1: {  	_ =	swait.ge [sflag:s29], $0x2000  }
0x2b2: {  	[sflag:s29] =	ssyncset.done $0x0  }
0x2b3: {  	s17 =	simm.s32 $0x100;
	[sflag:s29] =	ssyncadd.s32 $0xFFFFE000  }
0x2b4: {  	[tilespmem:s0], [sflag:$0x1] =	stream.indirect.gather [spmem:s2], $0x40, s17, s31, $0xb8;
	[tilespmem:$0x1D900] =	vst v63  }
0x2b5: {  	_ =	swait.ge [sflag:s26], $0x2000  }
0x2b6: {  	[sflag:s26] =	ssyncset.done $0x0  }
0x2b7: {  	s19 =	simm.s32 $0x2980;
	[sflag:s26] =	ssyncadd.s32 $0xFFFFE000  }
0x2b8: {  	[spmem:s3] =	stream.indirect.scatter.add.f32 [tilespmem:s1], [sflag:$0x3], $0x40, s19, s31, $0xb8;
	[tilespmem:$0x1D900] =	vst v63  }
0x2b9: {  	_ =	swait.ge [sflag:s29], $0x2000  }
0x2ba: {  	[sflag:s29] =	ssyncset.done $0x0  }
0x2bb: {  	s14 =	simm.s32 $0x400;
	s16 =	simm.s32 $0x180;
	[sflag:s29] =	ssyncadd.s32 $0xFFFFE000  }
.LBB2_32:
0x2bc: {  	[tilespmem:s1], [sflag:$0x2] =	stream.indirect.gather [spmem:s2], $0x40, s16, s31, $0xb8;
	[tilespmem:$0x1D900] =	vst v63  }
0x2bd: {  	s16 =	smov.u32 s14  }
0x2be: {  	p0 =	sne.s32 s14, $0x9C00;
	s14 =	sadd.s32 $0x400, s14;
	_ =	swait.ge [sflag:s25], $0x2000  }
0x2bf: {  	s16 =	sshra.s32 s16, $0x2;
	[sflag:s25] =	ssyncset.done $0x0  }
0x2c0: {  	s17 =	sadd.s32 $0x2900, s16;
	[sflag:s25] =	ssyncadd.s32 $0xFFFFE000  }
0x2c1: {  	[spmem:s3] =	stream.indirect.scatter.add.f32 [tilespmem:s0], [sflag:$0x3], $0x40, s17, s31, $0xb8;
	[tilespmem:$0x1D900] =	vst v63  }
0x2c2: {  	_ =	swait.ge [sflag:s29], $0x2000  }
0x2c3: {  	[sflag:s29] =	ssyncset.done $0x0  }
0x2c4: {  	s17 =	sadd.s32 $0x100, s16;
	[sflag:s29] =	ssyncadd.s32 $0xFFFFE000  }
0x2c5: {  	[tilespmem:s0], [sflag:$0x1] =	stream.indirect.gather [spmem:s2], $0x40, s17, s31, $0xb8;
	[tilespmem:$0x1D900] =	vst v63  }
0x2c6: {  	_ =	swait.ge [sflag:s26], $0x2000  }
0x2c7: {  	[sflag:s26] =	ssyncset.done $0x0  }
.Ltmp15:
0x2c8: {  	s17 =	sadd.s32 $0x2980, s16;
	[sflag:s26] =	ssyncadd.s32 $0xFFFFE000;
	(pc) =	sbr.rel @p0 .LBB2_32-.Ltmp15, $4  }
0x2c9: {  	[spmem:s3] =	stream.indirect.scatter.add.f32 [tilespmem:s1], [sflag:$0x3], $0x40, s17, s31, $0xb8;
	[tilespmem:$0x1D900] =	vst v63  }
0x2ca: {  	_ =	swait.ge [sflag:s29], $0x2000  }
0x2cb: {  	[sflag:s29] =	ssyncset.done $0x0  }
0x2cc: {  	s16 =	sadd.s32 $0x180, s16;
	[sflag:s29] =	ssyncadd.s32 $0xFFFFE000  }
0x2cd: {  	[tilespmem:s1], [sflag:$0x2] =	stream.indirect.gather [spmem:s2], $0x40, s16, s31, $0xb8;
	[tilespmem:$0x1D900] =	vst v63  }
0x2ce: {  	_ =	swait.ge [sflag:s25], $0x2000  }
0x2cf: {  	[sflag:s25] =	ssyncset.done $0x0  }
0x2d0: {  	[sflag:s25] =	ssyncadd.s32 $0xFFFFE000  }
0x2d1: {  	_ =	swait.ge [sflag:s26], $0x2000  }
0x2d2: {  	[sflag:s26] =	ssyncset.done $0x0  }
0x2d3: {  	[sflag:s26] =	ssyncadd.s32 $0xFFFFE000  }
0x2d4: {  	[bflag:$0x0] =	sbarrier.arrive $0xFFFF  }
0x2d5: {  	s14 =	rddreg [dreg:$0xb]  }
0x2d6: {  	[hbm:s14], [sflag:s6] =	dma.local [spmem:s13], $0x1400  }
0x2d7: {  	_ =	swait.ge [sflag:s29], $0x1400  }
0x2d8: {  	s11 =	sadd.s32 $0x1, s11;
	s19 =	rddreg [dreg:$0xc]  }
0x2d9: {  	p0 =	sne.s32 s11, s19  }
.Ltmp16:
0x2da: {  	_ = 	snop;
	(pc) =	sbr.rel @p0 .LBB2_1-.Ltmp16, $3  }
0x2db: {  	_ =	sdelay $0x1  }
0x2dc: {  	[sflag:s29] =	ssyncset.done $0x0  }
0x2dd: {  	[sflag:s29] =	ssyncadd.s32 $0xFFFFEC00  }
0x2de: {  	_ =	sfence.sel $0x180000  }
0x2df: {  	[bflag:$0x0] =	sbarrier.arrive $0xFFFF  }
0x2e0: {  	_ =	strace $0x9000004A  }
0x2e1: {  	s0 =	stileid.u32;
	[bflag:$0x2] =	sbarrier.arrive $0xFFFF  }
0x2e2: {  	p0 =	sne.s32 s0, $0x0;
	s0 =	rddreg [dreg:$0x4]  }
0x2e3: {  	s0 =	sadd.s32 @!p0 $0x100000, s0  }
0x2e4: {  	[sflag:s0] =	ssyncadd.tile.s32 @!p0 $0x1;
	_ =	shalt  }
.Lfunc_end2:
_tile_overlayer_lowered:
.L_overlay_start_2:
0x2e5: {  	(tag) =	ssettag $0x2  }
0x2e6: {  	s0 =	rddreg [dreg:$0x0];
	s2 =	stileid.u32  }
0x2e7: {  	s1 =	rddreg [dreg:$0x1];
	p0 =	sne.s32 s2, $0x0  }
0x2e8: {  	s3 =	rddreg [dreg:$0x2];
	[bflag:$0x3] =	sbarrier.arrive $0xFFFF;
	s2 =	simm.s32 @!p0 $0x1C03  }
0x2e9: {  	[timem:s3], [sflag:s2] =	dma.local @!p0 [hbm:s0], s1  }
0x2ea: {  	s0 =	simm.s32 @!p0 $0x3  }
0x2eb: {  	_ =	swait.ge @!p0 [sflag:s0], s1  }
0x2ec: {  	s1 =	ssub.s32 @!p0 $0x0, s1;
	[sflag:s0] =	ssyncset.done @!p0 $0x0  }
0x2ed: {  	[sflag:s0] =	ssyncadd.s32 @!p0 s1  }
0x2ee: {  	[bflag:$0x3] =	sbarrier.arrive $0xFFFF  }
0x2ef: {  	_ =	shalt  }

</sc_bundles>
